<compile_context>
chip_gen: v7x
topology: tpu7x:2x2x1
jax: 0.10.2.dev20260603
libtpu: 0.0.44.dev20260713+nightly
codegen_flags: <defaults>
</compile_context>

<pallas_src>
import functools

import jax
import jax.numpy as jnp
from jax import lax
from jax.experimental import pallas as pl
from jax.experimental.pallas import tpu as pltpu
from jax.experimental.pallas import tpu_sc as plsc

NC = 2
NS = 16
NW = NC * NS
CH = 125
HH = 64
NB = 5
RCH = 200


def _tc_proj(x, Wl, Wr, b):
    N, D = x.shape
    H = Wl.shape[1]
    R = 1000
    G = N // R

    def body(x_ref, wl_ref, wr_ref, b_ref, p0_ref, p1_ref, s_ref):
        xb = x_ref[...]
        pv = jnp.dot(xb, wl_ref[...], preferred_element_type=jnp.float32)
        p0_ref[...] = pv[:, :HH]
        p1_ref[...] = pv[:, HH:]
        s_ref[...] = jnp.dot(xb, wr_ref[...], preferred_element_type=jnp.float32) + b_ref[...]

    return pl.pallas_call(
        body,
        grid=(G,),
        in_specs=[
            pl.BlockSpec((R, D), lambda i: (i, 0)),
            pl.BlockSpec((D, H), lambda i: (0, 0)),
            pl.BlockSpec((D, H), lambda i: (0, 0)),
            pl.BlockSpec((1, H), lambda i: (0, 0)),
        ],
        out_specs=[
            pl.BlockSpec((R, HH), lambda i: (i, 0)),
            pl.BlockSpec((R, HH), lambda i: (i, 0)),
            pl.BlockSpec((R, H), lambda i: (i, 0)),
        ],
        out_shape=[
            jax.ShapeDtypeStruct((N, HH), jnp.float32),
            jax.ShapeDtypeStruct((N, HH), jnp.float32),
            jax.ShapeDtypeStruct((N, H), jnp.float32),
        ],
    )(x, Wl, Wr, b.reshape(1, H))


def _tc_combine(acc, deg, S):
    N, H = S.shape
    R = 1000
    G = N // R

    def body(a0_ref, a1_ref, d0_ref, d1_ref, s_ref, o_ref):
        d = d0_ref[0, :, 0:1] + d1_ref[0, :, 0:1]
        a = a0_ref[0] + a1_ref[0]
        o_ref[...] = jnp.maximum(a / jnp.maximum(d, 1.0) + s_ref[...], 0.0)

    full = pl.BlockSpec((R, H), lambda i: (i, 0))
    c0 = pl.BlockSpec((1, R, 128), lambda i: (0, i, 0))
    c1 = pl.BlockSpec((1, R, 128), lambda i: (1, i, 0))
    return pl.pallas_call(
        body,
        grid=(G,),
        in_specs=[c0, c1, c0, c1, full],
        out_specs=full,
        out_shape=jax.ShapeDtypeStruct((N, H), jnp.float32),
    )(acc, acc, deg, deg, S)


def _sc_segment(P0, P1, src3, dst3):
    N = P0.shape[0]
    NCHK = dst3.shape[1]
    NR = NCHK // NB
    NA = N + 8
    NCH = N // RCH
    CPT = -(-NCH // NS)
    HL = HH // 16

    mesh = plsc.VectorSubcoreMesh(
        core_axis_name="c", subcore_axis_name="s", num_cores=NC, num_subcores=NS
    )

    @functools.partial(
        pl.kernel,
        out_type=jax.ShapeDtypeStruct((NC, N, 2 * HH), jnp.float32),
        mesh=mesh,
        scratch_types=[
            pltpu.VMEM((NCHK, CH), jnp.int32),
            pltpu.VMEM((NCHK, CH), jnp.int32),
            pltpu.VMEM((NB, CH, HH), jnp.float32),
            pltpu.VMEM((RCH, HH), jnp.float32),
            pltpu.VMEM((RCH, HH), jnp.float32),
            pltpu.VMEM_SHARED((NA, HH), jnp.float32),
            pltpu.SemaphoreType.DMA((NB,)),
            pltpu.SemaphoreType.DMA((NB,)),
        ],
        compiler_params=pltpu.CompilerParams(use_tc_tiling_on_sc=False),
    )
    def seg(p0_hbm, p1_hbm, src_hbm, dst_hbm, acc_out,
            srcv, dstv, ring, zbuf, obuf, acc_sh, gsem, ssem):
        c = lax.axis_index("c")
        s = lax.axis_index("s")
        w = s * NC + c
        z16 = jnp.zeros((16,), jnp.float32)

        pltpu.sync_copy(src_hbm.at[w], srcv)
        pltpu.sync_copy(dst_hbm.at[w], dstv)

        def zbuf_body(i, carry):
            zbuf[i // HL, pl.ds((i % HL) * 16, 16)] = z16
            return carry

        lax.fori_loop(0, RCH * HL, zbuf_body, 0)

        for hc in range(2):
            p_hbm = (p0_hbm, p1_hbm)[hc]
            for i in range(CPT):
                t = s + NS * i
                @pl.when(t < NCH)
                def _():
                    pltpu.sync_copy(zbuf, acc_sh.at[pl.ds(t * RCH, RCH)])
            plsc.subcore_barrier()

            LK = NB - 2
            for j in range(LK):
                pltpu.async_copy(p_hbm.at[srcv.at[j]], ring.at[j], gsem.at[j])

            def rnd(r, carry):
                for b in range(NB):
                    k = r * NB + b
                    b2 = (b + LK) % NB
                    pltpu.make_async_copy(
                        p_hbm.at[srcv.at[k]], ring.at[b], gsem.at[b]).wait()
                    pltpu.async_copy(
                        ring.at[b], acc_sh.at[dstv.at[k]], ssem.at[b], add=True)
                    @pl.when(k >= 2)
                    def _():
                        pltpu.make_async_copy(
                            ring.at[b2], acc_sh.at[dstv.at[k]],
                            ssem.at[b2]).wait()
                    @pl.when(k + LK < NCHK)
                    def _():
                        pltpu.async_copy(
                            p_hbm.at[srcv.at[k + LK]], ring.at[b2], gsem.at[b2])
                return carry

            lax.fori_loop(0, NR, rnd, 0)

            for j in range(2):
                b = (NCHK - 2 + j) % NB
                pltpu.make_async_copy(
                    ring.at[b], acc_sh.at[dstv.at[0]], ssem.at[b]).wait()
            plsc.subcore_barrier()

            for i in range(CPT):
                t = s + NS * i
                @pl.when(t < NCH)
                def _():
                    r0 = t * RCH
                    pltpu.sync_copy(acc_sh.at[pl.ds(r0, RCH)], obuf)
                    pltpu.sync_copy(
                        obuf, acc_out.at[c, pl.ds(r0, RCH), pl.ds(hc * HH, HH)])

    return seg(P0, P1, src3, dst3)


def _sc_degree(dst3, N):
    NCHK = dst3.shape[1]
    NA = N + 8
    NCH = N // RCH
    CPT = -(-NCH // NS)
    LAG = 8

    mesh = plsc.VectorSubcoreMesh(
        core_axis_name="c", subcore_axis_name="s", num_cores=NC, num_subcores=NS
    )

    @functools.partial(
        pl.kernel,
        out_type=jax.ShapeDtypeStruct((NC, N, 128), jnp.float32),
        mesh=mesh,
        scratch_types=[
            pltpu.VMEM((NCHK, CH), jnp.int32),
            pltpu.VMEM((CH, 16), jnp.float32),
            pltpu.VMEM((RCH, 16), jnp.float32),
            pltpu.VMEM_SHARED((NA, 16), jnp.float32),
            pltpu.SemaphoreType.DMA,
        ],
        compiler_params=pltpu.CompilerParams(use_tc_tiling_on_sc=False),
    )
    def degk(dst_hbm, deg_out, dstv, ones_b, small, deg_sh, dsem):
        c = lax.axis_index("c")
        s = lax.axis_index("s")
        w = s * NC + c
        z16 = jnp.zeros((16,), jnp.float32)
        one16 = jnp.ones((16,), jnp.float32)

        pltpu.sync_copy(dst_hbm.at[w], dstv)

        def zsmall_body(i, carry):
            small[i, :] = z16
            return carry

        lax.fori_loop(0, RCH, zsmall_body, 0)

        def ones_body(i, carry):
            ones_b[i, :] = one16
            return carry

        lax.fori_loop(0, CH, ones_body, 0)

        for i in range(CPT):
            t = s + NS * i
            @pl.when(t < NCH)
            def _():
                pltpu.sync_copy(small, deg_sh.at[pl.ds(t * RCH, RCH)])
        plsc.subcore_barrier()

        def blk(k, carry):
            pltpu.async_copy(ones_b, deg_sh.at[dstv.at[k]], dsem, add=True)
            @pl.when(k >= LAG)
            def _():
                pltpu.make_async_copy(
                    ones_b, deg_sh.at[dstv.at[0]], dsem).wait()
            return carry

        lax.fori_loop(0, NCHK, blk, 0)
        for _ in range(LAG):
            pltpu.make_async_copy(ones_b, deg_sh.at[dstv.at[0]], dsem).wait()
        plsc.subcore_barrier()

        for i in range(CPT):
            t = s + NS * i
            @pl.when(t < NCH)
            def _():
                r0 = t * RCH
                pltpu.sync_copy(deg_sh.at[pl.ds(r0, RCH)], small)
                pltpu.sync_copy(
                    small, deg_out.at[c, pl.ds(r0, RCH), pl.ds(0, 16)])

    return degk(dst3)


def kernel(x, edge_index, W1l, b1, W1r, W2l, b2, W2r):
    N = x.shape[0]
    E = edge_index.shape[1]
    ET = E // NW
    ETP = -(-ET // CH) * CH
    src3 = edge_index[0].reshape(NW, ET // CH, CH)
    dst3 = edge_index[1].reshape(NW, ET // CH, CH)

    deg = _sc_degree(dst3, N)
    Pa, Pb, S1 = _tc_proj(x, W1l, W1r, b1)
    acc1 = _sc_segment(Pa, Pb, src3, dst3)
    h = _tc_combine(acc1, deg, S1)

    Qa, Qb, S2 = _tc_proj(h, W2l, W2r, b2)
    acc2 = _sc_segment(Qa, Qb, src3, dst3)
    return _tc_combine(acc2, deg, S2)

# --- scband reference (transcript-rebuilt; emitter-appended) ---
"""Pipeline reference for scband-graph-sage-82592221102739 (READ-ONLY COPY).

The authoritative reference and input builder live on the scoring server;
editing this copy changes nothing except your own understanding.
"""

import jax, jax.numpy as jnp
import numpy as np

N = 10000
E = 320000
D = 128
H = 128


def setup_inputs(seed: int = 0) -> dict:
    key = jax.random.key(seed)
    ks = jax.random.split(key, 9)
    x = jax.random.normal(ks[0], (N, D), dtype=jnp.float32)
    edge_index = jax.random.randint(ks[1], (2, E), 0, N, dtype=jnp.int32)
    # SAGEConv layer 1: lin_l (neighbor path, with bias), lin_r (self path, no bias)
    W1l = jax.random.normal(ks[2], (D, H), dtype=jnp.float32) * (1.0 / np.sqrt(D))
    b1 = jnp.zeros((H,), dtype=jnp.float32)
    W1r = jax.random.normal(ks[3], (D, H), dtype=jnp.float32) * (1.0 / np.sqrt(D))
    # SAGEConv layer 2
    W2l = jax.random.normal(ks[4], (H, H), dtype=jnp.float32) * (1.0 / np.sqrt(H))
    b2 = jnp.zeros((H,), dtype=jnp.float32)
    W2r = jax.random.normal(ks[5], (H, H), dtype=jnp.float32) * (1.0 / np.sqrt(H))
    return {"x": x, "edge_index": edge_index, "W1l": W1l, "b1": b1, "W1r": W1r,
            "W2l": W2l, "b2": b2, "W2r": W2r}


def _sage_conv(h, src, dst, Wl, b, Wr):
    # message = h[src]; mean-aggregate onto dst nodes
    msgs = jnp.take(h, src, axis=0)
    agg = jax.ops.segment_sum(msgs, dst, num_segments=N)
    deg = jax.ops.segment_sum(jnp.ones((E,), dtype=h.dtype), dst, num_segments=N)
    agg = agg / jnp.maximum(deg, 1.0)[:, None]
    return agg @ Wl + b + h @ Wr


def reference(x, edge_index, W1l, b1, W1r, W2l, b2, W2r):
    src = edge_index[0]
    dst = edge_index[1]
    h = _sage_conv(x, src, dst, W1l, b1, W1r)
    h = jax.nn.relu(h)
    # dropout is identity in eval mode
    h = _sage_conv(h, src, dst, W2l, b2, W2r)
    h = jax.nn.relu(h)
    return h

if __name__ == "__main__":
    import jax
    _d = setup_inputs()
    print(jax.jit(kernel)(*tuple(_d.values())))

</pallas_src>

<mosaic_0001>
#map = affine_map<(d0, d1) -> (0, 0, 0)>
module attributes {stable_mosaic.version = 14 : i64} {
  func.func @degk(%arg0: i32, %arg1: i32, %arg2: memref<32x80x125xi32, #tpu.memory_space<hbm>>, %arg3: memref<2x10000x128xf32, #tpu.memory_space<hbm>>, %arg4: memref<80x125xi32, #tpu.memory_space<vmem>>, %arg5: memref<125x16xf32, #tpu.memory_space<vmem>>, %arg6: memref<200x16xf32, #tpu.memory_space<vmem>>, %arg7: memref<10008x16xf32, #tpu.memory_space<vmem_shared>>, %arg8: memref<!tpu.dma_semaphore, #tpu.memory_space<semaphore_mem>>) attributes {dimension_semantics = [#tpu.dimension_semantics<core_parallel>, #tpu.dimension_semantics<subcore_parallel>], iteration_bounds = array<i64: 2, 16>, scalar_prefetch = 0 : i64, scratch_operands = 5 : i64, tpu.core_type = #tpu.core_type<sc_vector_subcore>, window_params = [{transform_indices = #map}, {transform_indices = #map}]} {
    %mul3A = arith.constant 2 : i32
    %mul3A_0 = arith.muli %arg1, %mul3A : i32
    %add3A = arith.addi %mul3A_0, %arg0 : i32
    %broadcast_in_dim3A = arith.constant 0.000000e+00 : f32
    %broadcast_in_dim3A_1 = vector.broadcast %broadcast_in_dim3A : f32 to vector<16xf32>
    %broadcast_in_dim3A_2 = arith.constant 1.000000e+00 : f32
    %broadcast_in_dim3A_3 = vector.broadcast %broadcast_in_dim3A_2 : f32 to vector<16xf32>
    "tpu.region"() ({
      %run_scoped3A = tpu.sem_alloc : memref<!tpu.dma_semaphore, #tpu.memory_space<semaphore_mem>>
      %dma_start3A = arith.constant 0 : i32
      %dma_start3A_130 = arith.constant 0 : i32
      %dma_start3A_131 = tpu.memref_slice %arg2[%add3A, %dma_start3A, %dma_start3A_130] : memref<32x80x125xi32, #tpu.memory_space<hbm>> -> memref<1x80x125xi32, #tpu.memory_space<hbm>>
      %dma_start3A_132 = tpu.memref_squeeze %dma_start3A_131 : memref<1x80x125xi32, #tpu.memory_space<hbm>> -> memref<80x125xi32, #tpu.memory_space<hbm>>
      %dma_start3A_133 = arith.constant 0 : i32
      %dma_start3A_134 = arith.constant 0 : i32
      %dma_start3A_135 = tpu.memref_slice %arg2[%add3A, %dma_start3A_133, %dma_start3A_134] : memref<32x80x125xi32, #tpu.memory_space<hbm>> -> memref<1x80x125xi32, #tpu.memory_space<hbm>>
      %dma_start3A_136 = tpu.memref_squeeze %dma_start3A_135 : memref<1x80x125xi32, #tpu.memory_space<hbm>> -> memref<80x125xi32, #tpu.memory_space<hbm>>
      tpu.enqueue_dma source(%dma_start3A_136 : memref<80x125xi32, #tpu.memory_space<hbm>>) target(%arg4 : memref<80x125xi32, #tpu.memory_space<vmem>>) target_semaphore(%run_scoped3A : memref<!tpu.dma_semaphore, #tpu.memory_space<semaphore_mem>>)
      %dma_wait3A_137 = arith.constant 0 : i32
      %dma_wait3A_138 = arith.constant 0 : i32
      %dma_wait3A_139 = tpu.memref_slice %arg2[%add3A, %dma_wait3A_137, %dma_wait3A_138] : memref<32x80x125xi32, #tpu.memory_space<hbm>> -> memref<1x80x125xi32, #tpu.memory_space<hbm>>
      %dma_wait3A_140 = tpu.memref_squeeze %dma_wait3A_139 : memref<1x80x125xi32, #tpu.memory_space<hbm>> -> memref<80x125xi32, #tpu.memory_space<hbm>>
      %dma_wait3A_141 = arith.constant 0 : i32
      %dma_wait3A_142 = arith.constant 0 : i32
      %dma_wait3A_143 = tpu.memref_slice %arg2[%add3A, %dma_wait3A_141, %dma_wait3A_142] : memref<32x80x125xi32, #tpu.memory_space<hbm>> -> memref<1x80x125xi32, #tpu.memory_space<hbm>>
      %dma_wait3A_144 = tpu.memref_squeeze %dma_wait3A_143 : memref<1x80x125xi32, #tpu.memory_space<hbm>> -> memref<80x125xi32, #tpu.memory_space<hbm>>
      tpu.wait_dma2 semaphore(%run_scoped3A : memref<!tpu.dma_semaphore, #tpu.memory_space<semaphore_mem>>) src(%dma_wait3A_144 : memref<80x125xi32, #tpu.memory_space<hbm>>) dst(%arg4 : memref<80x125xi32, #tpu.memory_space<vmem>>)
      tpu.yield
    }) : () -> ()
    %scan3A = arith.constant 0 : i32
    %scan3A_4 = arith.constant 0 : i32
    %scan3A_5 = arith.constant 200 : i32
    %scan3A_6 = arith.addi %scan3A_4, %scan3A_5 : i32
    %scan3A_7 = arith.constant 1 : i32
    scf.for %scan3A_130 = %scan3A_4 to %scan3A_6 step %scan3A_7  : i32 {
      %swap3A = arith.index_cast %scan3A_130 : i32 to index
      %swap3A_131 = arith.constant 0 : index
      %swap3A_132 = tpu.vector_load %arg6[%swap3A, %swap3A_131] {strides = array<i32>} : memref<200x16xf32, #tpu.memory_space<vmem>>, vector<1x16xf32>,
      %swap3A_133 = vector.shape_cast %swap3A_132 : vector<1x16xf32> to vector<16xf32>
      %swap3A_134 = vector.shape_cast %broadcast_in_dim3A_1 : vector<16xf32> to vector<1x16xf32>
      tpu.vector_store %arg6[%swap3A, %swap3A_131], %swap3A_134 {strides = array<i32>} : memref<200x16xf32, #tpu.memory_space<vmem>>, vector<1x16xf32>,
    }
    %scan3A_8 = arith.constant 200 : i32
    %scan3A_9 = arith.constant 0 : i32
    %scan3A_10 = arith.constant 0 : i32
    %scan3A_11 = arith.constant 125 : i32
    %scan3A_12 = arith.addi %scan3A_10, %scan3A_11 : i32
    %scan3A_13 = arith.constant 1 : i32
    scf.for %scan3A_130 = %scan3A_10 to %scan3A_12 step %scan3A_13  : i32 {
      %swap3A = arith.index_cast %scan3A_130 : i32 to index
      %swap3A_131 = arith.constant 0 : index
      %swap3A_132 = tpu.vector_load %arg5[%swap3A, %swap3A_131] {strides = array<i32>} : memref<125x16xf32, #tpu.memory_space<vmem>>, vector<1x16xf32>,
      %swap3A_133 = vector.shape_cast %swap3A_132 : vector<1x16xf32> to vector<16xf32>
      %swap3A_134 = vector.shape_cast %broadcast_in_dim3A_3 : vector<16xf32> to vector<1x16xf32>
      tpu.vector_store %arg5[%swap3A, %swap3A_131], %swap3A_134 {strides = array<i32>} : memref<125x16xf32, #tpu.memory_space<vmem>>, vector<1x16xf32>,
    }
    %scan3A_14 = arith.constant 125 : i32
    %add3A_15 = arith.constant 0 : i32
    %add3A_16 = arith.addi %arg1, %add3A_15 : i32
    %lt3A = arith.constant 50 : i32
    %lt3A_17 = arith.cmpi slt, %add3A_16, %lt3A : i32
    %convert_element_type3A = arith.extui %lt3A_17 : i1 to i32
    %cond3A = arith.constant 0 : i32
    %cond3A_18 = arith.cmpi ne, %convert_element_type3A, %cond3A : i32
    scf.if %cond3A_18 {
      %mul3A_130 = arith.constant 200 : i32
      %mul3A_131 = arith.muli %add3A_16, %mul3A_130 : i32
      "tpu.region"() ({
        %run_scoped3A = tpu.sem_alloc : memref<!tpu.dma_semaphore, #tpu.memory_space<semaphore_mem>>
        %dma_start3A = arith.constant 0 : i32
        %dma_start3A_132 = tpu.memref_slice %arg7[%mul3A_131, %dma_start3A] : memref<10008x16xf32, #tpu.memory_space<vmem_shared>> -> memref<200x16xf32, #tpu.memory_space<vmem_shared>>
        %dma_start3A_133 = arith.constant 0 : i32
        %dma_start3A_134 = tpu.memref_slice %arg7[%mul3A_131, %dma_start3A_133] : memref<10008x16xf32, #tpu.memory_space<vmem_shared>> -> memref<200x16xf32, #tpu.memory_space<vmem_shared>>
        tpu.enqueue_dma source(%arg6 : memref<200x16xf32, #tpu.memory_space<vmem>>) target(%dma_start3A_134 : memref<200x16xf32, #tpu.memory_space<vmem_shared>>) target_semaphore(%run_scoped3A : memref<!tpu.dma_semaphore, #tpu.memory_space<semaphore_mem>>)
        %dma_wait3A_135 = arith.constant 0 : i32
        %dma_wait3A_136 = tpu.memref_slice %arg7[%mul3A_131, %dma_wait3A_135] : memref<10008x16xf32, #tpu.memory_space<vmem_shared>> -> memref<200x16xf32, #tpu.memory_space<vmem_shared>>
        %dma_wait3A_137 = arith.constant 0 : i32
        %dma_wait3A_138 = tpu.memref_slice %arg7[%mul3A_131, %dma_wait3A_137] : memref<10008x16xf32, #tpu.memory_space<vmem_shared>> -> memref<200x16xf32, #tpu.memory_space<vmem_shared>>
        tpu.wait_dma2 semaphore(%run_scoped3A : memref<!tpu.dma_semaphore, #tpu.memory_space<semaphore_mem>>) src(%arg6 : memref<200x16xf32, #tpu.memory_space<vmem>>) dst(%dma_wait3A_138 : memref<200x16xf32, #tpu.memory_space<vmem_shared>>)
        tpu.yield
      }) : () -> ()
    } else {
    }
    %add3A_19 = arith.constant 16 : i32
    %add3A_20 = arith.addi %arg1, %add3A_19 : i32
    %lt3A_21 = arith.constant 50 : i32
    %lt3A_22 = arith.cmpi slt, %add3A_20, %lt3A_21 : i32
    %convert_element_type3A_23 = arith.extui %lt3A_22 : i1 to i32
    %cond3A_24 = arith.constant 0 : i32
    %cond3A_25 = arith.cmpi ne, %convert_element_type3A_23, %cond3A_24 : i32
    scf.if %cond3A_25 {
      %mul3A_130 = arith.constant 200 : i32
      %mul3A_131 = arith.muli %add3A_20, %mul3A_130 : i32
      "tpu.region"() ({
        %run_scoped3A = tpu.sem_alloc : memref<!tpu.dma_semaphore, #tpu.memory_space<semaphore_mem>>
        %dma_start3A = arith.constant 0 : i32
        %dma_start3A_132 = tpu.memref_slice %arg7[%mul3A_131, %dma_start3A] : memref<10008x16xf32, #tpu.memory_space<vmem_shared>> -> memref<200x16xf32, #tpu.memory_space<vmem_shared>>
        %dma_start3A_133 = arith.constant 0 : i32
        %dma_start3A_134 = tpu.memref_slice %arg7[%mul3A_131, %dma_start3A_133] : memref<10008x16xf32, #tpu.memory_space<vmem_shared>> -> memref<200x16xf32, #tpu.memory_space<vmem_shared>>
        tpu.enqueue_dma source(%arg6 : memref<200x16xf32, #tpu.memory_space<vmem>>) target(%dma_start3A_134 : memref<200x16xf32, #tpu.memory_space<vmem_shared>>) target_semaphore(%run_scoped3A : memref<!tpu.dma_semaphore, #tpu.memory_space<semaphore_mem>>)
        %dma_wait3A_135 = arith.constant 0 : i32
        %dma_wait3A_136 = tpu.memref_slice %arg7[%mul3A_131, %dma_wait3A_135] : memref<10008x16xf32, #tpu.memory_space<vmem_shared>> -> memref<200x16xf32, #tpu.memory_space<vmem_shared>>
        %dma_wait3A_137 = arith.constant 0 : i32
        %dma_wait3A_138 = tpu.memref_slice %arg7[%mul3A_131, %dma_wait3A_137] : memref<10008x16xf32, #tpu.memory_space<vmem_shared>> -> memref<200x16xf32, #tpu.memory_space<vmem_shared>>
        tpu.wait_dma2 semaphore(%run_scoped3A : memref<!tpu.dma_semaphore, #tpu.memory_space<semaphore_mem>>) src(%arg6 : memref<200x16xf32, #tpu.memory_space<vmem>>) dst(%dma_wait3A_138 : memref<200x16xf32, #tpu.memory_space<vmem_shared>>)
        tpu.yield
      }) : () -> ()
    } else {
    }
    %add3A_26 = arith.constant 32 : i32
    %add3A_27 = arith.addi %arg1, %add3A_26 : i32
    %lt3A_28 = arith.constant 50 : i32
    %lt3A_29 = arith.cmpi slt, %add3A_27, %lt3A_28 : i32
    %convert_element_type3A_30 = arith.extui %lt3A_29 : i1 to i32
    %cond3A_31 = arith.constant 0 : i32
    %cond3A_32 = arith.cmpi ne, %convert_element_type3A_30, %cond3A_31 : i32
    scf.if %cond3A_32 {
      %mul3A_130 = arith.constant 200 : i32
      %mul3A_131 = arith.muli %add3A_27, %mul3A_130 : i32
      "tpu.region"() ({
        %run_scoped3A = tpu.sem_alloc : memref<!tpu.dma_semaphore, #tpu.memory_space<semaphore_mem>>
        %dma_start3A = arith.constant 0 : i32
        %dma_start3A_132 = tpu.memref_slice %arg7[%mul3A_131, %dma_start3A] : memref<10008x16xf32, #tpu.memory_space<vmem_shared>> -> memref<200x16xf32, #tpu.memory_space<vmem_shared>>
        %dma_start3A_133 = arith.constant 0 : i32
        %dma_start3A_134 = tpu.memref_slice %arg7[%mul3A_131, %dma_start3A_133] : memref<10008x16xf32, #tpu.memory_space<vmem_shared>> -> memref<200x16xf32, #tpu.memory_space<vmem_shared>>
        tpu.enqueue_dma source(%arg6 : memref<200x16xf32, #tpu.memory_space<vmem>>) target(%dma_start3A_134 : memref<200x16xf32, #tpu.memory_space<vmem_shared>>) target_semaphore(%run_scoped3A : memref<!tpu.dma_semaphore, #tpu.memory_space<semaphore_mem>>)
        %dma_wait3A_135 = arith.constant 0 : i32
        %dma_wait3A_136 = tpu.memref_slice %arg7[%mul3A_131, %dma_wait3A_135] : memref<10008x16xf32, #tpu.memory_space<vmem_shared>> -> memref<200x16xf32, #tpu.memory_space<vmem_shared>>
        %dma_wait3A_137 = arith.constant 0 : i32
        %dma_wait3A_138 = tpu.memref_slice %arg7[%mul3A_131, %dma_wait3A_137] : memref<10008x16xf32, #tpu.memory_space<vmem_shared>> -> memref<200x16xf32, #tpu.memory_space<vmem_shared>>
        tpu.wait_dma2 semaphore(%run_scoped3A : memref<!tpu.dma_semaphore, #tpu.memory_space<semaphore_mem>>) src(%arg6 : memref<200x16xf32, #tpu.memory_space<vmem>>) dst(%dma_wait3A_138 : memref<200x16xf32, #tpu.memory_space<vmem_shared>>)
        tpu.yield
      }) : () -> ()
    } else {
    }
    %add3A_33 = arith.constant 48 : i32
    %add3A_34 = arith.addi %arg1, %add3A_33 : i32
    %lt3A_35 = arith.constant 50 : i32
    %lt3A_36 = arith.cmpi slt, %add3A_34, %lt3A_35 : i32
    %convert_element_type3A_37 = arith.extui %lt3A_36 : i1 to i32
    %cond3A_38 = arith.constant 0 : i32
    %cond3A_39 = arith.cmpi ne, %convert_element_type3A_37, %cond3A_38 : i32
    scf.if %cond3A_39 {
      %mul3A_130 = arith.constant 200 : i32
      %mul3A_131 = arith.muli %add3A_34, %mul3A_130 : i32
      "tpu.region"() ({
        %run_scoped3A = tpu.sem_alloc : memref<!tpu.dma_semaphore, #tpu.memory_space<semaphore_mem>>
        %dma_start3A = arith.constant 0 : i32
        %dma_start3A_132 = tpu.memref_slice %arg7[%mul3A_131, %dma_start3A] : memref<10008x16xf32, #tpu.memory_space<vmem_shared>> -> memref<200x16xf32, #tpu.memory_space<vmem_shared>>
        %dma_start3A_133 = arith.constant 0 : i32
        %dma_start3A_134 = tpu.memref_slice %arg7[%mul3A_131, %dma_start3A_133] : memref<10008x16xf32, #tpu.memory_space<vmem_shared>> -> memref<200x16xf32, #tpu.memory_space<vmem_shared>>
        tpu.enqueue_dma source(%arg6 : memref<200x16xf32, #tpu.memory_space<vmem>>) target(%dma_start3A_134 : memref<200x16xf32, #tpu.memory_space<vmem_shared>>) target_semaphore(%run_scoped3A : memref<!tpu.dma_semaphore, #tpu.memory_space<semaphore_mem>>)
        %dma_wait3A_135 = arith.constant 0 : i32
        %dma_wait3A_136 = tpu.memref_slice %arg7[%mul3A_131, %dma_wait3A_135] : memref<10008x16xf32, #tpu.memory_space<vmem_shared>> -> memref<200x16xf32, #tpu.memory_space<vmem_shared>>
        %dma_wait3A_137 = arith.constant 0 : i32
        %dma_wait3A_138 = tpu.memref_slice %arg7[%mul3A_131, %dma_wait3A_137] : memref<10008x16xf32, #tpu.memory_space<vmem_shared>> -> memref<200x16xf32, #tpu.memory_space<vmem_shared>>
        tpu.wait_dma2 semaphore(%run_scoped3A : memref<!tpu.dma_semaphore, #tpu.memory_space<semaphore_mem>>) src(%arg6 : memref<200x16xf32, #tpu.memory_space<vmem>>) dst(%dma_wait3A_138 : memref<200x16xf32, #tpu.memory_space<vmem_shared>>)
        tpu.yield
      }) : () -> ()
    } else {
    }
    %barrier3A = arith.constant 0 : index
    tpu.barrier barrier_id(%barrier3A)
    %scan3A_40 = arith.constant 0 : i32
    %scan3A_41 = arith.constant 0 : i32
    %scan3A_42 = arith.constant 80 : i32
    %scan3A_43 = arith.addi %scan3A_41, %scan3A_42 : i32
    %scan3A_44 = arith.constant 1 : i32
    scf.for %scan3A_130 = %scan3A_41 to %scan3A_43 step %scan3A_44  : i32 {
      %dma_start3A = arith.constant 0 : i32
      %dma_start3A_131 = tpu.memref_slice %arg4[%scan3A_130, %dma_start3A] : memref<80x125xi32, #tpu.memory_space<vmem>> -> memref<1x125xi32, #tpu.memory_space<vmem>>
      %dma_start3A_132 = tpu.memref_squeeze %dma_start3A_131 : memref<1x125xi32, #tpu.memory_space<vmem>> -> memref<125xi32, #tpu.memory_space<vmem>>
      %dma_start3A_133 = arith.constant 0 : i32
      %dma_start3A_134 = arith.constant 0 : i32
      %dma_start3A_135 = tpu.memref_slice %arg7[%dma_start3A_133, %dma_start3A_134] : memref<10008x16xf32, #tpu.memory_space<vmem_shared>> -> memref<10008x16xf32, #tpu.memory_space<vmem_shared>>
      tpu.enqueue_indirect_dma source(%arg5 : memref<125x16xf32, #tpu.memory_space<vmem>>) target(%dma_start3A_135 : memref<10008x16xf32, #tpu.memory_space<vmem_shared>>) offsets(%dma_start3A_132 : memref<125xi32, #tpu.memory_space<vmem>>) semaphore(%arg8 : memref<!tpu.dma_semaphore, #tpu.memory_space<semaphore_mem>>) {add = true}
      %ge3A = arith.constant 8 : i32
      %ge3A_136 = arith.cmpi sge, %scan3A_130, %ge3A : i32
      %convert_element_type3A_137 = arith.extui %ge3A_136 : i1 to i32
      %cond3A_138 = arith.constant 0 : i32
      %cond3A_139 = arith.cmpi ne, %convert_element_type3A_137, %cond3A_138 : i32
      scf.if %cond3A_139 {
        %dma_wait3A_140 = arith.constant 0 : i32
        %dma_wait3A_141 = arith.constant 0 : i32
        %dma_wait3A_142 = tpu.memref_slice %arg4[%dma_wait3A_140, %dma_wait3A_141] : memref<80x125xi32, #tpu.memory_space<vmem>> -> memref<1x125xi32, #tpu.memory_space<vmem>>
        %dma_wait3A_143 = tpu.memref_squeeze %dma_wait3A_142 : memref<1x125xi32, #tpu.memory_space<vmem>> -> memref<125xi32, #tpu.memory_space<vmem>>
        %dma_wait3A_144 = arith.constant 0 : i32
        %dma_wait3A_145 = arith.constant 0 : i32
        %dma_wait3A_146 = tpu.memref_slice %arg7[%dma_wait3A_144, %dma_wait3A_145] : memref<10008x16xf32, #tpu.memory_space<vmem_shared>> -> memref<10008x16xf32, #tpu.memory_space<vmem_shared>>
        tpu.wait_indirect_dma semaphore(%arg8 : memref<!tpu.dma_semaphore, #tpu.memory_space<semaphore_mem>>) src(%arg5 : memref<125x16xf32, #tpu.memory_space<vmem>>) dst(%dma_wait3A_146 : memref<10008x16xf32, #tpu.memory_space<vmem_shared>>)
      } else {
      }
    }
    %scan3A_45 = arith.constant 80 : i32
    %dma_wait3A = arith.constant 0 : i32
    %dma_wait3A_46 = arith.constant 0 : i32
    %dma_wait3A_47 = tpu.memref_slice %arg4[%dma_wait3A, %dma_wait3A_46] : memref<80x125xi32, #tpu.memory_space<vmem>> -> memref<1x125xi32, #tpu.memory_space<vmem>>
    %dma_wait3A_48 = tpu.memref_squeeze %dma_wait3A_47 : memref<1x125xi32, #tpu.memory_space<vmem>> -> memref<125xi32, #tpu.memory_space<vmem>>
    %dma_wait3A_49 = arith.constant 0 : i32
    %dma_wait3A_50 = arith.constant 0 : i32
    %dma_wait3A_51 = tpu.memref_slice %arg7[%dma_wait3A_49, %dma_wait3A_50] : memref<10008x16xf32, #tpu.memory_space<vmem_shared>> -> memref<10008x16xf32, #tpu.memory_space<vmem_shared>>
    tpu.wait_indirect_dma semaphore(%arg8 : memref<!tpu.dma_semaphore, #tpu.memory_space<semaphore_mem>>) src(%arg5 : memref<125x16xf32, #tpu.memory_space<vmem>>) dst(%dma_wait3A_51 : memref<10008x16xf32, #tpu.memory_space<vmem_shared>>)
    %dma_wait3A_52 = arith.constant 0 : i32
    %dma_wait3A_53 = arith.constant 0 : i32
    %dma_wait3A_54 = tpu.memref_slice %arg4[%dma_wait3A_52, %dma_wait3A_53] : memref<80x125xi32, #tpu.memory_space<vmem>> -> memref<1x125xi32, #tpu.memory_space<vmem>>
    %dma_wait3A_55 = tpu.memref_squeeze %dma_wait3A_54 : memref<1x125xi32, #tpu.memory_space<vmem>> -> memref<125xi32, #tpu.memory_space<vmem>>
    %dma_wait3A_56 = arith.constant 0 : i32
    %dma_wait3A_57 = arith.constant 0 : i32
    %dma_wait3A_58 = tpu.memref_slice %arg7[%dma_wait3A_56, %dma_wait3A_57] : memref<10008x16xf32, #tpu.memory_space<vmem_shared>> -> memref<10008x16xf32, #tpu.memory_space<vmem_shared>>
    tpu.wait_indirect_dma semaphore(%arg8 : memref<!tpu.dma_semaphore, #tpu.memory_space<semaphore_mem>>) src(%arg5 : memref<125x16xf32, #tpu.memory_space<vmem>>) dst(%dma_wait3A_58 : memref<10008x16xf32, #tpu.memory_space<vmem_shared>>)
    %dma_wait3A_59 = arith.constant 0 : i32
    %dma_wait3A_60 = arith.constant 0 : i32
    %dma_wait3A_61 = tpu.memref_slice %arg4[%dma_wait3A_59, %dma_wait3A_60] : memref<80x125xi32, #tpu.memory_space<vmem>> -> memref<1x125xi32, #tpu.memory_space<vmem>>
    %dma_wait3A_62 = tpu.memref_squeeze %dma_wait3A_61 : memref<1x125xi32, #tpu.memory_space<vmem>> -> memref<125xi32, #tpu.memory_space<vmem>>
    %dma_wait3A_63 = arith.constant 0 : i32
    %dma_wait3A_64 = arith.constant 0 : i32
    %dma_wait3A_65 = tpu.memref_slice %arg7[%dma_wait3A_63, %dma_wait3A_64] : memref<10008x16xf32, #tpu.memory_space<vmem_shared>> -> memref<10008x16xf32, #tpu.memory_space<vmem_shared>>
    tpu.wait_indirect_dma semaphore(%arg8 : memref<!tpu.dma_semaphore, #tpu.memory_space<semaphore_mem>>) src(%arg5 : memref<125x16xf32, #tpu.memory_space<vmem>>) dst(%dma_wait3A_65 : memref<10008x16xf32, #tpu.memory_space<vmem_shared>>)
    %dma_wait3A_66 = arith.constant 0 : i32
    %dma_wait3A_67 = arith.constant 0 : i32
    %dma_wait3A_68 = tpu.memref_slice %arg4[%dma_wait3A_66, %dma_wait3A_67] : memref<80x125xi32, #tpu.memory_space<vmem>> -> memref<1x125xi32, #tpu.memory_space<vmem>>
    %dma_wait3A_69 = tpu.memref_squeeze %dma_wait3A_68 : memref<1x125xi32, #tpu.memory_space<vmem>> -> memref<125xi32, #tpu.memory_space<vmem>>
    %dma_wait3A_70 = arith.constant 0 : i32
    %dma_wait3A_71 = arith.constant 0 : i32
    %dma_wait3A_72 = tpu.memref_slice %arg7[%dma_wait3A_70, %dma_wait3A_71] : memref<10008x16xf32, #tpu.memory_space<vmem_shared>> -> memref<10008x16xf32, #tpu.memory_space<vmem_shared>>
    tpu.wait_indirect_dma semaphore(%arg8 : memref<!tpu.dma_semaphore, #tpu.memory_space<semaphore_mem>>) src(%arg5 : memref<125x16xf32, #tpu.memory_space<vmem>>) dst(%dma_wait3A_72 : memref<10008x16xf32, #tpu.memory_space<vmem_shared>>)
    %dma_wait3A_73 = arith.constant 0 : i32
    %dma_wait3A_74 = arith.constant 0 : i32
    %dma_wait3A_75 = tpu.memref_slice %arg4[%dma_wait3A_73, %dma_wait3A_74] : memref<80x125xi32, #tpu.memory_space<vmem>> -> memref<1x125xi32, #tpu.memory_space<vmem>>
    %dma_wait3A_76 = tpu.memref_squeeze %dma_wait3A_75 : memref<1x125xi32, #tpu.memory_space<vmem>> -> memref<125xi32, #tpu.memory_space<vmem>>
    %dma_wait3A_77 = arith.constant 0 : i32
    %dma_wait3A_78 = arith.constant 0 : i32
    %dma_wait3A_79 = tpu.memref_slice %arg7[%dma_wait3A_77, %dma_wait3A_78] : memref<10008x16xf32, #tpu.memory_space<vmem_shared>> -> memref<10008x16xf32, #tpu.memory_space<vmem_shared>>
    tpu.wait_indirect_dma semaphore(%arg8 : memref<!tpu.dma_semaphore, #tpu.memory_space<semaphore_mem>>) src(%arg5 : memref<125x16xf32, #tpu.memory_space<vmem>>) dst(%dma_wait3A_79 : memref<10008x16xf32, #tpu.memory_space<vmem_shared>>)
    %dma_wait3A_80 = arith.constant 0 : i32
    %dma_wait3A_81 = arith.constant 0 : i32
    %dma_wait3A_82 = tpu.memref_slice %arg4[%dma_wait3A_80, %dma_wait3A_81] : memref<80x125xi32, #tpu.memory_space<vmem>> -> memref<1x125xi32, #tpu.memory_space<vmem>>
    %dma_wait3A_83 = tpu.memref_squeeze %dma_wait3A_82 : memref<1x125xi32, #tpu.memory_space<vmem>> -> memref<125xi32, #tpu.memory_space<vmem>>
    %dma_wait3A_84 = arith.constant 0 : i32
    %dma_wait3A_85 = arith.constant 0 : i32
    %dma_wait3A_86 = tpu.memref_slice %arg7[%dma_wait3A_84, %dma_wait3A_85] : memref<10008x16xf32, #tpu.memory_space<vmem_shared>> -> memref<10008x16xf32, #tpu.memory_space<vmem_shared>>
    tpu.wait_indirect_dma semaphore(%arg8 : memref<!tpu.dma_semaphore, #tpu.memory_space<semaphore_mem>>) src(%arg5 : memref<125x16xf32, #tpu.memory_space<vmem>>) dst(%dma_wait3A_86 : memref<10008x16xf32, #tpu.memory_space<vmem_shared>>)
    %dma_wait3A_87 = arith.constant 0 : i32
    %dma_wait3A_88 = arith.constant 0 : i32
    %dma_wait3A_89 = tpu.memref_slice %arg4[%dma_wait3A_87, %dma_wait3A_88] : memref<80x125xi32, #tpu.memory_space<vmem>> -> memref<1x125xi32, #tpu.memory_space<vmem>>
    %dma_wait3A_90 = tpu.memref_squeeze %dma_wait3A_89 : memref<1x125xi32, #tpu.memory_space<vmem>> -> memref<125xi32, #tpu.memory_space<vmem>>
    %dma_wait3A_91 = arith.constant 0 : i32
    %dma_wait3A_92 = arith.constant 0 : i32
    %dma_wait3A_93 = tpu.memref_slice %arg7[%dma_wait3A_91, %dma_wait3A_92] : memref<10008x16xf32, #tpu.memory_space<vmem_shared>> -> memref<10008x16xf32, #tpu.memory_space<vmem_shared>>
    tpu.wait_indirect_dma semaphore(%arg8 : memref<!tpu.dma_semaphore, #tpu.memory_space<semaphore_mem>>) src(%arg5 : memref<125x16xf32, #tpu.memory_space<vmem>>) dst(%dma_wait3A_93 : memref<10008x16xf32, #tpu.memory_space<vmem_shared>>)
    %dma_wait3A_94 = arith.constant 0 : i32
    %dma_wait3A_95 = arith.constant 0 : i32
    %dma_wait3A_96 = tpu.memref_slice %arg4[%dma_wait3A_94, %dma_wait3A_95] : memref<80x125xi32, #tpu.memory_space<vmem>> -> memref<1x125xi32, #tpu.memory_space<vmem>>
    %dma_wait3A_97 = tpu.memref_squeeze %dma_wait3A_96 : memref<1x125xi32, #tpu.memory_space<vmem>> -> memref<125xi32, #tpu.memory_space<vmem>>
    %dma_wait3A_98 = arith.constant 0 : i32
    %dma_wait3A_99 = arith.constant 0 : i32
    %dma_wait3A_100 = tpu.memref_slice %arg7[%dma_wait3A_98, %dma_wait3A_99] : memref<10008x16xf32, #tpu.memory_space<vmem_shared>> -> memref<10008x16xf32, #tpu.memory_space<vmem_shared>>
    tpu.wait_indirect_dma semaphore(%arg8 : memref<!tpu.dma_semaphore, #tpu.memory_space<semaphore_mem>>) src(%arg5 : memref<125x16xf32, #tpu.memory_space<vmem>>) dst(%dma_wait3A_100 : memref<10008x16xf32, #tpu.memory_space<vmem_shared>>)
    %barrier3A_101 = arith.constant 0 : index
    tpu.barrier barrier_id(%barrier3A_101)
    %add3A_102 = arith.constant 0 : i32
    %add3A_103 = arith.addi %arg1, %add3A_102 : i32
    %lt3A_104 = arith.constant 50 : i32
    %lt3A_105 = arith.cmpi slt, %add3A_103, %lt3A_104 : i32
    %convert_element_type3A_106 = arith.extui %lt3A_105 : i1 to i32
    %cond3A_107 = arith.constant 0 : i32
    %cond3A_108 = arith.cmpi ne, %convert_element_type3A_106, %cond3A_107 : i32
    scf.if %cond3A_108 {
      %mul3A_130 = arith.constant 200 : i32
      %mul3A_131 = arith.muli %add3A_103, %mul3A_130 : i32
      "tpu.region"() ({
        %run_scoped3A = tpu.sem_alloc : memref<!tpu.dma_semaphore, #tpu.memory_space<semaphore_mem>>
        %dma_start3A = arith.constant 0 : i32
        %dma_start3A_132 = tpu.memref_slice %arg7[%mul3A_131, %dma_start3A] : memref<10008x16xf32, #tpu.memory_space<vmem_shared>> -> memref<200x16xf32, #tpu.memory_space<vmem_shared>>
        %dma_start3A_133 = arith.constant 0 : i32
        %dma_start3A_134 = tpu.memref_slice %arg7[%mul3A_131, %dma_start3A_133] : memref<10008x16xf32, #tpu.memory_space<vmem_shared>> -> memref<200x16xf32, #tpu.memory_space<vmem_shared>>
        tpu.enqueue_dma source(%dma_start3A_134 : memref<200x16xf32, #tpu.memory_space<vmem_shared>>) target(%arg6 : memref<200x16xf32, #tpu.memory_space<vmem>>) target_semaphore(%run_scoped3A : memref<!tpu.dma_semaphore, #tpu.memory_space<semaphore_mem>>)
        %dma_wait3A_135 = arith.constant 0 : i32
        %dma_wait3A_136 = tpu.memref_slice %arg7[%mul3A_131, %dma_wait3A_135] : memref<10008x16xf32, #tpu.memory_space<vmem_shared>> -> memref<200x16xf32, #tpu.memory_space<vmem_shared>>
        %dma_wait3A_137 = arith.constant 0 : i32
        %dma_wait3A_138 = tpu.memref_slice %arg7[%mul3A_131, %dma_wait3A_137] : memref<10008x16xf32, #tpu.memory_space<vmem_shared>> -> memref<200x16xf32, #tpu.memory_space<vmem_shared>>
        tpu.wait_dma2 semaphore(%run_scoped3A : memref<!tpu.dma_semaphore, #tpu.memory_space<semaphore_mem>>) src(%dma_wait3A_138 : memref<200x16xf32, #tpu.memory_space<vmem_shared>>) dst(%arg6 : memref<200x16xf32, #tpu.memory_space<vmem>>)
        tpu.yield
      }) : () -> ()
      "tpu.region"() ({
        %run_scoped3A = tpu.sem_alloc : memref<!tpu.dma_semaphore, #tpu.memory_space<semaphore_mem>>
        %dma_start3A = arith.constant 0 : i32
        %dma_start3A_132 = tpu.memref_slice %arg3[%arg0, %mul3A_131, %dma_start3A] : memref<2x10000x128xf32, #tpu.memory_space<hbm>> -> memref<1x200x16xf32, #tpu.memory_space<hbm>>
        %dma_start3A_133 = tpu.memref_squeeze %dma_start3A_132 : memref<1x200x16xf32, #tpu.memory_space<hbm>> -> memref<200x16xf32, #tpu.memory_space<hbm>>
        %dma_start3A_134 = arith.constant 0 : i32
        %dma_start3A_135 = tpu.memref_slice %arg3[%arg0, %mul3A_131, %dma_start3A_134] : memref<2x10000x128xf32, #tpu.memory_space<hbm>> -> memref<1x200x16xf32, #tpu.memory_space<hbm>>
        %dma_start3A_136 = tpu.memref_squeeze %dma_start3A_135 : memref<1x200x16xf32, #tpu.memory_space<hbm>> -> memref<200x16xf32, #tpu.memory_space<hbm>>
        tpu.enqueue_dma source(%arg6 : memref<200x16xf32, #tpu.memory_space<vmem>>) target(%dma_start3A_136 : memref<200x16xf32, #tpu.memory_space<hbm>>) target_semaphore(%run_scoped3A : memref<!tpu.dma_semaphore, #tpu.memory_space<semaphore_mem>>)
        %dma_wait3A_137 = arith.constant 0 : i32
        %dma_wait3A_138 = tpu.memref_slice %arg3[%arg0, %mul3A_131, %dma_wait3A_137] : memref<2x10000x128xf32, #tpu.memory_space<hbm>> -> memref<1x200x16xf32, #tpu.memory_space<hbm>>
        %dma_wait3A_139 = tpu.memref_squeeze %dma_wait3A_138 : memref<1x200x16xf32, #tpu.memory_space<hbm>> -> memref<200x16xf32, #tpu.memory_space<hbm>>
        %dma_wait3A_140 = arith.constant 0 : i32
        %dma_wait3A_141 = tpu.memref_slice %arg3[%arg0, %mul3A_131, %dma_wait3A_140] : memref<2x10000x128xf32, #tpu.memory_space<hbm>> -> memref<1x200x16xf32, #tpu.memory_space<hbm>>
        %dma_wait3A_142 = tpu.memref_squeeze %dma_wait3A_141 : memref<1x200x16xf32, #tpu.memory_space<hbm>> -> memref<200x16xf32, #tpu.memory_space<hbm>>
        tpu.wait_dma2 semaphore(%run_scoped3A : memref<!tpu.dma_semaphore, #tpu.memory_space<semaphore_mem>>) src(%arg6 : memref<200x16xf32, #tpu.memory_space<vmem>>) dst(%dma_wait3A_142 : memref<200x16xf32, #tpu.memory_space<hbm>>)
        tpu.yield
      }) : () -> ()
    } else {
    }
    %add3A_109 = arith.constant 16 : i32
    %add3A_110 = arith.addi %arg1, %add3A_109 : i32
    %lt3A_111 = arith.constant 50 : i32
    %lt3A_112 = arith.cmpi slt, %add3A_110, %lt3A_111 : i32
    %convert_element_type3A_113 = arith.extui %lt3A_112 : i1 to i32
    %cond3A_114 = arith.constant 0 : i32
    %cond3A_115 = arith.cmpi ne, %convert_element_type3A_113, %cond3A_114 : i32
    scf.if %cond3A_115 {
      %mul3A_130 = arith.constant 200 : i32
      %mul3A_131 = arith.muli %add3A_110, %mul3A_130 : i32
      "tpu.region"() ({
        %run_scoped3A = tpu.sem_alloc : memref<!tpu.dma_semaphore, #tpu.memory_space<semaphore_mem>>
        %dma_start3A = arith.constant 0 : i32
        %dma_start3A_132 = tpu.memref_slice %arg7[%mul3A_131, %dma_start3A] : memref<10008x16xf32, #tpu.memory_space<vmem_shared>> -> memref<200x16xf32, #tpu.memory_space<vmem_shared>>
        %dma_start3A_133 = arith.constant 0 : i32
        %dma_start3A_134 = tpu.memref_slice %arg7[%mul3A_131, %dma_start3A_133] : memref<10008x16xf32, #tpu.memory_space<vmem_shared>> -> memref<200x16xf32, #tpu.memory_space<vmem_shared>>
        tpu.enqueue_dma source(%dma_start3A_134 : memref<200x16xf32, #tpu.memory_space<vmem_shared>>) target(%arg6 : memref<200x16xf32, #tpu.memory_space<vmem>>) target_semaphore(%run_scoped3A : memref<!tpu.dma_semaphore, #tpu.memory_space<semaphore_mem>>)
        %dma_wait3A_135 = arith.constant 0 : i32
        %dma_wait3A_136 = tpu.memref_slice %arg7[%mul3A_131, %dma_wait3A_135] : memref<10008x16xf32, #tpu.memory_space<vmem_shared>> -> memref<200x16xf32, #tpu.memory_space<vmem_shared>>
        %dma_wait3A_137 = arith.constant 0 : i32
        %dma_wait3A_138 = tpu.memref_slice %arg7[%mul3A_131, %dma_wait3A_137] : memref<10008x16xf32, #tpu.memory_space<vmem_shared>> -> memref<200x16xf32, #tpu.memory_space<vmem_shared>>
        tpu.wait_dma2 semaphore(%run_scoped3A : memref<!tpu.dma_semaphore, #tpu.memory_space<semaphore_mem>>) src(%dma_wait3A_138 : memref<200x16xf32, #tpu.memory_space<vmem_shared>>) dst(%arg6 : memref<200x16xf32, #tpu.memory_space<vmem>>)
        tpu.yield
      }) : () -> ()
      "tpu.region"() ({
        %run_scoped3A = tpu.sem_alloc : memref<!tpu.dma_semaphore, #tpu.memory_space<semaphore_mem>>
        %dma_start3A = arith.constant 0 : i32
        %dma_start3A_132 = tpu.memref_slice %arg3[%arg0, %mul3A_131, %dma_start3A] : memref<2x10000x128xf32, #tpu.memory_space<hbm>> -> memref<1x200x16xf32, #tpu.memory_space<hbm>>
        %dma_start3A_133 = tpu.memref_squeeze %dma_start3A_132 : memref<1x200x16xf32, #tpu.memory_space<hbm>> -> memref<200x16xf32, #tpu.memory_space<hbm>>
        %dma_start3A_134 = arith.constant 0 : i32
        %dma_start3A_135 = tpu.memref_slice %arg3[%arg0, %mul3A_131, %dma_start3A_134] : memref<2x10000x128xf32, #tpu.memory_space<hbm>> -> memref<1x200x16xf32, #tpu.memory_space<hbm>>
        %dma_start3A_136 = tpu.memref_squeeze %dma_start3A_135 : memref<1x200x16xf32, #tpu.memory_space<hbm>> -> memref<200x16xf32, #tpu.memory_space<hbm>>
        tpu.enqueue_dma source(%arg6 : memref<200x16xf32, #tpu.memory_space<vmem>>) target(%dma_start3A_136 : memref<200x16xf32, #tpu.memory_space<hbm>>) target_semaphore(%run_scoped3A : memref<!tpu.dma_semaphore, #tpu.memory_space<semaphore_mem>>)
        %dma_wait3A_137 = arith.constant 0 : i32
        %dma_wait3A_138 = tpu.memref_slice %arg3[%arg0, %mul3A_131, %dma_wait3A_137] : memref<2x10000x128xf32, #tpu.memory_space<hbm>> -> memref<1x200x16xf32, #tpu.memory_space<hbm>>
        %dma_wait3A_139 = tpu.memref_squeeze %dma_wait3A_138 : memref<1x200x16xf32, #tpu.memory_space<hbm>> -> memref<200x16xf32, #tpu.memory_space<hbm>>
        %dma_wait3A_140 = arith.constant 0 : i32
        %dma_wait3A_141 = tpu.memref_slice %arg3[%arg0, %mul3A_131, %dma_wait3A_140] : memref<2x10000x128xf32, #tpu.memory_space<hbm>> -> memref<1x200x16xf32, #tpu.memory_space<hbm>>
        %dma_wait3A_142 = tpu.memref_squeeze %dma_wait3A_141 : memref<1x200x16xf32, #tpu.memory_space<hbm>> -> memref<200x16xf32, #tpu.memory_space<hbm>>
        tpu.wait_dma2 semaphore(%run_scoped3A : memref<!tpu.dma_semaphore, #tpu.memory_space<semaphore_mem>>) src(%arg6 : memref<200x16xf32, #tpu.memory_space<vmem>>) dst(%dma_wait3A_142 : memref<200x16xf32, #tpu.memory_space<hbm>>)
        tpu.yield
      }) : () -> ()
    } else {
    }
    %add3A_116 = arith.constant 32 : i32
    %add3A_117 = arith.addi %arg1, %add3A_116 : i32
    %lt3A_118 = arith.constant 50 : i32
    %lt3A_119 = arith.cmpi slt, %add3A_117, %lt3A_118 : i32
    %convert_element_type3A_120 = arith.extui %lt3A_119 : i1 to i32
    %cond3A_121 = arith.constant 0 : i32
    %cond3A_122 = arith.cmpi ne, %convert_element_type3A_120, %cond3A_121 : i32
    scf.if %cond3A_122 {
      %mul3A_130 = arith.constant 200 : i32
      %mul3A_131 = arith.muli %add3A_117, %mul3A_130 : i32
      "tpu.region"() ({
        %run_scoped3A = tpu.sem_alloc : memref<!tpu.dma_semaphore, #tpu.memory_space<semaphore_mem>>
        %dma_start3A = arith.constant 0 : i32
        %dma_start3A_132 = tpu.memref_slice %arg7[%mul3A_131, %dma_start3A] : memref<10008x16xf32, #tpu.memory_space<vmem_shared>> -> memref<200x16xf32, #tpu.memory_space<vmem_shared>>
        %dma_start3A_133 = arith.constant 0 : i32
        %dma_start3A_134 = tpu.memref_slice %arg7[%mul3A_131, %dma_start3A_133] : memref<10008x16xf32, #tpu.memory_space<vmem_shared>> -> memref<200x16xf32, #tpu.memory_space<vmem_shared>>
        tpu.enqueue_dma source(%dma_start3A_134 : memref<200x16xf32, #tpu.memory_space<vmem_shared>>) target(%arg6 : memref<200x16xf32, #tpu.memory_space<vmem>>) target_semaphore(%run_scoped3A : memref<!tpu.dma_semaphore, #tpu.memory_space<semaphore_mem>>)
        %dma_wait3A_135 = arith.constant 0 : i32
        %dma_wait3A_136 = tpu.memref_slice %arg7[%mul3A_131, %dma_wait3A_135] : memref<10008x16xf32, #tpu.memory_space<vmem_shared>> -> memref<200x16xf32, #tpu.memory_space<vmem_shared>>
        %dma_wait3A_137 = arith.constant 0 : i32
        %dma_wait3A_138 = tpu.memref_slice %arg7[%mul3A_131, %dma_wait3A_137] : memref<10008x16xf32, #tpu.memory_space<vmem_shared>> -> memref<200x16xf32, #tpu.memory_space<vmem_shared>>
        tpu.wait_dma2 semaphore(%run_scoped3A : memref<!tpu.dma_semaphore, #tpu.memory_space<semaphore_mem>>) src(%dma_wait3A_138 : memref<200x16xf32, #tpu.memory_space<vmem_shared>>) dst(%arg6 : memref<200x16xf32, #tpu.memory_space<vmem>>)
        tpu.yield
      }) : () -> ()
      "tpu.region"() ({
        %run_scoped3A = tpu.sem_alloc : memref<!tpu.dma_semaphore, #tpu.memory_space<semaphore_mem>>
        %dma_start3A = arith.constant 0 : i32
        %dma_start3A_132 = tpu.memref_slice %arg3[%arg0, %mul3A_131, %dma_start3A] : memref<2x10000x128xf32, #tpu.memory_space<hbm>> -> memref<1x200x16xf32, #tpu.memory_space<hbm>>
        %dma_start3A_133 = tpu.memref_squeeze %dma_start3A_132 : memref<1x200x16xf32, #tpu.memory_space<hbm>> -> memref<200x16xf32, #tpu.memory_space<hbm>>
        %dma_start3A_134 = arith.constant 0 : i32
        %dma_start3A_135 = tpu.memref_slice %arg3[%arg0, %mul3A_131, %dma_start3A_134] : memref<2x10000x128xf32, #tpu.memory_space<hbm>> -> memref<1x200x16xf32, #tpu.memory_space<hbm>>
        %dma_start3A_136 = tpu.memref_squeeze %dma_start3A_135 : memref<1x200x16xf32, #tpu.memory_space<hbm>> -> memref<200x16xf32, #tpu.memory_space<hbm>>
        tpu.enqueue_dma source(%arg6 : memref<200x16xf32, #tpu.memory_space<vmem>>) target(%dma_start3A_136 : memref<200x16xf32, #tpu.memory_space<hbm>>) target_semaphore(%run_scoped3A : memref<!tpu.dma_semaphore, #tpu.memory_space<semaphore_mem>>)
        %dma_wait3A_137 = arith.constant 0 : i32
        %dma_wait3A_138 = tpu.memref_slice %arg3[%arg0, %mul3A_131, %dma_wait3A_137] : memref<2x10000x128xf32, #tpu.memory_space<hbm>> -> memref<1x200x16xf32, #tpu.memory_space<hbm>>
        %dma_wait3A_139 = tpu.memref_squeeze %dma_wait3A_138 : memref<1x200x16xf32, #tpu.memory_space<hbm>> -> memref<200x16xf32, #tpu.memory_space<hbm>>
        %dma_wait3A_140 = arith.constant 0 : i32
        %dma_wait3A_141 = tpu.memref_slice %arg3[%arg0, %mul3A_131, %dma_wait3A_140] : memref<2x10000x128xf32, #tpu.memory_space<hbm>> -> memref<1x200x16xf32, #tpu.memory_space<hbm>>
        %dma_wait3A_142 = tpu.memref_squeeze %dma_wait3A_141 : memref<1x200x16xf32, #tpu.memory_space<hbm>> -> memref<200x16xf32, #tpu.memory_space<hbm>>
        tpu.wait_dma2 semaphore(%run_scoped3A : memref<!tpu.dma_semaphore, #tpu.memory_space<semaphore_mem>>) src(%arg6 : memref<200x16xf32, #tpu.memory_space<vmem>>) dst(%dma_wait3A_142 : memref<200x16xf32, #tpu.memory_space<hbm>>)
        tpu.yield
      }) : () -> ()
    } else {
    }
    %add3A_123 = arith.constant 48 : i32
    %add3A_124 = arith.addi %arg1, %add3A_123 : i32
    %lt3A_125 = arith.constant 50 : i32
    %lt3A_126 = arith.cmpi slt, %add3A_124, %lt3A_125 : i32
    %convert_element_type3A_127 = arith.extui %lt3A_126 : i1 to i32
    %cond3A_128 = arith.constant 0 : i32
    %cond3A_129 = arith.cmpi ne, %convert_element_type3A_127, %cond3A_128 : i32
    scf.if %cond3A_129 {
      %mul3A_130 = arith.constant 200 : i32
      %mul3A_131 = arith.muli %add3A_124, %mul3A_130 : i32
      "tpu.region"() ({
        %run_scoped3A = tpu.sem_alloc : memref<!tpu.dma_semaphore, #tpu.memory_space<semaphore_mem>>
        %dma_start3A = arith.constant 0 : i32
        %dma_start3A_132 = tpu.memref_slice %arg7[%mul3A_131, %dma_start3A] : memref<10008x16xf32, #tpu.memory_space<vmem_shared>> -> memref<200x16xf32, #tpu.memory_space<vmem_shared>>
        %dma_start3A_133 = arith.constant 0 : i32
        %dma_start3A_134 = tpu.memref_slice %arg7[%mul3A_131, %dma_start3A_133] : memref<10008x16xf32, #tpu.memory_space<vmem_shared>> -> memref<200x16xf32, #tpu.memory_space<vmem_shared>>
        tpu.enqueue_dma source(%dma_start3A_134 : memref<200x16xf32, #tpu.memory_space<vmem_shared>>) target(%arg6 : memref<200x16xf32, #tpu.memory_space<vmem>>) target_semaphore(%run_scoped3A : memref<!tpu.dma_semaphore, #tpu.memory_space<semaphore_mem>>)
        %dma_wait3A_135 = arith.constant 0 : i32
        %dma_wait3A_136 = tpu.memref_slice %arg7[%mul3A_131, %dma_wait3A_135] : memref<10008x16xf32, #tpu.memory_space<vmem_shared>> -> memref<200x16xf32, #tpu.memory_space<vmem_shared>>
        %dma_wait3A_137 = arith.constant 0 : i32
        %dma_wait3A_138 = tpu.memref_slice %arg7[%mul3A_131, %dma_wait3A_137] : memref<10008x16xf32, #tpu.memory_space<vmem_shared>> -> memref<200x16xf32, #tpu.memory_space<vmem_shared>>
        tpu.wait_dma2 semaphore(%run_scoped3A : memref<!tpu.dma_semaphore, #tpu.memory_space<semaphore_mem>>) src(%dma_wait3A_138 : memref<200x16xf32, #tpu.memory_space<vmem_shared>>) dst(%arg6 : memref<200x16xf32, #tpu.memory_space<vmem>>)
        tpu.yield
      }) : () -> ()
      "tpu.region"() ({
        %run_scoped3A = tpu.sem_alloc : memref<!tpu.dma_semaphore, #tpu.memory_space<semaphore_mem>>
        %dma_start3A = arith.constant 0 : i32
        %dma_start3A_132 = tpu.memref_slice %arg3[%arg0, %mul3A_131, %dma_start3A] : memref<2x10000x128xf32, #tpu.memory_space<hbm>> -> memref<1x200x16xf32, #tpu.memory_space<hbm>>
        %dma_start3A_133 = tpu.memref_squeeze %dma_start3A_132 : memref<1x200x16xf32, #tpu.memory_space<hbm>> -> memref<200x16xf32, #tpu.memory_space<hbm>>
        %dma_start3A_134 = arith.constant 0 : i32
        %dma_start3A_135 = tpu.memref_slice %arg3[%arg0, %mul3A_131, %dma_start3A_134] : memref<2x10000x128xf32, #tpu.memory_space<hbm>> -> memref<1x200x16xf32, #tpu.memory_space<hbm>>
        %dma_start3A_136 = tpu.memref_squeeze %dma_start3A_135 : memref<1x200x16xf32, #tpu.memory_space<hbm>> -> memref<200x16xf32, #tpu.memory_space<hbm>>
        tpu.enqueue_dma source(%arg6 : memref<200x16xf32, #tpu.memory_space<vmem>>) target(%dma_start3A_136 : memref<200x16xf32, #tpu.memory_space<hbm>>) target_semaphore(%run_scoped3A : memref<!tpu.dma_semaphore, #tpu.memory_space<semaphore_mem>>)
        %dma_wait3A_137 = arith.constant 0 : i32
        %dma_wait3A_138 = tpu.memref_slice %arg3[%arg0, %mul3A_131, %dma_wait3A_137] : memref<2x10000x128xf32, #tpu.memory_space<hbm>> -> memref<1x200x16xf32, #tpu.memory_space<hbm>>
        %dma_wait3A_139 = tpu.memref_squeeze %dma_wait3A_138 : memref<1x200x16xf32, #tpu.memory_space<hbm>> -> memref<200x16xf32, #tpu.memory_space<hbm>>
        %dma_wait3A_140 = arith.constant 0 : i32
        %dma_wait3A_141 = tpu.memref_slice %arg3[%arg0, %mul3A_131, %dma_wait3A_140] : memref<2x10000x128xf32, #tpu.memory_space<hbm>> -> memref<1x200x16xf32, #tpu.memory_space<hbm>>
        %dma_wait3A_142 = tpu.memref_squeeze %dma_wait3A_141 : memref<1x200x16xf32, #tpu.memory_space<hbm>> -> memref<200x16xf32, #tpu.memory_space<hbm>>
        tpu.wait_dma2 semaphore(%run_scoped3A : memref<!tpu.dma_semaphore, #tpu.memory_space<semaphore_mem>>) src(%arg6 : memref<200x16xf32, #tpu.memory_space<vmem>>) dst(%dma_wait3A_142 : memref<200x16xf32, #tpu.memory_space<hbm>>)
        tpu.yield
      }) : () -> ()
    } else {
    }
    return
  }
}

#map = affine_map<(d0, d1) -> (0, 0)>
#map1 = affine_map<(d0, d1) -> (0, 0, 0)>
module attributes {stable_mosaic.version = 14 : i64} {
  func.func @seg(%arg0: i32, %arg1: i32, %arg2: memref<10000x64xf32, #tpu.memory_space<hbm>>, %arg3: memref<10000x64xf32, #tpu.memory_space<hbm>>, %arg4: memref<32x80x125xi32, #tpu.memory_space<hbm>>, %arg5: memref<32x80x125xi32, #tpu.memory_space<hbm>>, %arg6: memref<2x10000x128xf32, #tpu.memory_space<hbm>>, %arg7: memref<80x125xi32, #tpu.memory_space<vmem>>, %arg8: memref<80x125xi32, #tpu.memory_space<vmem>>, %arg9: memref<5x125x64xf32, #tpu.memory_space<vmem>>, %arg10: memref<200x64xf32, #tpu.memory_space<vmem>>, %arg11: memref<200x64xf32, #tpu.memory_space<vmem>>, %arg12: memref<10008x64xf32, #tpu.memory_space<vmem_shared>>, %arg13: memref<5x!tpu.dma_semaphore, #tpu.memory_space<semaphore_mem>>, %arg14: memref<5x!tpu.dma_semaphore, #tpu.memory_space<semaphore_mem>>) attributes {dimension_semantics = [#tpu.dimension_semantics<core_parallel>, #tpu.dimension_semantics<subcore_parallel>], iteration_bounds = array<i64: 2, 16>, scalar_prefetch = 0 : i64, scratch_operands = 8 : i64, tpu.core_type = #tpu.core_type<sc_vector_subcore>, window_params = [{transform_indices = #map}, {transform_indices = #map}, {transform_indices = #map1}, {transform_indices = #map1}, {transform_indices = #map1}]} {
    %mul3A = arith.constant 2 : i32
    %mul3A_0 = arith.muli %arg1, %mul3A : i32
    %add3A = arith.addi %mul3A_0, %arg0 : i32
    %broadcast_in_dim3A = arith.constant 0.000000e+00 : f32
    %broadcast_in_dim3A_1 = vector.broadcast %broadcast_in_dim3A : f32 to vector<16xf32>
    "tpu.region"() ({
      %run_scoped3A = tpu.sem_alloc : memref<!tpu.dma_semaphore, #tpu.memory_space<semaphore_mem>>
      %dma_start3A_279 = arith.constant 0 : i32
      %dma_start3A_280 = arith.constant 0 : i32
      %dma_start3A_281 = tpu.memref_slice %arg4[%add3A, %dma_start3A_279, %dma_start3A_280] : memref<32x80x125xi32, #tpu.memory_space<hbm>> -> memref<1x80x125xi32, #tpu.memory_space<hbm>>
      %dma_start3A_282 = tpu.memref_squeeze %dma_start3A_281 : memref<1x80x125xi32, #tpu.memory_space<hbm>> -> memref<80x125xi32, #tpu.memory_space<hbm>>
      %dma_start3A_283 = arith.constant 0 : i32
      %dma_start3A_284 = arith.constant 0 : i32
      %dma_start3A_285 = tpu.memref_slice %arg4[%add3A, %dma_start3A_283, %dma_start3A_284] : memref<32x80x125xi32, #tpu.memory_space<hbm>> -> memref<1x80x125xi32, #tpu.memory_space<hbm>>
      %dma_start3A_286 = tpu.memref_squeeze %dma_start3A_285 : memref<1x80x125xi32, #tpu.memory_space<hbm>> -> memref<80x125xi32, #tpu.memory_space<hbm>>
      tpu.enqueue_dma source(%dma_start3A_286 : memref<80x125xi32, #tpu.memory_space<hbm>>) target(%arg7 : memref<80x125xi32, #tpu.memory_space<vmem>>) target_semaphore(%run_scoped3A : memref<!tpu.dma_semaphore, #tpu.memory_space<semaphore_mem>>)
      %dma_wait3A_287 = arith.constant 0 : i32
      %dma_wait3A_288 = arith.constant 0 : i32
      %dma_wait3A_289 = tpu.memref_slice %arg4[%add3A, %dma_wait3A_287, %dma_wait3A_288] : memref<32x80x125xi32, #tpu.memory_space<hbm>> -> memref<1x80x125xi32, #tpu.memory_space<hbm>>
      %dma_wait3A_290 = tpu.memref_squeeze %dma_wait3A_289 : memref<1x80x125xi32, #tpu.memory_space<hbm>> -> memref<80x125xi32, #tpu.memory_space<hbm>>
      %dma_wait3A_291 = arith.constant 0 : i32
      %dma_wait3A_292 = arith.constant 0 : i32
      %dma_wait3A_293 = tpu.memref_slice %arg4[%add3A, %dma_wait3A_291, %dma_wait3A_292] : memref<32x80x125xi32, #tpu.memory_space<hbm>> -> memref<1x80x125xi32, #tpu.memory_space<hbm>>
      %dma_wait3A_294 = tpu.memref_squeeze %dma_wait3A_293 : memref<1x80x125xi32, #tpu.memory_space<hbm>> -> memref<80x125xi32, #tpu.memory_space<hbm>>
      tpu.wait_dma2 semaphore(%run_scoped3A : memref<!tpu.dma_semaphore, #tpu.memory_space<semaphore_mem>>) src(%dma_wait3A_294 : memref<80x125xi32, #tpu.memory_space<hbm>>) dst(%arg7 : memref<80x125xi32, #tpu.memory_space<vmem>>)
      tpu.yield
    }) : () -> ()
    "tpu.region"() ({
      %run_scoped3A = tpu.sem_alloc : memref<!tpu.dma_semaphore, #tpu.memory_space<semaphore_mem>>
      %dma_start3A_279 = arith.constant 0 : i32
      %dma_start3A_280 = arith.constant 0 : i32
      %dma_start3A_281 = tpu.memref_slice %arg5[%add3A, %dma_start3A_279, %dma_start3A_280] : memref<32x80x125xi32, #tpu.memory_space<hbm>> -> memref<1x80x125xi32, #tpu.memory_space<hbm>>
      %dma_start3A_282 = tpu.memref_squeeze %dma_start3A_281 : memref<1x80x125xi32, #tpu.memory_space<hbm>> -> memref<80x125xi32, #tpu.memory_space<hbm>>
      %dma_start3A_283 = arith.constant 0 : i32
      %dma_start3A_284 = arith.constant 0 : i32
      %dma_start3A_285 = tpu.memref_slice %arg5[%add3A, %dma_start3A_283, %dma_start3A_284] : memref<32x80x125xi32, #tpu.memory_space<hbm>> -> memref<1x80x125xi32, #tpu.memory_space<hbm>>
      %dma_start3A_286 = tpu.memref_squeeze %dma_start3A_285 : memref<1x80x125xi32, #tpu.memory_space<hbm>> -> memref<80x125xi32, #tpu.memory_space<hbm>>
      tpu.enqueue_dma source(%dma_start3A_286 : memref<80x125xi32, #tpu.memory_space<hbm>>) target(%arg8 : memref<80x125xi32, #tpu.memory_space<vmem>>) target_semaphore(%run_scoped3A : memref<!tpu.dma_semaphore, #tpu.memory_space<semaphore_mem>>)
      %dma_wait3A_287 = arith.constant 0 : i32
      %dma_wait3A_288 = arith.constant 0 : i32
      %dma_wait3A_289 = tpu.memref_slice %arg5[%add3A, %dma_wait3A_287, %dma_wait3A_288] : memref<32x80x125xi32, #tpu.memory_space<hbm>> -> memref<1x80x125xi32, #tpu.memory_space<hbm>>
      %dma_wait3A_290 = tpu.memref_squeeze %dma_wait3A_289 : memref<1x80x125xi32, #tpu.memory_space<hbm>> -> memref<80x125xi32, #tpu.memory_space<hbm>>
      %dma_wait3A_291 = arith.constant 0 : i32
      %dma_wait3A_292 = arith.constant 0 : i32
      %dma_wait3A_293 = tpu.memref_slice %arg5[%add3A, %dma_wait3A_291, %dma_wait3A_292] : memref<32x80x125xi32, #tpu.memory_space<hbm>> -> memref<1x80x125xi32, #tpu.memory_space<hbm>>
      %dma_wait3A_294 = tpu.memref_squeeze %dma_wait3A_293 : memref<1x80x125xi32, #tpu.memory_space<hbm>> -> memref<80x125xi32, #tpu.memory_space<hbm>>
      tpu.wait_dma2 semaphore(%run_scoped3A : memref<!tpu.dma_semaphore, #tpu.memory_space<semaphore_mem>>) src(%dma_wait3A_294 : memref<80x125xi32, #tpu.memory_space<hbm>>) dst(%arg8 : memref<80x125xi32, #tpu.memory_space<vmem>>)
      tpu.yield
    }) : () -> ()
    %scan3A = arith.constant 0 : i32
    %scan3A_2 = arith.constant 0 : i32
    %scan3A_3 = arith.constant 800 : i32
    %scan3A_4 = arith.addi %scan3A_2, %scan3A_3 : i32
    %scan3A_5 = arith.constant 1 : i32
    scf.for %scan3A_279 = %scan3A_2 to %scan3A_4 step %scan3A_5  : i32 {
      %jit3A = arith.constant 4 : i32
      %div3A = arith.divsi %scan3A_279, %jit3A : i32
      %sign3A = arith.constant 0 : i32
      %sign3A_280 = arith.cmpi sgt, %scan3A_279, %sign3A : i32
      %sign3A_281 = arith.extui %sign3A_280 : i1 to i32
      %sign3A_282 = arith.constant 0 : i32
      %sign3A_283 = arith.cmpi slt, %scan3A_279, %sign3A_282 : i32
      %sign3A_284 = arith.extui %sign3A_283 : i1 to i32
      %sign3A_285 = arith.subi %sign3A_281, %sign3A_284 : i32
      %sign3A_286 = arith.constant 0 : i32
      %sign3A_287 = arith.cmpi sgt, %jit3A, %sign3A_286 : i32
      %sign3A_288 = arith.extui %sign3A_287 : i1 to i32
      %sign3A_289 = arith.constant 0 : i32
      %sign3A_290 = arith.cmpi slt, %jit3A, %sign3A_289 : i32
      %sign3A_291 = arith.extui %sign3A_290 : i1 to i32
      %sign3A_292 = arith.subi %sign3A_288, %sign3A_291 : i32
      %ne3A = arith.cmpi ne, %sign3A_285, %sign3A_292 : i32
      %rem3A = arith.remsi %scan3A_279, %jit3A : i32
      %ne3A_293 = arith.constant 0 : i32
      %ne3A_294 = arith.cmpi ne, %rem3A, %ne3A_293 : i32
      %and3A = arith.andi %ne3A, %ne3A_294 : i1
      %sub3A = arith.constant 1 : i32
      %sub3A_295 = arith.subi %div3A, %sub3A : i32
      %select_n3A = arith.select %and3A, %sub3A_295, %div3A : i32
      %jit3A_296 = arith.constant 4 : i32
      %eq3A = arith.constant 0 : i32
      %eq3A_297 = arith.cmpi eq, %jit3A_296, %eq3A : i32
      %jit3A_298 = arith.constant 1 : i32
      %select_n3A_299 = arith.select %eq3A_297, %jit3A_298, %jit3A_296 : i32
      %rem3A_300 = arith.remsi %scan3A_279, %select_n3A_299 : i32
      %ne3A_301 = arith.constant 0 : i32
      %ne3A_302 = arith.cmpi ne, %rem3A_300, %ne3A_301 : i32
      %lt3A_303 = arith.constant 0 : i32
      %lt3A_304 = arith.cmpi slt, %rem3A_300, %lt3A_303 : i32
      %lt3A_305 = arith.constant 0 : i32
      %lt3A_306 = arith.cmpi slt, %select_n3A_299, %lt3A_305 : i32
      %ne3A_307 = arith.xori %lt3A_304, %lt3A_306 : i1
      %and3A_308 = arith.andi %ne3A_307, %ne3A_302 : i1
      %add3A_309 = arith.addi %rem3A_300, %select_n3A_299 : i32
      %select_n3A_310 = arith.select %and3A_308, %add3A_309, %rem3A_300 : i32
      %mul3A_311 = arith.constant 16 : i32
      %mul3A_312 = arith.muli %select_n3A_310, %mul3A_311 : i32
      %swap3A = arith.index_cast %select_n3A : i32 to index
      %swap3A_313 = arith.index_cast %mul3A_312 : i32 to index
      %swap3A_314 = tpu.vector_load %arg10[%swap3A, %swap3A_313] {strides = array<i32>} : memref<200x64xf32, #tpu.memory_space<vmem>>, vector<1x16xf32>,
      %swap3A_315 = vector.shape_cast %swap3A_314 : vector<1x16xf32> to vector<16xf32>
      %swap3A_316 = vector.shape_cast %broadcast_in_dim3A_1 : vector<16xf32> to vector<1x16xf32>
      tpu.vector_store %arg10[%swap3A, %swap3A_313], %swap3A_316 {strides = array<i32>} : memref<200x64xf32, #tpu.memory_space<vmem>>, vector<1x16xf32>,
    }
    %scan3A_6 = arith.constant 800 : i32
    %add3A_7 = arith.constant 0 : i32
    %add3A_8 = arith.addi %arg1, %add3A_7 : i32
    %lt3A = arith.constant 50 : i32
    %lt3A_9 = arith.cmpi slt, %add3A_8, %lt3A : i32
    %convert_element_type3A = arith.extui %lt3A_9 : i1 to i32
    %cond3A = arith.constant 0 : i32
    %cond3A_10 = arith.cmpi ne, %convert_element_type3A, %cond3A : i32
    scf.if %cond3A_10 {
      %mul3A_279 = arith.constant 200 : i32
      %mul3A_280 = arith.muli %add3A_8, %mul3A_279 : i32
      "tpu.region"() ({
        %run_scoped3A = tpu.sem_alloc : memref<!tpu.dma_semaphore, #tpu.memory_space<semaphore_mem>>
        %dma_start3A_281 = arith.constant 0 : i32
        %dma_start3A_282 = tpu.memref_slice %arg12[%mul3A_280, %dma_start3A_281] : memref<10008x64xf32, #tpu.memory_space<vmem_shared>> -> memref<200x64xf32, #tpu.memory_space<vmem_shared>>
        %dma_start3A_283 = arith.constant 0 : i32
        %dma_start3A_284 = tpu.memref_slice %arg12[%mul3A_280, %dma_start3A_283] : memref<10008x64xf32, #tpu.memory_space<vmem_shared>> -> memref<200x64xf32, #tpu.memory_space<vmem_shared>>
        tpu.enqueue_dma source(%arg10 : memref<200x64xf32, #tpu.memory_space<vmem>>) target(%dma_start3A_284 : memref<200x64xf32, #tpu.memory_space<vmem_shared>>) target_semaphore(%run_scoped3A : memref<!tpu.dma_semaphore, #tpu.memory_space<semaphore_mem>>)
        %dma_wait3A_285 = arith.constant 0 : i32
        %dma_wait3A_286 = tpu.memref_slice %arg12[%mul3A_280, %dma_wait3A_285] : memref<10008x64xf32, #tpu.memory_space<vmem_shared>> -> memref<200x64xf32, #tpu.memory_space<vmem_shared>>
        %dma_wait3A_287 = arith.constant 0 : i32
        %dma_wait3A_288 = tpu.memref_slice %arg12[%mul3A_280, %dma_wait3A_287] : memref<10008x64xf32, #tpu.memory_space<vmem_shared>> -> memref<200x64xf32, #tpu.memory_space<vmem_shared>>
        tpu.wait_dma2 semaphore(%run_scoped3A : memref<!tpu.dma_semaphore, #tpu.memory_space<semaphore_mem>>) src(%arg10 : memref<200x64xf32, #tpu.memory_space<vmem>>) dst(%dma_wait3A_288 : memref<200x64xf32, #tpu.memory_space<vmem_shared>>)
        tpu.yield
      }) : () -> ()
    } else {
    }
    %add3A_11 = arith.constant 16 : i32
    %add3A_12 = arith.addi %arg1, %add3A_11 : i32
    %lt3A_13 = arith.constant 50 : i32
    %lt3A_14 = arith.cmpi slt, %add3A_12, %lt3A_13 : i32
    %convert_element_type3A_15 = arith.extui %lt3A_14 : i1 to i32
    %cond3A_16 = arith.constant 0 : i32
    %cond3A_17 = arith.cmpi ne, %convert_element_type3A_15, %cond3A_16 : i32
    scf.if %cond3A_17 {
      %mul3A_279 = arith.constant 200 : i32
      %mul3A_280 = arith.muli %add3A_12, %mul3A_279 : i32
      "tpu.region"() ({
        %run_scoped3A = tpu.sem_alloc : memref<!tpu.dma_semaphore, #tpu.memory_space<semaphore_mem>>
        %dma_start3A_281 = arith.constant 0 : i32
        %dma_start3A_282 = tpu.memref_slice %arg12[%mul3A_280, %dma_start3A_281] : memref<10008x64xf32, #tpu.memory_space<vmem_shared>> -> memref<200x64xf32, #tpu.memory_space<vmem_shared>>
        %dma_start3A_283 = arith.constant 0 : i32
        %dma_start3A_284 = tpu.memref_slice %arg12[%mul3A_280, %dma_start3A_283] : memref<10008x64xf32, #tpu.memory_space<vmem_shared>> -> memref<200x64xf32, #tpu.memory_space<vmem_shared>>
        tpu.enqueue_dma source(%arg10 : memref<200x64xf32, #tpu.memory_space<vmem>>) target(%dma_start3A_284 : memref<200x64xf32, #tpu.memory_space<vmem_shared>>) target_semaphore(%run_scoped3A : memref<!tpu.dma_semaphore, #tpu.memory_space<semaphore_mem>>)
        %dma_wait3A_285 = arith.constant 0 : i32
        %dma_wait3A_286 = tpu.memref_slice %arg12[%mul3A_280, %dma_wait3A_285] : memref<10008x64xf32, #tpu.memory_space<vmem_shared>> -> memref<200x64xf32, #tpu.memory_space<vmem_shared>>
        %dma_wait3A_287 = arith.constant 0 : i32
        %dma_wait3A_288 = tpu.memref_slice %arg12[%mul3A_280, %dma_wait3A_287] : memref<10008x64xf32, #tpu.memory_space<vmem_shared>> -> memref<200x64xf32, #tpu.memory_space<vmem_shared>>
        tpu.wait_dma2 semaphore(%run_scoped3A : memref<!tpu.dma_semaphore, #tpu.memory_space<semaphore_mem>>) src(%arg10 : memref<200x64xf32, #tpu.memory_space<vmem>>) dst(%dma_wait3A_288 : memref<200x64xf32, #tpu.memory_space<vmem_shared>>)
        tpu.yield
      }) : () -> ()
    } else {
    }
    %add3A_18 = arith.constant 32 : i32
    %add3A_19 = arith.addi %arg1, %add3A_18 : i32
    %lt3A_20 = arith.constant 50 : i32
    %lt3A_21 = arith.cmpi slt, %add3A_19, %lt3A_20 : i32
    %convert_element_type3A_22 = arith.extui %lt3A_21 : i1 to i32
    %cond3A_23 = arith.constant 0 : i32
    %cond3A_24 = arith.cmpi ne, %convert_element_type3A_22, %cond3A_23 : i32
    scf.if %cond3A_24 {
      %mul3A_279 = arith.constant 200 : i32
      %mul3A_280 = arith.muli %add3A_19, %mul3A_279 : i32
      "tpu.region"() ({
        %run_scoped3A = tpu.sem_alloc : memref<!tpu.dma_semaphore, #tpu.memory_space<semaphore_mem>>
        %dma_start3A_281 = arith.constant 0 : i32
        %dma_start3A_282 = tpu.memref_slice %arg12[%mul3A_280, %dma_start3A_281] : memref<10008x64xf32, #tpu.memory_space<vmem_shared>> -> memref<200x64xf32, #tpu.memory_space<vmem_shared>>
        %dma_start3A_283 = arith.constant 0 : i32
        %dma_start3A_284 = tpu.memref_slice %arg12[%mul3A_280, %dma_start3A_283] : memref<10008x64xf32, #tpu.memory_space<vmem_shared>> -> memref<200x64xf32, #tpu.memory_space<vmem_shared>>
        tpu.enqueue_dma source(%arg10 : memref<200x64xf32, #tpu.memory_space<vmem>>) target(%dma_start3A_284 : memref<200x64xf32, #tpu.memory_space<vmem_shared>>) target_semaphore(%run_scoped3A : memref<!tpu.dma_semaphore, #tpu.memory_space<semaphore_mem>>)
        %dma_wait3A_285 = arith.constant 0 : i32
        %dma_wait3A_286 = tpu.memref_slice %arg12[%mul3A_280, %dma_wait3A_285] : memref<10008x64xf32, #tpu.memory_space<vmem_shared>> -> memref<200x64xf32, #tpu.memory_space<vmem_shared>>
        %dma_wait3A_287 = arith.constant 0 : i32
        %dma_wait3A_288 = tpu.memref_slice %arg12[%mul3A_280, %dma_wait3A_287] : memref<10008x64xf32, #tpu.memory_space<vmem_shared>> -> memref<200x64xf32, #tpu.memory_space<vmem_shared>>
        tpu.wait_dma2 semaphore(%run_scoped3A : memref<!tpu.dma_semaphore, #tpu.memory_space<semaphore_mem>>) src(%arg10 : memref<200x64xf32, #tpu.memory_space<vmem>>) dst(%dma_wait3A_288 : memref<200x64xf32, #tpu.memory_space<vmem_shared>>)
        tpu.yield
      }) : () -> ()
    } else {
    }
    %add3A_25 = arith.constant 48 : i32
    %add3A_26 = arith.addi %arg1, %add3A_25 : i32
    %lt3A_27 = arith.constant 50 : i32
    %lt3A_28 = arith.cmpi slt, %add3A_26, %lt3A_27 : i32
    %convert_element_type3A_29 = arith.extui %lt3A_28 : i1 to i32
    %cond3A_30 = arith.constant 0 : i32
    %cond3A_31 = arith.cmpi ne, %convert_element_type3A_29, %cond3A_30 : i32
    scf.if %cond3A_31 {
      %mul3A_279 = arith.constant 200 : i32
      %mul3A_280 = arith.muli %add3A_26, %mul3A_279 : i32
      "tpu.region"() ({
        %run_scoped3A = tpu.sem_alloc : memref<!tpu.dma_semaphore, #tpu.memory_space<semaphore_mem>>
        %dma_start3A_281 = arith.constant 0 : i32
        %dma_start3A_282 = tpu.memref_slice %arg12[%mul3A_280, %dma_start3A_281] : memref<10008x64xf32, #tpu.memory_space<vmem_shared>> -> memref<200x64xf32, #tpu.memory_space<vmem_shared>>
        %dma_start3A_283 = arith.constant 0 : i32
        %dma_start3A_284 = tpu.memref_slice %arg12[%mul3A_280, %dma_start3A_283] : memref<10008x64xf32, #tpu.memory_space<vmem_shared>> -> memref<200x64xf32, #tpu.memory_space<vmem_shared>>
        tpu.enqueue_dma source(%arg10 : memref<200x64xf32, #tpu.memory_space<vmem>>) target(%dma_start3A_284 : memref<200x64xf32, #tpu.memory_space<vmem_shared>>) target_semaphore(%run_scoped3A : memref<!tpu.dma_semaphore, #tpu.memory_space<semaphore_mem>>)
        %dma_wait3A_285 = arith.constant 0 : i32
        %dma_wait3A_286 = tpu.memref_slice %arg12[%mul3A_280, %dma_wait3A_285] : memref<10008x64xf32, #tpu.memory_space<vmem_shared>> -> memref<200x64xf32, #tpu.memory_space<vmem_shared>>
        %dma_wait3A_287 = arith.constant 0 : i32
        %dma_wait3A_288 = tpu.memref_slice %arg12[%mul3A_280, %dma_wait3A_287] : memref<10008x64xf32, #tpu.memory_space<vmem_shared>> -> memref<200x64xf32, #tpu.memory_space<vmem_shared>>
        tpu.wait_dma2 semaphore(%run_scoped3A : memref<!tpu.dma_semaphore, #tpu.memory_space<semaphore_mem>>) src(%arg10 : memref<200x64xf32, #tpu.memory_space<vmem>>) dst(%dma_wait3A_288 : memref<200x64xf32, #tpu.memory_space<vmem_shared>>)
        tpu.yield
      }) : () -> ()
    } else {
    }
    %barrier3A = arith.constant 0 : index
    tpu.barrier barrier_id(%barrier3A)
    %dma_start3A = arith.constant 0 : i32
    %dma_start3A_32 = arith.constant 0 : i32
    %dma_start3A_33 = arith.constant 0 : i32
    %dma_start3A_34 = arith.constant 0 : i32
    %dma_start3A_35 = arith.constant 0 : i32
    %dma_start3A_36 = tpu.memref_slice %arg9[%dma_start3A_32, %dma_start3A_34, %dma_start3A_35] : memref<5x125x64xf32, #tpu.memory_space<vmem>> -> memref<1x125x64xf32, #tpu.memory_space<vmem>>
    %dma_start3A_37 = tpu.memref_squeeze %dma_start3A_36 : memref<1x125x64xf32, #tpu.memory_space<vmem>> -> memref<125x64xf32, #tpu.memory_space<vmem>>
    %dma_start3A_38 = arith.constant 0 : i32
    %dma_start3A_39 = tpu.memref_slice %arg7[%dma_start3A, %dma_start3A_38] : memref<80x125xi32, #tpu.memory_space<vmem>> -> memref<1x125xi32, #tpu.memory_space<vmem>>
    %dma_start3A_40 = tpu.memref_squeeze %dma_start3A_39 : memref<1x125xi32, #tpu.memory_space<vmem>> -> memref<125xi32, #tpu.memory_space<vmem>>
    %dma_start3A_41 = arith.constant 0 : i32
    %dma_start3A_42 = arith.constant 0 : i32
    %dma_start3A_43 = tpu.memref_slice %arg2[%dma_start3A_41, %dma_start3A_42] : memref<10000x64xf32, #tpu.memory_space<hbm>> -> memref<10000x64xf32, #tpu.memory_space<hbm>>
    %dma_start3A_44 = tpu.memref_slice %arg13[%dma_start3A_33] : memref<5x!tpu.dma_semaphore, #tpu.memory_space<semaphore_mem>> -> memref<1x!tpu.dma_semaphore, #tpu.memory_space<semaphore_mem>>
    %dma_start3A_45 = tpu.memref_squeeze %dma_start3A_44 : memref<1x!tpu.dma_semaphore, #tpu.memory_space<semaphore_mem>> -> memref<!tpu.dma_semaphore, #tpu.memory_space<semaphore_mem>>
    tpu.enqueue_indirect_dma source(%dma_start3A_43 : memref<10000x64xf32, #tpu.memory_space<hbm>>) target(%dma_start3A_37 : memref<125x64xf32, #tpu.memory_space<vmem>>) offsets(%dma_start3A_40 : memref<125xi32, #tpu.memory_space<vmem>>) semaphore(%dma_start3A_45 : memref<!tpu.dma_semaphore, #tpu.memory_space<semaphore_mem>>)
    %dma_start3A_46 = arith.constant 1 : i32
    %dma_start3A_47 = arith.constant 1 : i32
    %dma_start3A_48 = arith.constant 1 : i32
    %dma_start3A_49 = arith.constant 0 : i32
    %dma_start3A_50 = arith.constant 0 : i32
    %dma_start3A_51 = tpu.memref_slice %arg9[%dma_start3A_47, %dma_start3A_49, %dma_start3A_50] : memref<5x125x64xf32, #tpu.memory_space<vmem>> -> memref<1x125x64xf32, #tpu.memory_space<vmem>>
    %dma_start3A_52 = tpu.memref_squeeze %dma_start3A_51 : memref<1x125x64xf32, #tpu.memory_space<vmem>> -> memref<125x64xf32, #tpu.memory_space<vmem>>
    %dma_start3A_53 = arith.constant 0 : i32
    %dma_start3A_54 = tpu.memref_slice %arg7[%dma_start3A_46, %dma_start3A_53] : memref<80x125xi32, #tpu.memory_space<vmem>> -> memref<1x125xi32, #tpu.memory_space<vmem>>
    %dma_start3A_55 = tpu.memref_squeeze %dma_start3A_54 : memref<1x125xi32, #tpu.memory_space<vmem>> -> memref<125xi32, #tpu.memory_space<vmem>>
    %dma_start3A_56 = arith.constant 0 : i32
    %dma_start3A_57 = arith.constant 0 : i32
    %dma_start3A_58 = tpu.memref_slice %arg2[%dma_start3A_56, %dma_start3A_57] : memref<10000x64xf32, #tpu.memory_space<hbm>> -> memref<10000x64xf32, #tpu.memory_space<hbm>>
    %dma_start3A_59 = tpu.memref_slice %arg13[%dma_start3A_48] : memref<5x!tpu.dma_semaphore, #tpu.memory_space<semaphore_mem>> -> memref<1x!tpu.dma_semaphore, #tpu.memory_space<semaphore_mem>>
    %dma_start3A_60 = tpu.memref_squeeze %dma_start3A_59 : memref<1x!tpu.dma_semaphore, #tpu.memory_space<semaphore_mem>> -> memref<!tpu.dma_semaphore, #tpu.memory_space<semaphore_mem>>
    tpu.enqueue_indirect_dma source(%dma_start3A_58 : memref<10000x64xf32, #tpu.memory_space<hbm>>) target(%dma_start3A_52 : memref<125x64xf32, #tpu.memory_space<vmem>>) offsets(%dma_start3A_55 : memref<125xi32, #tpu.memory_space<vmem>>) semaphore(%dma_start3A_60 : memref<!tpu.dma_semaphore, #tpu.memory_space<semaphore_mem>>)
    %dma_start3A_61 = arith.constant 2 : i32
    %dma_start3A_62 = arith.constant 2 : i32
    %dma_start3A_63 = arith.constant 2 : i32
    %dma_start3A_64 = arith.constant 0 : i32
    %dma_start3A_65 = arith.constant 0 : i32
    %dma_start3A_66 = tpu.memref_slice %arg9[%dma_start3A_62, %dma_start3A_64, %dma_start3A_65] : memref<5x125x64xf32, #tpu.memory_space<vmem>> -> memref<1x125x64xf32, #tpu.memory_space<vmem>>
    %dma_start3A_67 = tpu.memref_squeeze %dma_start3A_66 : memref<1x125x64xf32, #tpu.memory_space<vmem>> -> memref<125x64xf32, #tpu.memory_space<vmem>>
    %dma_start3A_68 = arith.constant 0 : i32
    %dma_start3A_69 = tpu.memref_slice %arg7[%dma_start3A_61, %dma_start3A_68] : memref<80x125xi32, #tpu.memory_space<vmem>> -> memref<1x125xi32, #tpu.memory_space<vmem>>
    %dma_start3A_70 = tpu.memref_squeeze %dma_start3A_69 : memref<1x125xi32, #tpu.memory_space<vmem>> -> memref<125xi32, #tpu.memory_space<vmem>>
    %dma_start3A_71 = arith.constant 0 : i32
    %dma_start3A_72 = arith.constant 0 : i32
    %dma_start3A_73 = tpu.memref_slice %arg2[%dma_start3A_71, %dma_start3A_72] : memref<10000x64xf32, #tpu.memory_space<hbm>> -> memref<10000x64xf32, #tpu.memory_space<hbm>>
    %dma_start3A_74 = tpu.memref_slice %arg13[%dma_start3A_63] : memref<5x!tpu.dma_semaphore, #tpu.memory_space<semaphore_mem>> -> memref<1x!tpu.dma_semaphore, #tpu.memory_space<semaphore_mem>>
    %dma_start3A_75 = tpu.memref_squeeze %dma_start3A_74 : memref<1x!tpu.dma_semaphore, #tpu.memory_space<semaphore_mem>> -> memref<!tpu.dma_semaphore, #tpu.memory_space<semaphore_mem>>
    tpu.enqueue_indirect_dma source(%dma_start3A_73 : memref<10000x64xf32, #tpu.memory_space<hbm>>) target(%dma_start3A_67 : memref<125x64xf32, #tpu.memory_space<vmem>>) offsets(%dma_start3A_70 : memref<125xi32, #tpu.memory_space<vmem>>) semaphore(%dma_start3A_75 : memref<!tpu.dma_semaphore, #tpu.memory_space<semaphore_mem>>)
    %scan3A_76 = arith.constant 0 : i32
    %scan3A_77 = arith.constant 0 : i32
    %scan3A_78 = arith.constant 16 : i32
    %scan3A_79 = arith.addi %scan3A_77, %scan3A_78 : i32
    %scan3A_80 = arith.constant 1 : i32
    scf.for %scan3A_279 = %scan3A_77 to %scan3A_79 step %scan3A_80  : i32 {
      %mul3A_280 = arith.constant 5 : i32
      %mul3A_281 = arith.muli %scan3A_279, %mul3A_280 : i32
      %add3A_282 = arith.constant 0 : i32
      %add3A_283 = arith.addi %mul3A_281, %add3A_282 : i32
      %dma_wait3A_284 = arith.constant 0 : i32
      %dma_wait3A_285 = arith.constant 0 : i32
      %dma_wait3A_286 = arith.constant 0 : i32
      %dma_wait3A_287 = arith.constant 0 : i32
      %dma_wait3A_288 = tpu.memref_slice %arg9[%dma_wait3A_284, %dma_wait3A_286, %dma_wait3A_287] : memref<5x125x64xf32, #tpu.memory_space<vmem>> -> memref<1x125x64xf32, #tpu.memory_space<vmem>>
      %dma_wait3A_289 = tpu.memref_squeeze %dma_wait3A_288 : memref<1x125x64xf32, #tpu.memory_space<vmem>> -> memref<125x64xf32, #tpu.memory_space<vmem>>
      %dma_wait3A_290 = arith.constant 0 : i32
      %dma_wait3A_291 = tpu.memref_slice %arg7[%add3A_283, %dma_wait3A_290] : memref<80x125xi32, #tpu.memory_space<vmem>> -> memref<1x125xi32, #tpu.memory_space<vmem>>
      %dma_wait3A_292 = tpu.memref_squeeze %dma_wait3A_291 : memref<1x125xi32, #tpu.memory_space<vmem>> -> memref<125xi32, #tpu.memory_space<vmem>>
      %dma_wait3A_293 = arith.constant 0 : i32
      %dma_wait3A_294 = arith.constant 0 : i32
      %dma_wait3A_295 = tpu.memref_slice %arg2[%dma_wait3A_293, %dma_wait3A_294] : memref<10000x64xf32, #tpu.memory_space<hbm>> -> memref<10000x64xf32, #tpu.memory_space<hbm>>
      %dma_wait3A_296 = tpu.memref_slice %arg13[%dma_wait3A_285] : memref<5x!tpu.dma_semaphore, #tpu.memory_space<semaphore_mem>> -> memref<1x!tpu.dma_semaphore, #tpu.memory_space<semaphore_mem>>
      %dma_wait3A_297 = tpu.memref_squeeze %dma_wait3A_296 : memref<1x!tpu.dma_semaphore, #tpu.memory_space<semaphore_mem>> -> memref<!tpu.dma_semaphore, #tpu.memory_space<semaphore_mem>>
      tpu.wait_indirect_dma semaphore(%dma_wait3A_297 : memref<!tpu.dma_semaphore, #tpu.memory_space<semaphore_mem>>) src(%dma_wait3A_295 : memref<10000x64xf32, #tpu.memory_space<hbm>>) dst(%dma_wait3A_289 : memref<125x64xf32, #tpu.memory_space<vmem>>)
      %dma_start3A_298 = arith.constant 0 : i32
      %dma_start3A_299 = arith.constant 0 : i32
      %dma_start3A_300 = arith.constant 0 : i32
      %dma_start3A_301 = arith.constant 0 : i32
      %dma_start3A_302 = tpu.memref_slice %arg9[%dma_start3A_298, %dma_start3A_300, %dma_start3A_301] : memref<5x125x64xf32, #tpu.memory_space<vmem>> -> memref<1x125x64xf32, #tpu.memory_space<vmem>>
      %dma_start3A_303 = tpu.memref_squeeze %dma_start3A_302 : memref<1x125x64xf32, #tpu.memory_space<vmem>> -> memref<125x64xf32, #tpu.memory_space<vmem>>
      %dma_start3A_304 = arith.constant 0 : i32
      %dma_start3A_305 = tpu.memref_slice %arg8[%add3A_283, %dma_start3A_304] : memref<80x125xi32, #tpu.memory_space<vmem>> -> memref<1x125xi32, #tpu.memory_space<vmem>>
      %dma_start3A_306 = tpu.memref_squeeze %dma_start3A_305 : memref<1x125xi32, #tpu.memory_space<vmem>> -> memref<125xi32, #tpu.memory_space<vmem>>
      %dma_start3A_307 = arith.constant 0 : i32
      %dma_start3A_308 = arith.constant 0 : i32
      %dma_start3A_309 = tpu.memref_slice %arg12[%dma_start3A_307, %dma_start3A_308] : memref<10008x64xf32, #tpu.memory_space<vmem_shared>> -> memref<10008x64xf32, #tpu.memory_space<vmem_shared>>
      %dma_start3A_310 = tpu.memref_slice %arg14[%dma_start3A_299] : memref<5x!tpu.dma_semaphore, #tpu.memory_space<semaphore_mem>> -> memref<1x!tpu.dma_semaphore, #tpu.memory_space<semaphore_mem>>
      %dma_start3A_311 = tpu.memref_squeeze %dma_start3A_310 : memref<1x!tpu.dma_semaphore, #tpu.memory_space<semaphore_mem>> -> memref<!tpu.dma_semaphore, #tpu.memory_space<semaphore_mem>>
      tpu.enqueue_indirect_dma source(%dma_start3A_303 : memref<125x64xf32, #tpu.memory_space<vmem>>) target(%dma_start3A_309 : memref<10008x64xf32, #tpu.memory_space<vmem_shared>>) offsets(%dma_start3A_306 : memref<125xi32, #tpu.memory_space<vmem>>) semaphore(%dma_start3A_311 : memref<!tpu.dma_semaphore, #tpu.memory_space<semaphore_mem>>) {add = true}
      %ge3A = arith.constant 2 : i32
      %ge3A_312 = arith.cmpi sge, %add3A_283, %ge3A : i32
      %convert_element_type3A_313 = arith.extui %ge3A_312 : i1 to i32
      %cond3A_314 = arith.constant 0 : i32
      %cond3A_315 = arith.cmpi ne, %convert_element_type3A_313, %cond3A_314 : i32
      scf.if %cond3A_315 {
        %dma_wait3A_499 = arith.constant 3 : i32
        %dma_wait3A_500 = arith.constant 3 : i32
        %dma_wait3A_501 = arith.constant 0 : i32
        %dma_wait3A_502 = arith.constant 0 : i32
        %dma_wait3A_503 = tpu.memref_slice %arg9[%dma_wait3A_499, %dma_wait3A_501, %dma_wait3A_502] : memref<5x125x64xf32, #tpu.memory_space<vmem>> -> memref<1x125x64xf32, #tpu.memory_space<vmem>>
        %dma_wait3A_504 = tpu.memref_squeeze %dma_wait3A_503 : memref<1x125x64xf32, #tpu.memory_space<vmem>> -> memref<125x64xf32, #tpu.memory_space<vmem>>
        %dma_wait3A_505 = arith.constant 0 : i32
        %dma_wait3A_506 = tpu.memref_slice %arg8[%add3A_283, %dma_wait3A_505] : memref<80x125xi32, #tpu.memory_space<vmem>> -> memref<1x125xi32, #tpu.memory_space<vmem>>
        %dma_wait3A_507 = tpu.memref_squeeze %dma_wait3A_506 : memref<1x125xi32, #tpu.memory_space<vmem>> -> memref<125xi32, #tpu.memory_space<vmem>>
        %dma_wait3A_508 = arith.constant 0 : i32
        %dma_wait3A_509 = arith.constant 0 : i32
        %dma_wait3A_510 = tpu.memref_slice %arg12[%dma_wait3A_508, %dma_wait3A_509] : memref<10008x64xf32, #tpu.memory_space<vmem_shared>> -> memref<10008x64xf32, #tpu.memory_space<vmem_shared>>
        %dma_wait3A_511 = tpu.memref_slice %arg14[%dma_wait3A_500] : memref<5x!tpu.dma_semaphore, #tpu.memory_space<semaphore_mem>> -> memref<1x!tpu.dma_semaphore, #tpu.memory_space<semaphore_mem>>
        %dma_wait3A_512 = tpu.memref_squeeze %dma_wait3A_511 : memref<1x!tpu.dma_semaphore, #tpu.memory_space<semaphore_mem>> -> memref<!tpu.dma_semaphore, #tpu.memory_space<semaphore_mem>>
        tpu.wait_indirect_dma semaphore(%dma_wait3A_512 : memref<!tpu.dma_semaphore, #tpu.memory_space<semaphore_mem>>) src(%dma_wait3A_504 : memref<125x64xf32, #tpu.memory_space<vmem>>) dst(%dma_wait3A_510 : memref<10008x64xf32, #tpu.memory_space<vmem_shared>>)
      } else {
      }
      %add3A_316 = arith.constant 3 : i32
      %add3A_317 = arith.addi %add3A_283, %add3A_316 : i32
      %lt3A_318 = arith.constant 80 : i32
      %lt3A_319 = arith.cmpi slt, %add3A_317, %lt3A_318 : i32
      %convert_element_type3A_320 = arith.extui %lt3A_319 : i1 to i32
      %cond3A_321 = arith.constant 0 : i32
      %cond3A_322 = arith.cmpi ne, %convert_element_type3A_320, %cond3A_321 : i32
      scf.if %cond3A_322 {
        %add3A_499 = arith.constant 3 : i32
        %add3A_500 = arith.addi %add3A_283, %add3A_499 : i32
        %dma_start3A_501 = arith.constant 3 : i32
        %dma_start3A_502 = arith.constant 3 : i32
        %dma_start3A_503 = arith.constant 0 : i32
        %dma_start3A_504 = arith.constant 0 : i32
        %dma_start3A_505 = tpu.memref_slice %arg9[%dma_start3A_501, %dma_start3A_503, %dma_start3A_504] : memref<5x125x64xf32, #tpu.memory_space<vmem>> -> memref<1x125x64xf32, #tpu.memory_space<vmem>>
        %dma_start3A_506 = tpu.memref_squeeze %dma_start3A_505 : memref<1x125x64xf32, #tpu.memory_space<vmem>> -> memref<125x64xf32, #tpu.memory_space<vmem>>
        %dma_start3A_507 = arith.constant 0 : i32
        %dma_start3A_508 = tpu.memref_slice %arg7[%add3A_500, %dma_start3A_507] : memref<80x125xi32, #tpu.memory_space<vmem>> -> memref<1x125xi32, #tpu.memory_space<vmem>>
        %dma_start3A_509 = tpu.memref_squeeze %dma_start3A_508 : memref<1x125xi32, #tpu.memory_space<vmem>> -> memref<125xi32, #tpu.memory_space<vmem>>
        %dma_start3A_510 = arith.constant 0 : i32
        %dma_start3A_511 = arith.constant 0 : i32
        %dma_start3A_512 = tpu.memref_slice %arg2[%dma_start3A_510, %dma_start3A_511] : memref<10000x64xf32, #tpu.memory_space<hbm>> -> memref<10000x64xf32, #tpu.memory_space<hbm>>
        %dma_start3A_513 = tpu.memref_slice %arg13[%dma_start3A_502] : memref<5x!tpu.dma_semaphore, #tpu.memory_space<semaphore_mem>> -> memref<1x!tpu.dma_semaphore, #tpu.memory_space<semaphore_mem>>
        %dma_start3A_514 = tpu.memref_squeeze %dma_start3A_513 : memref<1x!tpu.dma_semaphore, #tpu.memory_space<semaphore_mem>> -> memref<!tpu.dma_semaphore, #tpu.memory_space<semaphore_mem>>
        tpu.enqueue_indirect_dma source(%dma_start3A_512 : memref<10000x64xf32, #tpu.memory_space<hbm>>) target(%dma_start3A_506 : memref<125x64xf32, #tpu.memory_space<vmem>>) offsets(%dma_start3A_509 : memref<125xi32, #tpu.memory_space<vmem>>) semaphore(%dma_start3A_514 : memref<!tpu.dma_semaphore, #tpu.memory_space<semaphore_mem>>)
      } else {
      }
      %mul3A_323 = arith.constant 5 : i32
      %mul3A_324 = arith.muli %scan3A_279, %mul3A_323 : i32
      %add3A_325 = arith.constant 1 : i32
      %add3A_326 = arith.addi %mul3A_324, %add3A_325 : i32
      %dma_wait3A_327 = arith.constant 1 : i32
      %dma_wait3A_328 = arith.constant 1 : i32
      %dma_wait3A_329 = arith.constant 0 : i32
      %dma_wait3A_330 = arith.constant 0 : i32
      %dma_wait3A_331 = tpu.memref_slice %arg9[%dma_wait3A_327, %dma_wait3A_329, %dma_wait3A_330] : memref<5x125x64xf32, #tpu.memory_space<vmem>> -> memref<1x125x64xf32, #tpu.memory_space<vmem>>
      %dma_wait3A_332 = tpu.memref_squeeze %dma_wait3A_331 : memref<1x125x64xf32, #tpu.memory_space<vmem>> -> memref<125x64xf32, #tpu.memory_space<vmem>>
      %dma_wait3A_333 = arith.constant 0 : i32
      %dma_wait3A_334 = tpu.memref_slice %arg7[%add3A_326, %dma_wait3A_333] : memref<80x125xi32, #tpu.memory_space<vmem>> -> memref<1x125xi32, #tpu.memory_space<vmem>>
      %dma_wait3A_335 = tpu.memref_squeeze %dma_wait3A_334 : memref<1x125xi32, #tpu.memory_space<vmem>> -> memref<125xi32, #tpu.memory_space<vmem>>
      %dma_wait3A_336 = arith.constant 0 : i32
      %dma_wait3A_337 = arith.constant 0 : i32
      %dma_wait3A_338 = tpu.memref_slice %arg2[%dma_wait3A_336, %dma_wait3A_337] : memref<10000x64xf32, #tpu.memory_space<hbm>> -> memref<10000x64xf32, #tpu.memory_space<hbm>>
      %dma_wait3A_339 = tpu.memref_slice %arg13[%dma_wait3A_328] : memref<5x!tpu.dma_semaphore, #tpu.memory_space<semaphore_mem>> -> memref<1x!tpu.dma_semaphore, #tpu.memory_space<semaphore_mem>>
      %dma_wait3A_340 = tpu.memref_squeeze %dma_wait3A_339 : memref<1x!tpu.dma_semaphore, #tpu.memory_space<semaphore_mem>> -> memref<!tpu.dma_semaphore, #tpu.memory_space<semaphore_mem>>
      tpu.wait_indirect_dma semaphore(%dma_wait3A_340 : memref<!tpu.dma_semaphore, #tpu.memory_space<semaphore_mem>>) src(%dma_wait3A_338 : memref<10000x64xf32, #tpu.memory_space<hbm>>) dst(%dma_wait3A_332 : memref<125x64xf32, #tpu.memory_space<vmem>>)
      %dma_start3A_341 = arith.constant 1 : i32
      %dma_start3A_342 = arith.constant 1 : i32
      %dma_start3A_343 = arith.constant 0 : i32
      %dma_start3A_344 = arith.constant 0 : i32
      %dma_start3A_345 = tpu.memref_slice %arg9[%dma_start3A_341, %dma_start3A_343, %dma_start3A_344] : memref<5x125x64xf32, #tpu.memory_space<vmem>> -> memref<1x125x64xf32, #tpu.memory_space<vmem>>
      %dma_start3A_346 = tpu.memref_squeeze %dma_start3A_345 : memref<1x125x64xf32, #tpu.memory_space<vmem>> -> memref<125x64xf32, #tpu.memory_space<vmem>>
      %dma_start3A_347 = arith.constant 0 : i32
      %dma_start3A_348 = tpu.memref_slice %arg8[%add3A_326, %dma_start3A_347] : memref<80x125xi32, #tpu.memory_space<vmem>> -> memref<1x125xi32, #tpu.memory_space<vmem>>
      %dma_start3A_349 = tpu.memref_squeeze %dma_start3A_348 : memref<1x125xi32, #tpu.memory_space<vmem>> -> memref<125xi32, #tpu.memory_space<vmem>>
      %dma_start3A_350 = arith.constant 0 : i32
      %dma_start3A_351 = arith.constant 0 : i32
      %dma_start3A_352 = tpu.memref_slice %arg12[%dma_start3A_350, %dma_start3A_351] : memref<10008x64xf32, #tpu.memory_space<vmem_shared>> -> memref<10008x64xf32, #tpu.memory_space<vmem_shared>>
      %dma_start3A_353 = tpu.memref_slice %arg14[%dma_start3A_342] : memref<5x!tpu.dma_semaphore, #tpu.memory_space<semaphore_mem>> -> memref<1x!tpu.dma_semaphore, #tpu.memory_space<semaphore_mem>>
      %dma_start3A_354 = tpu.memref_squeeze %dma_start3A_353 : memref<1x!tpu.dma_semaphore, #tpu.memory_space<semaphore_mem>> -> memref<!tpu.dma_semaphore, #tpu.memory_space<semaphore_mem>>
      tpu.enqueue_indirect_dma source(%dma_start3A_346 : memref<125x64xf32, #tpu.memory_space<vmem>>) target(%dma_start3A_352 : memref<10008x64xf32, #tpu.memory_space<vmem_shared>>) offsets(%dma_start3A_349 : memref<125xi32, #tpu.memory_space<vmem>>) semaphore(%dma_start3A_354 : memref<!tpu.dma_semaphore, #tpu.memory_space<semaphore_mem>>) {add = true}
      %ge3A_355 = arith.constant 2 : i32
      %ge3A_356 = arith.cmpi sge, %add3A_326, %ge3A_355 : i32
      %convert_element_type3A_357 = arith.extui %ge3A_356 : i1 to i32
      %cond3A_358 = arith.constant 0 : i32
      %cond3A_359 = arith.cmpi ne, %convert_element_type3A_357, %cond3A_358 : i32
      scf.if %cond3A_359 {
        %dma_wait3A_499 = arith.constant 4 : i32
        %dma_wait3A_500 = arith.constant 4 : i32
        %dma_wait3A_501 = arith.constant 0 : i32
        %dma_wait3A_502 = arith.constant 0 : i32
        %dma_wait3A_503 = tpu.memref_slice %arg9[%dma_wait3A_499, %dma_wait3A_501, %dma_wait3A_502] : memref<5x125x64xf32, #tpu.memory_space<vmem>> -> memref<1x125x64xf32, #tpu.memory_space<vmem>>
        %dma_wait3A_504 = tpu.memref_squeeze %dma_wait3A_503 : memref<1x125x64xf32, #tpu.memory_space<vmem>> -> memref<125x64xf32, #tpu.memory_space<vmem>>
        %dma_wait3A_505 = arith.constant 0 : i32
        %dma_wait3A_506 = tpu.memref_slice %arg8[%add3A_326, %dma_wait3A_505] : memref<80x125xi32, #tpu.memory_space<vmem>> -> memref<1x125xi32, #tpu.memory_space<vmem>>
        %dma_wait3A_507 = tpu.memref_squeeze %dma_wait3A_506 : memref<1x125xi32, #tpu.memory_space<vmem>> -> memref<125xi32, #tpu.memory_space<vmem>>
        %dma_wait3A_508 = arith.constant 0 : i32
        %dma_wait3A_509 = arith.constant 0 : i32
        %dma_wait3A_510 = tpu.memref_slice %arg12[%dma_wait3A_508, %dma_wait3A_509] : memref<10008x64xf32, #tpu.memory_space<vmem_shared>> -> memref<10008x64xf32, #tpu.memory_space<vmem_shared>>
        %dma_wait3A_511 = tpu.memref_slice %arg14[%dma_wait3A_500] : memref<5x!tpu.dma_semaphore, #tpu.memory_space<semaphore_mem>> -> memref<1x!tpu.dma_semaphore, #tpu.memory_space<semaphore_mem>>
        %dma_wait3A_512 = tpu.memref_squeeze %dma_wait3A_511 : memref<1x!tpu.dma_semaphore, #tpu.memory_space<semaphore_mem>> -> memref<!tpu.dma_semaphore, #tpu.memory_space<semaphore_mem>>
        tpu.wait_indirect_dma semaphore(%dma_wait3A_512 : memref<!tpu.dma_semaphore, #tpu.memory_space<semaphore_mem>>) src(%dma_wait3A_504 : memref<125x64xf32, #tpu.memory_space<vmem>>) dst(%dma_wait3A_510 : memref<10008x64xf32, #tpu.memory_space<vmem_shared>>)
      } else {
      }
      %add3A_360 = arith.constant 3 : i32
      %add3A_361 = arith.addi %add3A_326, %add3A_360 : i32
      %lt3A_362 = arith.constant 80 : i32
      %lt3A_363 = arith.cmpi slt, %add3A_361, %lt3A_362 : i32
      %convert_element_type3A_364 = arith.extui %lt3A_363 : i1 to i32
      %cond3A_365 = arith.constant 0 : i32
      %cond3A_366 = arith.cmpi ne, %convert_element_type3A_364, %cond3A_365 : i32
      scf.if %cond3A_366 {
        %add3A_499 = arith.constant 3 : i32
        %add3A_500 = arith.addi %add3A_326, %add3A_499 : i32
        %dma_start3A_501 = arith.constant 4 : i32
        %dma_start3A_502 = arith.constant 4 : i32
        %dma_start3A_503 = arith.constant 0 : i32
        %dma_start3A_504 = arith.constant 0 : i32
        %dma_start3A_505 = tpu.memref_slice %arg9[%dma_start3A_501, %dma_start3A_503, %dma_start3A_504] : memref<5x125x64xf32, #tpu.memory_space<vmem>> -> memref<1x125x64xf32, #tpu.memory_space<vmem>>
        %dma_start3A_506 = tpu.memref_squeeze %dma_start3A_505 : memref<1x125x64xf32, #tpu.memory_space<vmem>> -> memref<125x64xf32, #tpu.memory_space<vmem>>
        %dma_start3A_507 = arith.constant 0 : i32
        %dma_start3A_508 = tpu.memref_slice %arg7[%add3A_500, %dma_start3A_507] : memref<80x125xi32, #tpu.memory_space<vmem>> -> memref<1x125xi32, #tpu.memory_space<vmem>>
        %dma_start3A_509 = tpu.memref_squeeze %dma_start3A_508 : memref<1x125xi32, #tpu.memory_space<vmem>> -> memref<125xi32, #tpu.memory_space<vmem>>
        %dma_start3A_510 = arith.constant 0 : i32
        %dma_start3A_511 = arith.constant 0 : i32
        %dma_start3A_512 = tpu.memref_slice %arg2[%dma_start3A_510, %dma_start3A_511] : memref<10000x64xf32, #tpu.memory_space<hbm>> -> memref<10000x64xf32, #tpu.memory_space<hbm>>
        %dma_start3A_513 = tpu.memref_slice %arg13[%dma_start3A_502] : memref<5x!tpu.dma_semaphore, #tpu.memory_space<semaphore_mem>> -> memref<1x!tpu.dma_semaphore, #tpu.memory_space<semaphore_mem>>
        %dma_start3A_514 = tpu.memref_squeeze %dma_start3A_513 : memref<1x!tpu.dma_semaphore, #tpu.memory_space<semaphore_mem>> -> memref<!tpu.dma_semaphore, #tpu.memory_space<semaphore_mem>>
        tpu.enqueue_indirect_dma source(%dma_start3A_512 : memref<10000x64xf32, #tpu.memory_space<hbm>>) target(%dma_start3A_506 : memref<125x64xf32, #tpu.memory_space<vmem>>) offsets(%dma_start3A_509 : memref<125xi32, #tpu.memory_space<vmem>>) semaphore(%dma_start3A_514 : memref<!tpu.dma_semaphore, #tpu.memory_space<semaphore_mem>>)
      } else {
      }
      %mul3A_367 = arith.constant 5 : i32
      %mul3A_368 = arith.muli %scan3A_279, %mul3A_367 : i32
      %add3A_369 = arith.constant 2 : i32
      %add3A_370 = arith.addi %mul3A_368, %add3A_369 : i32
      %dma_wait3A_371 = arith.constant 2 : i32
      %dma_wait3A_372 = arith.constant 2 : i32
      %dma_wait3A_373 = arith.constant 0 : i32
      %dma_wait3A_374 = arith.constant 0 : i32
      %dma_wait3A_375 = tpu.memref_slice %arg9[%dma_wait3A_371, %dma_wait3A_373, %dma_wait3A_374] : memref<5x125x64xf32, #tpu.memory_space<vmem>> -> memref<1x125x64xf32, #tpu.memory_space<vmem>>
      %dma_wait3A_376 = tpu.memref_squeeze %dma_wait3A_375 : memref<1x125x64xf32, #tpu.memory_space<vmem>> -> memref<125x64xf32, #tpu.memory_space<vmem>>
      %dma_wait3A_377 = arith.constant 0 : i32
      %dma_wait3A_378 = tpu.memref_slice %arg7[%add3A_370, %dma_wait3A_377] : memref<80x125xi32, #tpu.memory_space<vmem>> -> memref<1x125xi32, #tpu.memory_space<vmem>>
      %dma_wait3A_379 = tpu.memref_squeeze %dma_wait3A_378 : memref<1x125xi32, #tpu.memory_space<vmem>> -> memref<125xi32, #tpu.memory_space<vmem>>
      %dma_wait3A_380 = arith.constant 0 : i32
      %dma_wait3A_381 = arith.constant 0 : i32
      %dma_wait3A_382 = tpu.memref_slice %arg2[%dma_wait3A_380, %dma_wait3A_381] : memref<10000x64xf32, #tpu.memory_space<hbm>> -> memref<10000x64xf32, #tpu.memory_space<hbm>>
      %dma_wait3A_383 = tpu.memref_slice %arg13[%dma_wait3A_372] : memref<5x!tpu.dma_semaphore, #tpu.memory_space<semaphore_mem>> -> memref<1x!tpu.dma_semaphore, #tpu.memory_space<semaphore_mem>>
      %dma_wait3A_384 = tpu.memref_squeeze %dma_wait3A_383 : memref<1x!tpu.dma_semaphore, #tpu.memory_space<semaphore_mem>> -> memref<!tpu.dma_semaphore, #tpu.memory_space<semaphore_mem>>
      tpu.wait_indirect_dma semaphore(%dma_wait3A_384 : memref<!tpu.dma_semaphore, #tpu.memory_space<semaphore_mem>>) src(%dma_wait3A_382 : memref<10000x64xf32, #tpu.memory_space<hbm>>) dst(%dma_wait3A_376 : memref<125x64xf32, #tpu.memory_space<vmem>>)
      %dma_start3A_385 = arith.constant 2 : i32
      %dma_start3A_386 = arith.constant 2 : i32
      %dma_start3A_387 = arith.constant 0 : i32
      %dma_start3A_388 = arith.constant 0 : i32
      %dma_start3A_389 = tpu.memref_slice %arg9[%dma_start3A_385, %dma_start3A_387, %dma_start3A_388] : memref<5x125x64xf32, #tpu.memory_space<vmem>> -> memref<1x125x64xf32, #tpu.memory_space<vmem>>
      %dma_start3A_390 = tpu.memref_squeeze %dma_start3A_389 : memref<1x125x64xf32, #tpu.memory_space<vmem>> -> memref<125x64xf32, #tpu.memory_space<vmem>>
      %dma_start3A_391 = arith.constant 0 : i32
      %dma_start3A_392 = tpu.memref_slice %arg8[%add3A_370, %dma_start3A_391] : memref<80x125xi32, #tpu.memory_space<vmem>> -> memref<1x125xi32, #tpu.memory_space<vmem>>
      %dma_start3A_393 = tpu.memref_squeeze %dma_start3A_392 : memref<1x125xi32, #tpu.memory_space<vmem>> -> memref<125xi32, #tpu.memory_space<vmem>>
      %dma_start3A_394 = arith.constant 0 : i32
      %dma_start3A_395 = arith.constant 0 : i32
      %dma_start3A_396 = tpu.memref_slice %arg12[%dma_start3A_394, %dma_start3A_395] : memref<10008x64xf32, #tpu.memory_space<vmem_shared>> -> memref<10008x64xf32, #tpu.memory_space<vmem_shared>>
      %dma_start3A_397 = tpu.memref_slice %arg14[%dma_start3A_386] : memref<5x!tpu.dma_semaphore, #tpu.memory_space<semaphore_mem>> -> memref<1x!tpu.dma_semaphore, #tpu.memory_space<semaphore_mem>>
      %dma_start3A_398 = tpu.memref_squeeze %dma_start3A_397 : memref<1x!tpu.dma_semaphore, #tpu.memory_space<semaphore_mem>> -> memref<!tpu.dma_semaphore, #tpu.memory_space<semaphore_mem>>
      tpu.enqueue_indirect_dma source(%dma_start3A_390 : memref<125x64xf32, #tpu.memory_space<vmem>>) target(%dma_start3A_396 : memref<10008x64xf32, #tpu.memory_space<vmem_shared>>) offsets(%dma_start3A_393 : memref<125xi32, #tpu.memory_space<vmem>>) semaphore(%dma_start3A_398 : memref<!tpu.dma_semaphore, #tpu.memory_space<semaphore_mem>>) {add = true}
      %ge3A_399 = arith.constant 2 : i32
      %ge3A_400 = arith.cmpi sge, %add3A_370, %ge3A_399 : i32
      %convert_element_type3A_401 = arith.extui %ge3A_400 : i1 to i32
      %cond3A_402 = arith.constant 0 : i32
      %cond3A_403 = arith.cmpi ne, %convert_element_type3A_401, %cond3A_402 : i32
      scf.if %cond3A_403 {
        %dma_wait3A_499 = arith.constant 0 : i32
        %dma_wait3A_500 = arith.constant 0 : i32
        %dma_wait3A_501 = arith.constant 0 : i32
        %dma_wait3A_502 = arith.constant 0 : i32
        %dma_wait3A_503 = tpu.memref_slice %arg9[%dma_wait3A_499, %dma_wait3A_501, %dma_wait3A_502] : memref<5x125x64xf32, #tpu.memory_space<vmem>> -> memref<1x125x64xf32, #tpu.memory_space<vmem>>
        %dma_wait3A_504 = tpu.memref_squeeze %dma_wait3A_503 : memref<1x125x64xf32, #tpu.memory_space<vmem>> -> memref<125x64xf32, #tpu.memory_space<vmem>>
        %dma_wait3A_505 = arith.constant 0 : i32
        %dma_wait3A_506 = tpu.memref_slice %arg8[%add3A_370, %dma_wait3A_505] : memref<80x125xi32, #tpu.memory_space<vmem>> -> memref<1x125xi32, #tpu.memory_space<vmem>>
        %dma_wait3A_507 = tpu.memref_squeeze %dma_wait3A_506 : memref<1x125xi32, #tpu.memory_space<vmem>> -> memref<125xi32, #tpu.memory_space<vmem>>
        %dma_wait3A_508 = arith.constant 0 : i32
        %dma_wait3A_509 = arith.constant 0 : i32
        %dma_wait3A_510 = tpu.memref_slice %arg12[%dma_wait3A_508, %dma_wait3A_509] : memref<10008x64xf32, #tpu.memory_space<vmem_shared>> -> memref<10008x64xf32, #tpu.memory_space<vmem_shared>>
        %dma_wait3A_511 = tpu.memref_slice %arg14[%dma_wait3A_500] : memref<5x!tpu.dma_semaphore, #tpu.memory_space<semaphore_mem>> -> memref<1x!tpu.dma_semaphore, #tpu.memory_space<semaphore_mem>>
        %dma_wait3A_512 = tpu.memref_squeeze %dma_wait3A_511 : memref<1x!tpu.dma_semaphore, #tpu.memory_space<semaphore_mem>> -> memref<!tpu.dma_semaphore, #tpu.memory_space<semaphore_mem>>
        tpu.wait_indirect_dma semaphore(%dma_wait3A_512 : memref<!tpu.dma_semaphore, #tpu.memory_space<semaphore_mem>>) src(%dma_wait3A_504 : memref<125x64xf32, #tpu.memory_space<vmem>>) dst(%dma_wait3A_510 : memref<10008x64xf32, #tpu.memory_space<vmem_shared>>)
      } else {
      }
      %add3A_404 = arith.constant 3 : i32
      %add3A_405 = arith.addi %add3A_370, %add3A_404 : i32
      %lt3A_406 = arith.constant 80 : i32
      %lt3A_407 = arith.cmpi slt, %add3A_405, %lt3A_406 : i32
      %convert_element_type3A_408 = arith.extui %lt3A_407 : i1 to i32
      %cond3A_409 = arith.constant 0 : i32
      %cond3A_410 = arith.cmpi ne, %convert_element_type3A_408, %cond3A_409 : i32
      scf.if %cond3A_410 {
        %add3A_499 = arith.constant 3 : i32
        %add3A_500 = arith.addi %add3A_370, %add3A_499 : i32
        %dma_start3A_501 = arith.constant 0 : i32
        %dma_start3A_502 = arith.constant 0 : i32
        %dma_start3A_503 = arith.constant 0 : i32
        %dma_start3A_504 = arith.constant 0 : i32
        %dma_start3A_505 = tpu.memref_slice %arg9[%dma_start3A_501, %dma_start3A_503, %dma_start3A_504] : memref<5x125x64xf32, #tpu.memory_space<vmem>> -> memref<1x125x64xf32, #tpu.memory_space<vmem>>
        %dma_start3A_506 = tpu.memref_squeeze %dma_start3A_505 : memref<1x125x64xf32, #tpu.memory_space<vmem>> -> memref<125x64xf32, #tpu.memory_space<vmem>>
        %dma_start3A_507 = arith.constant 0 : i32
        %dma_start3A_508 = tpu.memref_slice %arg7[%add3A_500, %dma_start3A_507] : memref<80x125xi32, #tpu.memory_space<vmem>> -> memref<1x125xi32, #tpu.memory_space<vmem>>
        %dma_start3A_509 = tpu.memref_squeeze %dma_start3A_508 : memref<1x125xi32, #tpu.memory_space<vmem>> -> memref<125xi32, #tpu.memory_space<vmem>>
        %dma_start3A_510 = arith.constant 0 : i32
        %dma_start3A_511 = arith.constant 0 : i32
        %dma_start3A_512 = tpu.memref_slice %arg2[%dma_start3A_510, %dma_start3A_511] : memref<10000x64xf32, #tpu.memory_space<hbm>> -> memref<10000x64xf32, #tpu.memory_space<hbm>>
        %dma_start3A_513 = tpu.memref_slice %arg13[%dma_start3A_502] : memref<5x!tpu.dma_semaphore, #tpu.memory_space<semaphore_mem>> -> memref<1x!tpu.dma_semaphore, #tpu.memory_space<semaphore_mem>>
        %dma_start3A_514 = tpu.memref_squeeze %dma_start3A_513 : memref<1x!tpu.dma_semaphore, #tpu.memory_space<semaphore_mem>> -> memref<!tpu.dma_semaphore, #tpu.memory_space<semaphore_mem>>
        tpu.enqueue_indirect_dma source(%dma_start3A_512 : memref<10000x64xf32, #tpu.memory_space<hbm>>) target(%dma_start3A_506 : memref<125x64xf32, #tpu.memory_space<vmem>>) offsets(%dma_start3A_509 : memref<125xi32, #tpu.memory_space<vmem>>) semaphore(%dma_start3A_514 : memref<!tpu.dma_semaphore, #tpu.memory_space<semaphore_mem>>)
      } else {
      }
      %mul3A_411 = arith.constant 5 : i32
      %mul3A_412 = arith.muli %scan3A_279, %mul3A_411 : i32
      %add3A_413 = arith.constant 3 : i32
      %add3A_414 = arith.addi %mul3A_412, %add3A_413 : i32
      %dma_wait3A_415 = arith.constant 3 : i32
      %dma_wait3A_416 = arith.constant 3 : i32
      %dma_wait3A_417 = arith.constant 0 : i32
      %dma_wait3A_418 = arith.constant 0 : i32
      %dma_wait3A_419 = tpu.memref_slice %arg9[%dma_wait3A_415, %dma_wait3A_417, %dma_wait3A_418] : memref<5x125x64xf32, #tpu.memory_space<vmem>> -> memref<1x125x64xf32, #tpu.memory_space<vmem>>
      %dma_wait3A_420 = tpu.memref_squeeze %dma_wait3A_419 : memref<1x125x64xf32, #tpu.memory_space<vmem>> -> memref<125x64xf32, #tpu.memory_space<vmem>>
      %dma_wait3A_421 = arith.constant 0 : i32
      %dma_wait3A_422 = tpu.memref_slice %arg7[%add3A_414, %dma_wait3A_421] : memref<80x125xi32, #tpu.memory_space<vmem>> -> memref<1x125xi32, #tpu.memory_space<vmem>>
      %dma_wait3A_423 = tpu.memref_squeeze %dma_wait3A_422 : memref<1x125xi32, #tpu.memory_space<vmem>> -> memref<125xi32, #tpu.memory_space<vmem>>
      %dma_wait3A_424 = arith.constant 0 : i32
      %dma_wait3A_425 = arith.constant 0 : i32
      %dma_wait3A_426 = tpu.memref_slice %arg2[%dma_wait3A_424, %dma_wait3A_425] : memref<10000x64xf32, #tpu.memory_space<hbm>> -> memref<10000x64xf32, #tpu.memory_space<hbm>>
      %dma_wait3A_427 = tpu.memref_slice %arg13[%dma_wait3A_416] : memref<5x!tpu.dma_semaphore, #tpu.memory_space<semaphore_mem>> -> memref<1x!tpu.dma_semaphore, #tpu.memory_space<semaphore_mem>>
      %dma_wait3A_428 = tpu.memref_squeeze %dma_wait3A_427 : memref<1x!tpu.dma_semaphore, #tpu.memory_space<semaphore_mem>> -> memref<!tpu.dma_semaphore, #tpu.memory_space<semaphore_mem>>
      tpu.wait_indirect_dma semaphore(%dma_wait3A_428 : memref<!tpu.dma_semaphore, #tpu.memory_space<semaphore_mem>>) src(%dma_wait3A_426 : memref<10000x64xf32, #tpu.memory_space<hbm>>) dst(%dma_wait3A_420 : memref<125x64xf32, #tpu.memory_space<vmem>>)
      %dma_start3A_429 = arith.constant 3 : i32
      %dma_start3A_430 = arith.constant 3 : i32
      %dma_start3A_431 = arith.constant 0 : i32
      %dma_start3A_432 = arith.constant 0 : i32
      %dma_start3A_433 = tpu.memref_slice %arg9[%dma_start3A_429, %dma_start3A_431, %dma_start3A_432] : memref<5x125x64xf32, #tpu.memory_space<vmem>> -> memref<1x125x64xf32, #tpu.memory_space<vmem>>
      %dma_start3A_434 = tpu.memref_squeeze %dma_start3A_433 : memref<1x125x64xf32, #tpu.memory_space<vmem>> -> memref<125x64xf32, #tpu.memory_space<vmem>>
      %dma_start3A_435 = arith.constant 0 : i32
      %dma_start3A_436 = tpu.memref_slice %arg8[%add3A_414, %dma_start3A_435] : memref<80x125xi32, #tpu.memory_space<vmem>> -> memref<1x125xi32, #tpu.memory_space<vmem>>
      %dma_start3A_437 = tpu.memref_squeeze %dma_start3A_436 : memref<1x125xi32, #tpu.memory_space<vmem>> -> memref<125xi32, #tpu.memory_space<vmem>>
      %dma_start3A_438 = arith.constant 0 : i32
      %dma_start3A_439 = arith.constant 0 : i32
      %dma_start3A_440 = tpu.memref_slice %arg12[%dma_start3A_438, %dma_start3A_439] : memref<10008x64xf32, #tpu.memory_space<vmem_shared>> -> memref<10008x64xf32, #tpu.memory_space<vmem_shared>>
      %dma_start3A_441 = tpu.memref_slice %arg14[%dma_start3A_430] : memref<5x!tpu.dma_semaphore, #tpu.memory_space<semaphore_mem>> -> memref<1x!tpu.dma_semaphore, #tpu.memory_space<semaphore_mem>>
      %dma_start3A_442 = tpu.memref_squeeze %dma_start3A_441 : memref<1x!tpu.dma_semaphore, #tpu.memory_space<semaphore_mem>> -> memref<!tpu.dma_semaphore, #tpu.memory_space<semaphore_mem>>
      tpu.enqueue_indirect_dma source(%dma_start3A_434 : memref<125x64xf32, #tpu.memory_space<vmem>>) target(%dma_start3A_440 : memref<10008x64xf32, #tpu.memory_space<vmem_shared>>) offsets(%dma_start3A_437 : memref<125xi32, #tpu.memory_space<vmem>>) semaphore(%dma_start3A_442 : memref<!tpu.dma_semaphore, #tpu.memory_space<semaphore_mem>>) {add = true}
      %ge3A_443 = arith.constant 2 : i32
      %ge3A_444 = arith.cmpi sge, %add3A_414, %ge3A_443 : i32
      %convert_element_type3A_445 = arith.extui %ge3A_444 : i1 to i32
      %cond3A_446 = arith.constant 0 : i32
      %cond3A_447 = arith.cmpi ne, %convert_element_type3A_445, %cond3A_446 : i32
      scf.if %cond3A_447 {
        %dma_wait3A_499 = arith.constant 1 : i32
        %dma_wait3A_500 = arith.constant 1 : i32
        %dma_wait3A_501 = arith.constant 0 : i32
        %dma_wait3A_502 = arith.constant 0 : i32
        %dma_wait3A_503 = tpu.memref_slice %arg9[%dma_wait3A_499, %dma_wait3A_501, %dma_wait3A_502] : memref<5x125x64xf32, #tpu.memory_space<vmem>> -> memref<1x125x64xf32, #tpu.memory_space<vmem>>
        %dma_wait3A_504 = tpu.memref_squeeze %dma_wait3A_503 : memref<1x125x64xf32, #tpu.memory_space<vmem>> -> memref<125x64xf32, #tpu.memory_space<vmem>>
        %dma_wait3A_505 = arith.constant 0 : i32
        %dma_wait3A_506 = tpu.memref_slice %arg8[%add3A_414, %dma_wait3A_505] : memref<80x125xi32, #tpu.memory_space<vmem>> -> memref<1x125xi32, #tpu.memory_space<vmem>>
        %dma_wait3A_507 = tpu.memref_squeeze %dma_wait3A_506 : memref<1x125xi32, #tpu.memory_space<vmem>> -> memref<125xi32, #tpu.memory_space<vmem>>
        %dma_wait3A_508 = arith.constant 0 : i32
        %dma_wait3A_509 = arith.constant 0 : i32
        %dma_wait3A_510 = tpu.memref_slice %arg12[%dma_wait3A_508, %dma_wait3A_509] : memref<10008x64xf32, #tpu.memory_space<vmem_shared>> -> memref<10008x64xf32, #tpu.memory_space<vmem_shared>>
        %dma_wait3A_511 = tpu.memref_slice %arg14[%dma_wait3A_500] : memref<5x!tpu.dma_semaphore, #tpu.memory_space<semaphore_mem>> -> memref<1x!tpu.dma_semaphore, #tpu.memory_space<semaphore_mem>>
        %dma_wait3A_512 = tpu.memref_squeeze %dma_wait3A_511 : memref<1x!tpu.dma_semaphore, #tpu.memory_space<semaphore_mem>> -> memref<!tpu.dma_semaphore, #tpu.memory_space<semaphore_mem>>
        tpu.wait_indirect_dma semaphore(%dma_wait3A_512 : memref<!tpu.dma_semaphore, #tpu.memory_space<semaphore_mem>>) src(%dma_wait3A_504 : memref<125x64xf32, #tpu.memory_space<vmem>>) dst(%dma_wait3A_510 : memref<10008x64xf32, #tpu.memory_space<vmem_shared>>)
      } else {
      }
      %add3A_448 = arith.constant 3 : i32
      %add3A_449 = arith.addi %add3A_414, %add3A_448 : i32
      %lt3A_450 = arith.constant 80 : i32
      %lt3A_451 = arith.cmpi slt, %add3A_449, %lt3A_450 : i32
      %convert_element_type3A_452 = arith.extui %lt3A_451 : i1 to i32
      %cond3A_453 = arith.constant 0 : i32
      %cond3A_454 = arith.cmpi ne, %convert_element_type3A_452, %cond3A_453 : i32
      scf.if %cond3A_454 {
        %add3A_499 = arith.constant 3 : i32
        %add3A_500 = arith.addi %add3A_414, %add3A_499 : i32
        %dma_start3A_501 = arith.constant 1 : i32
        %dma_start3A_502 = arith.constant 1 : i32
        %dma_start3A_503 = arith.constant 0 : i32
        %dma_start3A_504 = arith.constant 0 : i32
        %dma_start3A_505 = tpu.memref_slice %arg9[%dma_start3A_501, %dma_start3A_503, %dma_start3A_504] : memref<5x125x64xf32, #tpu.memory_space<vmem>> -> memref<1x125x64xf32, #tpu.memory_space<vmem>>
        %dma_start3A_506 = tpu.memref_squeeze %dma_start3A_505 : memref<1x125x64xf32, #tpu.memory_space<vmem>> -> memref<125x64xf32, #tpu.memory_space<vmem>>
        %dma_start3A_507 = arith.constant 0 : i32
        %dma_start3A_508 = tpu.memref_slice %arg7[%add3A_500, %dma_start3A_507] : memref<80x125xi32, #tpu.memory_space<vmem>> -> memref<1x125xi32, #tpu.memory_space<vmem>>
        %dma_start3A_509 = tpu.memref_squeeze %dma_start3A_508 : memref<1x125xi32, #tpu.memory_space<vmem>> -> memref<125xi32, #tpu.memory_space<vmem>>
        %dma_start3A_510 = arith.constant 0 : i32
        %dma_start3A_511 = arith.constant 0 : i32
        %dma_start3A_512 = tpu.memref_slice %arg2[%dma_start3A_510, %dma_start3A_511] : memref<10000x64xf32, #tpu.memory_space<hbm>> -> memref<10000x64xf32, #tpu.memory_space<hbm>>
        %dma_start3A_513 = tpu.memref_slice %arg13[%dma_start3A_502] : memref<5x!tpu.dma_semaphore, #tpu.memory_space<semaphore_mem>> -> memref<1x!tpu.dma_semaphore, #tpu.memory_space<semaphore_mem>>
        %dma_start3A_514 = tpu.memref_squeeze %dma_start3A_513 : memref<1x!tpu.dma_semaphore, #tpu.memory_space<semaphore_mem>> -> memref<!tpu.dma_semaphore, #tpu.memory_space<semaphore_mem>>
        tpu.enqueue_indirect_dma source(%dma_start3A_512 : memref<10000x64xf32, #tpu.memory_space<hbm>>) target(%dma_start3A_506 : memref<125x64xf32, #tpu.memory_space<vmem>>) offsets(%dma_start3A_509 : memref<125xi32, #tpu.memory_space<vmem>>) semaphore(%dma_start3A_514 : memref<!tpu.dma_semaphore, #tpu.memory_space<semaphore_mem>>)
      } else {
      }
      %mul3A_455 = arith.constant 5 : i32
      %mul3A_456 = arith.muli %scan3A_279, %mul3A_455 : i32
      %add3A_457 = arith.constant 4 : i32
      %add3A_458 = arith.addi %mul3A_456, %add3A_457 : i32
      %dma_wait3A_459 = arith.constant 4 : i32
      %dma_wait3A_460 = arith.constant 4 : i32
      %dma_wait3A_461 = arith.constant 0 : i32
      %dma_wait3A_462 = arith.constant 0 : i32
      %dma_wait3A_463 = tpu.memref_slice %arg9[%dma_wait3A_459, %dma_wait3A_461, %dma_wait3A_462] : memref<5x125x64xf32, #tpu.memory_space<vmem>> -> memref<1x125x64xf32, #tpu.memory_space<vmem>>
      %dma_wait3A_464 = tpu.memref_squeeze %dma_wait3A_463 : memref<1x125x64xf32, #tpu.memory_space<vmem>> -> memref<125x64xf32, #tpu.memory_space<vmem>>
      %dma_wait3A_465 = arith.constant 0 : i32
      %dma_wait3A_466 = tpu.memref_slice %arg7[%add3A_458, %dma_wait3A_465] : memref<80x125xi32, #tpu.memory_space<vmem>> -> memref<1x125xi32, #tpu.memory_space<vmem>>
      %dma_wait3A_467 = tpu.memref_squeeze %dma_wait3A_466 : memref<1x125xi32, #tpu.memory_space<vmem>> -> memref<125xi32, #tpu.memory_space<vmem>>
      %dma_wait3A_468 = arith.constant 0 : i32
      %dma_wait3A_469 = arith.constant 0 : i32
      %dma_wait3A_470 = tpu.memref_slice %arg2[%dma_wait3A_468, %dma_wait3A_469] : memref<10000x64xf32, #tpu.memory_space<hbm>> -> memref<10000x64xf32, #tpu.memory_space<hbm>>
      %dma_wait3A_471 = tpu.memref_slice %arg13[%dma_wait3A_460] : memref<5x!tpu.dma_semaphore, #tpu.memory_space<semaphore_mem>> -> memref<1x!tpu.dma_semaphore, #tpu.memory_space<semaphore_mem>>
      %dma_wait3A_472 = tpu.memref_squeeze %dma_wait3A_471 : memref<1x!tpu.dma_semaphore, #tpu.memory_space<semaphore_mem>> -> memref<!tpu.dma_semaphore, #tpu.memory_space<semaphore_mem>>
      tpu.wait_indirect_dma semaphore(%dma_wait3A_472 : memref<!tpu.dma_semaphore, #tpu.memory_space<semaphore_mem>>) src(%dma_wait3A_470 : memref<10000x64xf32, #tpu.memory_space<hbm>>) dst(%dma_wait3A_464 : memref<125x64xf32, #tpu.memory_space<vmem>>)
      %dma_start3A_473 = arith.constant 4 : i32
      %dma_start3A_474 = arith.constant 4 : i32
      %dma_start3A_475 = arith.constant 0 : i32
      %dma_start3A_476 = arith.constant 0 : i32
      %dma_start3A_477 = tpu.memref_slice %arg9[%dma_start3A_473, %dma_start3A_475, %dma_start3A_476] : memref<5x125x64xf32, #tpu.memory_space<vmem>> -> memref<1x125x64xf32, #tpu.memory_space<vmem>>
      %dma_start3A_478 = tpu.memref_squeeze %dma_start3A_477 : memref<1x125x64xf32, #tpu.memory_space<vmem>> -> memref<125x64xf32, #tpu.memory_space<vmem>>
      %dma_start3A_479 = arith.constant 0 : i32
      %dma_start3A_480 = tpu.memref_slice %arg8[%add3A_458, %dma_start3A_479] : memref<80x125xi32, #tpu.memory_space<vmem>> -> memref<1x125xi32, #tpu.memory_space<vmem>>
      %dma_start3A_481 = tpu.memref_squeeze %dma_start3A_480 : memref<1x125xi32, #tpu.memory_space<vmem>> -> memref<125xi32, #tpu.memory_space<vmem>>
      %dma_start3A_482 = arith.constant 0 : i32
      %dma_start3A_483 = arith.constant 0 : i32
      %dma_start3A_484 = tpu.memref_slice %arg12[%dma_start3A_482, %dma_start3A_483] : memref<10008x64xf32, #tpu.memory_space<vmem_shared>> -> memref<10008x64xf32, #tpu.memory_space<vmem_shared>>
      %dma_start3A_485 = tpu.memref_slice %arg14[%dma_start3A_474] : memref<5x!tpu.dma_semaphore, #tpu.memory_space<semaphore_mem>> -> memref<1x!tpu.dma_semaphore, #tpu.memory_space<semaphore_mem>>
      %dma_start3A_486 = tpu.memref_squeeze %dma_start3A_485 : memref<1x!tpu.dma_semaphore, #tpu.memory_space<semaphore_mem>> -> memref<!tpu.dma_semaphore, #tpu.memory_space<semaphore_mem>>
      tpu.enqueue_indirect_dma source(%dma_start3A_478 : memref<125x64xf32, #tpu.memory_space<vmem>>) target(%dma_start3A_484 : memref<10008x64xf32, #tpu.memory_space<vmem_shared>>) offsets(%dma_start3A_481 : memref<125xi32, #tpu.memory_space<vmem>>) semaphore(%dma_start3A_486 : memref<!tpu.dma_semaphore, #tpu.memory_space<semaphore_mem>>) {add = true}
      %ge3A_487 = arith.constant 2 : i32
      %ge3A_488 = arith.cmpi sge, %add3A_458, %ge3A_487 : i32
      %convert_element_type3A_489 = arith.extui %ge3A_488 : i1 to i32
      %cond3A_490 = arith.constant 0 : i32
      %cond3A_491 = arith.cmpi ne, %convert_element_type3A_489, %cond3A_490 : i32
      scf.if %cond3A_491 {
        %dma_wait3A_499 = arith.constant 2 : i32
        %dma_wait3A_500 = arith.constant 2 : i32
        %dma_wait3A_501 = arith.constant 0 : i32
        %dma_wait3A_502 = arith.constant 0 : i32
        %dma_wait3A_503 = tpu.memref_slice %arg9[%dma_wait3A_499, %dma_wait3A_501, %dma_wait3A_502] : memref<5x125x64xf32, #tpu.memory_space<vmem>> -> memref<1x125x64xf32, #tpu.memory_space<vmem>>
        %dma_wait3A_504 = tpu.memref_squeeze %dma_wait3A_503 : memref<1x125x64xf32, #tpu.memory_space<vmem>> -> memref<125x64xf32, #tpu.memory_space<vmem>>
        %dma_wait3A_505 = arith.constant 0 : i32
        %dma_wait3A_506 = tpu.memref_slice %arg8[%add3A_458, %dma_wait3A_505] : memref<80x125xi32, #tpu.memory_space<vmem>> -> memref<1x125xi32, #tpu.memory_space<vmem>>
        %dma_wait3A_507 = tpu.memref_squeeze %dma_wait3A_506 : memref<1x125xi32, #tpu.memory_space<vmem>> -> memref<125xi32, #tpu.memory_space<vmem>>
        %dma_wait3A_508 = arith.constant 0 : i32
        %dma_wait3A_509 = arith.constant 0 : i32
        %dma_wait3A_510 = tpu.memref_slice %arg12[%dma_wait3A_508, %dma_wait3A_509] : memref<10008x64xf32, #tpu.memory_space<vmem_shared>> -> memref<10008x64xf32, #tpu.memory_space<vmem_shared>>
        %dma_wait3A_511 = tpu.memref_slice %arg14[%dma_wait3A_500] : memref<5x!tpu.dma_semaphore, #tpu.memory_space<semaphore_mem>> -> memref<1x!tpu.dma_semaphore, #tpu.memory_space<semaphore_mem>>
        %dma_wait3A_512 = tpu.memref_squeeze %dma_wait3A_511 : memref<1x!tpu.dma_semaphore, #tpu.memory_space<semaphore_mem>> -> memref<!tpu.dma_semaphore, #tpu.memory_space<semaphore_mem>>
        tpu.wait_indirect_dma semaphore(%dma_wait3A_512 : memref<!tpu.dma_semaphore, #tpu.memory_space<semaphore_mem>>) src(%dma_wait3A_504 : memref<125x64xf32, #tpu.memory_space<vmem>>) dst(%dma_wait3A_510 : memref<10008x64xf32, #tpu.memory_space<vmem_shared>>)
      } else {
      }
      %add3A_492 = arith.constant 3 : i32
      %add3A_493 = arith.addi %add3A_458, %add3A_492 : i32
      %lt3A_494 = arith.constant 80 : i32
      %lt3A_495 = arith.cmpi slt, %add3A_493, %lt3A_494 : i32
      %convert_element_type3A_496 = arith.extui %lt3A_495 : i1 to i32
      %cond3A_497 = arith.constant 0 : i32
      %cond3A_498 = arith.cmpi ne, %convert_element_type3A_496, %cond3A_497 : i32
      scf.if %cond3A_498 {
        %add3A_499 = arith.constant 3 : i32
        %add3A_500 = arith.addi %add3A_458, %add3A_499 : i32
        %dma_start3A_501 = arith.constant 2 : i32
        %dma_start3A_502 = arith.constant 2 : i32
        %dma_start3A_503 = arith.constant 0 : i32
        %dma_start3A_504 = arith.constant 0 : i32
        %dma_start3A_505 = tpu.memref_slice %arg9[%dma_start3A_501, %dma_start3A_503, %dma_start3A_504] : memref<5x125x64xf32, #tpu.memory_space<vmem>> -> memref<1x125x64xf32, #tpu.memory_space<vmem>>
        %dma_start3A_506 = tpu.memref_squeeze %dma_start3A_505 : memref<1x125x64xf32, #tpu.memory_space<vmem>> -> memref<125x64xf32, #tpu.memory_space<vmem>>
        %dma_start3A_507 = arith.constant 0 : i32
        %dma_start3A_508 = tpu.memref_slice %arg7[%add3A_500, %dma_start3A_507] : memref<80x125xi32, #tpu.memory_space<vmem>> -> memref<1x125xi32, #tpu.memory_space<vmem>>
        %dma_start3A_509 = tpu.memref_squeeze %dma_start3A_508 : memref<1x125xi32, #tpu.memory_space<vmem>> -> memref<125xi32, #tpu.memory_space<vmem>>
        %dma_start3A_510 = arith.constant 0 : i32
        %dma_start3A_511 = arith.constant 0 : i32
        %dma_start3A_512 = tpu.memref_slice %arg2[%dma_start3A_510, %dma_start3A_511] : memref<10000x64xf32, #tpu.memory_space<hbm>> -> memref<10000x64xf32, #tpu.memory_space<hbm>>
        %dma_start3A_513 = tpu.memref_slice %arg13[%dma_start3A_502] : memref<5x!tpu.dma_semaphore, #tpu.memory_space<semaphore_mem>> -> memref<1x!tpu.dma_semaphore, #tpu.memory_space<semaphore_mem>>
        %dma_start3A_514 = tpu.memref_squeeze %dma_start3A_513 : memref<1x!tpu.dma_semaphore, #tpu.memory_space<semaphore_mem>> -> memref<!tpu.dma_semaphore, #tpu.memory_space<semaphore_mem>>
        tpu.enqueue_indirect_dma source(%dma_start3A_512 : memref<10000x64xf32, #tpu.memory_space<hbm>>) target(%dma_start3A_506 : memref<125x64xf32, #tpu.memory_space<vmem>>) offsets(%dma_start3A_509 : memref<125xi32, #tpu.memory_space<vmem>>) semaphore(%dma_start3A_514 : memref<!tpu.dma_semaphore, #tpu.memory_space<semaphore_mem>>)
      } else {
      }
    }
    %scan3A_81 = arith.constant 16 : i32
    %dma_wait3A = arith.constant 3 : i32
    %dma_wait3A_82 = arith.constant 0 : i32
    %dma_wait3A_83 = arith.constant 3 : i32
    %dma_wait3A_84 = arith.constant 0 : i32
    %dma_wait3A_85 = arith.constant 0 : i32
    %dma_wait3A_86 = tpu.memref_slice %arg9[%dma_wait3A, %dma_wait3A_84, %dma_wait3A_85] : memref<5x125x64xf32, #tpu.memory_space<vmem>> -> memref<1x125x64xf32, #tpu.memory_space<vmem>>
    %dma_wait3A_87 = tpu.memref_squeeze %dma_wait3A_86 : memref<1x125x64xf32, #tpu.memory_space<vmem>> -> memref<125x64xf32, #tpu.memory_space<vmem>>
    %dma_wait3A_88 = arith.constant 0 : i32
    %dma_wait3A_89 = tpu.memref_slice %arg8[%dma_wait3A_82, %dma_wait3A_88] : memref<80x125xi32, #tpu.memory_space<vmem>> -> memref<1x125xi32, #tpu.memory_space<vmem>>
    %dma_wait3A_90 = tpu.memref_squeeze %dma_wait3A_89 : memref<1x125xi32, #tpu.memory_space<vmem>> -> memref<125xi32, #tpu.memory_space<vmem>>
    %dma_wait3A_91 = arith.constant 0 : i32
    %dma_wait3A_92 = arith.constant 0 : i32
    %dma_wait3A_93 = tpu.memref_slice %arg12[%dma_wait3A_91, %dma_wait3A_92] : memref<10008x64xf32, #tpu.memory_space<vmem_shared>> -> memref<10008x64xf32, #tpu.memory_space<vmem_shared>>
    %dma_wait3A_94 = tpu.memref_slice %arg14[%dma_wait3A_83] : memref<5x!tpu.dma_semaphore, #tpu.memory_space<semaphore_mem>> -> memref<1x!tpu.dma_semaphore, #tpu.memory_space<semaphore_mem>>
    %dma_wait3A_95 = tpu.memref_squeeze %dma_wait3A_94 : memref<1x!tpu.dma_semaphore, #tpu.memory_space<semaphore_mem>> -> memref<!tpu.dma_semaphore, #tpu.memory_space<semaphore_mem>>
    tpu.wait_indirect_dma semaphore(%dma_wait3A_95 : memref<!tpu.dma_semaphore, #tpu.memory_space<semaphore_mem>>) src(%dma_wait3A_87 : memref<125x64xf32, #tpu.memory_space<vmem>>) dst(%dma_wait3A_93 : memref<10008x64xf32, #tpu.memory_space<vmem_shared>>)
    %dma_wait3A_96 = arith.constant 4 : i32
    %dma_wait3A_97 = arith.constant 0 : i32
    %dma_wait3A_98 = arith.constant 4 : i32
    %dma_wait3A_99 = arith.constant 0 : i32
    %dma_wait3A_100 = arith.constant 0 : i32
    %dma_wait3A_101 = tpu.memref_slice %arg9[%dma_wait3A_96, %dma_wait3A_99, %dma_wait3A_100] : memref<5x125x64xf32, #tpu.memory_space<vmem>> -> memref<1x125x64xf32, #tpu.memory_space<vmem>>
    %dma_wait3A_102 = tpu.memref_squeeze %dma_wait3A_101 : memref<1x125x64xf32, #tpu.memory_space<vmem>> -> memref<125x64xf32, #tpu.memory_space<vmem>>
    %dma_wait3A_103 = arith.constant 0 : i32
    %dma_wait3A_104 = tpu.memref_slice %arg8[%dma_wait3A_97, %dma_wait3A_103] : memref<80x125xi32, #tpu.memory_space<vmem>> -> memref<1x125xi32, #tpu.memory_space<vmem>>
    %dma_wait3A_105 = tpu.memref_squeeze %dma_wait3A_104 : memref<1x125xi32, #tpu.memory_space<vmem>> -> memref<125xi32, #tpu.memory_space<vmem>>
    %dma_wait3A_106 = arith.constant 0 : i32
    %dma_wait3A_107 = arith.constant 0 : i32
    %dma_wait3A_108 = tpu.memref_slice %arg12[%dma_wait3A_106, %dma_wait3A_107] : memref<10008x64xf32, #tpu.memory_space<vmem_shared>> -> memref<10008x64xf32, #tpu.memory_space<vmem_shared>>
    %dma_wait3A_109 = tpu.memref_slice %arg14[%dma_wait3A_98] : memref<5x!tpu.dma_semaphore, #tpu.memory_space<semaphore_mem>> -> memref<1x!tpu.dma_semaphore, #tpu.memory_space<semaphore_mem>>
    %dma_wait3A_110 = tpu.memref_squeeze %dma_wait3A_109 : memref<1x!tpu.dma_semaphore, #tpu.memory_space<semaphore_mem>> -> memref<!tpu.dma_semaphore, #tpu.memory_space<semaphore_mem>>
    tpu.wait_indirect_dma semaphore(%dma_wait3A_110 : memref<!tpu.dma_semaphore, #tpu.memory_space<semaphore_mem>>) src(%dma_wait3A_102 : memref<125x64xf32, #tpu.memory_space<vmem>>) dst(%dma_wait3A_108 : memref<10008x64xf32, #tpu.memory_space<vmem_shared>>)
    %barrier3A_111 = arith.constant 0 : index
    tpu.barrier barrier_id(%barrier3A_111)
    %add3A_112 = arith.constant 0 : i32
    %add3A_113 = arith.addi %arg1, %add3A_112 : i32
    %lt3A_114 = arith.constant 50 : i32
    %lt3A_115 = arith.cmpi slt, %add3A_113, %lt3A_114 : i32
    %convert_element_type3A_116 = arith.extui %lt3A_115 : i1 to i32
    %cond3A_117 = arith.constant 0 : i32
    %cond3A_118 = arith.cmpi ne, %convert_element_type3A_116, %cond3A_117 : i32
    scf.if %cond3A_118 {
      %mul3A_279 = arith.constant 200 : i32
      %mul3A_280 = arith.muli %add3A_113, %mul3A_279 : i32
      "tpu.region"() ({
        %run_scoped3A = tpu.sem_alloc : memref<!tpu.dma_semaphore, #tpu.memory_space<semaphore_mem>>
        %dma_start3A_281 = arith.constant 0 : i32
        %dma_start3A_282 = tpu.memref_slice %arg12[%mul3A_280, %dma_start3A_281] : memref<10008x64xf32, #tpu.memory_space<vmem_shared>> -> memref<200x64xf32, #tpu.memory_space<vmem_shared>>
        %dma_start3A_283 = arith.constant 0 : i32
        %dma_start3A_284 = tpu.memref_slice %arg12[%mul3A_280, %dma_start3A_283] : memref<10008x64xf32, #tpu.memory_space<vmem_shared>> -> memref<200x64xf32, #tpu.memory_space<vmem_shared>>
        tpu.enqueue_dma source(%dma_start3A_284 : memref<200x64xf32, #tpu.memory_space<vmem_shared>>) target(%arg11 : memref<200x64xf32, #tpu.memory_space<vmem>>) target_semaphore(%run_scoped3A : memref<!tpu.dma_semaphore, #tpu.memory_space<semaphore_mem>>)
        %dma_wait3A_285 = arith.constant 0 : i32
        %dma_wait3A_286 = tpu.memref_slice %arg12[%mul3A_280, %dma_wait3A_285] : memref<10008x64xf32, #tpu.memory_space<vmem_shared>> -> memref<200x64xf32, #tpu.memory_space<vmem_shared>>
        %dma_wait3A_287 = arith.constant 0 : i32
        %dma_wait3A_288 = tpu.memref_slice %arg12[%mul3A_280, %dma_wait3A_287] : memref<10008x64xf32, #tpu.memory_space<vmem_shared>> -> memref<200x64xf32, #tpu.memory_space<vmem_shared>>
        tpu.wait_dma2 semaphore(%run_scoped3A : memref<!tpu.dma_semaphore, #tpu.memory_space<semaphore_mem>>) src(%dma_wait3A_288 : memref<200x64xf32, #tpu.memory_space<vmem_shared>>) dst(%arg11 : memref<200x64xf32, #tpu.memory_space<vmem>>)
        tpu.yield
      }) : () -> ()
      "tpu.region"() ({
        %run_scoped3A = tpu.sem_alloc : memref<!tpu.dma_semaphore, #tpu.memory_space<semaphore_mem>>
        %dma_start3A_281 = arith.constant 0 : i32
        %dma_start3A_282 = tpu.memref_slice %arg6[%arg0, %mul3A_280, %dma_start3A_281] : memref<2x10000x128xf32, #tpu.memory_space<hbm>> -> memref<1x200x64xf32, #tpu.memory_space<hbm>>
        %dma_start3A_283 = tpu.memref_squeeze %dma_start3A_282 : memref<1x200x64xf32, #tpu.memory_space<hbm>> -> memref<200x64xf32, #tpu.memory_space<hbm>>
        %dma_start3A_284 = arith.constant 0 : i32
        %dma_start3A_285 = tpu.memref_slice %arg6[%arg0, %mul3A_280, %dma_start3A_284] : memref<2x10000x128xf32, #tpu.memory_space<hbm>> -> memref<1x200x64xf32, #tpu.memory_space<hbm>>
        %dma_start3A_286 = tpu.memref_squeeze %dma_start3A_285 : memref<1x200x64xf32, #tpu.memory_space<hbm>> -> memref<200x64xf32, #tpu.memory_space<hbm>>
        tpu.enqueue_dma source(%arg11 : memref<200x64xf32, #tpu.memory_space<vmem>>) target(%dma_start3A_286 : memref<200x64xf32, #tpu.memory_space<hbm>>) target_semaphore(%run_scoped3A : memref<!tpu.dma_semaphore, #tpu.memory_space<semaphore_mem>>)
        %dma_wait3A_287 = arith.constant 0 : i32
        %dma_wait3A_288 = tpu.memref_slice %arg6[%arg0, %mul3A_280, %dma_wait3A_287] : memref<2x10000x128xf32, #tpu.memory_space<hbm>> -> memref<1x200x64xf32, #tpu.memory_space<hbm>>
        %dma_wait3A_289 = tpu.memref_squeeze %dma_wait3A_288 : memref<1x200x64xf32, #tpu.memory_space<hbm>> -> memref<200x64xf32, #tpu.memory_space<hbm>>
        %dma_wait3A_290 = arith.constant 0 : i32
        %dma_wait3A_291 = tpu.memref_slice %arg6[%arg0, %mul3A_280, %dma_wait3A_290] : memref<2x10000x128xf32, #tpu.memory_space<hbm>> -> memref<1x200x64xf32, #tpu.memory_space<hbm>>
        %dma_wait3A_292 = tpu.memref_squeeze %dma_wait3A_291 : memref<1x200x64xf32, #tpu.memory_space<hbm>> -> memref<200x64xf32, #tpu.memory_space<hbm>>
        tpu.wait_dma2 semaphore(%run_scoped3A : memref<!tpu.dma_semaphore, #tpu.memory_space<semaphore_mem>>) src(%arg11 : memref<200x64xf32, #tpu.memory_space<vmem>>) dst(%dma_wait3A_292 : memref<200x64xf32, #tpu.memory_space<hbm>>)
        tpu.yield
      }) : () -> ()
    } else {
    }
    %add3A_119 = arith.constant 16 : i32
    %add3A_120 = arith.addi %arg1, %add3A_119 : i32
    %lt3A_121 = arith.constant 50 : i32
    %lt3A_122 = arith.cmpi slt, %add3A_120, %lt3A_121 : i32
    %convert_element_type3A_123 = arith.extui %lt3A_122 : i1 to i32
    %cond3A_124 = arith.constant 0 : i32
    %cond3A_125 = arith.cmpi ne, %convert_element_type3A_123, %cond3A_124 : i32
    scf.if %cond3A_125 {
      %mul3A_279 = arith.constant 200 : i32
      %mul3A_280 = arith.muli %add3A_120, %mul3A_279 : i32
      "tpu.region"() ({
        %run_scoped3A = tpu.sem_alloc : memref<!tpu.dma_semaphore, #tpu.memory_space<semaphore_mem>>
        %dma_start3A_281 = arith.constant 0 : i32
        %dma_start3A_282 = tpu.memref_slice %arg12[%mul3A_280, %dma_start3A_281] : memref<10008x64xf32, #tpu.memory_space<vmem_shared>> -> memref<200x64xf32, #tpu.memory_space<vmem_shared>>
        %dma_start3A_283 = arith.constant 0 : i32
        %dma_start3A_284 = tpu.memref_slice %arg12[%mul3A_280, %dma_start3A_283] : memref<10008x64xf32, #tpu.memory_space<vmem_shared>> -> memref<200x64xf32, #tpu.memory_space<vmem_shared>>
        tpu.enqueue_dma source(%dma_start3A_284 : memref<200x64xf32, #tpu.memory_space<vmem_shared>>) target(%arg11 : memref<200x64xf32, #tpu.memory_space<vmem>>) target_semaphore(%run_scoped3A : memref<!tpu.dma_semaphore, #tpu.memory_space<semaphore_mem>>)
        %dma_wait3A_285 = arith.constant 0 : i32
        %dma_wait3A_286 = tpu.memref_slice %arg12[%mul3A_280, %dma_wait3A_285] : memref<10008x64xf32, #tpu.memory_space<vmem_shared>> -> memref<200x64xf32, #tpu.memory_space<vmem_shared>>
        %dma_wait3A_287 = arith.constant 0 : i32
        %dma_wait3A_288 = tpu.memref_slice %arg12[%mul3A_280, %dma_wait3A_287] : memref<10008x64xf32, #tpu.memory_space<vmem_shared>> -> memref<200x64xf32, #tpu.memory_space<vmem_shared>>
        tpu.wait_dma2 semaphore(%run_scoped3A : memref<!tpu.dma_semaphore, #tpu.memory_space<semaphore_mem>>) src(%dma_wait3A_288 : memref<200x64xf32, #tpu.memory_space<vmem_shared>>) dst(%arg11 : memref<200x64xf32, #tpu.memory_space<vmem>>)
        tpu.yield
      }) : () -> ()
      "tpu.region"() ({
        %run_scoped3A = tpu.sem_alloc : memref<!tpu.dma_semaphore, #tpu.memory_space<semaphore_mem>>
        %dma_start3A_281 = arith.constant 0 : i32
        %dma_start3A_282 = tpu.memref_slice %arg6[%arg0, %mul3A_280, %dma_start3A_281] : memref<2x10000x128xf32, #tpu.memory_space<hbm>> -> memref<1x200x64xf32, #tpu.memory_space<hbm>>
        %dma_start3A_283 = tpu.memref_squeeze %dma_start3A_282 : memref<1x200x64xf32, #tpu.memory_space<hbm>> -> memref<200x64xf32, #tpu.memory_space<hbm>>
        %dma_start3A_284 = arith.constant 0 : i32
        %dma_start3A_285 = tpu.memref_slice %arg6[%arg0, %mul3A_280, %dma_start3A_284] : memref<2x10000x128xf32, #tpu.memory_space<hbm>> -> memref<1x200x64xf32, #tpu.memory_space<hbm>>
        %dma_start3A_286 = tpu.memref_squeeze %dma_start3A_285 : memref<1x200x64xf32, #tpu.memory_space<hbm>> -> memref<200x64xf32, #tpu.memory_space<hbm>>
        tpu.enqueue_dma source(%arg11 : memref<200x64xf32, #tpu.memory_space<vmem>>) target(%dma_start3A_286 : memref<200x64xf32, #tpu.memory_space<hbm>>) target_semaphore(%run_scoped3A : memref<!tpu.dma_semaphore, #tpu.memory_space<semaphore_mem>>)
        %dma_wait3A_287 = arith.constant 0 : i32
        %dma_wait3A_288 = tpu.memref_slice %arg6[%arg0, %mul3A_280, %dma_wait3A_287] : memref<2x10000x128xf32, #tpu.memory_space<hbm>> -> memref<1x200x64xf32, #tpu.memory_space<hbm>>
        %dma_wait3A_289 = tpu.memref_squeeze %dma_wait3A_288 : memref<1x200x64xf32, #tpu.memory_space<hbm>> -> memref<200x64xf32, #tpu.memory_space<hbm>>
        %dma_wait3A_290 = arith.constant 0 : i32
        %dma_wait3A_291 = tpu.memref_slice %arg6[%arg0, %mul3A_280, %dma_wait3A_290] : memref<2x10000x128xf32, #tpu.memory_space<hbm>> -> memref<1x200x64xf32, #tpu.memory_space<hbm>>
        %dma_wait3A_292 = tpu.memref_squeeze %dma_wait3A_291 : memref<1x200x64xf32, #tpu.memory_space<hbm>> -> memref<200x64xf32, #tpu.memory_space<hbm>>
        tpu.wait_dma2 semaphore(%run_scoped3A : memref<!tpu.dma_semaphore, #tpu.memory_space<semaphore_mem>>) src(%arg11 : memref<200x64xf32, #tpu.memory_space<vmem>>) dst(%dma_wait3A_292 : memref<200x64xf32, #tpu.memory_space<hbm>>)
        tpu.yield
      }) : () -> ()
    } else {
    }
    %add3A_126 = arith.constant 32 : i32
    %add3A_127 = arith.addi %arg1, %add3A_126 : i32
    %lt3A_128 = arith.constant 50 : i32
    %lt3A_129 = arith.cmpi slt, %add3A_127, %lt3A_128 : i32
    %convert_element_type3A_130 = arith.extui %lt3A_129 : i1 to i32
    %cond3A_131 = arith.constant 0 : i32
    %cond3A_132 = arith.cmpi ne, %convert_element_type3A_130, %cond3A_131 : i32
    scf.if %cond3A_132 {
      %mul3A_279 = arith.constant 200 : i32
      %mul3A_280 = arith.muli %add3A_127, %mul3A_279 : i32
      "tpu.region"() ({
        %run_scoped3A = tpu.sem_alloc : memref<!tpu.dma_semaphore, #tpu.memory_space<semaphore_mem>>
        %dma_start3A_281 = arith.constant 0 : i32
        %dma_start3A_282 = tpu.memref_slice %arg12[%mul3A_280, %dma_start3A_281] : memref<10008x64xf32, #tpu.memory_space<vmem_shared>> -> memref<200x64xf32, #tpu.memory_space<vmem_shared>>
        %dma_start3A_283 = arith.constant 0 : i32
        %dma_start3A_284 = tpu.memref_slice %arg12[%mul3A_280, %dma_start3A_283] : memref<10008x64xf32, #tpu.memory_space<vmem_shared>> -> memref<200x64xf32, #tpu.memory_space<vmem_shared>>
        tpu.enqueue_dma source(%dma_start3A_284 : memref<200x64xf32, #tpu.memory_space<vmem_shared>>) target(%arg11 : memref<200x64xf32, #tpu.memory_space<vmem>>) target_semaphore(%run_scoped3A : memref<!tpu.dma_semaphore, #tpu.memory_space<semaphore_mem>>)
        %dma_wait3A_285 = arith.constant 0 : i32
        %dma_wait3A_286 = tpu.memref_slice %arg12[%mul3A_280, %dma_wait3A_285] : memref<10008x64xf32, #tpu.memory_space<vmem_shared>> -> memref<200x64xf32, #tpu.memory_space<vmem_shared>>
        %dma_wait3A_287 = arith.constant 0 : i32
        %dma_wait3A_288 = tpu.memref_slice %arg12[%mul3A_280, %dma_wait3A_287] : memref<10008x64xf32, #tpu.memory_space<vmem_shared>> -> memref<200x64xf32, #tpu.memory_space<vmem_shared>>
        tpu.wait_dma2 semaphore(%run_scoped3A : memref<!tpu.dma_semaphore, #tpu.memory_space<semaphore_mem>>) src(%dma_wait3A_288 : memref<200x64xf32, #tpu.memory_space<vmem_shared>>) dst(%arg11 : memref<200x64xf32, #tpu.memory_space<vmem>>)
        tpu.yield
      }) : () -> ()
      "tpu.region"() ({
        %run_scoped3A = tpu.sem_alloc : memref<!tpu.dma_semaphore, #tpu.memory_space<semaphore_mem>>
        %dma_start3A_281 = arith.constant 0 : i32
        %dma_start3A_282 = tpu.memref_slice %arg6[%arg0, %mul3A_280, %dma_start3A_281] : memref<2x10000x128xf32, #tpu.memory_space<hbm>> -> memref<1x200x64xf32, #tpu.memory_space<hbm>>
        %dma_start3A_283 = tpu.memref_squeeze %dma_start3A_282 : memref<1x200x64xf32, #tpu.memory_space<hbm>> -> memref<200x64xf32, #tpu.memory_space<hbm>>
        %dma_start3A_284 = arith.constant 0 : i32
        %dma_start3A_285 = tpu.memref_slice %arg6[%arg0, %mul3A_280, %dma_start3A_284] : memref<2x10000x128xf32, #tpu.memory_space<hbm>> -> memref<1x200x64xf32, #tpu.memory_space<hbm>>
        %dma_start3A_286 = tpu.memref_squeeze %dma_start3A_285 : memref<1x200x64xf32, #tpu.memory_space<hbm>> -> memref<200x64xf32, #tpu.memory_space<hbm>>
        tpu.enqueue_dma source(%arg11 : memref<200x64xf32, #tpu.memory_space<vmem>>) target(%dma_start3A_286 : memref<200x64xf32, #tpu.memory_space<hbm>>) target_semaphore(%run_scoped3A : memref<!tpu.dma_semaphore, #tpu.memory_space<semaphore_mem>>)
        %dma_wait3A_287 = arith.constant 0 : i32
        %dma_wait3A_288 = tpu.memref_slice %arg6[%arg0, %mul3A_280, %dma_wait3A_287] : memref<2x10000x128xf32, #tpu.memory_space<hbm>> -> memref<1x200x64xf32, #tpu.memory_space<hbm>>
        %dma_wait3A_289 = tpu.memref_squeeze %dma_wait3A_288 : memref<1x200x64xf32, #tpu.memory_space<hbm>> -> memref<200x64xf32, #tpu.memory_space<hbm>>
        %dma_wait3A_290 = arith.constant 0 : i32
        %dma_wait3A_291 = tpu.memref_slice %arg6[%arg0, %mul3A_280, %dma_wait3A_290] : memref<2x10000x128xf32, #tpu.memory_space<hbm>> -> memref<1x200x64xf32, #tpu.memory_space<hbm>>
        %dma_wait3A_292 = tpu.memref_squeeze %dma_wait3A_291 : memref<1x200x64xf32, #tpu.memory_space<hbm>> -> memref<200x64xf32, #tpu.memory_space<hbm>>
        tpu.wait_dma2 semaphore(%run_scoped3A : memref<!tpu.dma_semaphore, #tpu.memory_space<semaphore_mem>>) src(%arg11 : memref<200x64xf32, #tpu.memory_space<vmem>>) dst(%dma_wait3A_292 : memref<200x64xf32, #tpu.memory_space<hbm>>)
        tpu.yield
      }) : () -> ()
    } else {
    }
    %add3A_133 = arith.constant 48 : i32
    %add3A_134 = arith.addi %arg1, %add3A_133 : i32
    %lt3A_135 = arith.constant 50 : i32
    %lt3A_136 = arith.cmpi slt, %add3A_134, %lt3A_135 : i32
    %convert_element_type3A_137 = arith.extui %lt3A_136 : i1 to i32
    %cond3A_138 = arith.constant 0 : i32
    %cond3A_139 = arith.cmpi ne, %convert_element_type3A_137, %cond3A_138 : i32
    scf.if %cond3A_139 {
      %mul3A_279 = arith.constant 200 : i32
      %mul3A_280 = arith.muli %add3A_134, %mul3A_279 : i32
      "tpu.region"() ({
        %run_scoped3A = tpu.sem_alloc : memref<!tpu.dma_semaphore, #tpu.memory_space<semaphore_mem>>
        %dma_start3A_281 = arith.constant 0 : i32
        %dma_start3A_282 = tpu.memref_slice %arg12[%mul3A_280, %dma_start3A_281] : memref<10008x64xf32, #tpu.memory_space<vmem_shared>> -> memref<200x64xf32, #tpu.memory_space<vmem_shared>>
        %dma_start3A_283 = arith.constant 0 : i32
        %dma_start3A_284 = tpu.memref_slice %arg12[%mul3A_280, %dma_start3A_283] : memref<10008x64xf32, #tpu.memory_space<vmem_shared>> -> memref<200x64xf32, #tpu.memory_space<vmem_shared>>
        tpu.enqueue_dma source(%dma_start3A_284 : memref<200x64xf32, #tpu.memory_space<vmem_shared>>) target(%arg11 : memref<200x64xf32, #tpu.memory_space<vmem>>) target_semaphore(%run_scoped3A : memref<!tpu.dma_semaphore, #tpu.memory_space<semaphore_mem>>)
        %dma_wait3A_285 = arith.constant 0 : i32
        %dma_wait3A_286 = tpu.memref_slice %arg12[%mul3A_280, %dma_wait3A_285] : memref<10008x64xf32, #tpu.memory_space<vmem_shared>> -> memref<200x64xf32, #tpu.memory_space<vmem_shared>>
        %dma_wait3A_287 = arith.constant 0 : i32
        %dma_wait3A_288 = tpu.memref_slice %arg12[%mul3A_280, %dma_wait3A_287] : memref<10008x64xf32, #tpu.memory_space<vmem_shared>> -> memref<200x64xf32, #tpu.memory_space<vmem_shared>>
        tpu.wait_dma2 semaphore(%run_scoped3A : memref<!tpu.dma_semaphore, #tpu.memory_space<semaphore_mem>>) src(%dma_wait3A_288 : memref<200x64xf32, #tpu.memory_space<vmem_shared>>) dst(%arg11 : memref<200x64xf32, #tpu.memory_space<vmem>>)
        tpu.yield
      }) : () -> ()
      "tpu.region"() ({
        %run_scoped3A = tpu.sem_alloc : memref<!tpu.dma_semaphore, #tpu.memory_space<semaphore_mem>>
        %dma_start3A_281 = arith.constant 0 : i32
        %dma_start3A_282 = tpu.memref_slice %arg6[%arg0, %mul3A_280, %dma_start3A_281] : memref<2x10000x128xf32, #tpu.memory_space<hbm>> -> memref<1x200x64xf32, #tpu.memory_space<hbm>>
        %dma_start3A_283 = tpu.memref_squeeze %dma_start3A_282 : memref<1x200x64xf32, #tpu.memory_space<hbm>> -> memref<200x64xf32, #tpu.memory_space<hbm>>
        %dma_start3A_284 = arith.constant 0 : i32
        %dma_start3A_285 = tpu.memref_slice %arg6[%arg0, %mul3A_280, %dma_start3A_284] : memref<2x10000x128xf32, #tpu.memory_space<hbm>> -> memref<1x200x64xf32, #tpu.memory_space<hbm>>
        %dma_start3A_286 = tpu.memref_squeeze %dma_start3A_285 : memref<1x200x64xf32, #tpu.memory_space<hbm>> -> memref<200x64xf32, #tpu.memory_space<hbm>>
        tpu.enqueue_dma source(%arg11 : memref<200x64xf32, #tpu.memory_space<vmem>>) target(%dma_start3A_286 : memref<200x64xf32, #tpu.memory_space<hbm>>) target_semaphore(%run_scoped3A : memref<!tpu.dma_semaphore, #tpu.memory_space<semaphore_mem>>)
        %dma_wait3A_287 = arith.constant 0 : i32
        %dma_wait3A_288 = tpu.memref_slice %arg6[%arg0, %mul3A_280, %dma_wait3A_287] : memref<2x10000x128xf32, #tpu.memory_space<hbm>> -> memref<1x200x64xf32, #tpu.memory_space<hbm>>
        %dma_wait3A_289 = tpu.memref_squeeze %dma_wait3A_288 : memref<1x200x64xf32, #tpu.memory_space<hbm>> -> memref<200x64xf32, #tpu.memory_space<hbm>>
        %dma_wait3A_290 = arith.constant 0 : i32
        %dma_wait3A_291 = tpu.memref_slice %arg6[%arg0, %mul3A_280, %dma_wait3A_290] : memref<2x10000x128xf32, #tpu.memory_space<hbm>> -> memref<1x200x64xf32, #tpu.memory_space<hbm>>
        %dma_wait3A_292 = tpu.memref_squeeze %dma_wait3A_291 : memref<1x200x64xf32, #tpu.memory_space<hbm>> -> memref<200x64xf32, #tpu.memory_space<hbm>>
        tpu.wait_dma2 semaphore(%run_scoped3A : memref<!tpu.dma_semaphore, #tpu.memory_space<semaphore_mem>>) src(%arg11 : memref<200x64xf32, #tpu.memory_space<vmem>>) dst(%dma_wait3A_292 : memref<200x64xf32, #tpu.memory_space<hbm>>)
        tpu.yield
      }) : () -> ()
    } else {
    }
    %add3A_140 = arith.constant 0 : i32
    %add3A_141 = arith.addi %arg1, %add3A_140 : i32
    %lt3A_142 = arith.constant 50 : i32
    %lt3A_143 = arith.cmpi slt, %add3A_141, %lt3A_142 : i32
    %convert_element_type3A_144 = arith.extui %lt3A_143 : i1 to i32
    %cond3A_145 = arith.constant 0 : i32
    %cond3A_146 = arith.cmpi ne, %convert_element_type3A_144, %cond3A_145 : i32
    scf.if %cond3A_146 {
      %mul3A_279 = arith.constant 200 : i32
      %mul3A_280 = arith.muli %add3A_141, %mul3A_279 : i32
      "tpu.region"() ({
        %run_scoped3A = tpu.sem_alloc : memref<!tpu.dma_semaphore, #tpu.memory_space<semaphore_mem>>
        %dma_start3A_281 = arith.constant 0 : i32
        %dma_start3A_282 = tpu.memref_slice %arg12[%mul3A_280, %dma_start3A_281] : memref<10008x64xf32, #tpu.memory_space<vmem_shared>> -> memref<200x64xf32, #tpu.memory_space<vmem_shared>>
        %dma_start3A_283 = arith.constant 0 : i32
        %dma_start3A_284 = tpu.memref_slice %arg12[%mul3A_280, %dma_start3A_283] : memref<10008x64xf32, #tpu.memory_space<vmem_shared>> -> memref<200x64xf32, #tpu.memory_space<vmem_shared>>
        tpu.enqueue_dma source(%arg10 : memref<200x64xf32, #tpu.memory_space<vmem>>) target(%dma_start3A_284 : memref<200x64xf32, #tpu.memory_space<vmem_shared>>) target_semaphore(%run_scoped3A : memref<!tpu.dma_semaphore, #tpu.memory_space<semaphore_mem>>)
        %dma_wait3A_285 = arith.constant 0 : i32
        %dma_wait3A_286 = tpu.memref_slice %arg12[%mul3A_280, %dma_wait3A_285] : memref<10008x64xf32, #tpu.memory_space<vmem_shared>> -> memref<200x64xf32, #tpu.memory_space<vmem_shared>>
        %dma_wait3A_287 = arith.constant 0 : i32
        %dma_wait3A_288 = tpu.memref_slice %arg12[%mul3A_280, %dma_wait3A_287] : memref<10008x64xf32, #tpu.memory_space<vmem_shared>> -> memref<200x64xf32, #tpu.memory_space<vmem_shared>>
        tpu.wait_dma2 semaphore(%run_scoped3A : memref<!tpu.dma_semaphore, #tpu.memory_space<semaphore_mem>>) src(%arg10 : memref<200x64xf32, #tpu.memory_space<vmem>>) dst(%dma_wait3A_288 : memref<200x64xf32, #tpu.memory_space<vmem_shared>>)
        tpu.yield
      }) : () -> ()
    } else {
    }
    %add3A_147 = arith.constant 16 : i32
    %add3A_148 = arith.addi %arg1, %add3A_147 : i32
    %lt3A_149 = arith.constant 50 : i32
    %lt3A_150 = arith.cmpi slt, %add3A_148, %lt3A_149 : i32
    %convert_element_type3A_151 = arith.extui %lt3A_150 : i1 to i32
    %cond3A_152 = arith.constant 0 : i32
    %cond3A_153 = arith.cmpi ne, %convert_element_type3A_151, %cond3A_152 : i32
    scf.if %cond3A_153 {
      %mul3A_279 = arith.constant 200 : i32
      %mul3A_280 = arith.muli %add3A_148, %mul3A_279 : i32
      "tpu.region"() ({
        %run_scoped3A = tpu.sem_alloc : memref<!tpu.dma_semaphore, #tpu.memory_space<semaphore_mem>>
        %dma_start3A_281 = arith.constant 0 : i32
        %dma_start3A_282 = tpu.memref_slice %arg12[%mul3A_280, %dma_start3A_281] : memref<10008x64xf32, #tpu.memory_space<vmem_shared>> -> memref<200x64xf32, #tpu.memory_space<vmem_shared>>
        %dma_start3A_283 = arith.constant 0 : i32
        %dma_start3A_284 = tpu.memref_slice %arg12[%mul3A_280, %dma_start3A_283] : memref<10008x64xf32, #tpu.memory_space<vmem_shared>> -> memref<200x64xf32, #tpu.memory_space<vmem_shared>>
        tpu.enqueue_dma source(%arg10 : memref<200x64xf32, #tpu.memory_space<vmem>>) target(%dma_start3A_284 : memref<200x64xf32, #tpu.memory_space<vmem_shared>>) target_semaphore(%run_scoped3A : memref<!tpu.dma_semaphore, #tpu.memory_space<semaphore_mem>>)
        %dma_wait3A_285 = arith.constant 0 : i32
        %dma_wait3A_286 = tpu.memref_slice %arg12[%mul3A_280, %dma_wait3A_285] : memref<10008x64xf32, #tpu.memory_space<vmem_shared>> -> memref<200x64xf32, #tpu.memory_space<vmem_shared>>
        %dma_wait3A_287 = arith.constant 0 : i32
        %dma_wait3A_288 = tpu.memref_slice %arg12[%mul3A_280, %dma_wait3A_287] : memref<10008x64xf32, #tpu.memory_space<vmem_shared>> -> memref<200x64xf32, #tpu.memory_space<vmem_shared>>
        tpu.wait_dma2 semaphore(%run_scoped3A : memref<!tpu.dma_semaphore, #tpu.memory_space<semaphore_mem>>) src(%arg10 : memref<200x64xf32, #tpu.memory_space<vmem>>) dst(%dma_wait3A_288 : memref<200x64xf32, #tpu.memory_space<vmem_shared>>)
        tpu.yield
      }) : () -> ()
    } else {
    }
    %add3A_154 = arith.constant 32 : i32
    %add3A_155 = arith.addi %arg1, %add3A_154 : i32
    %lt3A_156 = arith.constant 50 : i32
    %lt3A_157 = arith.cmpi slt, %add3A_155, %lt3A_156 : i32
    %convert_element_type3A_158 = arith.extui %lt3A_157 : i1 to i32
    %cond3A_159 = arith.constant 0 : i32
    %cond3A_160 = arith.cmpi ne, %convert_element_type3A_158, %cond3A_159 : i32
    scf.if %cond3A_160 {
      %mul3A_279 = arith.constant 200 : i32
      %mul3A_280 = arith.muli %add3A_155, %mul3A_279 : i32
      "tpu.region"() ({
        %run_scoped3A = tpu.sem_alloc : memref<!tpu.dma_semaphore, #tpu.memory_space<semaphore_mem>>
        %dma_start3A_281 = arith.constant 0 : i32
        %dma_start3A_282 = tpu.memref_slice %arg12[%mul3A_280, %dma_start3A_281] : memref<10008x64xf32, #tpu.memory_space<vmem_shared>> -> memref<200x64xf32, #tpu.memory_space<vmem_shared>>
        %dma_start3A_283 = arith.constant 0 : i32
        %dma_start3A_284 = tpu.memref_slice %arg12[%mul3A_280, %dma_start3A_283] : memref<10008x64xf32, #tpu.memory_space<vmem_shared>> -> memref<200x64xf32, #tpu.memory_space<vmem_shared>>
        tpu.enqueue_dma source(%arg10 : memref<200x64xf32, #tpu.memory_space<vmem>>) target(%dma_start3A_284 : memref<200x64xf32, #tpu.memory_space<vmem_shared>>) target_semaphore(%run_scoped3A : memref<!tpu.dma_semaphore, #tpu.memory_space<semaphore_mem>>)
        %dma_wait3A_285 = arith.constant 0 : i32
        %dma_wait3A_286 = tpu.memref_slice %arg12[%mul3A_280, %dma_wait3A_285] : memref<10008x64xf32, #tpu.memory_space<vmem_shared>> -> memref<200x64xf32, #tpu.memory_space<vmem_shared>>
        %dma_wait3A_287 = arith.constant 0 : i32
        %dma_wait3A_288 = tpu.memref_slice %arg12[%mul3A_280, %dma_wait3A_287] : memref<10008x64xf32, #tpu.memory_space<vmem_shared>> -> memref<200x64xf32, #tpu.memory_space<vmem_shared>>
        tpu.wait_dma2 semaphore(%run_scoped3A : memref<!tpu.dma_semaphore, #tpu.memory_space<semaphore_mem>>) src(%arg10 : memref<200x64xf32, #tpu.memory_space<vmem>>) dst(%dma_wait3A_288 : memref<200x64xf32, #tpu.memory_space<vmem_shared>>)
        tpu.yield
      }) : () -> ()
    } else {
    }
    %add3A_161 = arith.constant 48 : i32
    %add3A_162 = arith.addi %arg1, %add3A_161 : i32
    %lt3A_163 = arith.constant 50 : i32
    %lt3A_164 = arith.cmpi slt, %add3A_162, %lt3A_163 : i32
    %convert_element_type3A_165 = arith.extui %lt3A_164 : i1 to i32
    %cond3A_166 = arith.constant 0 : i32
    %cond3A_167 = arith.cmpi ne, %convert_element_type3A_165, %cond3A_166 : i32
    scf.if %cond3A_167 {
      %mul3A_279 = arith.constant 200 : i32
      %mul3A_280 = arith.muli %add3A_162, %mul3A_279 : i32
      "tpu.region"() ({
        %run_scoped3A = tpu.sem_alloc : memref<!tpu.dma_semaphore, #tpu.memory_space<semaphore_mem>>
        %dma_start3A_281 = arith.constant 0 : i32
        %dma_start3A_282 = tpu.memref_slice %arg12[%mul3A_280, %dma_start3A_281] : memref<10008x64xf32, #tpu.memory_space<vmem_shared>> -> memref<200x64xf32, #tpu.memory_space<vmem_shared>>
        %dma_start3A_283 = arith.constant 0 : i32
        %dma_start3A_284 = tpu.memref_slice %arg12[%mul3A_280, %dma_start3A_283] : memref<10008x64xf32, #tpu.memory_space<vmem_shared>> -> memref<200x64xf32, #tpu.memory_space<vmem_shared>>
        tpu.enqueue_dma source(%arg10 : memref<200x64xf32, #tpu.memory_space<vmem>>) target(%dma_start3A_284 : memref<200x64xf32, #tpu.memory_space<vmem_shared>>) target_semaphore(%run_scoped3A : memref<!tpu.dma_semaphore, #tpu.memory_space<semaphore_mem>>)
        %dma_wait3A_285 = arith.constant 0 : i32
        %dma_wait3A_286 = tpu.memref_slice %arg12[%mul3A_280, %dma_wait3A_285] : memref<10008x64xf32, #tpu.memory_space<vmem_shared>> -> memref<200x64xf32, #tpu.memory_space<vmem_shared>>
        %dma_wait3A_287 = arith.constant 0 : i32
        %dma_wait3A_288 = tpu.memref_slice %arg12[%mul3A_280, %dma_wait3A_287] : memref<10008x64xf32, #tpu.memory_space<vmem_shared>> -> memref<200x64xf32, #tpu.memory_space<vmem_shared>>
        tpu.wait_dma2 semaphore(%run_scoped3A : memref<!tpu.dma_semaphore, #tpu.memory_space<semaphore_mem>>) src(%arg10 : memref<200x64xf32, #tpu.memory_space<vmem>>) dst(%dma_wait3A_288 : memref<200x64xf32, #tpu.memory_space<vmem_shared>>)
        tpu.yield
      }) : () -> ()
    } else {
    }
    %barrier3A_168 = arith.constant 0 : index
    tpu.barrier barrier_id(%barrier3A_168)
    %dma_start3A_169 = arith.constant 0 : i32
    %dma_start3A_170 = arith.constant 0 : i32
    %dma_start3A_171 = arith.constant 0 : i32
    %dma_start3A_172 = arith.constant 0 : i32
    %dma_start3A_173 = arith.constant 0 : i32
    %dma_start3A_174 = tpu.memref_slice %arg9[%dma_start3A_170, %dma_start3A_172, %dma_start3A_173] : memref<5x125x64xf32, #tpu.memory_space<vmem>> -> memref<1x125x64xf32, #tpu.memory_space<vmem>>
    %dma_start3A_175 = tpu.memref_squeeze %dma_start3A_174 : memref<1x125x64xf32, #tpu.memory_space<vmem>> -> memref<125x64xf32, #tpu.memory_space<vmem>>
    %dma_start3A_176 = arith.constant 0 : i32
    %dma_start3A_177 = tpu.memref_slice %arg7[%dma_start3A_169, %dma_start3A_176] : memref<80x125xi32, #tpu.memory_space<vmem>> -> memref<1x125xi32, #tpu.memory_space<vmem>>
    %dma_start3A_178 = tpu.memref_squeeze %dma_start3A_177 : memref<1x125xi32, #tpu.memory_space<vmem>> -> memref<125xi32, #tpu.memory_space<vmem>>
    %dma_start3A_179 = arith.constant 0 : i32
    %dma_start3A_180 = arith.constant 0 : i32
    %dma_start3A_181 = tpu.memref_slice %arg3[%dma_start3A_179, %dma_start3A_180] : memref<10000x64xf32, #tpu.memory_space<hbm>> -> memref<10000x64xf32, #tpu.memory_space<hbm>>
    %dma_start3A_182 = tpu.memref_slice %arg13[%dma_start3A_171] : memref<5x!tpu.dma_semaphore, #tpu.memory_space<semaphore_mem>> -> memref<1x!tpu.dma_semaphore, #tpu.memory_space<semaphore_mem>>
    %dma_start3A_183 = tpu.memref_squeeze %dma_start3A_182 : memref<1x!tpu.dma_semaphore, #tpu.memory_space<semaphore_mem>> -> memref<!tpu.dma_semaphore, #tpu.memory_space<semaphore_mem>>
    tpu.enqueue_indirect_dma source(%dma_start3A_181 : memref<10000x64xf32, #tpu.memory_space<hbm>>) target(%dma_start3A_175 : memref<125x64xf32, #tpu.memory_space<vmem>>) offsets(%dma_start3A_178 : memref<125xi32, #tpu.memory_space<vmem>>) semaphore(%dma_start3A_183 : memref<!tpu.dma_semaphore, #tpu.memory_space<semaphore_mem>>)
    %dma_start3A_184 = arith.constant 1 : i32
    %dma_start3A_185 = arith.constant 1 : i32
    %dma_start3A_186 = arith.constant 1 : i32
    %dma_start3A_187 = arith.constant 0 : i32
    %dma_start3A_188 = arith.constant 0 : i32
    %dma_start3A_189 = tpu.memref_slice %arg9[%dma_start3A_185, %dma_start3A_187, %dma_start3A_188] : memref<5x125x64xf32, #tpu.memory_space<vmem>> -> memref<1x125x64xf32, #tpu.memory_space<vmem>>
    %dma_start3A_190 = tpu.memref_squeeze %dma_start3A_189 : memref<1x125x64xf32, #tpu.memory_space<vmem>> -> memref<125x64xf32, #tpu.memory_space<vmem>>
    %dma_start3A_191 = arith.constant 0 : i32
    %dma_start3A_192 = tpu.memref_slice %arg7[%dma_start3A_184, %dma_start3A_191] : memref<80x125xi32, #tpu.memory_space<vmem>> -> memref<1x125xi32, #tpu.memory_space<vmem>>
    %dma_start3A_193 = tpu.memref_squeeze %dma_start3A_192 : memref<1x125xi32, #tpu.memory_space<vmem>> -> memref<125xi32, #tpu.memory_space<vmem>>
    %dma_start3A_194 = arith.constant 0 : i32
    %dma_start3A_195 = arith.constant 0 : i32
    %dma_start3A_196 = tpu.memref_slice %arg3[%dma_start3A_194, %dma_start3A_195] : memref<10000x64xf32, #tpu.memory_space<hbm>> -> memref<10000x64xf32, #tpu.memory_space<hbm>>
    %dma_start3A_197 = tpu.memref_slice %arg13[%dma_start3A_186] : memref<5x!tpu.dma_semaphore, #tpu.memory_space<semaphore_mem>> -> memref<1x!tpu.dma_semaphore, #tpu.memory_space<semaphore_mem>>
    %dma_start3A_198 = tpu.memref_squeeze %dma_start3A_197 : memref<1x!tpu.dma_semaphore, #tpu.memory_space<semaphore_mem>> -> memref<!tpu.dma_semaphore, #tpu.memory_space<semaphore_mem>>
    tpu.enqueue_indirect_dma source(%dma_start3A_196 : memref<10000x64xf32, #tpu.memory_space<hbm>>) target(%dma_start3A_190 : memref<125x64xf32, #tpu.memory_space<vmem>>) offsets(%dma_start3A_193 : memref<125xi32, #tpu.memory_space<vmem>>) semaphore(%dma_start3A_198 : memref<!tpu.dma_semaphore, #tpu.memory_space<semaphore_mem>>)
    %dma_start3A_199 = arith.constant 2 : i32
    %dma_start3A_200 = arith.constant 2 : i32
    %dma_start3A_201 = arith.constant 2 : i32
    %dma_start3A_202 = arith.constant 0 : i32
    %dma_start3A_203 = arith.constant 0 : i32
    %dma_start3A_204 = tpu.memref_slice %arg9[%dma_start3A_200, %dma_start3A_202, %dma_start3A_203] : memref<5x125x64xf32, #tpu.memory_space<vmem>> -> memref<1x125x64xf32, #tpu.memory_space<vmem>>
    %dma_start3A_205 = tpu.memref_squeeze %dma_start3A_204 : memref<1x125x64xf32, #tpu.memory_space<vmem>> -> memref<125x64xf32, #tpu.memory_space<vmem>>
    %dma_start3A_206 = arith.constant 0 : i32
    %dma_start3A_207 = tpu.memref_slice %arg7[%dma_start3A_199, %dma_start3A_206] : memref<80x125xi32, #tpu.memory_space<vmem>> -> memref<1x125xi32, #tpu.memory_space<vmem>>
    %dma_start3A_208 = tpu.memref_squeeze %dma_start3A_207 : memref<1x125xi32, #tpu.memory_space<vmem>> -> memref<125xi32, #tpu.memory_space<vmem>>
    %dma_start3A_209 = arith.constant 0 : i32
    %dma_start3A_210 = arith.constant 0 : i32
    %dma_start3A_211 = tpu.memref_slice %arg3[%dma_start3A_209, %dma_start3A_210] : memref<10000x64xf32, #tpu.memory_space<hbm>> -> memref<10000x64xf32, #tpu.memory_space<hbm>>
    %dma_start3A_212 = tpu.memref_slice %arg13[%dma_start3A_201] : memref<5x!tpu.dma_semaphore, #tpu.memory_space<semaphore_mem>> -> memref<1x!tpu.dma_semaphore, #tpu.memory_space<semaphore_mem>>
    %dma_start3A_213 = tpu.memref_squeeze %dma_start3A_212 : memref<1x!tpu.dma_semaphore, #tpu.memory_space<semaphore_mem>> -> memref<!tpu.dma_semaphore, #tpu.memory_space<semaphore_mem>>
    tpu.enqueue_indirect_dma source(%dma_start3A_211 : memref<10000x64xf32, #tpu.memory_space<hbm>>) target(%dma_start3A_205 : memref<125x64xf32, #tpu.memory_space<vmem>>) offsets(%dma_start3A_208 : memref<125xi32, #tpu.memory_space<vmem>>) semaphore(%dma_start3A_213 : memref<!tpu.dma_semaphore, #tpu.memory_space<semaphore_mem>>)
    %scan3A_214 = arith.constant 0 : i32
    %scan3A_215 = arith.constant 0 : i32
    %scan3A_216 = arith.constant 16 : i32
    %scan3A_217 = arith.addi %scan3A_215, %scan3A_216 : i32
    %scan3A_218 = arith.constant 1 : i32
    scf.for %scan3A_279 = %scan3A_215 to %scan3A_217 step %scan3A_218  : i32 {
      %mul3A_280 = arith.constant 5 : i32
      %mul3A_281 = arith.muli %scan3A_279, %mul3A_280 : i32
      %add3A_282 = arith.constant 0 : i32
      %add3A_283 = arith.addi %mul3A_281, %add3A_282 : i32
      %dma_wait3A_284 = arith.constant 0 : i32
      %dma_wait3A_285 = arith.constant 0 : i32
      %dma_wait3A_286 = arith.constant 0 : i32
      %dma_wait3A_287 = arith.constant 0 : i32
      %dma_wait3A_288 = tpu.memref_slice %arg9[%dma_wait3A_284, %dma_wait3A_286, %dma_wait3A_287] : memref<5x125x64xf32, #tpu.memory_space<vmem>> -> memref<1x125x64xf32, #tpu.memory_space<vmem>>
      %dma_wait3A_289 = tpu.memref_squeeze %dma_wait3A_288 : memref<1x125x64xf32, #tpu.memory_space<vmem>> -> memref<125x64xf32, #tpu.memory_space<vmem>>
      %dma_wait3A_290 = arith.constant 0 : i32
      %dma_wait3A_291 = tpu.memref_slice %arg7[%add3A_283, %dma_wait3A_290] : memref<80x125xi32, #tpu.memory_space<vmem>> -> memref<1x125xi32, #tpu.memory_space<vmem>>
      %dma_wait3A_292 = tpu.memref_squeeze %dma_wait3A_291 : memref<1x125xi32, #tpu.memory_space<vmem>> -> memref<125xi32, #tpu.memory_space<vmem>>
      %dma_wait3A_293 = arith.constant 0 : i32
      %dma_wait3A_294 = arith.constant 0 : i32
      %dma_wait3A_295 = tpu.memref_slice %arg3[%dma_wait3A_293, %dma_wait3A_294] : memref<10000x64xf32, #tpu.memory_space<hbm>> -> memref<10000x64xf32, #tpu.memory_space<hbm>>
      %dma_wait3A_296 = tpu.memref_slice %arg13[%dma_wait3A_285] : memref<5x!tpu.dma_semaphore, #tpu.memory_space<semaphore_mem>> -> memref<1x!tpu.dma_semaphore, #tpu.memory_space<semaphore_mem>>
      %dma_wait3A_297 = tpu.memref_squeeze %dma_wait3A_296 : memref<1x!tpu.dma_semaphore, #tpu.memory_space<semaphore_mem>> -> memref<!tpu.dma_semaphore, #tpu.memory_space<semaphore_mem>>
      tpu.wait_indirect_dma semaphore(%dma_wait3A_297 : memref<!tpu.dma_semaphore, #tpu.memory_space<semaphore_mem>>) src(%dma_wait3A_295 : memref<10000x64xf32, #tpu.memory_space<hbm>>) dst(%dma_wait3A_289 : memref<125x64xf32, #tpu.memory_space<vmem>>)
      %dma_start3A_298 = arith.constant 0 : i32
      %dma_start3A_299 = arith.constant 0 : i32
      %dma_start3A_300 = arith.constant 0 : i32
      %dma_start3A_301 = arith.constant 0 : i32
      %dma_start3A_302 = tpu.memref_slice %arg9[%dma_start3A_298, %dma_start3A_300, %dma_start3A_301] : memref<5x125x64xf32, #tpu.memory_space<vmem>> -> memref<1x125x64xf32, #tpu.memory_space<vmem>>
      %dma_start3A_303 = tpu.memref_squeeze %dma_start3A_302 : memref<1x125x64xf32, #tpu.memory_space<vmem>> -> memref<125x64xf32, #tpu.memory_space<vmem>>
      %dma_start3A_304 = arith.constant 0 : i32
      %dma_start3A_305 = tpu.memref_slice %arg8[%add3A_283, %dma_start3A_304] : memref<80x125xi32, #tpu.memory_space<vmem>> -> memref<1x125xi32, #tpu.memory_space<vmem>>
      %dma_start3A_306 = tpu.memref_squeeze %dma_start3A_305 : memref<1x125xi32, #tpu.memory_space<vmem>> -> memref<125xi32, #tpu.memory_space<vmem>>
      %dma_start3A_307 = arith.constant 0 : i32
      %dma_start3A_308 = arith.constant 0 : i32
      %dma_start3A_309 = tpu.memref_slice %arg12[%dma_start3A_307, %dma_start3A_308] : memref<10008x64xf32, #tpu.memory_space<vmem_shared>> -> memref<10008x64xf32, #tpu.memory_space<vmem_shared>>
      %dma_start3A_310 = tpu.memref_slice %arg14[%dma_start3A_299] : memref<5x!tpu.dma_semaphore, #tpu.memory_space<semaphore_mem>> -> memref<1x!tpu.dma_semaphore, #tpu.memory_space<semaphore_mem>>
      %dma_start3A_311 = tpu.memref_squeeze %dma_start3A_310 : memref<1x!tpu.dma_semaphore, #tpu.memory_space<semaphore_mem>> -> memref<!tpu.dma_semaphore, #tpu.memory_space<semaphore_mem>>
      tpu.enqueue_indirect_dma source(%dma_start3A_303 : memref<125x64xf32, #tpu.memory_space<vmem>>) target(%dma_start3A_309 : memref<10008x64xf32, #tpu.memory_space<vmem_shared>>) offsets(%dma_start3A_306 : memref<125xi32, #tpu.memory_space<vmem>>) semaphore(%dma_start3A_311 : memref<!tpu.dma_semaphore, #tpu.memory_space<semaphore_mem>>) {add = true}
      %ge3A = arith.constant 2 : i32
      %ge3A_312 = arith.cmpi sge, %add3A_283, %ge3A : i32
      %convert_element_type3A_313 = arith.extui %ge3A_312 : i1 to i32
      %cond3A_314 = arith.constant 0 : i32
      %cond3A_315 = arith.cmpi ne, %convert_element_type3A_313, %cond3A_314 : i32
      scf.if %cond3A_315 {
        %dma_wait3A_499 = arith.constant 3 : i32
        %dma_wait3A_500 = arith.constant 3 : i32
        %dma_wait3A_501 = arith.constant 0 : i32
        %dma_wait3A_502 = arith.constant 0 : i32
        %dma_wait3A_503 = tpu.memref_slice %arg9[%dma_wait3A_499, %dma_wait3A_501, %dma_wait3A_502] : memref<5x125x64xf32, #tpu.memory_space<vmem>> -> memref<1x125x64xf32, #tpu.memory_space<vmem>>
        %dma_wait3A_504 = tpu.memref_squeeze %dma_wait3A_503 : memref<1x125x64xf32, #tpu.memory_space<vmem>> -> memref<125x64xf32, #tpu.memory_space<vmem>>
        %dma_wait3A_505 = arith.constant 0 : i32
        %dma_wait3A_506 = tpu.memref_slice %arg8[%add3A_283, %dma_wait3A_505] : memref<80x125xi32, #tpu.memory_space<vmem>> -> memref<1x125xi32, #tpu.memory_space<vmem>>
        %dma_wait3A_507 = tpu.memref_squeeze %dma_wait3A_506 : memref<1x125xi32, #tpu.memory_space<vmem>> -> memref<125xi32, #tpu.memory_space<vmem>>
        %dma_wait3A_508 = arith.constant 0 : i32
        %dma_wait3A_509 = arith.constant 0 : i32
        %dma_wait3A_510 = tpu.memref_slice %arg12[%dma_wait3A_508, %dma_wait3A_509] : memref<10008x64xf32, #tpu.memory_space<vmem_shared>> -> memref<10008x64xf32, #tpu.memory_space<vmem_shared>>
        %dma_wait3A_511 = tpu.memref_slice %arg14[%dma_wait3A_500] : memref<5x!tpu.dma_semaphore, #tpu.memory_space<semaphore_mem>> -> memref<1x!tpu.dma_semaphore, #tpu.memory_space<semaphore_mem>>
        %dma_wait3A_512 = tpu.memref_squeeze %dma_wait3A_511 : memref<1x!tpu.dma_semaphore, #tpu.memory_space<semaphore_mem>> -> memref<!tpu.dma_semaphore, #tpu.memory_space<semaphore_mem>>
        tpu.wait_indirect_dma semaphore(%dma_wait3A_512 : memref<!tpu.dma_semaphore, #tpu.memory_space<semaphore_mem>>) src(%dma_wait3A_504 : memref<125x64xf32, #tpu.memory_space<vmem>>) dst(%dma_wait3A_510 : memref<10008x64xf32, #tpu.memory_space<vmem_shared>>)
      } else {
      }
      %add3A_316 = arith.constant 3 : i32
      %add3A_317 = arith.addi %add3A_283, %add3A_316 : i32
      %lt3A_318 = arith.constant 80 : i32
      %lt3A_319 = arith.cmpi slt, %add3A_317, %lt3A_318 : i32
      %convert_element_type3A_320 = arith.extui %lt3A_319 : i1 to i32
      %cond3A_321 = arith.constant 0 : i32
      %cond3A_322 = arith.cmpi ne, %convert_element_type3A_320, %cond3A_321 : i32
      scf.if %cond3A_322 {
        %add3A_499 = arith.constant 3 : i32
        %add3A_500 = arith.addi %add3A_283, %add3A_499 : i32
        %dma_start3A_501 = arith.constant 3 : i32
        %dma_start3A_502 = arith.constant 3 : i32
        %dma_start3A_503 = arith.constant 0 : i32
        %dma_start3A_504 = arith.constant 0 : i32
        %dma_start3A_505 = tpu.memref_slice %arg9[%dma_start3A_501, %dma_start3A_503, %dma_start3A_504] : memref<5x125x64xf32, #tpu.memory_space<vmem>> -> memref<1x125x64xf32, #tpu.memory_space<vmem>>
        %dma_start3A_506 = tpu.memref_squeeze %dma_start3A_505 : memref<1x125x64xf32, #tpu.memory_space<vmem>> -> memref<125x64xf32, #tpu.memory_space<vmem>>
        %dma_start3A_507 = arith.constant 0 : i32
        %dma_start3A_508 = tpu.memref_slice %arg7[%add3A_500, %dma_start3A_507] : memref<80x125xi32, #tpu.memory_space<vmem>> -> memref<1x125xi32, #tpu.memory_space<vmem>>
        %dma_start3A_509 = tpu.memref_squeeze %dma_start3A_508 : memref<1x125xi32, #tpu.memory_space<vmem>> -> memref<125xi32, #tpu.memory_space<vmem>>
        %dma_start3A_510 = arith.constant 0 : i32
        %dma_start3A_511 = arith.constant 0 : i32
        %dma_start3A_512 = tpu.memref_slice %arg3[%dma_start3A_510, %dma_start3A_511] : memref<10000x64xf32, #tpu.memory_space<hbm>> -> memref<10000x64xf32, #tpu.memory_space<hbm>>
        %dma_start3A_513 = tpu.memref_slice %arg13[%dma_start3A_502] : memref<5x!tpu.dma_semaphore, #tpu.memory_space<semaphore_mem>> -> memref<1x!tpu.dma_semaphore, #tpu.memory_space<semaphore_mem>>
        %dma_start3A_514 = tpu.memref_squeeze %dma_start3A_513 : memref<1x!tpu.dma_semaphore, #tpu.memory_space<semaphore_mem>> -> memref<!tpu.dma_semaphore, #tpu.memory_space<semaphore_mem>>
        tpu.enqueue_indirect_dma source(%dma_start3A_512 : memref<10000x64xf32, #tpu.memory_space<hbm>>) target(%dma_start3A_506 : memref<125x64xf32, #tpu.memory_space<vmem>>) offsets(%dma_start3A_509 : memref<125xi32, #tpu.memory_space<vmem>>) semaphore(%dma_start3A_514 : memref<!tpu.dma_semaphore, #tpu.memory_space<semaphore_mem>>)
      } else {
      }
      %mul3A_323 = arith.constant 5 : i32
      %mul3A_324 = arith.muli %scan3A_279, %mul3A_323 : i32
      %add3A_325 = arith.constant 1 : i32
      %add3A_326 = arith.addi %mul3A_324, %add3A_325 : i32
      %dma_wait3A_327 = arith.constant 1 : i32
      %dma_wait3A_328 = arith.constant 1 : i32
      %dma_wait3A_329 = arith.constant 0 : i32
      %dma_wait3A_330 = arith.constant 0 : i32
      %dma_wait3A_331 = tpu.memref_slice %arg9[%dma_wait3A_327, %dma_wait3A_329, %dma_wait3A_330] : memref<5x125x64xf32, #tpu.memory_space<vmem>> -> memref<1x125x64xf32, #tpu.memory_space<vmem>>
      %dma_wait3A_332 = tpu.memref_squeeze %dma_wait3A_331 : memref<1x125x64xf32, #tpu.memory_space<vmem>> -> memref<125x64xf32, #tpu.memory_space<vmem>>
      %dma_wait3A_333 = arith.constant 0 : i32
      %dma_wait3A_334 = tpu.memref_slice %arg7[%add3A_326, %dma_wait3A_333] : memref<80x125xi32, #tpu.memory_space<vmem>> -> memref<1x125xi32, #tpu.memory_space<vmem>>
      %dma_wait3A_335 = tpu.memref_squeeze %dma_wait3A_334 : memref<1x125xi32, #tpu.memory_space<vmem>> -> memref<125xi32, #tpu.memory_space<vmem>>
      %dma_wait3A_336 = arith.constant 0 : i32
      %dma_wait3A_337 = arith.constant 0 : i32
      %dma_wait3A_338 = tpu.memref_slice %arg3[%dma_wait3A_336, %dma_wait3A_337] : memref<10000x64xf32, #tpu.memory_space<hbm>> -> memref<10000x64xf32, #tpu.memory_space<hbm>>
      %dma_wait3A_339 = tpu.memref_slice %arg13[%dma_wait3A_328] : memref<5x!tpu.dma_semaphore, #tpu.memory_space<semaphore_mem>> -> memref<1x!tpu.dma_semaphore, #tpu.memory_space<semaphore_mem>>
      %dma_wait3A_340 = tpu.memref_squeeze %dma_wait3A_339 : memref<1x!tpu.dma_semaphore, #tpu.memory_space<semaphore_mem>> -> memref<!tpu.dma_semaphore, #tpu.memory_space<semaphore_mem>>
      tpu.wait_indirect_dma semaphore(%dma_wait3A_340 : memref<!tpu.dma_semaphore, #tpu.memory_space<semaphore_mem>>) src(%dma_wait3A_338 : memref<10000x64xf32, #tpu.memory_space<hbm>>) dst(%dma_wait3A_332 : memref<125x64xf32, #tpu.memory_space<vmem>>)
      %dma_start3A_341 = arith.constant 1 : i32
      %dma_start3A_342 = arith.constant 1 : i32
      %dma_start3A_343 = arith.constant 0 : i32
      %dma_start3A_344 = arith.constant 0 : i32
      %dma_start3A_345 = tpu.memref_slice %arg9[%dma_start3A_341, %dma_start3A_343, %dma_start3A_344] : memref<5x125x64xf32, #tpu.memory_space<vmem>> -> memref<1x125x64xf32, #tpu.memory_space<vmem>>
      %dma_start3A_346 = tpu.memref_squeeze %dma_start3A_345 : memref<1x125x64xf32, #tpu.memory_space<vmem>> -> memref<125x64xf32, #tpu.memory_space<vmem>>
      %dma_start3A_347 = arith.constant 0 : i32
      %dma_start3A_348 = tpu.memref_slice %arg8[%add3A_326, %dma_start3A_347] : memref<80x125xi32, #tpu.memory_space<vmem>> -> memref<1x125xi32, #tpu.memory_space<vmem>>
      %dma_start3A_349 = tpu.memref_squeeze %dma_start3A_348 : memref<1x125xi32, #tpu.memory_space<vmem>> -> memref<125xi32, #tpu.memory_space<vmem>>
      %dma_start3A_350 = arith.constant 0 : i32
      %dma_start3A_351 = arith.constant 0 : i32
      %dma_start3A_352 = tpu.memref_slice %arg12[%dma_start3A_350, %dma_start3A_351] : memref<10008x64xf32, #tpu.memory_space<vmem_shared>> -> memref<10008x64xf32, #tpu.memory_space<vmem_shared>>
      %dma_start3A_353 = tpu.memref_slice %arg14[%dma_start3A_342] : memref<5x!tpu.dma_semaphore, #tpu.memory_space<semaphore_mem>> -> memref<1x!tpu.dma_semaphore, #tpu.memory_space<semaphore_mem>>
      %dma_start3A_354 = tpu.memref_squeeze %dma_start3A_353 : memref<1x!tpu.dma_semaphore, #tpu.memory_space<semaphore_mem>> -> memref<!tpu.dma_semaphore, #tpu.memory_space<semaphore_mem>>
      tpu.enqueue_indirect_dma source(%dma_start3A_346 : memref<125x64xf32, #tpu.memory_space<vmem>>) target(%dma_start3A_352 : memref<10008x64xf32, #tpu.memory_space<vmem_shared>>) offsets(%dma_start3A_349 : memref<125xi32, #tpu.memory_space<vmem>>) semaphore(%dma_start3A_354 : memref<!tpu.dma_semaphore, #tpu.memory_space<semaphore_mem>>) {add = true}
      %ge3A_355 = arith.constant 2 : i32
      %ge3A_356 = arith.cmpi sge, %add3A_326, %ge3A_355 : i32
      %convert_element_type3A_357 = arith.extui %ge3A_356 : i1 to i32
      %cond3A_358 = arith.constant 0 : i32
      %cond3A_359 = arith.cmpi ne, %convert_element_type3A_357, %cond3A_358 : i32
      scf.if %cond3A_359 {
        %dma_wait3A_499 = arith.constant 4 : i32
        %dma_wait3A_500 = arith.constant 4 : i32
        %dma_wait3A_501 = arith.constant 0 : i32
        %dma_wait3A_502 = arith.constant 0 : i32
        %dma_wait3A_503 = tpu.memref_slice %arg9[%dma_wait3A_499, %dma_wait3A_501, %dma_wait3A_502] : memref<5x125x64xf32, #tpu.memory_space<vmem>> -> memref<1x125x64xf32, #tpu.memory_space<vmem>>
        %dma_wait3A_504 = tpu.memref_squeeze %dma_wait3A_503 : memref<1x125x64xf32, #tpu.memory_space<vmem>> -> memref<125x64xf32, #tpu.memory_space<vmem>>
        %dma_wait3A_505 = arith.constant 0 : i32
        %dma_wait3A_506 = tpu.memref_slice %arg8[%add3A_326, %dma_wait3A_505] : memref<80x125xi32, #tpu.memory_space<vmem>> -> memref<1x125xi32, #tpu.memory_space<vmem>>
        %dma_wait3A_507 = tpu.memref_squeeze %dma_wait3A_506 : memref<1x125xi32, #tpu.memory_space<vmem>> -> memref<125xi32, #tpu.memory_space<vmem>>
        %dma_wait3A_508 = arith.constant 0 : i32
        %dma_wait3A_509 = arith.constant 0 : i32
        %dma_wait3A_510 = tpu.memref_slice %arg12[%dma_wait3A_508, %dma_wait3A_509] : memref<10008x64xf32, #tpu.memory_space<vmem_shared>> -> memref<10008x64xf32, #tpu.memory_space<vmem_shared>>
        %dma_wait3A_511 = tpu.memref_slice %arg14[%dma_wait3A_500] : memref<5x!tpu.dma_semaphore, #tpu.memory_space<semaphore_mem>> -> memref<1x!tpu.dma_semaphore, #tpu.memory_space<semaphore_mem>>
        %dma_wait3A_512 = tpu.memref_squeeze %dma_wait3A_511 : memref<1x!tpu.dma_semaphore, #tpu.memory_space<semaphore_mem>> -> memref<!tpu.dma_semaphore, #tpu.memory_space<semaphore_mem>>
        tpu.wait_indirect_dma semaphore(%dma_wait3A_512 : memref<!tpu.dma_semaphore, #tpu.memory_space<semaphore_mem>>) src(%dma_wait3A_504 : memref<125x64xf32, #tpu.memory_space<vmem>>) dst(%dma_wait3A_510 : memref<10008x64xf32, #tpu.memory_space<vmem_shared>>)
      } else {
      }
      %add3A_360 = arith.constant 3 : i32
      %add3A_361 = arith.addi %add3A_326, %add3A_360 : i32
      %lt3A_362 = arith.constant 80 : i32
      %lt3A_363 = arith.cmpi slt, %add3A_361, %lt3A_362 : i32
      %convert_element_type3A_364 = arith.extui %lt3A_363 : i1 to i32
      %cond3A_365 = arith.constant 0 : i32
      %cond3A_366 = arith.cmpi ne, %convert_element_type3A_364, %cond3A_365 : i32
      scf.if %cond3A_366 {
        %add3A_499 = arith.constant 3 : i32
        %add3A_500 = arith.addi %add3A_326, %add3A_499 : i32
        %dma_start3A_501 = arith.constant 4 : i32
        %dma_start3A_502 = arith.constant 4 : i32
        %dma_start3A_503 = arith.constant 0 : i32
        %dma_start3A_504 = arith.constant 0 : i32
        %dma_start3A_505 = tpu.memref_slice %arg9[%dma_start3A_501, %dma_start3A_503, %dma_start3A_504] : memref<5x125x64xf32, #tpu.memory_space<vmem>> -> memref<1x125x64xf32, #tpu.memory_space<vmem>>
        %dma_start3A_506 = tpu.memref_squeeze %dma_start3A_505 : memref<1x125x64xf32, #tpu.memory_space<vmem>> -> memref<125x64xf32, #tpu.memory_space<vmem>>
        %dma_start3A_507 = arith.constant 0 : i32
        %dma_start3A_508 = tpu.memref_slice %arg7[%add3A_500, %dma_start3A_507] : memref<80x125xi32, #tpu.memory_space<vmem>> -> memref<1x125xi32, #tpu.memory_space<vmem>>
        %dma_start3A_509 = tpu.memref_squeeze %dma_start3A_508 : memref<1x125xi32, #tpu.memory_space<vmem>> -> memref<125xi32, #tpu.memory_space<vmem>>
        %dma_start3A_510 = arith.constant 0 : i32
        %dma_start3A_511 = arith.constant 0 : i32
        %dma_start3A_512 = tpu.memref_slice %arg3[%dma_start3A_510, %dma_start3A_511] : memref<10000x64xf32, #tpu.memory_space<hbm>> -> memref<10000x64xf32, #tpu.memory_space<hbm>>
        %dma_start3A_513 = tpu.memref_slice %arg13[%dma_start3A_502] : memref<5x!tpu.dma_semaphore, #tpu.memory_space<semaphore_mem>> -> memref<1x!tpu.dma_semaphore, #tpu.memory_space<semaphore_mem>>
        %dma_start3A_514 = tpu.memref_squeeze %dma_start3A_513 : memref<1x!tpu.dma_semaphore, #tpu.memory_space<semaphore_mem>> -> memref<!tpu.dma_semaphore, #tpu.memory_space<semaphore_mem>>
        tpu.enqueue_indirect_dma source(%dma_start3A_512 : memref<10000x64xf32, #tpu.memory_space<hbm>>) target(%dma_start3A_506 : memref<125x64xf32, #tpu.memory_space<vmem>>) offsets(%dma_start3A_509 : memref<125xi32, #tpu.memory_space<vmem>>) semaphore(%dma_start3A_514 : memref<!tpu.dma_semaphore, #tpu.memory_space<semaphore_mem>>)
      } else {
      }
      %mul3A_367 = arith.constant 5 : i32
      %mul3A_368 = arith.muli %scan3A_279, %mul3A_367 : i32
      %add3A_369 = arith.constant 2 : i32
      %add3A_370 = arith.addi %mul3A_368, %add3A_369 : i32
      %dma_wait3A_371 = arith.constant 2 : i32
      %dma_wait3A_372 = arith.constant 2 : i32
      %dma_wait3A_373 = arith.constant 0 : i32
      %dma_wait3A_374 = arith.constant 0 : i32
      %dma_wait3A_375 = tpu.memref_slice %arg9[%dma_wait3A_371, %dma_wait3A_373, %dma_wait3A_374] : memref<5x125x64xf32, #tpu.memory_space<vmem>> -> memref<1x125x64xf32, #tpu.memory_space<vmem>>
      %dma_wait3A_376 = tpu.memref_squeeze %dma_wait3A_375 : memref<1x125x64xf32, #tpu.memory_space<vmem>> -> memref<125x64xf32, #tpu.memory_space<vmem>>
      %dma_wait3A_377 = arith.constant 0 : i32
      %dma_wait3A_378 = tpu.memref_slice %arg7[%add3A_370, %dma_wait3A_377] : memref<80x125xi32, #tpu.memory_space<vmem>> -> memref<1x125xi32, #tpu.memory_space<vmem>>
      %dma_wait3A_379 = tpu.memref_squeeze %dma_wait3A_378 : memref<1x125xi32, #tpu.memory_space<vmem>> -> memref<125xi32, #tpu.memory_space<vmem>>
      %dma_wait3A_380 = arith.constant 0 : i32
      %dma_wait3A_381 = arith.constant 0 : i32
      %dma_wait3A_382 = tpu.memref_slice %arg3[%dma_wait3A_380, %dma_wait3A_381] : memref<10000x64xf32, #tpu.memory_space<hbm>> -> memref<10000x64xf32, #tpu.memory_space<hbm>>
      %dma_wait3A_383 = tpu.memref_slice %arg13[%dma_wait3A_372] : memref<5x!tpu.dma_semaphore, #tpu.memory_space<semaphore_mem>> -> memref<1x!tpu.dma_semaphore, #tpu.memory_space<semaphore_mem>>
      %dma_wait3A_384 = tpu.memref_squeeze %dma_wait3A_383 : memref<1x!tpu.dma_semaphore, #tpu.memory_space<semaphore_mem>> -> memref<!tpu.dma_semaphore, #tpu.memory_space<semaphore_mem>>
      tpu.wait_indirect_dma semaphore(%dma_wait3A_384 : memref<!tpu.dma_semaphore, #tpu.memory_space<semaphore_mem>>) src(%dma_wait3A_382 : memref<10000x64xf32, #tpu.memory_space<hbm>>) dst(%dma_wait3A_376 : memref<125x64xf32, #tpu.memory_space<vmem>>)
      %dma_start3A_385 = arith.constant 2 : i32
      %dma_start3A_386 = arith.constant 2 : i32
      %dma_start3A_387 = arith.constant 0 : i32
      %dma_start3A_388 = arith.constant 0 : i32
      %dma_start3A_389 = tpu.memref_slice %arg9[%dma_start3A_385, %dma_start3A_387, %dma_start3A_388] : memref<5x125x64xf32, #tpu.memory_space<vmem>> -> memref<1x125x64xf32, #tpu.memory_space<vmem>>
      %dma_start3A_390 = tpu.memref_squeeze %dma_start3A_389 : memref<1x125x64xf32, #tpu.memory_space<vmem>> -> memref<125x64xf32, #tpu.memory_space<vmem>>
      %dma_start3A_391 = arith.constant 0 : i32
      %dma_start3A_392 = tpu.memref_slice %arg8[%add3A_370, %dma_start3A_391] : memref<80x125xi32, #tpu.memory_space<vmem>> -> memref<1x125xi32, #tpu.memory_space<vmem>>
      %dma_start3A_393 = tpu.memref_squeeze %dma_start3A_392 : memref<1x125xi32, #tpu.memory_space<vmem>> -> memref<125xi32, #tpu.memory_space<vmem>>
      %dma_start3A_394 = arith.constant 0 : i32
      %dma_start3A_395 = arith.constant 0 : i32
      %dma_start3A_396 = tpu.memref_slice %arg12[%dma_start3A_394, %dma_start3A_395] : memref<10008x64xf32, #tpu.memory_space<vmem_shared>> -> memref<10008x64xf32, #tpu.memory_space<vmem_shared>>
      %dma_start3A_397 = tpu.memref_slice %arg14[%dma_start3A_386] : memref<5x!tpu.dma_semaphore, #tpu.memory_space<semaphore_mem>> -> memref<1x!tpu.dma_semaphore, #tpu.memory_space<semaphore_mem>>
      %dma_start3A_398 = tpu.memref_squeeze %dma_start3A_397 : memref<1x!tpu.dma_semaphore, #tpu.memory_space<semaphore_mem>> -> memref<!tpu.dma_semaphore, #tpu.memory_space<semaphore_mem>>
      tpu.enqueue_indirect_dma source(%dma_start3A_390 : memref<125x64xf32, #tpu.memory_space<vmem>>) target(%dma_start3A_396 : memref<10008x64xf32, #tpu.memory_space<vmem_shared>>) offsets(%dma_start3A_393 : memref<125xi32, #tpu.memory_space<vmem>>) semaphore(%dma_start3A_398 : memref<!tpu.dma_semaphore, #tpu.memory_space<semaphore_mem>>) {add = true}
      %ge3A_399 = arith.constant 2 : i32
      %ge3A_400 = arith.cmpi sge, %add3A_370, %ge3A_399 : i32
      %convert_element_type3A_401 = arith.extui %ge3A_400 : i1 to i32
      %cond3A_402 = arith.constant 0 : i32
      %cond3A_403 = arith.cmpi ne, %convert_element_type3A_401, %cond3A_402 : i32
      scf.if %cond3A_403 {
        %dma_wait3A_499 = arith.constant 0 : i32
        %dma_wait3A_500 = arith.constant 0 : i32
        %dma_wait3A_501 = arith.constant 0 : i32
        %dma_wait3A_502 = arith.constant 0 : i32
        %dma_wait3A_503 = tpu.memref_slice %arg9[%dma_wait3A_499, %dma_wait3A_501, %dma_wait3A_502] : memref<5x125x64xf32, #tpu.memory_space<vmem>> -> memref<1x125x64xf32, #tpu.memory_space<vmem>>
        %dma_wait3A_504 = tpu.memref_squeeze %dma_wait3A_503 : memref<1x125x64xf32, #tpu.memory_space<vmem>> -> memref<125x64xf32, #tpu.memory_space<vmem>>
        %dma_wait3A_505 = arith.constant 0 : i32
        %dma_wait3A_506 = tpu.memref_slice %arg8[%add3A_370, %dma_wait3A_505] : memref<80x125xi32, #tpu.memory_space<vmem>> -> memref<1x125xi32, #tpu.memory_space<vmem>>
        %dma_wait3A_507 = tpu.memref_squeeze %dma_wait3A_506 : memref<1x125xi32, #tpu.memory_space<vmem>> -> memref<125xi32, #tpu.memory_space<vmem>>
        %dma_wait3A_508 = arith.constant 0 : i32
        %dma_wait3A_509 = arith.constant 0 : i32
        %dma_wait3A_510 = tpu.memref_slice %arg12[%dma_wait3A_508, %dma_wait3A_509] : memref<10008x64xf32, #tpu.memory_space<vmem_shared>> -> memref<10008x64xf32, #tpu.memory_space<vmem_shared>>
        %dma_wait3A_511 = tpu.memref_slice %arg14[%dma_wait3A_500] : memref<5x!tpu.dma_semaphore, #tpu.memory_space<semaphore_mem>> -> memref<1x!tpu.dma_semaphore, #tpu.memory_space<semaphore_mem>>
        %dma_wait3A_512 = tpu.memref_squeeze %dma_wait3A_511 : memref<1x!tpu.dma_semaphore, #tpu.memory_space<semaphore_mem>> -> memref<!tpu.dma_semaphore, #tpu.memory_space<semaphore_mem>>
        tpu.wait_indirect_dma semaphore(%dma_wait3A_512 : memref<!tpu.dma_semaphore, #tpu.memory_space<semaphore_mem>>) src(%dma_wait3A_504 : memref<125x64xf32, #tpu.memory_space<vmem>>) dst(%dma_wait3A_510 : memref<10008x64xf32, #tpu.memory_space<vmem_shared>>)
      } else {
      }
      %add3A_404 = arith.constant 3 : i32
      %add3A_405 = arith.addi %add3A_370, %add3A_404 : i32
      %lt3A_406 = arith.constant 80 : i32
      %lt3A_407 = arith.cmpi slt, %add3A_405, %lt3A_406 : i32
      %convert_element_type3A_408 = arith.extui %lt3A_407 : i1 to i32
      %cond3A_409 = arith.constant 0 : i32
      %cond3A_410 = arith.cmpi ne, %convert_element_type3A_408, %cond3A_409 : i32
      scf.if %cond3A_410 {
        %add3A_499 = arith.constant 3 : i32
        %add3A_500 = arith.addi %add3A_370, %add3A_499 : i32
        %dma_start3A_501 = arith.constant 0 : i32
        %dma_start3A_502 = arith.constant 0 : i32
        %dma_start3A_503 = arith.constant 0 : i32
        %dma_start3A_504 = arith.constant 0 : i32
        %dma_start3A_505 = tpu.memref_slice %arg9[%dma_start3A_501, %dma_start3A_503, %dma_start3A_504] : memref<5x125x64xf32, #tpu.memory_space<vmem>> -> memref<1x125x64xf32, #tpu.memory_space<vmem>>
        %dma_start3A_506 = tpu.memref_squeeze %dma_start3A_505 : memref<1x125x64xf32, #tpu.memory_space<vmem>> -> memref<125x64xf32, #tpu.memory_space<vmem>>
        %dma_start3A_507 = arith.constant 0 : i32
        %dma_start3A_508 = tpu.memref_slice %arg7[%add3A_500, %dma_start3A_507] : memref<80x125xi32, #tpu.memory_space<vmem>> -> memref<1x125xi32, #tpu.memory_space<vmem>>
        %dma_start3A_509 = tpu.memref_squeeze %dma_start3A_508 : memref<1x125xi32, #tpu.memory_space<vmem>> -> memref<125xi32, #tpu.memory_space<vmem>>
        %dma_start3A_510 = arith.constant 0 : i32
        %dma_start3A_511 = arith.constant 0 : i32
        %dma_start3A_512 = tpu.memref_slice %arg3[%dma_start3A_510, %dma_start3A_511] : memref<10000x64xf32, #tpu.memory_space<hbm>> -> memref<10000x64xf32, #tpu.memory_space<hbm>>
        %dma_start3A_513 = tpu.memref_slice %arg13[%dma_start3A_502] : memref<5x!tpu.dma_semaphore, #tpu.memory_space<semaphore_mem>> -> memref<1x!tpu.dma_semaphore, #tpu.memory_space<semaphore_mem>>
        %dma_start3A_514 = tpu.memref_squeeze %dma_start3A_513 : memref<1x!tpu.dma_semaphore, #tpu.memory_space<semaphore_mem>> -> memref<!tpu.dma_semaphore, #tpu.memory_space<semaphore_mem>>
        tpu.enqueue_indirect_dma source(%dma_start3A_512 : memref<10000x64xf32, #tpu.memory_space<hbm>>) target(%dma_start3A_506 : memref<125x64xf32, #tpu.memory_space<vmem>>) offsets(%dma_start3A_509 : memref<125xi32, #tpu.memory_space<vmem>>) semaphore(%dma_start3A_514 : memref<!tpu.dma_semaphore, #tpu.memory_space<semaphore_mem>>)
      } else {
      }
      %mul3A_411 = arith.constant 5 : i32
      %mul3A_412 = arith.muli %scan3A_279, %mul3A_411 : i32
      %add3A_413 = arith.constant 3 : i32
      %add3A_414 = arith.addi %mul3A_412, %add3A_413 : i32
      %dma_wait3A_415 = arith.constant 3 : i32
      %dma_wait3A_416 = arith.constant 3 : i32
      %dma_wait3A_417 = arith.constant 0 : i32
      %dma_wait3A_418 = arith.constant 0 : i32
      %dma_wait3A_419 = tpu.memref_slice %arg9[%dma_wait3A_415, %dma_wait3A_417, %dma_wait3A_418] : memref<5x125x64xf32, #tpu.memory_space<vmem>> -> memref<1x125x64xf32, #tpu.memory_space<vmem>>
      %dma_wait3A_420 = tpu.memref_squeeze %dma_wait3A_419 : memref<1x125x64xf32, #tpu.memory_space<vmem>> -> memref<125x64xf32, #tpu.memory_space<vmem>>
      %dma_wait3A_421 = arith.constant 0 : i32
      %dma_wait3A_422 = tpu.memref_slice %arg7[%add3A_414, %dma_wait3A_421] : memref<80x125xi32, #tpu.memory_space<vmem>> -> memref<1x125xi32, #tpu.memory_space<vmem>>
      %dma_wait3A_423 = tpu.memref_squeeze %dma_wait3A_422 : memref<1x125xi32, #tpu.memory_space<vmem>> -> memref<125xi32, #tpu.memory_space<vmem>>
      %dma_wait3A_424 = arith.constant 0 : i32
      %dma_wait3A_425 = arith.constant 0 : i32
      %dma_wait3A_426 = tpu.memref_slice %arg3[%dma_wait3A_424, %dma_wait3A_425] : memref<10000x64xf32, #tpu.memory_space<hbm>> -> memref<10000x64xf32, #tpu.memory_space<hbm>>
      %dma_wait3A_427 = tpu.memref_slice %arg13[%dma_wait3A_416] : memref<5x!tpu.dma_semaphore, #tpu.memory_space<semaphore_mem>> -> memref<1x!tpu.dma_semaphore, #tpu.memory_space<semaphore_mem>>
      %dma_wait3A_428 = tpu.memref_squeeze %dma_wait3A_427 : memref<1x!tpu.dma_semaphore, #tpu.memory_space<semaphore_mem>> -> memref<!tpu.dma_semaphore, #tpu.memory_space<semaphore_mem>>
      tpu.wait_indirect_dma semaphore(%dma_wait3A_428 : memref<!tpu.dma_semaphore, #tpu.memory_space<semaphore_mem>>) src(%dma_wait3A_426 : memref<10000x64xf32, #tpu.memory_space<hbm>>) dst(%dma_wait3A_420 : memref<125x64xf32, #tpu.memory_space<vmem>>)
      %dma_start3A_429 = arith.constant 3 : i32
      %dma_start3A_430 = arith.constant 3 : i32
      %dma_start3A_431 = arith.constant 0 : i32
      %dma_start3A_432 = arith.constant 0 : i32
      %dma_start3A_433 = tpu.memref_slice %arg9[%dma_start3A_429, %dma_start3A_431, %dma_start3A_432] : memref<5x125x64xf32, #tpu.memory_space<vmem>> -> memref<1x125x64xf32, #tpu.memory_space<vmem>>
      %dma_start3A_434 = tpu.memref_squeeze %dma_start3A_433 : memref<1x125x64xf32, #tpu.memory_space<vmem>> -> memref<125x64xf32, #tpu.memory_space<vmem>>
      %dma_start3A_435 = arith.constant 0 : i32
      %dma_start3A_436 = tpu.memref_slice %arg8[%add3A_414, %dma_start3A_435] : memref<80x125xi32, #tpu.memory_space<vmem>> -> memref<1x125xi32, #tpu.memory_space<vmem>>
      %dma_start3A_437 = tpu.memref_squeeze %dma_start3A_436 : memref<1x125xi32, #tpu.memory_space<vmem>> -> memref<125xi32, #tpu.memory_space<vmem>>
      %dma_start3A_438 = arith.constant 0 : i32
      %dma_start3A_439 = arith.constant 0 : i32
      %dma_start3A_440 = tpu.memref_slice %arg12[%dma_start3A_438, %dma_start3A_439] : memref<10008x64xf32, #tpu.memory_space<vmem_shared>> -> memref<10008x64xf32, #tpu.memory_space<vmem_shared>>
      %dma_start3A_441 = tpu.memref_slice %arg14[%dma_start3A_430] : memref<5x!tpu.dma_semaphore, #tpu.memory_space<semaphore_mem>> -> memref<1x!tpu.dma_semaphore, #tpu.memory_space<semaphore_mem>>
      %dma_start3A_442 = tpu.memref_squeeze %dma_start3A_441 : memref<1x!tpu.dma_semaphore, #tpu.memory_space<semaphore_mem>> -> memref<!tpu.dma_semaphore, #tpu.memory_space<semaphore_mem>>
      tpu.enqueue_indirect_dma source(%dma_start3A_434 : memref<125x64xf32, #tpu.memory_space<vmem>>) target(%dma_start3A_440 : memref<10008x64xf32, #tpu.memory_space<vmem_shared>>) offsets(%dma_start3A_437 : memref<125xi32, #tpu.memory_space<vmem>>) semaphore(%dma_start3A_442 : memref<!tpu.dma_semaphore, #tpu.memory_space<semaphore_mem>>) {add = true}
      %ge3A_443 = arith.constant 2 : i32
      %ge3A_444 = arith.cmpi sge, %add3A_414, %ge3A_443 : i32
      %convert_element_type3A_445 = arith.extui %ge3A_444 : i1 to i32
      %cond3A_446 = arith.constant 0 : i32
      %cond3A_447 = arith.cmpi ne, %convert_element_type3A_445, %cond3A_446 : i32
      scf.if %cond3A_447 {
        %dma_wait3A_499 = arith.constant 1 : i32
        %dma_wait3A_500 = arith.constant 1 : i32
        %dma_wait3A_501 = arith.constant 0 : i32
        %dma_wait3A_502 = arith.constant 0 : i32
        %dma_wait3A_503 = tpu.memref_slice %arg9[%dma_wait3A_499, %dma_wait3A_501, %dma_wait3A_502] : memref<5x125x64xf32, #tpu.memory_space<vmem>> -> memref<1x125x64xf32, #tpu.memory_space<vmem>>
        %dma_wait3A_504 = tpu.memref_squeeze %dma_wait3A_503 : memref<1x125x64xf32, #tpu.memory_space<vmem>> -> memref<125x64xf32, #tpu.memory_space<vmem>>
        %dma_wait3A_505 = arith.constant 0 : i32
        %dma_wait3A_506 = tpu.memref_slice %arg8[%add3A_414, %dma_wait3A_505] : memref<80x125xi32, #tpu.memory_space<vmem>> -> memref<1x125xi32, #tpu.memory_space<vmem>>
        %dma_wait3A_507 = tpu.memref_squeeze %dma_wait3A_506 : memref<1x125xi32, #tpu.memory_space<vmem>> -> memref<125xi32, #tpu.memory_space<vmem>>
        %dma_wait3A_508 = arith.constant 0 : i32
        %dma_wait3A_509 = arith.constant 0 : i32
        %dma_wait3A_510 = tpu.memref_slice %arg12[%dma_wait3A_508, %dma_wait3A_509] : memref<10008x64xf32, #tpu.memory_space<vmem_shared>> -> memref<10008x64xf32, #tpu.memory_space<vmem_shared>>
        %dma_wait3A_511 = tpu.memref_slice %arg14[%dma_wait3A_500] : memref<5x!tpu.dma_semaphore, #tpu.memory_space<semaphore_mem>> -> memref<1x!tpu.dma_semaphore, #tpu.memory_space<semaphore_mem>>
        %dma_wait3A_512 = tpu.memref_squeeze %dma_wait3A_511 : memref<1x!tpu.dma_semaphore, #tpu.memory_space<semaphore_mem>> -> memref<!tpu.dma_semaphore, #tpu.memory_space<semaphore_mem>>
        tpu.wait_indirect_dma semaphore(%dma_wait3A_512 : memref<!tpu.dma_semaphore, #tpu.memory_space<semaphore_mem>>) src(%dma_wait3A_504 : memref<125x64xf32, #tpu.memory_space<vmem>>) dst(%dma_wait3A_510 : memref<10008x64xf32, #tpu.memory_space<vmem_shared>>)
      } else {
      }
      %add3A_448 = arith.constant 3 : i32
      %add3A_449 = arith.addi %add3A_414, %add3A_448 : i32
      %lt3A_450 = arith.constant 80 : i32
      %lt3A_451 = arith.cmpi slt, %add3A_449, %lt3A_450 : i32
      %convert_element_type3A_452 = arith.extui %lt3A_451 : i1 to i32
      %cond3A_453 = arith.constant 0 : i32
      %cond3A_454 = arith.cmpi ne, %convert_element_type3A_452, %cond3A_453 : i32
      scf.if %cond3A_454 {
        %add3A_499 = arith.constant 3 : i32
        %add3A_500 = arith.addi %add3A_414, %add3A_499 : i32
        %dma_start3A_501 = arith.constant 1 : i32
        %dma_start3A_502 = arith.constant 1 : i32
        %dma_start3A_503 = arith.constant 0 : i32
        %dma_start3A_504 = arith.constant 0 : i32
        %dma_start3A_505 = tpu.memref_slice %arg9[%dma_start3A_501, %dma_start3A_503, %dma_start3A_504] : memref<5x125x64xf32, #tpu.memory_space<vmem>> -> memref<1x125x64xf32, #tpu.memory_space<vmem>>
        %dma_start3A_506 = tpu.memref_squeeze %dma_start3A_505 : memref<1x125x64xf32, #tpu.memory_space<vmem>> -> memref<125x64xf32, #tpu.memory_space<vmem>>
        %dma_start3A_507 = arith.constant 0 : i32
        %dma_start3A_508 = tpu.memref_slice %arg7[%add3A_500, %dma_start3A_507] : memref<80x125xi32, #tpu.memory_space<vmem>> -> memref<1x125xi32, #tpu.memory_space<vmem>>
        %dma_start3A_509 = tpu.memref_squeeze %dma_start3A_508 : memref<1x125xi32, #tpu.memory_space<vmem>> -> memref<125xi32, #tpu.memory_space<vmem>>
        %dma_start3A_510 = arith.constant 0 : i32
        %dma_start3A_511 = arith.constant 0 : i32
        %dma_start3A_512 = tpu.memref_slice %arg3[%dma_start3A_510, %dma_start3A_511] : memref<10000x64xf32, #tpu.memory_space<hbm>> -> memref<10000x64xf32, #tpu.memory_space<hbm>>
        %dma_start3A_513 = tpu.memref_slice %arg13[%dma_start3A_502] : memref<5x!tpu.dma_semaphore, #tpu.memory_space<semaphore_mem>> -> memref<1x!tpu.dma_semaphore, #tpu.memory_space<semaphore_mem>>
        %dma_start3A_514 = tpu.memref_squeeze %dma_start3A_513 : memref<1x!tpu.dma_semaphore, #tpu.memory_space<semaphore_mem>> -> memref<!tpu.dma_semaphore, #tpu.memory_space<semaphore_mem>>
        tpu.enqueue_indirect_dma source(%dma_start3A_512 : memref<10000x64xf32, #tpu.memory_space<hbm>>) target(%dma_start3A_506 : memref<125x64xf32, #tpu.memory_space<vmem>>) offsets(%dma_start3A_509 : memref<125xi32, #tpu.memory_space<vmem>>) semaphore(%dma_start3A_514 : memref<!tpu.dma_semaphore, #tpu.memory_space<semaphore_mem>>)
      } else {
      }
      %mul3A_455 = arith.constant 5 : i32
      %mul3A_456 = arith.muli %scan3A_279, %mul3A_455 : i32
      %add3A_457 = arith.constant 4 : i32
      %add3A_458 = arith.addi %mul3A_456, %add3A_457 : i32
      %dma_wait3A_459 = arith.constant 4 : i32
      %dma_wait3A_460 = arith.constant 4 : i32
      %dma_wait3A_461 = arith.constant 0 : i32
      %dma_wait3A_462 = arith.constant 0 : i32
      %dma_wait3A_463 = tpu.memref_slice %arg9[%dma_wait3A_459, %dma_wait3A_461, %dma_wait3A_462] : memref<5x125x64xf32, #tpu.memory_space<vmem>> -> memref<1x125x64xf32, #tpu.memory_space<vmem>>
      %dma_wait3A_464 = tpu.memref_squeeze %dma_wait3A_463 : memref<1x125x64xf32, #tpu.memory_space<vmem>> -> memref<125x64xf32, #tpu.memory_space<vmem>>
      %dma_wait3A_465 = arith.constant 0 : i32
      %dma_wait3A_466 = tpu.memref_slice %arg7[%add3A_458, %dma_wait3A_465] : memref<80x125xi32, #tpu.memory_space<vmem>> -> memref<1x125xi32, #tpu.memory_space<vmem>>
      %dma_wait3A_467 = tpu.memref_squeeze %dma_wait3A_466 : memref<1x125xi32, #tpu.memory_space<vmem>> -> memref<125xi32, #tpu.memory_space<vmem>>
      %dma_wait3A_468 = arith.constant 0 : i32
      %dma_wait3A_469 = arith.constant 0 : i32
      %dma_wait3A_470 = tpu.memref_slice %arg3[%dma_wait3A_468, %dma_wait3A_469] : memref<10000x64xf32, #tpu.memory_space<hbm>> -> memref<10000x64xf32, #tpu.memory_space<hbm>>
      %dma_wait3A_471 = tpu.memref_slice %arg13[%dma_wait3A_460] : memref<5x!tpu.dma_semaphore, #tpu.memory_space<semaphore_mem>> -> memref<1x!tpu.dma_semaphore, #tpu.memory_space<semaphore_mem>>
      %dma_wait3A_472 = tpu.memref_squeeze %dma_wait3A_471 : memref<1x!tpu.dma_semaphore, #tpu.memory_space<semaphore_mem>> -> memref<!tpu.dma_semaphore, #tpu.memory_space<semaphore_mem>>
      tpu.wait_indirect_dma semaphore(%dma_wait3A_472 : memref<!tpu.dma_semaphore, #tpu.memory_space<semaphore_mem>>) src(%dma_wait3A_470 : memref<10000x64xf32, #tpu.memory_space<hbm>>) dst(%dma_wait3A_464 : memref<125x64xf32, #tpu.memory_space<vmem>>)
      %dma_start3A_473 = arith.constant 4 : i32
      %dma_start3A_474 = arith.constant 4 : i32
      %dma_start3A_475 = arith.constant 0 : i32
      %dma_start3A_476 = arith.constant 0 : i32
      %dma_start3A_477 = tpu.memref_slice %arg9[%dma_start3A_473, %dma_start3A_475, %dma_start3A_476] : memref<5x125x64xf32, #tpu.memory_space<vmem>> -> memref<1x125x64xf32, #tpu.memory_space<vmem>>
      %dma_start3A_478 = tpu.memref_squeeze %dma_start3A_477 : memref<1x125x64xf32, #tpu.memory_space<vmem>> -> memref<125x64xf32, #tpu.memory_space<vmem>>
      %dma_start3A_479 = arith.constant 0 : i32
      %dma_start3A_480 = tpu.memref_slice %arg8[%add3A_458, %dma_start3A_479] : memref<80x125xi32, #tpu.memory_space<vmem>> -> memref<1x125xi32, #tpu.memory_space<vmem>>
      %dma_start3A_481 = tpu.memref_squeeze %dma_start3A_480 : memref<1x125xi32, #tpu.memory_space<vmem>> -> memref<125xi32, #tpu.memory_space<vmem>>
      %dma_start3A_482 = arith.constant 0 : i32
      %dma_start3A_483 = arith.constant 0 : i32
      %dma_start3A_484 = tpu.memref_slice %arg12[%dma_start3A_482, %dma_start3A_483] : memref<10008x64xf32, #tpu.memory_space<vmem_shared>> -> memref<10008x64xf32, #tpu.memory_space<vmem_shared>>
      %dma_start3A_485 = tpu.memref_slice %arg14[%dma_start3A_474] : memref<5x!tpu.dma_semaphore, #tpu.memory_space<semaphore_mem>> -> memref<1x!tpu.dma_semaphore, #tpu.memory_space<semaphore_mem>>
      %dma_start3A_486 = tpu.memref_squeeze %dma_start3A_485 : memref<1x!tpu.dma_semaphore, #tpu.memory_space<semaphore_mem>> -> memref<!tpu.dma_semaphore, #tpu.memory_space<semaphore_mem>>
      tpu.enqueue_indirect_dma source(%dma_start3A_478 : memref<125x64xf32, #tpu.memory_space<vmem>>) target(%dma_start3A_484 : memref<10008x64xf32, #tpu.memory_space<vmem_shared>>) offsets(%dma_start3A_481 : memref<125xi32, #tpu.memory_space<vmem>>) semaphore(%dma_start3A_486 : memref<!tpu.dma_semaphore, #tpu.memory_space<semaphore_mem>>) {add = true}
      %ge3A_487 = arith.constant 2 : i32
      %ge3A_488 = arith.cmpi sge, %add3A_458, %ge3A_487 : i32
      %convert_element_type3A_489 = arith.extui %ge3A_488 : i1 to i32
      %cond3A_490 = arith.constant 0 : i32
      %cond3A_491 = arith.cmpi ne, %convert_element_type3A_489, %cond3A_490 : i32
      scf.if %cond3A_491 {
        %dma_wait3A_499 = arith.constant 2 : i32
        %dma_wait3A_500 = arith.constant 2 : i32
        %dma_wait3A_501 = arith.constant 0 : i32
        %dma_wait3A_502 = arith.constant 0 : i32
        %dma_wait3A_503 = tpu.memref_slice %arg9[%dma_wait3A_499, %dma_wait3A_501, %dma_wait3A_502] : memref<5x125x64xf32, #tpu.memory_space<vmem>> -> memref<1x125x64xf32, #tpu.memory_space<vmem>>
        %dma_wait3A_504 = tpu.memref_squeeze %dma_wait3A_503 : memref<1x125x64xf32, #tpu.memory_space<vmem>> -> memref<125x64xf32, #tpu.memory_space<vmem>>
        %dma_wait3A_505 = arith.constant 0 : i32
        %dma_wait3A_506 = tpu.memref_slice %arg8[%add3A_458, %dma_wait3A_505] : memref<80x125xi32, #tpu.memory_space<vmem>> -> memref<1x125xi32, #tpu.memory_space<vmem>>
        %dma_wait3A_507 = tpu.memref_squeeze %dma_wait3A_506 : memref<1x125xi32, #tpu.memory_space<vmem>> -> memref<125xi32, #tpu.memory_space<vmem>>
        %dma_wait3A_508 = arith.constant 0 : i32
        %dma_wait3A_509 = arith.constant 0 : i32
        %dma_wait3A_510 = tpu.memref_slice %arg12[%dma_wait3A_508, %dma_wait3A_509] : memref<10008x64xf32, #tpu.memory_space<vmem_shared>> -> memref<10008x64xf32, #tpu.memory_space<vmem_shared>>
        %dma_wait3A_511 = tpu.memref_slice %arg14[%dma_wait3A_500] : memref<5x!tpu.dma_semaphore, #tpu.memory_space<semaphore_mem>> -> memref<1x!tpu.dma_semaphore, #tpu.memory_space<semaphore_mem>>
        %dma_wait3A_512 = tpu.memref_squeeze %dma_wait3A_511 : memref<1x!tpu.dma_semaphore, #tpu.memory_space<semaphore_mem>> -> memref<!tpu.dma_semaphore, #tpu.memory_space<semaphore_mem>>
        tpu.wait_indirect_dma semaphore(%dma_wait3A_512 : memref<!tpu.dma_semaphore, #tpu.memory_space<semaphore_mem>>) src(%dma_wait3A_504 : memref<125x64xf32, #tpu.memory_space<vmem>>) dst(%dma_wait3A_510 : memref<10008x64xf32, #tpu.memory_space<vmem_shared>>)
      } else {
      }
      %add3A_492 = arith.constant 3 : i32
      %add3A_493 = arith.addi %add3A_458, %add3A_492 : i32
      %lt3A_494 = arith.constant 80 : i32
      %lt3A_495 = arith.cmpi slt, %add3A_493, %lt3A_494 : i32
      %convert_element_type3A_496 = arith.extui %lt3A_495 : i1 to i32
      %cond3A_497 = arith.constant 0 : i32
      %cond3A_498 = arith.cmpi ne, %convert_element_type3A_496, %cond3A_497 : i32
      scf.if %cond3A_498 {
        %add3A_499 = arith.constant 3 : i32
        %add3A_500 = arith.addi %add3A_458, %add3A_499 : i32
        %dma_start3A_501 = arith.constant 2 : i32
        %dma_start3A_502 = arith.constant 2 : i32
        %dma_start3A_503 = arith.constant 0 : i32
        %dma_start3A_504 = arith.constant 0 : i32
        %dma_start3A_505 = tpu.memref_slice %arg9[%dma_start3A_501, %dma_start3A_503, %dma_start3A_504] : memref<5x125x64xf32, #tpu.memory_space<vmem>> -> memref<1x125x64xf32, #tpu.memory_space<vmem>>
        %dma_start3A_506 = tpu.memref_squeeze %dma_start3A_505 : memref<1x125x64xf32, #tpu.memory_space<vmem>> -> memref<125x64xf32, #tpu.memory_space<vmem>>
        %dma_start3A_507 = arith.constant 0 : i32
        %dma_start3A_508 = tpu.memref_slice %arg7[%add3A_500, %dma_start3A_507] : memref<80x125xi32, #tpu.memory_space<vmem>> -> memref<1x125xi32, #tpu.memory_space<vmem>>
        %dma_start3A_509 = tpu.memref_squeeze %dma_start3A_508 : memref<1x125xi32, #tpu.memory_space<vmem>> -> memref<125xi32, #tpu.memory_space<vmem>>
        %dma_start3A_510 = arith.constant 0 : i32
        %dma_start3A_511 = arith.constant 0 : i32
        %dma_start3A_512 = tpu.memref_slice %arg3[%dma_start3A_510, %dma_start3A_511] : memref<10000x64xf32, #tpu.memory_space<hbm>> -> memref<10000x64xf32, #tpu.memory_space<hbm>>
        %dma_start3A_513 = tpu.memref_slice %arg13[%dma_start3A_502] : memref<5x!tpu.dma_semaphore, #tpu.memory_space<semaphore_mem>> -> memref<1x!tpu.dma_semaphore, #tpu.memory_space<semaphore_mem>>
        %dma_start3A_514 = tpu.memref_squeeze %dma_start3A_513 : memref<1x!tpu.dma_semaphore, #tpu.memory_space<semaphore_mem>> -> memref<!tpu.dma_semaphore, #tpu.memory_space<semaphore_mem>>
        tpu.enqueue_indirect_dma source(%dma_start3A_512 : memref<10000x64xf32, #tpu.memory_space<hbm>>) target(%dma_start3A_506 : memref<125x64xf32, #tpu.memory_space<vmem>>) offsets(%dma_start3A_509 : memref<125xi32, #tpu.memory_space<vmem>>) semaphore(%dma_start3A_514 : memref<!tpu.dma_semaphore, #tpu.memory_space<semaphore_mem>>)
      } else {
      }
    }
    %scan3A_219 = arith.constant 16 : i32
    %dma_wait3A_220 = arith.constant 3 : i32
    %dma_wait3A_221 = arith.constant 0 : i32
    %dma_wait3A_222 = arith.constant 3 : i32
    %dma_wait3A_223 = arith.constant 0 : i32
    %dma_wait3A_224 = arith.constant 0 : i32
    %dma_wait3A_225 = tpu.memref_slice %arg9[%dma_wait3A_220, %dma_wait3A_223, %dma_wait3A_224] : memref<5x125x64xf32, #tpu.memory_space<vmem>> -> memref<1x125x64xf32, #tpu.memory_space<vmem>>
    %dma_wait3A_226 = tpu.memref_squeeze %dma_wait3A_225 : memref<1x125x64xf32, #tpu.memory_space<vmem>> -> memref<125x64xf32, #tpu.memory_space<vmem>>
    %dma_wait3A_227 = arith.constant 0 : i32
    %dma_wait3A_228 = tpu.memref_slice %arg8[%dma_wait3A_221, %dma_wait3A_227] : memref<80x125xi32, #tpu.memory_space<vmem>> -> memref<1x125xi32, #tpu.memory_space<vmem>>
    %dma_wait3A_229 = tpu.memref_squeeze %dma_wait3A_228 : memref<1x125xi32, #tpu.memory_space<vmem>> -> memref<125xi32, #tpu.memory_space<vmem>>
    %dma_wait3A_230 = arith.constant 0 : i32
    %dma_wait3A_231 = arith.constant 0 : i32
    %dma_wait3A_232 = tpu.memref_slice %arg12[%dma_wait3A_230, %dma_wait3A_231] : memref<10008x64xf32, #tpu.memory_space<vmem_shared>> -> memref<10008x64xf32, #tpu.memory_space<vmem_shared>>
    %dma_wait3A_233 = tpu.memref_slice %arg14[%dma_wait3A_222] : memref<5x!tpu.dma_semaphore, #tpu.memory_space<semaphore_mem>> -> memref<1x!tpu.dma_semaphore, #tpu.memory_space<semaphore_mem>>
    %dma_wait3A_234 = tpu.memref_squeeze %dma_wait3A_233 : memref<1x!tpu.dma_semaphore, #tpu.memory_space<semaphore_mem>> -> memref<!tpu.dma_semaphore, #tpu.memory_space<semaphore_mem>>
    tpu.wait_indirect_dma semaphore(%dma_wait3A_234 : memref<!tpu.dma_semaphore, #tpu.memory_space<semaphore_mem>>) src(%dma_wait3A_226 : memref<125x64xf32, #tpu.memory_space<vmem>>) dst(%dma_wait3A_232 : memref<10008x64xf32, #tpu.memory_space<vmem_shared>>)
    %dma_wait3A_235 = arith.constant 4 : i32
    %dma_wait3A_236 = arith.constant 0 : i32
    %dma_wait3A_237 = arith.constant 4 : i32
    %dma_wait3A_238 = arith.constant 0 : i32
    %dma_wait3A_239 = arith.constant 0 : i32
    %dma_wait3A_240 = tpu.memref_slice %arg9[%dma_wait3A_235, %dma_wait3A_238, %dma_wait3A_239] : memref<5x125x64xf32, #tpu.memory_space<vmem>> -> memref<1x125x64xf32, #tpu.memory_space<vmem>>
    %dma_wait3A_241 = tpu.memref_squeeze %dma_wait3A_240 : memref<1x125x64xf32, #tpu.memory_space<vmem>> -> memref<125x64xf32, #tpu.memory_space<vmem>>
    %dma_wait3A_242 = arith.constant 0 : i32
    %dma_wait3A_243 = tpu.memref_slice %arg8[%dma_wait3A_236, %dma_wait3A_242] : memref<80x125xi32, #tpu.memory_space<vmem>> -> memref<1x125xi32, #tpu.memory_space<vmem>>
    %dma_wait3A_244 = tpu.memref_squeeze %dma_wait3A_243 : memref<1x125xi32, #tpu.memory_space<vmem>> -> memref<125xi32, #tpu.memory_space<vmem>>
    %dma_wait3A_245 = arith.constant 0 : i32
    %dma_wait3A_246 = arith.constant 0 : i32
    %dma_wait3A_247 = tpu.memref_slice %arg12[%dma_wait3A_245, %dma_wait3A_246] : memref<10008x64xf32, #tpu.memory_space<vmem_shared>> -> memref<10008x64xf32, #tpu.memory_space<vmem_shared>>
    %dma_wait3A_248 = tpu.memref_slice %arg14[%dma_wait3A_237] : memref<5x!tpu.dma_semaphore, #tpu.memory_space<semaphore_mem>> -> memref<1x!tpu.dma_semaphore, #tpu.memory_space<semaphore_mem>>
    %dma_wait3A_249 = tpu.memref_squeeze %dma_wait3A_248 : memref<1x!tpu.dma_semaphore, #tpu.memory_space<semaphore_mem>> -> memref<!tpu.dma_semaphore, #tpu.memory_space<semaphore_mem>>
    tpu.wait_indirect_dma semaphore(%dma_wait3A_249 : memref<!tpu.dma_semaphore, #tpu.memory_space<semaphore_mem>>) src(%dma_wait3A_241 : memref<125x64xf32, #tpu.memory_space<vmem>>) dst(%dma_wait3A_247 : memref<10008x64xf32, #tpu.memory_space<vmem_shared>>)
    %barrier3A_250 = arith.constant 0 : index
    tpu.barrier barrier_id(%barrier3A_250)
    %add3A_251 = arith.constant 0 : i32
    %add3A_252 = arith.addi %arg1, %add3A_251 : i32
    %lt3A_253 = arith.constant 50 : i32
    %lt3A_254 = arith.cmpi slt, %add3A_252, %lt3A_253 : i32
    %convert_element_type3A_255 = arith.extui %lt3A_254 : i1 to i32
    %cond3A_256 = arith.constant 0 : i32
    %cond3A_257 = arith.cmpi ne, %convert_element_type3A_255, %cond3A_256 : i32
    scf.if %cond3A_257 {
      %mul3A_279 = arith.constant 200 : i32
      %mul3A_280 = arith.muli %add3A_252, %mul3A_279 : i32
      "tpu.region"() ({
        %run_scoped3A = tpu.sem_alloc : memref<!tpu.dma_semaphore, #tpu.memory_space<semaphore_mem>>
        %dma_start3A_281 = arith.constant 0 : i32
        %dma_start3A_282 = tpu.memref_slice %arg12[%mul3A_280, %dma_start3A_281] : memref<10008x64xf32, #tpu.memory_space<vmem_shared>> -> memref<200x64xf32, #tpu.memory_space<vmem_shared>>
        %dma_start3A_283 = arith.constant 0 : i32
        %dma_start3A_284 = tpu.memref_slice %arg12[%mul3A_280, %dma_start3A_283] : memref<10008x64xf32, #tpu.memory_space<vmem_shared>> -> memref<200x64xf32, #tpu.memory_space<vmem_shared>>
        tpu.enqueue_dma source(%dma_start3A_284 : memref<200x64xf32, #tpu.memory_space<vmem_shared>>) target(%arg11 : memref<200x64xf32, #tpu.memory_space<vmem>>) target_semaphore(%run_scoped3A : memref<!tpu.dma_semaphore, #tpu.memory_space<semaphore_mem>>)
        %dma_wait3A_285 = arith.constant 0 : i32
        %dma_wait3A_286 = tpu.memref_slice %arg12[%mul3A_280, %dma_wait3A_285] : memref<10008x64xf32, #tpu.memory_space<vmem_shared>> -> memref<200x64xf32, #tpu.memory_space<vmem_shared>>
        %dma_wait3A_287 = arith.constant 0 : i32
        %dma_wait3A_288 = tpu.memref_slice %arg12[%mul3A_280, %dma_wait3A_287] : memref<10008x64xf32, #tpu.memory_space<vmem_shared>> -> memref<200x64xf32, #tpu.memory_space<vmem_shared>>
        tpu.wait_dma2 semaphore(%run_scoped3A : memref<!tpu.dma_semaphore, #tpu.memory_space<semaphore_mem>>) src(%dma_wait3A_288 : memref<200x64xf32, #tpu.memory_space<vmem_shared>>) dst(%arg11 : memref<200x64xf32, #tpu.memory_space<vmem>>)
        tpu.yield
      }) : () -> ()
      "tpu.region"() ({
        %run_scoped3A = tpu.sem_alloc : memref<!tpu.dma_semaphore, #tpu.memory_space<semaphore_mem>>
        %dma_start3A_281 = arith.constant 64 : i32
        %dma_start3A_282 = tpu.memref_slice %arg6[%arg0, %mul3A_280, %dma_start3A_281] : memref<2x10000x128xf32, #tpu.memory_space<hbm>> -> memref<1x200x64xf32, #tpu.memory_space<hbm>>
        %dma_start3A_283 = tpu.memref_squeeze %dma_start3A_282 : memref<1x200x64xf32, #tpu.memory_space<hbm>> -> memref<200x64xf32, #tpu.memory_space<hbm>>
        %dma_start3A_284 = arith.constant 64 : i32
        %dma_start3A_285 = tpu.memref_slice %arg6[%arg0, %mul3A_280, %dma_start3A_284] : memref<2x10000x128xf32, #tpu.memory_space<hbm>> -> memref<1x200x64xf32, #tpu.memory_space<hbm>>
        %dma_start3A_286 = tpu.memref_squeeze %dma_start3A_285 : memref<1x200x64xf32, #tpu.memory_space<hbm>> -> memref<200x64xf32, #tpu.memory_space<hbm>>
        tpu.enqueue_dma source(%arg11 : memref<200x64xf32, #tpu.memory_space<vmem>>) target(%dma_start3A_286 : memref<200x64xf32, #tpu.memory_space<hbm>>) target_semaphore(%run_scoped3A : memref<!tpu.dma_semaphore, #tpu.memory_space<semaphore_mem>>)
        %dma_wait3A_287 = arith.constant 64 : i32
        %dma_wait3A_288 = tpu.memref_slice %arg6[%arg0, %mul3A_280, %dma_wait3A_287] : memref<2x10000x128xf32, #tpu.memory_space<hbm>> -> memref<1x200x64xf32, #tpu.memory_space<hbm>>
        %dma_wait3A_289 = tpu.memref_squeeze %dma_wait3A_288 : memref<1x200x64xf32, #tpu.memory_space<hbm>> -> memref<200x64xf32, #tpu.memory_space<hbm>>
        %dma_wait3A_290 = arith.constant 64 : i32
        %dma_wait3A_291 = tpu.memref_slice %arg6[%arg0, %mul3A_280, %dma_wait3A_290] : memref<2x10000x128xf32, #tpu.memory_space<hbm>> -> memref<1x200x64xf32, #tpu.memory_space<hbm>>
        %dma_wait3A_292 = tpu.memref_squeeze %dma_wait3A_291 : memref<1x200x64xf32, #tpu.memory_space<hbm>> -> memref<200x64xf32, #tpu.memory_space<hbm>>
        tpu.wait_dma2 semaphore(%run_scoped3A : memref<!tpu.dma_semaphore, #tpu.memory_space<semaphore_mem>>) src(%arg11 : memref<200x64xf32, #tpu.memory_space<vmem>>) dst(%dma_wait3A_292 : memref<200x64xf32, #tpu.memory_space<hbm>>)
        tpu.yield
      }) : () -> ()
    } else {
    }
    %add3A_258 = arith.constant 16 : i32
    %add3A_259 = arith.addi %arg1, %add3A_258 : i32
    %lt3A_260 = arith.constant 50 : i32
    %lt3A_261 = arith.cmpi slt, %add3A_259, %lt3A_260 : i32
    %convert_element_type3A_262 = arith.extui %lt3A_261 : i1 to i32
    %cond3A_263 = arith.constant 0 : i32
    %cond3A_264 = arith.cmpi ne, %convert_element_type3A_262, %cond3A_263 : i32
    scf.if %cond3A_264 {
      %mul3A_279 = arith.constant 200 : i32
      %mul3A_280 = arith.muli %add3A_259, %mul3A_279 : i32
      "tpu.region"() ({
        %run_scoped3A = tpu.sem_alloc : memref<!tpu.dma_semaphore, #tpu.memory_space<semaphore_mem>>
        %dma_start3A_281 = arith.constant 0 : i32
        %dma_start3A_282 = tpu.memref_slice %arg12[%mul3A_280, %dma_start3A_281] : memref<10008x64xf32, #tpu.memory_space<vmem_shared>> -> memref<200x64xf32, #tpu.memory_space<vmem_shared>>
        %dma_start3A_283 = arith.constant 0 : i32
        %dma_start3A_284 = tpu.memref_slice %arg12[%mul3A_280, %dma_start3A_283] : memref<10008x64xf32, #tpu.memory_space<vmem_shared>> -> memref<200x64xf32, #tpu.memory_space<vmem_shared>>
        tpu.enqueue_dma source(%dma_start3A_284 : memref<200x64xf32, #tpu.memory_space<vmem_shared>>) target(%arg11 : memref<200x64xf32, #tpu.memory_space<vmem>>) target_semaphore(%run_scoped3A : memref<!tpu.dma_semaphore, #tpu.memory_space<semaphore_mem>>)
        %dma_wait3A_285 = arith.constant 0 : i32
        %dma_wait3A_286 = tpu.memref_slice %arg12[%mul3A_280, %dma_wait3A_285] : memref<10008x64xf32, #tpu.memory_space<vmem_shared>> -> memref<200x64xf32, #tpu.memory_space<vmem_shared>>
        %dma_wait3A_287 = arith.constant 0 : i32
        %dma_wait3A_288 = tpu.memref_slice %arg12[%mul3A_280, %dma_wait3A_287] : memref<10008x64xf32, #tpu.memory_space<vmem_shared>> -> memref<200x64xf32, #tpu.memory_space<vmem_shared>>
        tpu.wait_dma2 semaphore(%run_scoped3A : memref<!tpu.dma_semaphore, #tpu.memory_space<semaphore_mem>>) src(%dma_wait3A_288 : memref<200x64xf32, #tpu.memory_space<vmem_shared>>) dst(%arg11 : memref<200x64xf32, #tpu.memory_space<vmem>>)
        tpu.yield
      }) : () -> ()
      "tpu.region"() ({
        %run_scoped3A = tpu.sem_alloc : memref<!tpu.dma_semaphore, #tpu.memory_space<semaphore_mem>>
        %dma_start3A_281 = arith.constant 64 : i32
        %dma_start3A_282 = tpu.memref_slice %arg6[%arg0, %mul3A_280, %dma_start3A_281] : memref<2x10000x128xf32, #tpu.memory_space<hbm>> -> memref<1x200x64xf32, #tpu.memory_space<hbm>>
        %dma_start3A_283 = tpu.memref_squeeze %dma_start3A_282 : memref<1x200x64xf32, #tpu.memory_space<hbm>> -> memref<200x64xf32, #tpu.memory_space<hbm>>
        %dma_start3A_284 = arith.constant 64 : i32
        %dma_start3A_285 = tpu.memref_slice %arg6[%arg0, %mul3A_280, %dma_start3A_284] : memref<2x10000x128xf32, #tpu.memory_space<hbm>> -> memref<1x200x64xf32, #tpu.memory_space<hbm>>
        %dma_start3A_286 = tpu.memref_squeeze %dma_start3A_285 : memref<1x200x64xf32, #tpu.memory_space<hbm>> -> memref<200x64xf32, #tpu.memory_space<hbm>>
        tpu.enqueue_dma source(%arg11 : memref<200x64xf32, #tpu.memory_space<vmem>>) target(%dma_start3A_286 : memref<200x64xf32, #tpu.memory_space<hbm>>) target_semaphore(%run_scoped3A : memref<!tpu.dma_semaphore, #tpu.memory_space<semaphore_mem>>)
        %dma_wait3A_287 = arith.constant 64 : i32
        %dma_wait3A_288 = tpu.memref_slice %arg6[%arg0, %mul3A_280, %dma_wait3A_287] : memref<2x10000x128xf32, #tpu.memory_space<hbm>> -> memref<1x200x64xf32, #tpu.memory_space<hbm>>
        %dma_wait3A_289 = tpu.memref_squeeze %dma_wait3A_288 : memref<1x200x64xf32, #tpu.memory_space<hbm>> -> memref<200x64xf32, #tpu.memory_space<hbm>>
        %dma_wait3A_290 = arith.constant 64 : i32
        %dma_wait3A_291 = tpu.memref_slice %arg6[%arg0, %mul3A_280, %dma_wait3A_290] : memref<2x10000x128xf32, #tpu.memory_space<hbm>> -> memref<1x200x64xf32, #tpu.memory_space<hbm>>
        %dma_wait3A_292 = tpu.memref_squeeze %dma_wait3A_291 : memref<1x200x64xf32, #tpu.memory_space<hbm>> -> memref<200x64xf32, #tpu.memory_space<hbm>>
        tpu.wait_dma2 semaphore(%run_scoped3A : memref<!tpu.dma_semaphore, #tpu.memory_space<semaphore_mem>>) src(%arg11 : memref<200x64xf32, #tpu.memory_space<vmem>>) dst(%dma_wait3A_292 : memref<200x64xf32, #tpu.memory_space<hbm>>)
        tpu.yield
      }) : () -> ()
    } else {
    }
    %add3A_265 = arith.constant 32 : i32
    %add3A_266 = arith.addi %arg1, %add3A_265 : i32
    %lt3A_267 = arith.constant 50 : i32
    %lt3A_268 = arith.cmpi slt, %add3A_266, %lt3A_267 : i32
    %convert_element_type3A_269 = arith.extui %lt3A_268 : i1 to i32
    %cond3A_270 = arith.constant 0 : i32
    %cond3A_271 = arith.cmpi ne, %convert_element_type3A_269, %cond3A_270 : i32
    scf.if %cond3A_271 {
      %mul3A_279 = arith.constant 200 : i32
      %mul3A_280 = arith.muli %add3A_266, %mul3A_279 : i32
      "tpu.region"() ({
        %run_scoped3A = tpu.sem_alloc : memref<!tpu.dma_semaphore, #tpu.memory_space<semaphore_mem>>
        %dma_start3A_281 = arith.constant 0 : i32
        %dma_start3A_282 = tpu.memref_slice %arg12[%mul3A_280, %dma_start3A_281] : memref<10008x64xf32, #tpu.memory_space<vmem_shared>> -> memref<200x64xf32, #tpu.memory_space<vmem_shared>>
        %dma_start3A_283 = arith.constant 0 : i32
        %dma_start3A_284 = tpu.memref_slice %arg12[%mul3A_280, %dma_start3A_283] : memref<10008x64xf32, #tpu.memory_space<vmem_shared>> -> memref<200x64xf32, #tpu.memory_space<vmem_shared>>
        tpu.enqueue_dma source(%dma_start3A_284 : memref<200x64xf32, #tpu.memory_space<vmem_shared>>) target(%arg11 : memref<200x64xf32, #tpu.memory_space<vmem>>) target_semaphore(%run_scoped3A : memref<!tpu.dma_semaphore, #tpu.memory_space<semaphore_mem>>)
        %dma_wait3A_285 = arith.constant 0 : i32
        %dma_wait3A_286 = tpu.memref_slice %arg12[%mul3A_280, %dma_wait3A_285] : memref<10008x64xf32, #tpu.memory_space<vmem_shared>> -> memref<200x64xf32, #tpu.memory_space<vmem_shared>>
        %dma_wait3A_287 = arith.constant 0 : i32
        %dma_wait3A_288 = tpu.memref_slice %arg12[%mul3A_280, %dma_wait3A_287] : memref<10008x64xf32, #tpu.memory_space<vmem_shared>> -> memref<200x64xf32, #tpu.memory_space<vmem_shared>>
        tpu.wait_dma2 semaphore(%run_scoped3A : memref<!tpu.dma_semaphore, #tpu.memory_space<semaphore_mem>>) src(%dma_wait3A_288 : memref<200x64xf32, #tpu.memory_space<vmem_shared>>) dst(%arg11 : memref<200x64xf32, #tpu.memory_space<vmem>>)
        tpu.yield
      }) : () -> ()
      "tpu.region"() ({
        %run_scoped3A = tpu.sem_alloc : memref<!tpu.dma_semaphore, #tpu.memory_space<semaphore_mem>>
        %dma_start3A_281 = arith.constant 64 : i32
        %dma_start3A_282 = tpu.memref_slice %arg6[%arg0, %mul3A_280, %dma_start3A_281] : memref<2x10000x128xf32, #tpu.memory_space<hbm>> -> memref<1x200x64xf32, #tpu.memory_space<hbm>>
        %dma_start3A_283 = tpu.memref_squeeze %dma_start3A_282 : memref<1x200x64xf32, #tpu.memory_space<hbm>> -> memref<200x64xf32, #tpu.memory_space<hbm>>
        %dma_start3A_284 = arith.constant 64 : i32
        %dma_start3A_285 = tpu.memref_slice %arg6[%arg0, %mul3A_280, %dma_start3A_284] : memref<2x10000x128xf32, #tpu.memory_space<hbm>> -> memref<1x200x64xf32, #tpu.memory_space<hbm>>
        %dma_start3A_286 = tpu.memref_squeeze %dma_start3A_285 : memref<1x200x64xf32, #tpu.memory_space<hbm>> -> memref<200x64xf32, #tpu.memory_space<hbm>>
        tpu.enqueue_dma source(%arg11 : memref<200x64xf32, #tpu.memory_space<vmem>>) target(%dma_start3A_286 : memref<200x64xf32, #tpu.memory_space<hbm>>) target_semaphore(%run_scoped3A : memref<!tpu.dma_semaphore, #tpu.memory_space<semaphore_mem>>)
        %dma_wait3A_287 = arith.constant 64 : i32
        %dma_wait3A_288 = tpu.memref_slice %arg6[%arg0, %mul3A_280, %dma_wait3A_287] : memref<2x10000x128xf32, #tpu.memory_space<hbm>> -> memref<1x200x64xf32, #tpu.memory_space<hbm>>
        %dma_wait3A_289 = tpu.memref_squeeze %dma_wait3A_288 : memref<1x200x64xf32, #tpu.memory_space<hbm>> -> memref<200x64xf32, #tpu.memory_space<hbm>>
        %dma_wait3A_290 = arith.constant 64 : i32
        %dma_wait3A_291 = tpu.memref_slice %arg6[%arg0, %mul3A_280, %dma_wait3A_290] : memref<2x10000x128xf32, #tpu.memory_space<hbm>> -> memref<1x200x64xf32, #tpu.memory_space<hbm>>
        %dma_wait3A_292 = tpu.memref_squeeze %dma_wait3A_291 : memref<1x200x64xf32, #tpu.memory_space<hbm>> -> memref<200x64xf32, #tpu.memory_space<hbm>>
        tpu.wait_dma2 semaphore(%run_scoped3A : memref<!tpu.dma_semaphore, #tpu.memory_space<semaphore_mem>>) src(%arg11 : memref<200x64xf32, #tpu.memory_space<vmem>>) dst(%dma_wait3A_292 : memref<200x64xf32, #tpu.memory_space<hbm>>)
        tpu.yield
      }) : () -> ()
    } else {
    }
    %add3A_272 = arith.constant 48 : i32
    %add3A_273 = arith.addi %arg1, %add3A_272 : i32
    %lt3A_274 = arith.constant 50 : i32
    %lt3A_275 = arith.cmpi slt, %add3A_273, %lt3A_274 : i32
    %convert_element_type3A_276 = arith.extui %lt3A_275 : i1 to i32
    %cond3A_277 = arith.constant 0 : i32
    %cond3A_278 = arith.cmpi ne, %convert_element_type3A_276, %cond3A_277 : i32
    scf.if %cond3A_278 {
      %mul3A_279 = arith.constant 200 : i32
      %mul3A_280 = arith.muli %add3A_273, %mul3A_279 : i32
      "tpu.region"() ({
        %run_scoped3A = tpu.sem_alloc : memref<!tpu.dma_semaphore, #tpu.memory_space<semaphore_mem>>
        %dma_start3A_281 = arith.constant 0 : i32
        %dma_start3A_282 = tpu.memref_slice %arg12[%mul3A_280, %dma_start3A_281] : memref<10008x64xf32, #tpu.memory_space<vmem_shared>> -> memref<200x64xf32, #tpu.memory_space<vmem_shared>>
        %dma_start3A_283 = arith.constant 0 : i32
        %dma_start3A_284 = tpu.memref_slice %arg12[%mul3A_280, %dma_start3A_283] : memref<10008x64xf32, #tpu.memory_space<vmem_shared>> -> memref<200x64xf32, #tpu.memory_space<vmem_shared>>
        tpu.enqueue_dma source(%dma_start3A_284 : memref<200x64xf32, #tpu.memory_space<vmem_shared>>) target(%arg11 : memref<200x64xf32, #tpu.memory_space<vmem>>) target_semaphore(%run_scoped3A : memref<!tpu.dma_semaphore, #tpu.memory_space<semaphore_mem>>)
        %dma_wait3A_285 = arith.constant 0 : i32
        %dma_wait3A_286 = tpu.memref_slice %arg12[%mul3A_280, %dma_wait3A_285] : memref<10008x64xf32, #tpu.memory_space<vmem_shared>> -> memref<200x64xf32, #tpu.memory_space<vmem_shared>>
        %dma_wait3A_287 = arith.constant 0 : i32
        %dma_wait3A_288 = tpu.memref_slice %arg12[%mul3A_280, %dma_wait3A_287] : memref<10008x64xf32, #tpu.memory_space<vmem_shared>> -> memref<200x64xf32, #tpu.memory_space<vmem_shared>>
        tpu.wait_dma2 semaphore(%run_scoped3A : memref<!tpu.dma_semaphore, #tpu.memory_space<semaphore_mem>>) src(%dma_wait3A_288 : memref<200x64xf32, #tpu.memory_space<vmem_shared>>) dst(%arg11 : memref<200x64xf32, #tpu.memory_space<vmem>>)
        tpu.yield
      }) : () -> ()
      "tpu.region"() ({
        %run_scoped3A = tpu.sem_alloc : memref<!tpu.dma_semaphore, #tpu.memory_space<semaphore_mem>>
        %dma_start3A_281 = arith.constant 64 : i32
        %dma_start3A_282 = tpu.memref_slice %arg6[%arg0, %mul3A_280, %dma_start3A_281] : memref<2x10000x128xf32, #tpu.memory_space<hbm>> -> memref<1x200x64xf32, #tpu.memory_space<hbm>>
        %dma_start3A_283 = tpu.memref_squeeze %dma_start3A_282 : memref<1x200x64xf32, #tpu.memory_space<hbm>> -> memref<200x64xf32, #tpu.memory_space<hbm>>
        %dma_start3A_284 = arith.constant 64 : i32
        %dma_start3A_285 = tpu.memref_slice %arg6[%arg0, %mul3A_280, %dma_start3A_284] : memref<2x10000x128xf32, #tpu.memory_space<hbm>> -> memref<1x200x64xf32, #tpu.memory_space<hbm>>
        %dma_start3A_286 = tpu.memref_squeeze %dma_start3A_285 : memref<1x200x64xf32, #tpu.memory_space<hbm>> -> memref<200x64xf32, #tpu.memory_space<hbm>>
        tpu.enqueue_dma source(%arg11 : memref<200x64xf32, #tpu.memory_space<vmem>>) target(%dma_start3A_286 : memref<200x64xf32, #tpu.memory_space<hbm>>) target_semaphore(%run_scoped3A : memref<!tpu.dma_semaphore, #tpu.memory_space<semaphore_mem>>)
        %dma_wait3A_287 = arith.constant 64 : i32
        %dma_wait3A_288 = tpu.memref_slice %arg6[%arg0, %mul3A_280, %dma_wait3A_287] : memref<2x10000x128xf32, #tpu.memory_space<hbm>> -> memref<1x200x64xf32, #tpu.memory_space<hbm>>
        %dma_wait3A_289 = tpu.memref_squeeze %dma_wait3A_288 : memref<1x200x64xf32, #tpu.memory_space<hbm>> -> memref<200x64xf32, #tpu.memory_space<hbm>>
        %dma_wait3A_290 = arith.constant 64 : i32
        %dma_wait3A_291 = tpu.memref_slice %arg6[%arg0, %mul3A_280, %dma_wait3A_290] : memref<2x10000x128xf32, #tpu.memory_space<hbm>> -> memref<1x200x64xf32, #tpu.memory_space<hbm>>
        %dma_wait3A_292 = tpu.memref_squeeze %dma_wait3A_291 : memref<1x200x64xf32, #tpu.memory_space<hbm>> -> memref<200x64xf32, #tpu.memory_space<hbm>>
        tpu.wait_dma2 semaphore(%run_scoped3A : memref<!tpu.dma_semaphore, #tpu.memory_space<semaphore_mem>>) src(%arg11 : memref<200x64xf32, #tpu.memory_space<vmem>>) dst(%dma_wait3A_292 : memref<200x64xf32, #tpu.memory_space<hbm>>)
        tpu.yield
      }) : () -> ()
    } else {
    }
    return
  }
}

#map = affine_map<(d0, d1) -> (0, 0)>
#map1 = affine_map<(d0, d1) -> (0, 0, 0)>
module attributes {stable_mosaic.version = 14 : i64} {
  func.func @seg(%arg0: i32, %arg1: i32, %arg2: memref<10000x64xf32, #tpu.memory_space<hbm>>, %arg3: memref<10000x64xf32, #tpu.memory_space<hbm>>, %arg4: memref<32x80x125xi32, #tpu.memory_space<hbm>>, %arg5: memref<32x80x125xi32, #tpu.memory_space<hbm>>, %arg6: memref<2x10000x128xf32, #tpu.memory_space<hbm>>, %arg7: memref<80x125xi32, #tpu.memory_space<vmem>>, %arg8: memref<80x125xi32, #tpu.memory_space<vmem>>, %arg9: memref<5x125x64xf32, #tpu.memory_space<vmem>>, %arg10: memref<200x64xf32, #tpu.memory_space<vmem>>, %arg11: memref<200x64xf32, #tpu.memory_space<vmem>>, %arg12: memref<10008x64xf32, #tpu.memory_space<vmem_shared>>, %arg13: memref<5x!tpu.dma_semaphore, #tpu.memory_space<semaphore_mem>>, %arg14: memref<5x!tpu.dma_semaphore, #tpu.memory_space<semaphore_mem>>) attributes {dimension_semantics = [#tpu.dimension_semantics<core_parallel>, #tpu.dimension_semantics<subcore_parallel>], iteration_bounds = array<i64: 2, 16>, scalar_prefetch = 0 : i64, scratch_operands = 8 : i64, tpu.core_type = #tpu.core_type<sc_vector_subcore>, window_params = [{transform_indices = #map}, {transform_indices = #map}, {transform_indices = #map1}, {transform_indices = #map1}, {transform_indices = #map1}]} {
    %mul3A = arith.constant 2 : i32
    %mul3A_0 = arith.muli %arg1, %mul3A : i32
    %add3A = arith.addi %mul3A_0, %arg0 : i32
    %broadcast_in_dim3A = arith.constant 0.000000e+00 : f32
    %broadcast_in_dim3A_1 = vector.broadcast %broadcast_in_dim3A : f32 to vector<16xf32>
    "tpu.region"() ({
      %run_scoped3A = tpu.sem_alloc : memref<!tpu.dma_semaphore, #tpu.memory_space<semaphore_mem>>
      %dma_start3A_279 = arith.constant 0 : i32
      %dma_start3A_280 = arith.constant 0 : i32
      %dma_start3A_281 = tpu.memref_slice %arg4[%add3A, %dma_start3A_279, %dma_start3A_280] : memref<32x80x125xi32, #tpu.memory_space<hbm>> -> memref<1x80x125xi32, #tpu.memory_space<hbm>>
      %dma_start3A_282 = tpu.memref_squeeze %dma_start3A_281 : memref<1x80x125xi32, #tpu.memory_space<hbm>> -> memref<80x125xi32, #tpu.memory_space<hbm>>
      %dma_start3A_283 = arith.constant 0 : i32
      %dma_start3A_284 = arith.constant 0 : i32
      %dma_start3A_285 = tpu.memref_slice %arg4[%add3A, %dma_start3A_283, %dma_start3A_284] : memref<32x80x125xi32, #tpu.memory_space<hbm>> -> memref<1x80x125xi32, #tpu.memory_space<hbm>>
      %dma_start3A_286 = tpu.memref_squeeze %dma_start3A_285 : memref<1x80x125xi32, #tpu.memory_space<hbm>> -> memref<80x125xi32, #tpu.memory_space<hbm>>
      tpu.enqueue_dma source(%dma_start3A_286 : memref<80x125xi32, #tpu.memory_space<hbm>>) target(%arg7 : memref<80x125xi32, #tpu.memory_space<vmem>>) target_semaphore(%run_scoped3A : memref<!tpu.dma_semaphore, #tpu.memory_space<semaphore_mem>>)
      %dma_wait3A_287 = arith.constant 0 : i32
      %dma_wait3A_288 = arith.constant 0 : i32
      %dma_wait3A_289 = tpu.memref_slice %arg4[%add3A, %dma_wait3A_287, %dma_wait3A_288] : memref<32x80x125xi32, #tpu.memory_space<hbm>> -> memref<1x80x125xi32, #tpu.memory_space<hbm>>
      %dma_wait3A_290 = tpu.memref_squeeze %dma_wait3A_289 : memref<1x80x125xi32, #tpu.memory_space<hbm>> -> memref<80x125xi32, #tpu.memory_space<hbm>>
      %dma_wait3A_291 = arith.constant 0 : i32
      %dma_wait3A_292 = arith.constant 0 : i32
      %dma_wait3A_293 = tpu.memref_slice %arg4[%add3A, %dma_wait3A_291, %dma_wait3A_292] : memref<32x80x125xi32, #tpu.memory_space<hbm>> -> memref<1x80x125xi32, #tpu.memory_space<hbm>>
      %dma_wait3A_294 = tpu.memref_squeeze %dma_wait3A_293 : memref<1x80x125xi32, #tpu.memory_space<hbm>> -> memref<80x125xi32, #tpu.memory_space<hbm>>
      tpu.wait_dma2 semaphore(%run_scoped3A : memref<!tpu.dma_semaphore, #tpu.memory_space<semaphore_mem>>) src(%dma_wait3A_294 : memref<80x125xi32, #tpu.memory_space<hbm>>) dst(%arg7 : memref<80x125xi32, #tpu.memory_space<vmem>>)
      tpu.yield
    }) : () -> ()
    "tpu.region"() ({
      %run_scoped3A = tpu.sem_alloc : memref<!tpu.dma_semaphore, #tpu.memory_space<semaphore_mem>>
      %dma_start3A_279 = arith.constant 0 : i32
      %dma_start3A_280 = arith.constant 0 : i32
      %dma_start3A_281 = tpu.memref_slice %arg5[%add3A, %dma_start3A_279, %dma_start3A_280] : memref<32x80x125xi32, #tpu.memory_space<hbm>> -> memref<1x80x125xi32, #tpu.memory_space<hbm>>
      %dma_start3A_282 = tpu.memref_squeeze %dma_start3A_281 : memref<1x80x125xi32, #tpu.memory_space<hbm>> -> memref<80x125xi32, #tpu.memory_space<hbm>>
      %dma_start3A_283 = arith.constant 0 : i32
      %dma_start3A_284 = arith.constant 0 : i32
      %dma_start3A_285 = tpu.memref_slice %arg5[%add3A, %dma_start3A_283, %dma_start3A_284] : memref<32x80x125xi32, #tpu.memory_space<hbm>> -> memref<1x80x125xi32, #tpu.memory_space<hbm>>
      %dma_start3A_286 = tpu.memref_squeeze %dma_start3A_285 : memref<1x80x125xi32, #tpu.memory_space<hbm>> -> memref<80x125xi32, #tpu.memory_space<hbm>>
      tpu.enqueue_dma source(%dma_start3A_286 : memref<80x125xi32, #tpu.memory_space<hbm>>) target(%arg8 : memref<80x125xi32, #tpu.memory_space<vmem>>) target_semaphore(%run_scoped3A : memref<!tpu.dma_semaphore, #tpu.memory_space<semaphore_mem>>)
      %dma_wait3A_287 = arith.constant 0 : i32
      %dma_wait3A_288 = arith.constant 0 : i32
      %dma_wait3A_289 = tpu.memref_slice %arg5[%add3A, %dma_wait3A_287, %dma_wait3A_288] : memref<32x80x125xi32, #tpu.memory_space<hbm>> -> memref<1x80x125xi32, #tpu.memory_space<hbm>>
      %dma_wait3A_290 = tpu.memref_squeeze %dma_wait3A_289 : memref<1x80x125xi32, #tpu.memory_space<hbm>> -> memref<80x125xi32, #tpu.memory_space<hbm>>
      %dma_wait3A_291 = arith.constant 0 : i32
      %dma_wait3A_292 = arith.constant 0 : i32
      %dma_wait3A_293 = tpu.memref_slice %arg5[%add3A, %dma_wait3A_291, %dma_wait3A_292] : memref<32x80x125xi32, #tpu.memory_space<hbm>> -> memref<1x80x125xi32, #tpu.memory_space<hbm>>
      %dma_wait3A_294 = tpu.memref_squeeze %dma_wait3A_293 : memref<1x80x125xi32, #tpu.memory_space<hbm>> -> memref<80x125xi32, #tpu.memory_space<hbm>>
      tpu.wait_dma2 semaphore(%run_scoped3A : memref<!tpu.dma_semaphore, #tpu.memory_space<semaphore_mem>>) src(%dma_wait3A_294 : memref<80x125xi32, #tpu.memory_space<hbm>>) dst(%arg8 : memref<80x125xi32, #tpu.memory_space<vmem>>)
      tpu.yield
    }) : () -> ()
    %scan3A = arith.constant 0 : i32
    %scan3A_2 = arith.constant 0 : i32
    %scan3A_3 = arith.constant 800 : i32
    %scan3A_4 = arith.addi %scan3A_2, %scan3A_3 : i32
    %scan3A_5 = arith.constant 1 : i32
    scf.for %scan3A_279 = %scan3A_2 to %scan3A_4 step %scan3A_5  : i32 {
      %jit3A = arith.constant 4 : i32
      %div3A = arith.divsi %scan3A_279, %jit3A : i32
      %sign3A = arith.constant 0 : i32
      %sign3A_280 = arith.cmpi sgt, %scan3A_279, %sign3A : i32
      %sign3A_281 = arith.extui %sign3A_280 : i1 to i32
      %sign3A_282 = arith.constant 0 : i32
      %sign3A_283 = arith.cmpi slt, %scan3A_279, %sign3A_282 : i32
      %sign3A_284 = arith.extui %sign3A_283 : i1 to i32
      %sign3A_285 = arith.subi %sign3A_281, %sign3A_284 : i32
      %sign3A_286 = arith.constant 0 : i32
      %sign3A_287 = arith.cmpi sgt, %jit3A, %sign3A_286 : i32
      %sign3A_288 = arith.extui %sign3A_287 : i1 to i32
      %sign3A_289 = arith.constant 0 : i32
      %sign3A_290 = arith.cmpi slt, %jit3A, %sign3A_289 : i32
      %sign3A_291 = arith.extui %sign3A_290 : i1 to i32
      %sign3A_292 = arith.subi %sign3A_288, %sign3A_291 : i32
      %ne3A = arith.cmpi ne, %sign3A_285, %sign3A_292 : i32
      %rem3A = arith.remsi %scan3A_279, %jit3A : i32
      %ne3A_293 = arith.constant 0 : i32
      %ne3A_294 = arith.cmpi ne, %rem3A, %ne3A_293 : i32
      %and3A = arith.andi %ne3A, %ne3A_294 : i1
      %sub3A = arith.constant 1 : i32
      %sub3A_295 = arith.subi %div3A, %sub3A : i32
      %select_n3A = arith.select %and3A, %sub3A_295, %div3A : i32
      %jit3A_296 = arith.constant 4 : i32
      %eq3A = arith.constant 0 : i32
      %eq3A_297 = arith.cmpi eq, %jit3A_296, %eq3A : i32
      %jit3A_298 = arith.constant 1 : i32
      %select_n3A_299 = arith.select %eq3A_297, %jit3A_298, %jit3A_296 : i32
      %rem3A_300 = arith.remsi %scan3A_279, %select_n3A_299 : i32
      %ne3A_301 = arith.constant 0 : i32
      %ne3A_302 = arith.cmpi ne, %rem3A_300, %ne3A_301 : i32
      %lt3A_303 = arith.constant 0 : i32
      %lt3A_304 = arith.cmpi slt, %rem3A_300, %lt3A_303 : i32
      %lt3A_305 = arith.constant 0 : i32
      %lt3A_306 = arith.cmpi slt, %select_n3A_299, %lt3A_305 : i32
      %ne3A_307 = arith.xori %lt3A_304, %lt3A_306 : i1
      %and3A_308 = arith.andi %ne3A_307, %ne3A_302 : i1
      %add3A_309 = arith.addi %rem3A_300, %select_n3A_299 : i32
      %select_n3A_310 = arith.select %and3A_308, %add3A_309, %rem3A_300 : i32
      %mul3A_311 = arith.constant 16 : i32
      %mul3A_312 = arith.muli %select_n3A_310, %mul3A_311 : i32
      %swap3A = arith.index_cast %select_n3A : i32 to index
      %swap3A_313 = arith.index_cast %mul3A_312 : i32 to index
      %swap3A_314 = tpu.vector_load %arg10[%swap3A, %swap3A_313] {strides = array<i32>} : memref<200x64xf32, #tpu.memory_space<vmem>>, vector<1x16xf32>,
      %swap3A_315 = vector.shape_cast %swap3A_314 : vector<1x16xf32> to vector<16xf32>
      %swap3A_316 = vector.shape_cast %broadcast_in_dim3A_1 : vector<16xf32> to vector<1x16xf32>
      tpu.vector_store %arg10[%swap3A, %swap3A_313], %swap3A_316 {strides = array<i32>} : memref<200x64xf32, #tpu.memory_space<vmem>>, vector<1x16xf32>,
    }
    %scan3A_6 = arith.constant 800 : i32
    %add3A_7 = arith.constant 0 : i32
    %add3A_8 = arith.addi %arg1, %add3A_7 : i32
    %lt3A = arith.constant 50 : i32
    %lt3A_9 = arith.cmpi slt, %add3A_8, %lt3A : i32
    %convert_element_type3A = arith.extui %lt3A_9 : i1 to i32
    %cond3A = arith.constant 0 : i32
    %cond3A_10 = arith.cmpi ne, %convert_element_type3A, %cond3A : i32
    scf.if %cond3A_10 {
      %mul3A_279 = arith.constant 200 : i32
      %mul3A_280 = arith.muli %add3A_8, %mul3A_279 : i32
      "tpu.region"() ({
        %run_scoped3A = tpu.sem_alloc : memref<!tpu.dma_semaphore, #tpu.memory_space<semaphore_mem>>
        %dma_start3A_281 = arith.constant 0 : i32
        %dma_start3A_282 = tpu.memref_slice %arg12[%mul3A_280, %dma_start3A_281] : memref<10008x64xf32, #tpu.memory_space<vmem_shared>> -> memref<200x64xf32, #tpu.memory_space<vmem_shared>>
        %dma_start3A_283 = arith.constant 0 : i32
        %dma_start3A_284 = tpu.memref_slice %arg12[%mul3A_280, %dma_start3A_283] : memref<10008x64xf32, #tpu.memory_space<vmem_shared>> -> memref<200x64xf32, #tpu.memory_space<vmem_shared>>
        tpu.enqueue_dma source(%arg10 : memref<200x64xf32, #tpu.memory_space<vmem>>) target(%dma_start3A_284 : memref<200x64xf32, #tpu.memory_space<vmem_shared>>) target_semaphore(%run_scoped3A : memref<!tpu.dma_semaphore, #tpu.memory_space<semaphore_mem>>)
        %dma_wait3A_285 = arith.constant 0 : i32
        %dma_wait3A_286 = tpu.memref_slice %arg12[%mul3A_280, %dma_wait3A_285] : memref<10008x64xf32, #tpu.memory_space<vmem_shared>> -> memref<200x64xf32, #tpu.memory_space<vmem_shared>>
        %dma_wait3A_287 = arith.constant 0 : i32
        %dma_wait3A_288 = tpu.memref_slice %arg12[%mul3A_280, %dma_wait3A_287] : memref<10008x64xf32, #tpu.memory_space<vmem_shared>> -> memref<200x64xf32, #tpu.memory_space<vmem_shared>>
        tpu.wait_dma2 semaphore(%run_scoped3A : memref<!tpu.dma_semaphore, #tpu.memory_space<semaphore_mem>>) src(%arg10 : memref<200x64xf32, #tpu.memory_space<vmem>>) dst(%dma_wait3A_288 : memref<200x64xf32, #tpu.memory_space<vmem_shared>>)
        tpu.yield
      }) : () -> ()
    } else {
    }
    %add3A_11 = arith.constant 16 : i32
    %add3A_12 = arith.addi %arg1, %add3A_11 : i32
    %lt3A_13 = arith.constant 50 : i32
    %lt3A_14 = arith.cmpi slt, %add3A_12, %lt3A_13 : i32
    %convert_element_type3A_15 = arith.extui %lt3A_14 : i1 to i32
    %cond3A_16 = arith.constant 0 : i32
    %cond3A_17 = arith.cmpi ne, %convert_element_type3A_15, %cond3A_16 : i32
    scf.if %cond3A_17 {
      %mul3A_279 = arith.constant 200 : i32
      %mul3A_280 = arith.muli %add3A_12, %mul3A_279 : i32
      "tpu.region"() ({
        %run_scoped3A = tpu.sem_alloc : memref<!tpu.dma_semaphore, #tpu.memory_space<semaphore_mem>>
        %dma_start3A_281 = arith.constant 0 : i32
        %dma_start3A_282 = tpu.memref_slice %arg12[%mul3A_280, %dma_start3A_281] : memref<10008x64xf32, #tpu.memory_space<vmem_shared>> -> memref<200x64xf32, #tpu.memory_space<vmem_shared>>
        %dma_start3A_283 = arith.constant 0 : i32
        %dma_start3A_284 = tpu.memref_slice %arg12[%mul3A_280, %dma_start3A_283] : memref<10008x64xf32, #tpu.memory_space<vmem_shared>> -> memref<200x64xf32, #tpu.memory_space<vmem_shared>>
        tpu.enqueue_dma source(%arg10 : memref<200x64xf32, #tpu.memory_space<vmem>>) target(%dma_start3A_284 : memref<200x64xf32, #tpu.memory_space<vmem_shared>>) target_semaphore(%run_scoped3A : memref<!tpu.dma_semaphore, #tpu.memory_space<semaphore_mem>>)
        %dma_wait3A_285 = arith.constant 0 : i32
        %dma_wait3A_286 = tpu.memref_slice %arg12[%mul3A_280, %dma_wait3A_285] : memref<10008x64xf32, #tpu.memory_space<vmem_shared>> -> memref<200x64xf32, #tpu.memory_space<vmem_shared>>
        %dma_wait3A_287 = arith.constant 0 : i32
        %dma_wait3A_288 = tpu.memref_slice %arg12[%mul3A_280, %dma_wait3A_287] : memref<10008x64xf32, #tpu.memory_space<vmem_shared>> -> memref<200x64xf32, #tpu.memory_space<vmem_shared>>
        tpu.wait_dma2 semaphore(%run_scoped3A : memref<!tpu.dma_semaphore, #tpu.memory_space<semaphore_mem>>) src(%arg10 : memref<200x64xf32, #tpu.memory_space<vmem>>) dst(%dma_wait3A_288 : memref<200x64xf32, #tpu.memory_space<vmem_shared>>)
        tpu.yield
      }) : () -> ()
    } else {
    }
    %add3A_18 = arith.constant 32 : i32
    %add3A_19 = arith.addi %arg1, %add3A_18 : i32
    %lt3A_20 = arith.constant 50 : i32
    %lt3A_21 = arith.cmpi slt, %add3A_19, %lt3A_20 : i32
    %convert_element_type3A_22 = arith.extui %lt3A_21 : i1 to i32
    %cond3A_23 = arith.constant 0 : i32
    %cond3A_24 = arith.cmpi ne, %convert_element_type3A_22, %cond3A_23 : i32
    scf.if %cond3A_24 {
      %mul3A_279 = arith.constant 200 : i32
      %mul3A_280 = arith.muli %add3A_19, %mul3A_279 : i32
      "tpu.region"() ({
        %run_scoped3A = tpu.sem_alloc : memref<!tpu.dma_semaphore, #tpu.memory_space<semaphore_mem>>
        %dma_start3A_281 = arith.constant 0 : i32
        %dma_start3A_282 = tpu.memref_slice %arg12[%mul3A_280, %dma_start3A_281] : memref<10008x64xf32, #tpu.memory_space<vmem_shared>> -> memref<200x64xf32, #tpu.memory_space<vmem_shared>>
        %dma_start3A_283 = arith.constant 0 : i32
        %dma_start3A_284 = tpu.memref_slice %arg12[%mul3A_280, %dma_start3A_283] : memref<10008x64xf32, #tpu.memory_space<vmem_shared>> -> memref<200x64xf32, #tpu.memory_space<vmem_shared>>
        tpu.enqueue_dma source(%arg10 : memref<200x64xf32, #tpu.memory_space<vmem>>) target(%dma_start3A_284 : memref<200x64xf32, #tpu.memory_space<vmem_shared>>) target_semaphore(%run_scoped3A : memref<!tpu.dma_semaphore, #tpu.memory_space<semaphore_mem>>)
        %dma_wait3A_285 = arith.constant 0 : i32
        %dma_wait3A_286 = tpu.memref_slice %arg12[%mul3A_280, %dma_wait3A_285] : memref<10008x64xf32, #tpu.memory_space<vmem_shared>> -> memref<200x64xf32, #tpu.memory_space<vmem_shared>>
        %dma_wait3A_287 = arith.constant 0 : i32
        %dma_wait3A_288 = tpu.memref_slice %arg12[%mul3A_280, %dma_wait3A_287] : memref<10008x64xf32, #tpu.memory_space<vmem_shared>> -> memref<200x64xf32, #tpu.memory_space<vmem_shared>>
        tpu.wait_dma2 semaphore(%run_scoped3A : memref<!tpu.dma_semaphore, #tpu.memory_space<semaphore_mem>>) src(%arg10 : memref<200x64xf32, #tpu.memory_space<vmem>>) dst(%dma_wait3A_288 : memref<200x64xf32, #tpu.memory_space<vmem_shared>>)
        tpu.yield
      }) : () -> ()
    } else {
    }
    %add3A_25 = arith.constant 48 : i32
    %add3A_26 = arith.addi %arg1, %add3A_25 : i32
    %lt3A_27 = arith.constant 50 : i32
    %lt3A_28 = arith.cmpi slt, %add3A_26, %lt3A_27 : i32
    %convert_element_type3A_29 = arith.extui %lt3A_28 : i1 to i32
    %cond3A_30 = arith.constant 0 : i32
    %cond3A_31 = arith.cmpi ne, %convert_element_type3A_29, %cond3A_30 : i32
    scf.if %cond3A_31 {
      %mul3A_279 = arith.constant 200 : i32
      %mul3A_280 = arith.muli %add3A_26, %mul3A_279 : i32
      "tpu.region"() ({
        %run_scoped3A = tpu.sem_alloc : memref<!tpu.dma_semaphore, #tpu.memory_space<semaphore_mem>>
        %dma_start3A_281 = arith.constant 0 : i32
        %dma_start3A_282 = tpu.memref_slice %arg12[%mul3A_280, %dma_start3A_281] : memref<10008x64xf32, #tpu.memory_space<vmem_shared>> -> memref<200x64xf32, #tpu.memory_space<vmem_shared>>
        %dma_start3A_283 = arith.constant 0 : i32
        %dma_start3A_284 = tpu.memref_slice %arg12[%mul3A_280, %dma_start3A_283] : memref<10008x64xf32, #tpu.memory_space<vmem_shared>> -> memref<200x64xf32, #tpu.memory_space<vmem_shared>>
        tpu.enqueue_dma source(%arg10 : memref<200x64xf32, #tpu.memory_space<vmem>>) target(%dma_start3A_284 : memref<200x64xf32, #tpu.memory_space<vmem_shared>>) target_semaphore(%run_scoped3A : memref<!tpu.dma_semaphore, #tpu.memory_space<semaphore_mem>>)
        %dma_wait3A_285 = arith.constant 0 : i32
        %dma_wait3A_286 = tpu.memref_slice %arg12[%mul3A_280, %dma_wait3A_285] : memref<10008x64xf32, #tpu.memory_space<vmem_shared>> -> memref<200x64xf32, #tpu.memory_space<vmem_shared>>
        %dma_wait3A_287 = arith.constant 0 : i32
        %dma_wait3A_288 = tpu.memref_slice %arg12[%mul3A_280, %dma_wait3A_287] : memref<10008x64xf32, #tpu.memory_space<vmem_shared>> -> memref<200x64xf32, #tpu.memory_space<vmem_shared>>
        tpu.wait_dma2 semaphore(%run_scoped3A : memref<!tpu.dma_semaphore, #tpu.memory_space<semaphore_mem>>) src(%arg10 : memref<200x64xf32, #tpu.memory_space<vmem>>) dst(%dma_wait3A_288 : memref<200x64xf32, #tpu.memory_space<vmem_shared>>)
        tpu.yield
      }) : () -> ()
    } else {
    }
    %barrier3A = arith.constant 0 : index
    tpu.barrier barrier_id(%barrier3A)
    %dma_start3A = arith.constant 0 : i32
    %dma_start3A_32 = arith.constant 0 : i32
    %dma_start3A_33 = arith.constant 0 : i32
    %dma_start3A_34 = arith.constant 0 : i32
    %dma_start3A_35 = arith.constant 0 : i32
    %dma_start3A_36 = tpu.memref_slice %arg9[%dma_start3A_32, %dma_start3A_34, %dma_start3A_35] : memref<5x125x64xf32, #tpu.memory_space<vmem>> -> memref<1x125x64xf32, #tpu.memory_space<vmem>>
    %dma_start3A_37 = tpu.memref_squeeze %dma_start3A_36 : memref<1x125x64xf32, #tpu.memory_space<vmem>> -> memref<125x64xf32, #tpu.memory_space<vmem>>
    %dma_start3A_38 = arith.constant 0 : i32
    %dma_start3A_39 = tpu.memref_slice %arg7[%dma_start3A, %dma_start3A_38] : memref<80x125xi32, #tpu.memory_space<vmem>> -> memref<1x125xi32, #tpu.memory_space<vmem>>
    %dma_start3A_40 = tpu.memref_squeeze %dma_start3A_39 : memref<1x125xi32, #tpu.memory_space<vmem>> -> memref<125xi32, #tpu.memory_space<vmem>>
    %dma_start3A_41 = arith.constant 0 : i32
    %dma_start3A_42 = arith.constant 0 : i32
    %dma_start3A_43 = tpu.memref_slice %arg2[%dma_start3A_41, %dma_start3A_42] : memref<10000x64xf32, #tpu.memory_space<hbm>> -> memref<10000x64xf32, #tpu.memory_space<hbm>>
    %dma_start3A_44 = tpu.memref_slice %arg13[%dma_start3A_33] : memref<5x!tpu.dma_semaphore, #tpu.memory_space<semaphore_mem>> -> memref<1x!tpu.dma_semaphore, #tpu.memory_space<semaphore_mem>>
    %dma_start3A_45 = tpu.memref_squeeze %dma_start3A_44 : memref<1x!tpu.dma_semaphore, #tpu.memory_space<semaphore_mem>> -> memref<!tpu.dma_semaphore, #tpu.memory_space<semaphore_mem>>
    tpu.enqueue_indirect_dma source(%dma_start3A_43 : memref<10000x64xf32, #tpu.memory_space<hbm>>) target(%dma_start3A_37 : memref<125x64xf32, #tpu.memory_space<vmem>>) offsets(%dma_start3A_40 : memref<125xi32, #tpu.memory_space<vmem>>) semaphore(%dma_start3A_45 : memref<!tpu.dma_semaphore, #tpu.memory_space<semaphore_mem>>)
    %dma_start3A_46 = arith.constant 1 : i32
    %dma_start3A_47 = arith.constant 1 : i32
    %dma_start3A_48 = arith.constant 1 : i32
    %dma_start3A_49 = arith.constant 0 : i32
    %dma_start3A_50 = arith.constant 0 : i32
    %dma_start3A_51 = tpu.memref_slice %arg9[%dma_start3A_47, %dma_start3A_49, %dma_start3A_50] : memref<5x125x64xf32, #tpu.memory_space<vmem>> -> memref<1x125x64xf32, #tpu.memory_space<vmem>>
    %dma_start3A_52 = tpu.memref_squeeze %dma_start3A_51 : memref<1x125x64xf32, #tpu.memory_space<vmem>> -> memref<125x64xf32, #tpu.memory_space<vmem>>
    %dma_start3A_53 = arith.constant 0 : i32
    %dma_start3A_54 = tpu.memref_slice %arg7[%dma_start3A_46, %dma_start3A_53] : memref<80x125xi32, #tpu.memory_space<vmem>> -> memref<1x125xi32, #tpu.memory_space<vmem>>
    %dma_start3A_55 = tpu.memref_squeeze %dma_start3A_54 : memref<1x125xi32, #tpu.memory_space<vmem>> -> memref<125xi32, #tpu.memory_space<vmem>>
    %dma_start3A_56 = arith.constant 0 : i32
    %dma_start3A_57 = arith.constant 0 : i32
    %dma_start3A_58 = tpu.memref_slice %arg2[%dma_start3A_56, %dma_start3A_57] : memref<10000x64xf32, #tpu.memory_space<hbm>> -> memref<10000x64xf32, #tpu.memory_space<hbm>>
    %dma_start3A_59 = tpu.memref_slice %arg13[%dma_start3A_48] : memref<5x!tpu.dma_semaphore, #tpu.memory_space<semaphore_mem>> -> memref<1x!tpu.dma_semaphore, #tpu.memory_space<semaphore_mem>>
    %dma_start3A_60 = tpu.memref_squeeze %dma_start3A_59 : memref<1x!tpu.dma_semaphore, #tpu.memory_space<semaphore_mem>> -> memref<!tpu.dma_semaphore, #tpu.memory_space<semaphore_mem>>
    tpu.enqueue_indirect_dma source(%dma_start3A_58 : memref<10000x64xf32, #tpu.memory_space<hbm>>) target(%dma_start3A_52 : memref<125x64xf32, #tpu.memory_space<vmem>>) offsets(%dma_start3A_55 : memref<125xi32, #tpu.memory_space<vmem>>) semaphore(%dma_start3A_60 : memref<!tpu.dma_semaphore, #tpu.memory_space<semaphore_mem>>)
    %dma_start3A_61 = arith.constant 2 : i32
    %dma_start3A_62 = arith.constant 2 : i32
    %dma_start3A_63 = arith.constant 2 : i32
    %dma_start3A_64 = arith.constant 0 : i32
    %dma_start3A_65 = arith.constant 0 : i32
    %dma_start3A_66 = tpu.memref_slice %arg9[%dma_start3A_62, %dma_start3A_64, %dma_start3A_65] : memref<5x125x64xf32, #tpu.memory_space<vmem>> -> memref<1x125x64xf32, #tpu.memory_space<vmem>>
    %dma_start3A_67 = tpu.memref_squeeze %dma_start3A_66 : memref<1x125x64xf32, #tpu.memory_space<vmem>> -> memref<125x64xf32, #tpu.memory_space<vmem>>
    %dma_start3A_68 = arith.constant 0 : i32
    %dma_start3A_69 = tpu.memref_slice %arg7[%dma_start3A_61, %dma_start3A_68] : memref<80x125xi32, #tpu.memory_space<vmem>> -> memref<1x125xi32, #tpu.memory_space<vmem>>
    %dma_start3A_70 = tpu.memref_squeeze %dma_start3A_69 : memref<1x125xi32, #tpu.memory_space<vmem>> -> memref<125xi32, #tpu.memory_space<vmem>>
    %dma_start3A_71 = arith.constant 0 : i32
    %dma_start3A_72 = arith.constant 0 : i32
    %dma_start3A_73 = tpu.memref_slice %arg2[%dma_start3A_71, %dma_start3A_72] : memref<10000x64xf32, #tpu.memory_space<hbm>> -> memref<10000x64xf32, #tpu.memory_space<hbm>>
    %dma_start3A_74 = tpu.memref_slice %arg13[%dma_start3A_63] : memref<5x!tpu.dma_semaphore, #tpu.memory_space<semaphore_mem>> -> memref<1x!tpu.dma_semaphore, #tpu.memory_space<semaphore_mem>>
    %dma_start3A_75 = tpu.memref_squeeze %dma_start3A_74 : memref<1x!tpu.dma_semaphore, #tpu.memory_space<semaphore_mem>> -> memref<!tpu.dma_semaphore, #tpu.memory_space<semaphore_mem>>
    tpu.enqueue_indirect_dma source(%dma_start3A_73 : memref<10000x64xf32, #tpu.memory_space<hbm>>) target(%dma_start3A_67 : memref<125x64xf32, #tpu.memory_space<vmem>>) offsets(%dma_start3A_70 : memref<125xi32, #tpu.memory_space<vmem>>) semaphore(%dma_start3A_75 : memref<!tpu.dma_semaphore, #tpu.memory_space<semaphore_mem>>)
    %scan3A_76 = arith.constant 0 : i32
    %scan3A_77 = arith.constant 0 : i32
    %scan3A_78 = arith.constant 16 : i32
    %scan3A_79 = arith.addi %scan3A_77, %scan3A_78 : i32
    %scan3A_80 = arith.constant 1 : i32
    scf.for %scan3A_279 = %scan3A_77 to %scan3A_79 step %scan3A_80  : i32 {
      %mul3A_280 = arith.constant 5 : i32
      %mul3A_281 = arith.muli %scan3A_279, %mul3A_280 : i32
      %add3A_282 = arith.constant 0 : i32
      %add3A_283 = arith.addi %mul3A_281, %add3A_282 : i32
      %dma_wait3A_284 = arith.constant 0 : i32
      %dma_wait3A_285 = arith.constant 0 : i32
      %dma_wait3A_286 = arith.constant 0 : i32
      %dma_wait3A_287 = arith.constant 0 : i32
      %dma_wait3A_288 = tpu.memref_slice %arg9[%dma_wait3A_284, %dma_wait3A_286, %dma_wait3A_287] : memref<5x125x64xf32, #tpu.memory_space<vmem>> -> memref<1x125x64xf32, #tpu.memory_space<vmem>>
      %dma_wait3A_289 = tpu.memref_squeeze %dma_wait3A_288 : memref<1x125x64xf32, #tpu.memory_space<vmem>> -> memref<125x64xf32, #tpu.memory_space<vmem>>
      %dma_wait3A_290 = arith.constant 0 : i32
      %dma_wait3A_291 = tpu.memref_slice %arg7[%add3A_283, %dma_wait3A_290] : memref<80x125xi32, #tpu.memory_space<vmem>> -> memref<1x125xi32, #tpu.memory_space<vmem>>
      %dma_wait3A_292 = tpu.memref_squeeze %dma_wait3A_291 : memref<1x125xi32, #tpu.memory_space<vmem>> -> memref<125xi32, #tpu.memory_space<vmem>>
      %dma_wait3A_293 = arith.constant 0 : i32
      %dma_wait3A_294 = arith.constant 0 : i32
      %dma_wait3A_295 = tpu.memref_slice %arg2[%dma_wait3A_293, %dma_wait3A_294] : memref<10000x64xf32, #tpu.memory_space<hbm>> -> memref<10000x64xf32, #tpu.memory_space<hbm>>
      %dma_wait3A_296 = tpu.memref_slice %arg13[%dma_wait3A_285] : memref<5x!tpu.dma_semaphore, #tpu.memory_space<semaphore_mem>> -> memref<1x!tpu.dma_semaphore, #tpu.memory_space<semaphore_mem>>
      %dma_wait3A_297 = tpu.memref_squeeze %dma_wait3A_296 : memref<1x!tpu.dma_semaphore, #tpu.memory_space<semaphore_mem>> -> memref<!tpu.dma_semaphore, #tpu.memory_space<semaphore_mem>>
      tpu.wait_indirect_dma semaphore(%dma_wait3A_297 : memref<!tpu.dma_semaphore, #tpu.memory_space<semaphore_mem>>) src(%dma_wait3A_295 : memref<10000x64xf32, #tpu.memory_space<hbm>>) dst(%dma_wait3A_289 : memref<125x64xf32, #tpu.memory_space<vmem>>)
      %dma_start3A_298 = arith.constant 0 : i32
      %dma_start3A_299 = arith.constant 0 : i32
      %dma_start3A_300 = arith.constant 0 : i32
      %dma_start3A_301 = arith.constant 0 : i32
      %dma_start3A_302 = tpu.memref_slice %arg9[%dma_start3A_298, %dma_start3A_300, %dma_start3A_301] : memref<5x125x64xf32, #tpu.memory_space<vmem>> -> memref<1x125x64xf32, #tpu.memory_space<vmem>>
      %dma_start3A_303 = tpu.memref_squeeze %dma_start3A_302 : memref<1x125x64xf32, #tpu.memory_space<vmem>> -> memref<125x64xf32, #tpu.memory_space<vmem>>
      %dma_start3A_304 = arith.constant 0 : i32
      %dma_start3A_305 = tpu.memref_slice %arg8[%add3A_283, %dma_start3A_304] : memref<80x125xi32, #tpu.memory_space<vmem>> -> memref<1x125xi32, #tpu.memory_space<vmem>>
      %dma_start3A_306 = tpu.memref_squeeze %dma_start3A_305 : memref<1x125xi32, #tpu.memory_space<vmem>> -> memref<125xi32, #tpu.memory_space<vmem>>
      %dma_start3A_307 = arith.constant 0 : i32
      %dma_start3A_308 = arith.constant 0 : i32
      %dma_start3A_309 = tpu.memref_slice %arg12[%dma_start3A_307, %dma_start3A_308] : memref<10008x64xf32, #tpu.memory_space<vmem_shared>> -> memref<10008x64xf32, #tpu.memory_space<vmem_shared>>
      %dma_start3A_310 = tpu.memref_slice %arg14[%dma_start3A_299] : memref<5x!tpu.dma_semaphore, #tpu.memory_space<semaphore_mem>> -> memref<1x!tpu.dma_semaphore, #tpu.memory_space<semaphore_mem>>
      %dma_start3A_311 = tpu.memref_squeeze %dma_start3A_310 : memref<1x!tpu.dma_semaphore, #tpu.memory_space<semaphore_mem>> -> memref<!tpu.dma_semaphore, #tpu.memory_space<semaphore_mem>>
      tpu.enqueue_indirect_dma source(%dma_start3A_303 : memref<125x64xf32, #tpu.memory_space<vmem>>) target(%dma_start3A_309 : memref<10008x64xf32, #tpu.memory_space<vmem_shared>>) offsets(%dma_start3A_306 : memref<125xi32, #tpu.memory_space<vmem>>) semaphore(%dma_start3A_311 : memref<!tpu.dma_semaphore, #tpu.memory_space<semaphore_mem>>) {add = true}
      %ge3A = arith.constant 2 : i32
      %ge3A_312 = arith.cmpi sge, %add3A_283, %ge3A : i32
      %convert_element_type3A_313 = arith.extui %ge3A_312 : i1 to i32
      %cond3A_314 = arith.constant 0 : i32
      %cond3A_315 = arith.cmpi ne, %convert_element_type3A_313, %cond3A_314 : i32
      scf.if %cond3A_315 {
        %dma_wait3A_499 = arith.constant 3 : i32
        %dma_wait3A_500 = arith.constant 3 : i32
        %dma_wait3A_501 = arith.constant 0 : i32
        %dma_wait3A_502 = arith.constant 0 : i32
        %dma_wait3A_503 = tpu.memref_slice %arg9[%dma_wait3A_499, %dma_wait3A_501, %dma_wait3A_502] : memref<5x125x64xf32, #tpu.memory_space<vmem>> -> memref<1x125x64xf32, #tpu.memory_space<vmem>>
        %dma_wait3A_504 = tpu.memref_squeeze %dma_wait3A_503 : memref<1x125x64xf32, #tpu.memory_space<vmem>> -> memref<125x64xf32, #tpu.memory_space<vmem>>
        %dma_wait3A_505 = arith.constant 0 : i32
        %dma_wait3A_506 = tpu.memref_slice %arg8[%add3A_283, %dma_wait3A_505] : memref<80x125xi32, #tpu.memory_space<vmem>> -> memref<1x125xi32, #tpu.memory_space<vmem>>
        %dma_wait3A_507 = tpu.memref_squeeze %dma_wait3A_506 : memref<1x125xi32, #tpu.memory_space<vmem>> -> memref<125xi32, #tpu.memory_space<vmem>>
        %dma_wait3A_508 = arith.constant 0 : i32
        %dma_wait3A_509 = arith.constant 0 : i32
        %dma_wait3A_510 = tpu.memref_slice %arg12[%dma_wait3A_508, %dma_wait3A_509] : memref<10008x64xf32, #tpu.memory_space<vmem_shared>> -> memref<10008x64xf32, #tpu.memory_space<vmem_shared>>
        %dma_wait3A_511 = tpu.memref_slice %arg14[%dma_wait3A_500] : memref<5x!tpu.dma_semaphore, #tpu.memory_space<semaphore_mem>> -> memref<1x!tpu.dma_semaphore, #tpu.memory_space<semaphore_mem>>
        %dma_wait3A_512 = tpu.memref_squeeze %dma_wait3A_511 : memref<1x!tpu.dma_semaphore, #tpu.memory_space<semaphore_mem>> -> memref<!tpu.dma_semaphore, #tpu.memory_space<semaphore_mem>>
        tpu.wait_indirect_dma semaphore(%dma_wait3A_512 : memref<!tpu.dma_semaphore, #tpu.memory_space<semaphore_mem>>) src(%dma_wait3A_504 : memref<125x64xf32, #tpu.memory_space<vmem>>) dst(%dma_wait3A_510 : memref<10008x64xf32, #tpu.memory_space<vmem_shared>>)
      } else {
      }
      %add3A_316 = arith.constant 3 : i32
      %add3A_317 = arith.addi %add3A_283, %add3A_316 : i32
      %lt3A_318 = arith.constant 80 : i32
      %lt3A_319 = arith.cmpi slt, %add3A_317, %lt3A_318 : i32
      %convert_element_type3A_320 = arith.extui %lt3A_319 : i1 to i32
      %cond3A_321 = arith.constant 0 : i32
      %cond3A_322 = arith.cmpi ne, %convert_element_type3A_320, %cond3A_321 : i32
      scf.if %cond3A_322 {
        %add3A_499 = arith.constant 3 : i32
        %add3A_500 = arith.addi %add3A_283, %add3A_499 : i32
        %dma_start3A_501 = arith.constant 3 : i32
        %dma_start3A_502 = arith.constant 3 : i32
        %dma_start3A_503 = arith.constant 0 : i32
        %dma_start3A_504 = arith.constant 0 : i32
        %dma_start3A_505 = tpu.memref_slice %arg9[%dma_start3A_501, %dma_start3A_503, %dma_start3A_504] : memref<5x125x64xf32, #tpu.memory_space<vmem>> -> memref<1x125x64xf32, #tpu.memory_space<vmem>>
        %dma_start3A_506 = tpu.memref_squeeze %dma_start3A_505 : memref<1x125x64xf32, #tpu.memory_space<vmem>> -> memref<125x64xf32, #tpu.memory_space<vmem>>
        %dma_start3A_507 = arith.constant 0 : i32
        %dma_start3A_508 = tpu.memref_slice %arg7[%add3A_500, %dma_start3A_507] : memref<80x125xi32, #tpu.memory_space<vmem>> -> memref<1x125xi32, #tpu.memory_space<vmem>>
        %dma_start3A_509 = tpu.memref_squeeze %dma_start3A_508 : memref<1x125xi32, #tpu.memory_space<vmem>> -> memref<125xi32, #tpu.memory_space<vmem>>
        %dma_start3A_510 = arith.constant 0 : i32
        %dma_start3A_511 = arith.constant 0 : i32
        %dma_start3A_512 = tpu.memref_slice %arg2[%dma_start3A_510, %dma_start3A_511] : memref<10000x64xf32, #tpu.memory_space<hbm>> -> memref<10000x64xf32, #tpu.memory_space<hbm>>
        %dma_start3A_513 = tpu.memref_slice %arg13[%dma_start3A_502] : memref<5x!tpu.dma_semaphore, #tpu.memory_space<semaphore_mem>> -> memref<1x!tpu.dma_semaphore, #tpu.memory_space<semaphore_mem>>
        %dma_start3A_514 = tpu.memref_squeeze %dma_start3A_513 : memref<1x!tpu.dma_semaphore, #tpu.memory_space<semaphore_mem>> -> memref<!tpu.dma_semaphore, #tpu.memory_space<semaphore_mem>>
        tpu.enqueue_indirect_dma source(%dma_start3A_512 : memref<10000x64xf32, #tpu.memory_space<hbm>>) target(%dma_start3A_506 : memref<125x64xf32, #tpu.memory_space<vmem>>) offsets(%dma_start3A_509 : memref<125xi32, #tpu.memory_space<vmem>>) semaphore(%dma_start3A_514 : memref<!tpu.dma_semaphore, #tpu.memory_space<semaphore_mem>>)
      } else {
      }
      %mul3A_323 = arith.constant 5 : i32
      %mul3A_324 = arith.muli %scan3A_279, %mul3A_323 : i32
      %add3A_325 = arith.constant 1 : i32
      %add3A_326 = arith.addi %mul3A_324, %add3A_325 : i32
      %dma_wait3A_327 = arith.constant 1 : i32
      %dma_wait3A_328 = arith.constant 1 : i32
      %dma_wait3A_329 = arith.constant 0 : i32
      %dma_wait3A_330 = arith.constant 0 : i32
      %dma_wait3A_331 = tpu.memref_slice %arg9[%dma_wait3A_327, %dma_wait3A_329, %dma_wait3A_330] : memref<5x125x64xf32, #tpu.memory_space<vmem>> -> memref<1x125x64xf32, #tpu.memory_space<vmem>>
      %dma_wait3A_332 = tpu.memref_squeeze %dma_wait3A_331 : memref<1x125x64xf32, #tpu.memory_space<vmem>> -> memref<125x64xf32, #tpu.memory_space<vmem>>
      %dma_wait3A_333 = arith.constant 0 : i32
      %dma_wait3A_334 = tpu.memref_slice %arg7[%add3A_326, %dma_wait3A_333] : memref<80x125xi32, #tpu.memory_space<vmem>> -> memref<1x125xi32, #tpu.memory_space<vmem>>
      %dma_wait3A_335 = tpu.memref_squeeze %dma_wait3A_334 : memref<1x125xi32, #tpu.memory_space<vmem>> -> memref<125xi32, #tpu.memory_space<vmem>>
      %dma_wait3A_336 = arith.constant 0 : i32
      %dma_wait3A_337 = arith.constant 0 : i32
      %dma_wait3A_338 = tpu.memref_slice %arg2[%dma_wait3A_336, %dma_wait3A_337] : memref<10000x64xf32, #tpu.memory_space<hbm>> -> memref<10000x64xf32, #tpu.memory_space<hbm>>
      %dma_wait3A_339 = tpu.memref_slice %arg13[%dma_wait3A_328] : memref<5x!tpu.dma_semaphore, #tpu.memory_space<semaphore_mem>> -> memref<1x!tpu.dma_semaphore, #tpu.memory_space<semaphore_mem>>
      %dma_wait3A_340 = tpu.memref_squeeze %dma_wait3A_339 : memref<1x!tpu.dma_semaphore, #tpu.memory_space<semaphore_mem>> -> memref<!tpu.dma_semaphore, #tpu.memory_space<semaphore_mem>>
      tpu.wait_indirect_dma semaphore(%dma_wait3A_340 : memref<!tpu.dma_semaphore, #tpu.memory_space<semaphore_mem>>) src(%dma_wait3A_338 : memref<10000x64xf32, #tpu.memory_space<hbm>>) dst(%dma_wait3A_332 : memref<125x64xf32, #tpu.memory_space<vmem>>)
      %dma_start3A_341 = arith.constant 1 : i32
      %dma_start3A_342 = arith.constant 1 : i32
      %dma_start3A_343 = arith.constant 0 : i32
      %dma_start3A_344 = arith.constant 0 : i32
      %dma_start3A_345 = tpu.memref_slice %arg9[%dma_start3A_341, %dma_start3A_343, %dma_start3A_344] : memref<5x125x64xf32, #tpu.memory_space<vmem>> -> memref<1x125x64xf32, #tpu.memory_space<vmem>>
      %dma_start3A_346 = tpu.memref_squeeze %dma_start3A_345 : memref<1x125x64xf32, #tpu.memory_space<vmem>> -> memref<125x64xf32, #tpu.memory_space<vmem>>
      %dma_start3A_347 = arith.constant 0 : i32
      %dma_start3A_348 = tpu.memref_slice %arg8[%add3A_326, %dma_start3A_347] : memref<80x125xi32, #tpu.memory_space<vmem>> -> memref<1x125xi32, #tpu.memory_space<vmem>>
      %dma_start3A_349 = tpu.memref_squeeze %dma_start3A_348 : memref<1x125xi32, #tpu.memory_space<vmem>> -> memref<125xi32, #tpu.memory_space<vmem>>
      %dma_start3A_350 = arith.constant 0 : i32
      %dma_start3A_351 = arith.constant 0 : i32
      %dma_start3A_352 = tpu.memref_slice %arg12[%dma_start3A_350, %dma_start3A_351] : memref<10008x64xf32, #tpu.memory_space<vmem_shared>> -> memref<10008x64xf32, #tpu.memory_space<vmem_shared>>
      %dma_start3A_353 = tpu.memref_slice %arg14[%dma_start3A_342] : memref<5x!tpu.dma_semaphore, #tpu.memory_space<semaphore_mem>> -> memref<1x!tpu.dma_semaphore, #tpu.memory_space<semaphore_mem>>
      %dma_start3A_354 = tpu.memref_squeeze %dma_start3A_353 : memref<1x!tpu.dma_semaphore, #tpu.memory_space<semaphore_mem>> -> memref<!tpu.dma_semaphore, #tpu.memory_space<semaphore_mem>>
      tpu.enqueue_indirect_dma source(%dma_start3A_346 : memref<125x64xf32, #tpu.memory_space<vmem>>) target(%dma_start3A_352 : memref<10008x64xf32, #tpu.memory_space<vmem_shared>>) offsets(%dma_start3A_349 : memref<125xi32, #tpu.memory_space<vmem>>) semaphore(%dma_start3A_354 : memref<!tpu.dma_semaphore, #tpu.memory_space<semaphore_mem>>) {add = true}
      %ge3A_355 = arith.constant 2 : i32
      %ge3A_356 = arith.cmpi sge, %add3A_326, %ge3A_355 : i32
      %convert_element_type3A_357 = arith.extui %ge3A_356 : i1 to i32
      %cond3A_358 = arith.constant 0 : i32
      %cond3A_359 = arith.cmpi ne, %convert_element_type3A_357, %cond3A_358 : i32
      scf.if %cond3A_359 {
        %dma_wait3A_499 = arith.constant 4 : i32
        %dma_wait3A_500 = arith.constant 4 : i32
        %dma_wait3A_501 = arith.constant 0 : i32
        %dma_wait3A_502 = arith.constant 0 : i32
        %dma_wait3A_503 = tpu.memref_slice %arg9[%dma_wait3A_499, %dma_wait3A_501, %dma_wait3A_502] : memref<5x125x64xf32, #tpu.memory_space<vmem>> -> memref<1x125x64xf32, #tpu.memory_space<vmem>>
        %dma_wait3A_504 = tpu.memref_squeeze %dma_wait3A_503 : memref<1x125x64xf32, #tpu.memory_space<vmem>> -> memref<125x64xf32, #tpu.memory_space<vmem>>
        %dma_wait3A_505 = arith.constant 0 : i32
        %dma_wait3A_506 = tpu.memref_slice %arg8[%add3A_326, %dma_wait3A_505] : memref<80x125xi32, #tpu.memory_space<vmem>> -> memref<1x125xi32, #tpu.memory_space<vmem>>
        %dma_wait3A_507 = tpu.memref_squeeze %dma_wait3A_506 : memref<1x125xi32, #tpu.memory_space<vmem>> -> memref<125xi32, #tpu.memory_space<vmem>>
        %dma_wait3A_508 = arith.constant 0 : i32
        %dma_wait3A_509 = arith.constant 0 : i32
        %dma_wait3A_510 = tpu.memref_slice %arg12[%dma_wait3A_508, %dma_wait3A_509] : memref<10008x64xf32, #tpu.memory_space<vmem_shared>> -> memref<10008x64xf32, #tpu.memory_space<vmem_shared>>
        %dma_wait3A_511 = tpu.memref_slice %arg14[%dma_wait3A_500] : memref<5x!tpu.dma_semaphore, #tpu.memory_space<semaphore_mem>> -> memref<1x!tpu.dma_semaphore, #tpu.memory_space<semaphore_mem>>
        %dma_wait3A_512 = tpu.memref_squeeze %dma_wait3A_511 : memref<1x!tpu.dma_semaphore, #tpu.memory_space<semaphore_mem>> -> memref<!tpu.dma_semaphore, #tpu.memory_space<semaphore_mem>>
        tpu.wait_indirect_dma semaphore(%dma_wait3A_512 : memref<!tpu.dma_semaphore, #tpu.memory_space<semaphore_mem>>) src(%dma_wait3A_504 : memref<125x64xf32, #tpu.memory_space<vmem>>) dst(%dma_wait3A_510 : memref<10008x64xf32, #tpu.memory_space<vmem_shared>>)
      } else {
      }
      %add3A_360 = arith.constant 3 : i32
      %add3A_361 = arith.addi %add3A_326, %add3A_360 : i32
      %lt3A_362 = arith.constant 80 : i32
      %lt3A_363 = arith.cmpi slt, %add3A_361, %lt3A_362 : i32
      %convert_element_type3A_364 = arith.extui %lt3A_363 : i1 to i32
      %cond3A_365 = arith.constant 0 : i32
      %cond3A_366 = arith.cmpi ne, %convert_element_type3A_364, %cond3A_365 : i32
      scf.if %cond3A_366 {
        %add3A_499 = arith.constant 3 : i32
        %add3A_500 = arith.addi %add3A_326, %add3A_499 : i32
        %dma_start3A_501 = arith.constant 4 : i32
        %dma_start3A_502 = arith.constant 4 : i32
        %dma_start3A_503 = arith.constant 0 : i32
        %dma_start3A_504 = arith.constant 0 : i32
        %dma_start3A_505 = tpu.memref_slice %arg9[%dma_start3A_501, %dma_start3A_503, %dma_start3A_504] : memref<5x125x64xf32, #tpu.memory_space<vmem>> -> memref<1x125x64xf32, #tpu.memory_space<vmem>>
        %dma_start3A_506 = tpu.memref_squeeze %dma_start3A_505 : memref<1x125x64xf32, #tpu.memory_space<vmem>> -> memref<125x64xf32, #tpu.memory_space<vmem>>
        %dma_start3A_507 = arith.constant 0 : i32
        %dma_start3A_508 = tpu.memref_slice %arg7[%add3A_500, %dma_start3A_507] : memref<80x125xi32, #tpu.memory_space<vmem>> -> memref<1x125xi32, #tpu.memory_space<vmem>>
        %dma_start3A_509 = tpu.memref_squeeze %dma_start3A_508 : memref<1x125xi32, #tpu.memory_space<vmem>> -> memref<125xi32, #tpu.memory_space<vmem>>
        %dma_start3A_510 = arith.constant 0 : i32
        %dma_start3A_511 = arith.constant 0 : i32
        %dma_start3A_512 = tpu.memref_slice %arg2[%dma_start3A_510, %dma_start3A_511] : memref<10000x64xf32, #tpu.memory_space<hbm>> -> memref<10000x64xf32, #tpu.memory_space<hbm>>
        %dma_start3A_513 = tpu.memref_slice %arg13[%dma_start3A_502] : memref<5x!tpu.dma_semaphore, #tpu.memory_space<semaphore_mem>> -> memref<1x!tpu.dma_semaphore, #tpu.memory_space<semaphore_mem>>
        %dma_start3A_514 = tpu.memref_squeeze %dma_start3A_513 : memref<1x!tpu.dma_semaphore, #tpu.memory_space<semaphore_mem>> -> memref<!tpu.dma_semaphore, #tpu.memory_space<semaphore_mem>>
        tpu.enqueue_indirect_dma source(%dma_start3A_512 : memref<10000x64xf32, #tpu.memory_space<hbm>>) target(%dma_start3A_506 : memref<125x64xf32, #tpu.memory_space<vmem>>) offsets(%dma_start3A_509 : memref<125xi32, #tpu.memory_space<vmem>>) semaphore(%dma_start3A_514 : memref<!tpu.dma_semaphore, #tpu.memory_space<semaphore_mem>>)
      } else {
      }
      %mul3A_367 = arith.constant 5 : i32
      %mul3A_368 = arith.muli %scan3A_279, %mul3A_367 : i32
      %add3A_369 = arith.constant 2 : i32
      %add3A_370 = arith.addi %mul3A_368, %add3A_369 : i32
      %dma_wait3A_371 = arith.constant 2 : i32
      %dma_wait3A_372 = arith.constant 2 : i32
      %dma_wait3A_373 = arith.constant 0 : i32
      %dma_wait3A_374 = arith.constant 0 : i32
      %dma_wait3A_375 = tpu.memref_slice %arg9[%dma_wait3A_371, %dma_wait3A_373, %dma_wait3A_374] : memref<5x125x64xf32, #tpu.memory_space<vmem>> -> memref<1x125x64xf32, #tpu.memory_space<vmem>>
      %dma_wait3A_376 = tpu.memref_squeeze %dma_wait3A_375 : memref<1x125x64xf32, #tpu.memory_space<vmem>> -> memref<125x64xf32, #tpu.memory_space<vmem>>
      %dma_wait3A_377 = arith.constant 0 : i32
      %dma_wait3A_378 = tpu.memref_slice %arg7[%add3A_370, %dma_wait3A_377] : memref<80x125xi32, #tpu.memory_space<vmem>> -> memref<1x125xi32, #tpu.memory_space<vmem>>
      %dma_wait3A_379 = tpu.memref_squeeze %dma_wait3A_378 : memref<1x125xi32, #tpu.memory_space<vmem>> -> memref<125xi32, #tpu.memory_space<vmem>>
      %dma_wait3A_380 = arith.constant 0 : i32
      %dma_wait3A_381 = arith.constant 0 : i32
      %dma_wait3A_382 = tpu.memref_slice %arg2[%dma_wait3A_380, %dma_wait3A_381] : memref<10000x64xf32, #tpu.memory_space<hbm>> -> memref<10000x64xf32, #tpu.memory_space<hbm>>
      %dma_wait3A_383 = tpu.memref_slice %arg13[%dma_wait3A_372] : memref<5x!tpu.dma_semaphore, #tpu.memory_space<semaphore_mem>> -> memref<1x!tpu.dma_semaphore, #tpu.memory_space<semaphore_mem>>
      %dma_wait3A_384 = tpu.memref_squeeze %dma_wait3A_383 : memref<1x!tpu.dma_semaphore, #tpu.memory_space<semaphore_mem>> -> memref<!tpu.dma_semaphore, #tpu.memory_space<semaphore_mem>>
      tpu.wait_indirect_dma semaphore(%dma_wait3A_384 : memref<!tpu.dma_semaphore, #tpu.memory_space<semaphore_mem>>) src(%dma_wait3A_382 : memref<10000x64xf32, #tpu.memory_space<hbm>>) dst(%dma_wait3A_376 : memref<125x64xf32, #tpu.memory_space<vmem>>)
      %dma_start3A_385 = arith.constant 2 : i32
      %dma_start3A_386 = arith.constant 2 : i32
      %dma_start3A_387 = arith.constant 0 : i32
      %dma_start3A_388 = arith.constant 0 : i32
      %dma_start3A_389 = tpu.memref_slice %arg9[%dma_start3A_385, %dma_start3A_387, %dma_start3A_388] : memref<5x125x64xf32, #tpu.memory_space<vmem>> -> memref<1x125x64xf32, #tpu.memory_space<vmem>>
      %dma_start3A_390 = tpu.memref_squeeze %dma_start3A_389 : memref<1x125x64xf32, #tpu.memory_space<vmem>> -> memref<125x64xf32, #tpu.memory_space<vmem>>
      %dma_start3A_391 = arith.constant 0 : i32
      %dma_start3A_392 = tpu.memref_slice %arg8[%add3A_370, %dma_start3A_391] : memref<80x125xi32, #tpu.memory_space<vmem>> -> memref<1x125xi32, #tpu.memory_space<vmem>>
      %dma_start3A_393 = tpu.memref_squeeze %dma_start3A_392 : memref<1x125xi32, #tpu.memory_space<vmem>> -> memref<125xi32, #tpu.memory_space<vmem>>
      %dma_start3A_394 = arith.constant 0 : i32
      %dma_start3A_395 = arith.constant 0 : i32
      %dma_start3A_396 = tpu.memref_slice %arg12[%dma_start3A_394, %dma_start3A_395] : memref<10008x64xf32, #tpu.memory_space<vmem_shared>> -> memref<10008x64xf32, #tpu.memory_space<vmem_shared>>
      %dma_start3A_397 = tpu.memref_slice %arg14[%dma_start3A_386] : memref<5x!tpu.dma_semaphore, #tpu.memory_space<semaphore_mem>> -> memref<1x!tpu.dma_semaphore, #tpu.memory_space<semaphore_mem>>
      %dma_start3A_398 = tpu.memref_squeeze %dma_start3A_397 : memref<1x!tpu.dma_semaphore, #tpu.memory_space<semaphore_mem>> -> memref<!tpu.dma_semaphore, #tpu.memory_space<semaphore_mem>>
      tpu.enqueue_indirect_dma source(%dma_start3A_390 : memref<125x64xf32, #tpu.memory_space<vmem>>) target(%dma_start3A_396 : memref<10008x64xf32, #tpu.memory_space<vmem_shared>>) offsets(%dma_start3A_393 : memref<125xi32, #tpu.memory_space<vmem>>) semaphore(%dma_start3A_398 : memref<!tpu.dma_semaphore, #tpu.memory_space<semaphore_mem>>) {add = true}
      %ge3A_399 = arith.constant 2 : i32
      %ge3A_400 = arith.cmpi sge, %add3A_370, %ge3A_399 : i32
      %convert_element_type3A_401 = arith.extui %ge3A_400 : i1 to i32
      %cond3A_402 = arith.constant 0 : i32
      %cond3A_403 = arith.cmpi ne, %convert_element_type3A_401, %cond3A_402 : i32
      scf.if %cond3A_403 {
        %dma_wait3A_499 = arith.constant 0 : i32
        %dma_wait3A_500 = arith.constant 0 : i32
        %dma_wait3A_501 = arith.constant 0 : i32
        %dma_wait3A_502 = arith.constant 0 : i32
        %dma_wait3A_503 = tpu.memref_slice %arg9[%dma_wait3A_499, %dma_wait3A_501, %dma_wait3A_502] : memref<5x125x64xf32, #tpu.memory_space<vmem>> -> memref<1x125x64xf32, #tpu.memory_space<vmem>>
        %dma_wait3A_504 = tpu.memref_squeeze %dma_wait3A_503 : memref<1x125x64xf32, #tpu.memory_space<vmem>> -> memref<125x64xf32, #tpu.memory_space<vmem>>
        %dma_wait3A_505 = arith.constant 0 : i32
        %dma_wait3A_506 = tpu.memref_slice %arg8[%add3A_370, %dma_wait3A_505] : memref<80x125xi32, #tpu.memory_space<vmem>> -> memref<1x125xi32, #tpu.memory_space<vmem>>
        %dma_wait3A_507 = tpu.memref_squeeze %dma_wait3A_506 : memref<1x125xi32, #tpu.memory_space<vmem>> -> memref<125xi32, #tpu.memory_space<vmem>>
        %dma_wait3A_508 = arith.constant 0 : i32
        %dma_wait3A_509 = arith.constant 0 : i32
        %dma_wait3A_510 = tpu.memref_slice %arg12[%dma_wait3A_508, %dma_wait3A_509] : memref<10008x64xf32, #tpu.memory_space<vmem_shared>> -> memref<10008x64xf32, #tpu.memory_space<vmem_shared>>
        %dma_wait3A_511 = tpu.memref_slice %arg14[%dma_wait3A_500] : memref<5x!tpu.dma_semaphore, #tpu.memory_space<semaphore_mem>> -> memref<1x!tpu.dma_semaphore, #tpu.memory_space<semaphore_mem>>
        %dma_wait3A_512 = tpu.memref_squeeze %dma_wait3A_511 : memref<1x!tpu.dma_semaphore, #tpu.memory_space<semaphore_mem>> -> memref<!tpu.dma_semaphore, #tpu.memory_space<semaphore_mem>>
        tpu.wait_indirect_dma semaphore(%dma_wait3A_512 : memref<!tpu.dma_semaphore, #tpu.memory_space<semaphore_mem>>) src(%dma_wait3A_504 : memref<125x64xf32, #tpu.memory_space<vmem>>) dst(%dma_wait3A_510 : memref<10008x64xf32, #tpu.memory_space<vmem_shared>>)
      } else {
      }
      %add3A_404 = arith.constant 3 : i32
      %add3A_405 = arith.addi %add3A_370, %add3A_404 : i32
      %lt3A_406 = arith.constant 80 : i32
      %lt3A_407 = arith.cmpi slt, %add3A_405, %lt3A_406 : i32
      %convert_element_type3A_408 = arith.extui %lt3A_407 : i1 to i32
      %cond3A_409 = arith.constant 0 : i32
      %cond3A_410 = arith.cmpi ne, %convert_element_type3A_408, %cond3A_409 : i32
      scf.if %cond3A_410 {
        %add3A_499 = arith.constant 3 : i32
        %add3A_500 = arith.addi %add3A_370, %add3A_499 : i32
        %dma_start3A_501 = arith.constant 0 : i32
        %dma_start3A_502 = arith.constant 0 : i32
        %dma_start3A_503 = arith.constant 0 : i32
        %dma_start3A_504 = arith.constant 0 : i32
        %dma_start3A_505 = tpu.memref_slice %arg9[%dma_start3A_501, %dma_start3A_503, %dma_start3A_504] : memref<5x125x64xf32, #tpu.memory_space<vmem>> -> memref<1x125x64xf32, #tpu.memory_space<vmem>>
        %dma_start3A_506 = tpu.memref_squeeze %dma_start3A_505 : memref<1x125x64xf32, #tpu.memory_space<vmem>> -> memref<125x64xf32, #tpu.memory_space<vmem>>
        %dma_start3A_507 = arith.constant 0 : i32
        %dma_start3A_508 = tpu.memref_slice %arg7[%add3A_500, %dma_start3A_507] : memref<80x125xi32, #tpu.memory_space<vmem>> -> memref<1x125xi32, #tpu.memory_space<vmem>>
        %dma_start3A_509 = tpu.memref_squeeze %dma_start3A_508 : memref<1x125xi32, #tpu.memory_space<vmem>> -> memref<125xi32, #tpu.memory_space<vmem>>
        %dma_start3A_510 = arith.constant 0 : i32
        %dma_start3A_511 = arith.constant 0 : i32
        %dma_start3A_512 = tpu.memref_slice %arg2[%dma_start3A_510, %dma_start3A_511] : memref<10000x64xf32, #tpu.memory_space<hbm>> -> memref<10000x64xf32, #tpu.memory_space<hbm>>
        %dma_start3A_513 = tpu.memref_slice %arg13[%dma_start3A_502] : memref<5x!tpu.dma_semaphore, #tpu.memory_space<semaphore_mem>> -> memref<1x!tpu.dma_semaphore, #tpu.memory_space<semaphore_mem>>
        %dma_start3A_514 = tpu.memref_squeeze %dma_start3A_513 : memref<1x!tpu.dma_semaphore, #tpu.memory_space<semaphore_mem>> -> memref<!tpu.dma_semaphore, #tpu.memory_space<semaphore_mem>>
        tpu.enqueue_indirect_dma source(%dma_start3A_512 : memref<10000x64xf32, #tpu.memory_space<hbm>>) target(%dma_start3A_506 : memref<125x64xf32, #tpu.memory_space<vmem>>) offsets(%dma_start3A_509 : memref<125xi32, #tpu.memory_space<vmem>>) semaphore(%dma_start3A_514 : memref<!tpu.dma_semaphore, #tpu.memory_space<semaphore_mem>>)
      } else {
      }
      %mul3A_411 = arith.constant 5 : i32
      %mul3A_412 = arith.muli %scan3A_279, %mul3A_411 : i32
      %add3A_413 = arith.constant 3 : i32
      %add3A_414 = arith.addi %mul3A_412, %add3A_413 : i32
      %dma_wait3A_415 = arith.constant 3 : i32
      %dma_wait3A_416 = arith.constant 3 : i32
      %dma_wait3A_417 = arith.constant 0 : i32
      %dma_wait3A_418 = arith.constant 0 : i32
      %dma_wait3A_419 = tpu.memref_slice %arg9[%dma_wait3A_415, %dma_wait3A_417, %dma_wait3A_418] : memref<5x125x64xf32, #tpu.memory_space<vmem>> -> memref<1x125x64xf32, #tpu.memory_space<vmem>>
      %dma_wait3A_420 = tpu.memref_squeeze %dma_wait3A_419 : memref<1x125x64xf32, #tpu.memory_space<vmem>> -> memref<125x64xf32, #tpu.memory_space<vmem>>
      %dma_wait3A_421 = arith.constant 0 : i32
      %dma_wait3A_422 = tpu.memref_slice %arg7[%add3A_414, %dma_wait3A_421] : memref<80x125xi32, #tpu.memory_space<vmem>> -> memref<1x125xi32, #tpu.memory_space<vmem>>
      %dma_wait3A_423 = tpu.memref_squeeze %dma_wait3A_422 : memref<1x125xi32, #tpu.memory_space<vmem>> -> memref<125xi32, #tpu.memory_space<vmem>>
      %dma_wait3A_424 = arith.constant 0 : i32
      %dma_wait3A_425 = arith.constant 0 : i32
      %dma_wait3A_426 = tpu.memref_slice %arg2[%dma_wait3A_424, %dma_wait3A_425] : memref<10000x64xf32, #tpu.memory_space<hbm>> -> memref<10000x64xf32, #tpu.memory_space<hbm>>
      %dma_wait3A_427 = tpu.memref_slice %arg13[%dma_wait3A_416] : memref<5x!tpu.dma_semaphore, #tpu.memory_space<semaphore_mem>> -> memref<1x!tpu.dma_semaphore, #tpu.memory_space<semaphore_mem>>
      %dma_wait3A_428 = tpu.memref_squeeze %dma_wait3A_427 : memref<1x!tpu.dma_semaphore, #tpu.memory_space<semaphore_mem>> -> memref<!tpu.dma_semaphore, #tpu.memory_space<semaphore_mem>>
      tpu.wait_indirect_dma semaphore(%dma_wait3A_428 : memref<!tpu.dma_semaphore, #tpu.memory_space<semaphore_mem>>) src(%dma_wait3A_426 : memref<10000x64xf32, #tpu.memory_space<hbm>>) dst(%dma_wait3A_420 : memref<125x64xf32, #tpu.memory_space<vmem>>)
      %dma_start3A_429 = arith.constant 3 : i32
      %dma_start3A_430 = arith.constant 3 : i32
      %dma_start3A_431 = arith.constant 0 : i32
      %dma_start3A_432 = arith.constant 0 : i32
      %dma_start3A_433 = tpu.memref_slice %arg9[%dma_start3A_429, %dma_start3A_431, %dma_start3A_432] : memref<5x125x64xf32, #tpu.memory_space<vmem>> -> memref<1x125x64xf32, #tpu.memory_space<vmem>>
      %dma_start3A_434 = tpu.memref_squeeze %dma_start3A_433 : memref<1x125x64xf32, #tpu.memory_space<vmem>> -> memref<125x64xf32, #tpu.memory_space<vmem>>
      %dma_start3A_435 = arith.constant 0 : i32
      %dma_start3A_436 = tpu.memref_slice %arg8[%add3A_414, %dma_start3A_435] : memref<80x125xi32, #tpu.memory_space<vmem>> -> memref<1x125xi32, #tpu.memory_space<vmem>>
      %dma_start3A_437 = tpu.memref_squeeze %dma_start3A_436 : memref<1x125xi32, #tpu.memory_space<vmem>> -> memref<125xi32, #tpu.memory_space<vmem>>
      %dma_start3A_438 = arith.constant 0 : i32
      %dma_start3A_439 = arith.constant 0 : i32
      %dma_start3A_440 = tpu.memref_slice %arg12[%dma_start3A_438, %dma_start3A_439] : memref<10008x64xf32, #tpu.memory_space<vmem_shared>> -> memref<10008x64xf32, #tpu.memory_space<vmem_shared>>
      %dma_start3A_441 = tpu.memref_slice %arg14[%dma_start3A_430] : memref<5x!tpu.dma_semaphore, #tpu.memory_space<semaphore_mem>> -> memref<1x!tpu.dma_semaphore, #tpu.memory_space<semaphore_mem>>
      %dma_start3A_442 = tpu.memref_squeeze %dma_start3A_441 : memref<1x!tpu.dma_semaphore, #tpu.memory_space<semaphore_mem>> -> memref<!tpu.dma_semaphore, #tpu.memory_space<semaphore_mem>>
      tpu.enqueue_indirect_dma source(%dma_start3A_434 : memref<125x64xf32, #tpu.memory_space<vmem>>) target(%dma_start3A_440 : memref<10008x64xf32, #tpu.memory_space<vmem_shared>>) offsets(%dma_start3A_437 : memref<125xi32, #tpu.memory_space<vmem>>) semaphore(%dma_start3A_442 : memref<!tpu.dma_semaphore, #tpu.memory_space<semaphore_mem>>) {add = true}
      %ge3A_443 = arith.constant 2 : i32
      %ge3A_444 = arith.cmpi sge, %add3A_414, %ge3A_443 : i32
      %convert_element_type3A_445 = arith.extui %ge3A_444 : i1 to i32
      %cond3A_446 = arith.constant 0 : i32
      %cond3A_447 = arith.cmpi ne, %convert_element_type3A_445, %cond3A_446 : i32
      scf.if %cond3A_447 {
        %dma_wait3A_499 = arith.constant 1 : i32
        %dma_wait3A_500 = arith.constant 1 : i32
        %dma_wait3A_501 = arith.constant 0 : i32
        %dma_wait3A_502 = arith.constant 0 : i32
        %dma_wait3A_503 = tpu.memref_slice %arg9[%dma_wait3A_499, %dma_wait3A_501, %dma_wait3A_502] : memref<5x125x64xf32, #tpu.memory_space<vmem>> -> memref<1x125x64xf32, #tpu.memory_space<vmem>>
        %dma_wait3A_504 = tpu.memref_squeeze %dma_wait3A_503 : memref<1x125x64xf32, #tpu.memory_space<vmem>> -> memref<125x64xf32, #tpu.memory_space<vmem>>
        %dma_wait3A_505 = arith.constant 0 : i32
        %dma_wait3A_506 = tpu.memref_slice %arg8[%add3A_414, %dma_wait3A_505] : memref<80x125xi32, #tpu.memory_space<vmem>> -> memref<1x125xi32, #tpu.memory_space<vmem>>
        %dma_wait3A_507 = tpu.memref_squeeze %dma_wait3A_506 : memref<1x125xi32, #tpu.memory_space<vmem>> -> memref<125xi32, #tpu.memory_space<vmem>>
        %dma_wait3A_508 = arith.constant 0 : i32
        %dma_wait3A_509 = arith.constant 0 : i32
        %dma_wait3A_510 = tpu.memref_slice %arg12[%dma_wait3A_508, %dma_wait3A_509] : memref<10008x64xf32, #tpu.memory_space<vmem_shared>> -> memref<10008x64xf32, #tpu.memory_space<vmem_shared>>
        %dma_wait3A_511 = tpu.memref_slice %arg14[%dma_wait3A_500] : memref<5x!tpu.dma_semaphore, #tpu.memory_space<semaphore_mem>> -> memref<1x!tpu.dma_semaphore, #tpu.memory_space<semaphore_mem>>
        %dma_wait3A_512 = tpu.memref_squeeze %dma_wait3A_511 : memref<1x!tpu.dma_semaphore, #tpu.memory_space<semaphore_mem>> -> memref<!tpu.dma_semaphore, #tpu.memory_space<semaphore_mem>>
        tpu.wait_indirect_dma semaphore(%dma_wait3A_512 : memref<!tpu.dma_semaphore, #tpu.memory_space<semaphore_mem>>) src(%dma_wait3A_504 : memref<125x64xf32, #tpu.memory_space<vmem>>) dst(%dma_wait3A_510 : memref<10008x64xf32, #tpu.memory_space<vmem_shared>>)
      } else {
      }
      %add3A_448 = arith.constant 3 : i32
      %add3A_449 = arith.addi %add3A_414, %add3A_448 : i32
      %lt3A_450 = arith.constant 80 : i32
      %lt3A_451 = arith.cmpi slt, %add3A_449, %lt3A_450 : i32
      %convert_element_type3A_452 = arith.extui %lt3A_451 : i1 to i32
      %cond3A_453 = arith.constant 0 : i32
      %cond3A_454 = arith.cmpi ne, %convert_element_type3A_452, %cond3A_453 : i32
      scf.if %cond3A_454 {
        %add3A_499 = arith.constant 3 : i32
        %add3A_500 = arith.addi %add3A_414, %add3A_499 : i32
        %dma_start3A_501 = arith.constant 1 : i32
        %dma_start3A_502 = arith.constant 1 : i32
        %dma_start3A_503 = arith.constant 0 : i32
        %dma_start3A_504 = arith.constant 0 : i32
        %dma_start3A_505 = tpu.memref_slice %arg9[%dma_start3A_501, %dma_start3A_503, %dma_start3A_504] : memref<5x125x64xf32, #tpu.memory_space<vmem>> -> memref<1x125x64xf32, #tpu.memory_space<vmem>>
        %dma_start3A_506 = tpu.memref_squeeze %dma_start3A_505 : memref<1x125x64xf32, #tpu.memory_space<vmem>> -> memref<125x64xf32, #tpu.memory_space<vmem>>
        %dma_start3A_507 = arith.constant 0 : i32
        %dma_start3A_508 = tpu.memref_slice %arg7[%add3A_500, %dma_start3A_507] : memref<80x125xi32, #tpu.memory_space<vmem>> -> memref<1x125xi32, #tpu.memory_space<vmem>>
        %dma_start3A_509 = tpu.memref_squeeze %dma_start3A_508 : memref<1x125xi32, #tpu.memory_space<vmem>> -> memref<125xi32, #tpu.memory_space<vmem>>
        %dma_start3A_510 = arith.constant 0 : i32
        %dma_start3A_511 = arith.constant 0 : i32
        %dma_start3A_512 = tpu.memref_slice %arg2[%dma_start3A_510, %dma_start3A_511] : memref<10000x64xf32, #tpu.memory_space<hbm>> -> memref<10000x64xf32, #tpu.memory_space<hbm>>
        %dma_start3A_513 = tpu.memref_slice %arg13[%dma_start3A_502] : memref<5x!tpu.dma_semaphore, #tpu.memory_space<semaphore_mem>> -> memref<1x!tpu.dma_semaphore, #tpu.memory_space<semaphore_mem>>
        %dma_start3A_514 = tpu.memref_squeeze %dma_start3A_513 : memref<1x!tpu.dma_semaphore, #tpu.memory_space<semaphore_mem>> -> memref<!tpu.dma_semaphore, #tpu.memory_space<semaphore_mem>>
        tpu.enqueue_indirect_dma source(%dma_start3A_512 : memref<10000x64xf32, #tpu.memory_space<hbm>>) target(%dma_start3A_506 : memref<125x64xf32, #tpu.memory_space<vmem>>) offsets(%dma_start3A_509 : memref<125xi32, #tpu.memory_space<vmem>>) semaphore(%dma_start3A_514 : memref<!tpu.dma_semaphore, #tpu.memory_space<semaphore_mem>>)
      } else {
      }
      %mul3A_455 = arith.constant 5 : i32
      %mul3A_456 = arith.muli %scan3A_279, %mul3A_455 : i32
      %add3A_457 = arith.constant 4 : i32
      %add3A_458 = arith.addi %mul3A_456, %add3A_457 : i32
      %dma_wait3A_459 = arith.constant 4 : i32
      %dma_wait3A_460 = arith.constant 4 : i32
      %dma_wait3A_461 = arith.constant 0 : i32
      %dma_wait3A_462 = arith.constant 0 : i32
      %dma_wait3A_463 = tpu.memref_slice %arg9[%dma_wait3A_459, %dma_wait3A_461, %dma_wait3A_462] : memref<5x125x64xf32, #tpu.memory_space<vmem>> -> memref<1x125x64xf32, #tpu.memory_space<vmem>>
      %dma_wait3A_464 = tpu.memref_squeeze %dma_wait3A_463 : memref<1x125x64xf32, #tpu.memory_space<vmem>> -> memref<125x64xf32, #tpu.memory_space<vmem>>
      %dma_wait3A_465 = arith.constant 0 : i32
      %dma_wait3A_466 = tpu.memref_slice %arg7[%add3A_458, %dma_wait3A_465] : memref<80x125xi32, #tpu.memory_space<vmem>> -> memref<1x125xi32, #tpu.memory_space<vmem>>
      %dma_wait3A_467 = tpu.memref_squeeze %dma_wait3A_466 : memref<1x125xi32, #tpu.memory_space<vmem>> -> memref<125xi32, #tpu.memory_space<vmem>>
      %dma_wait3A_468 = arith.constant 0 : i32
      %dma_wait3A_469 = arith.constant 0 : i32
      %dma_wait3A_470 = tpu.memref_slice %arg2[%dma_wait3A_468, %dma_wait3A_469] : memref<10000x64xf32, #tpu.memory_space<hbm>> -> memref<10000x64xf32, #tpu.memory_space<hbm>>
      %dma_wait3A_471 = tpu.memref_slice %arg13[%dma_wait3A_460] : memref<5x!tpu.dma_semaphore, #tpu.memory_space<semaphore_mem>> -> memref<1x!tpu.dma_semaphore, #tpu.memory_space<semaphore_mem>>
      %dma_wait3A_472 = tpu.memref_squeeze %dma_wait3A_471 : memref<1x!tpu.dma_semaphore, #tpu.memory_space<semaphore_mem>> -> memref<!tpu.dma_semaphore, #tpu.memory_space<semaphore_mem>>
      tpu.wait_indirect_dma semaphore(%dma_wait3A_472 : memref<!tpu.dma_semaphore, #tpu.memory_space<semaphore_mem>>) src(%dma_wait3A_470 : memref<10000x64xf32, #tpu.memory_space<hbm>>) dst(%dma_wait3A_464 : memref<125x64xf32, #tpu.memory_space<vmem>>)
      %dma_start3A_473 = arith.constant 4 : i32
      %dma_start3A_474 = arith.constant 4 : i32
      %dma_start3A_475 = arith.constant 0 : i32
      %dma_start3A_476 = arith.constant 0 : i32
      %dma_start3A_477 = tpu.memref_slice %arg9[%dma_start3A_473, %dma_start3A_475, %dma_start3A_476] : memref<5x125x64xf32, #tpu.memory_space<vmem>> -> memref<1x125x64xf32, #tpu.memory_space<vmem>>
      %dma_start3A_478 = tpu.memref_squeeze %dma_start3A_477 : memref<1x125x64xf32, #tpu.memory_space<vmem>> -> memref<125x64xf32, #tpu.memory_space<vmem>>
      %dma_start3A_479 = arith.constant 0 : i32
      %dma_start3A_480 = tpu.memref_slice %arg8[%add3A_458, %dma_start3A_479] : memref<80x125xi32, #tpu.memory_space<vmem>> -> memref<1x125xi32, #tpu.memory_space<vmem>>
      %dma_start3A_481 = tpu.memref_squeeze %dma_start3A_480 : memref<1x125xi32, #tpu.memory_space<vmem>> -> memref<125xi32, #tpu.memory_space<vmem>>
      %dma_start3A_482 = arith.constant 0 : i32
      %dma_start3A_483 = arith.constant 0 : i32
      %dma_start3A_484 = tpu.memref_slice %arg12[%dma_start3A_482, %dma_start3A_483] : memref<10008x64xf32, #tpu.memory_space<vmem_shared>> -> memref<10008x64xf32, #tpu.memory_space<vmem_shared>>
      %dma_start3A_485 = tpu.memref_slice %arg14[%dma_start3A_474] : memref<5x!tpu.dma_semaphore, #tpu.memory_space<semaphore_mem>> -> memref<1x!tpu.dma_semaphore, #tpu.memory_space<semaphore_mem>>
      %dma_start3A_486 = tpu.memref_squeeze %dma_start3A_485 : memref<1x!tpu.dma_semaphore, #tpu.memory_space<semaphore_mem>> -> memref<!tpu.dma_semaphore, #tpu.memory_space<semaphore_mem>>
      tpu.enqueue_indirect_dma source(%dma_start3A_478 : memref<125x64xf32, #tpu.memory_space<vmem>>) target(%dma_start3A_484 : memref<10008x64xf32, #tpu.memory_space<vmem_shared>>) offsets(%dma_start3A_481 : memref<125xi32, #tpu.memory_space<vmem>>) semaphore(%dma_start3A_486 : memref<!tpu.dma_semaphore, #tpu.memory_space<semaphore_mem>>) {add = true}
      %ge3A_487 = arith.constant 2 : i32
      %ge3A_488 = arith.cmpi sge, %add3A_458, %ge3A_487 : i32
      %convert_element_type3A_489 = arith.extui %ge3A_488 : i1 to i32
      %cond3A_490 = arith.constant 0 : i32
      %cond3A_491 = arith.cmpi ne, %convert_element_type3A_489, %cond3A_490 : i32
      scf.if %cond3A_491 {
        %dma_wait3A_499 = arith.constant 2 : i32
        %dma_wait3A_500 = arith.constant 2 : i32
        %dma_wait3A_501 = arith.constant 0 : i32
        %dma_wait3A_502 = arith.constant 0 : i32
        %dma_wait3A_503 = tpu.memref_slice %arg9[%dma_wait3A_499, %dma_wait3A_501, %dma_wait3A_502] : memref<5x125x64xf32, #tpu.memory_space<vmem>> -> memref<1x125x64xf32, #tpu.memory_space<vmem>>
        %dma_wait3A_504 = tpu.memref_squeeze %dma_wait3A_503 : memref<1x125x64xf32, #tpu.memory_space<vmem>> -> memref<125x64xf32, #tpu.memory_space<vmem>>
        %dma_wait3A_505 = arith.constant 0 : i32
        %dma_wait3A_506 = tpu.memref_slice %arg8[%add3A_458, %dma_wait3A_505] : memref<80x125xi32, #tpu.memory_space<vmem>> -> memref<1x125xi32, #tpu.memory_space<vmem>>
        %dma_wait3A_507 = tpu.memref_squeeze %dma_wait3A_506 : memref<1x125xi32, #tpu.memory_space<vmem>> -> memref<125xi32, #tpu.memory_space<vmem>>
        %dma_wait3A_508 = arith.constant 0 : i32
        %dma_wait3A_509 = arith.constant 0 : i32
        %dma_wait3A_510 = tpu.memref_slice %arg12[%dma_wait3A_508, %dma_wait3A_509] : memref<10008x64xf32, #tpu.memory_space<vmem_shared>> -> memref<10008x64xf32, #tpu.memory_space<vmem_shared>>
        %dma_wait3A_511 = tpu.memref_slice %arg14[%dma_wait3A_500] : memref<5x!tpu.dma_semaphore, #tpu.memory_space<semaphore_mem>> -> memref<1x!tpu.dma_semaphore, #tpu.memory_space<semaphore_mem>>
        %dma_wait3A_512 = tpu.memref_squeeze %dma_wait3A_511 : memref<1x!tpu.dma_semaphore, #tpu.memory_space<semaphore_mem>> -> memref<!tpu.dma_semaphore, #tpu.memory_space<semaphore_mem>>
        tpu.wait_indirect_dma semaphore(%dma_wait3A_512 : memref<!tpu.dma_semaphore, #tpu.memory_space<semaphore_mem>>) src(%dma_wait3A_504 : memref<125x64xf32, #tpu.memory_space<vmem>>) dst(%dma_wait3A_510 : memref<10008x64xf32, #tpu.memory_space<vmem_shared>>)
      } else {
      }
      %add3A_492 = arith.constant 3 : i32
      %add3A_493 = arith.addi %add3A_458, %add3A_492 : i32
      %lt3A_494 = arith.constant 80 : i32
      %lt3A_495 = arith.cmpi slt, %add3A_493, %lt3A_494 : i32
      %convert_element_type3A_496 = arith.extui %lt3A_495 : i1 to i32
      %cond3A_497 = arith.constant 0 : i32
      %cond3A_498 = arith.cmpi ne, %convert_element_type3A_496, %cond3A_497 : i32
      scf.if %cond3A_498 {
        %add3A_499 = arith.constant 3 : i32
        %add3A_500 = arith.addi %add3A_458, %add3A_499 : i32
        %dma_start3A_501 = arith.constant 2 : i32
        %dma_start3A_502 = arith.constant 2 : i32
        %dma_start3A_503 = arith.constant 0 : i32
        %dma_start3A_504 = arith.constant 0 : i32
        %dma_start3A_505 = tpu.memref_slice %arg9[%dma_start3A_501, %dma_start3A_503, %dma_start3A_504] : memref<5x125x64xf32, #tpu.memory_space<vmem>> -> memref<1x125x64xf32, #tpu.memory_space<vmem>>
        %dma_start3A_506 = tpu.memref_squeeze %dma_start3A_505 : memref<1x125x64xf32, #tpu.memory_space<vmem>> -> memref<125x64xf32, #tpu.memory_space<vmem>>
        %dma_start3A_507 = arith.constant 0 : i32
        %dma_start3A_508 = tpu.memref_slice %arg7[%add3A_500, %dma_start3A_507] : memref<80x125xi32, #tpu.memory_space<vmem>> -> memref<1x125xi32, #tpu.memory_space<vmem>>
        %dma_start3A_509 = tpu.memref_squeeze %dma_start3A_508 : memref<1x125xi32, #tpu.memory_space<vmem>> -> memref<125xi32, #tpu.memory_space<vmem>>
        %dma_start3A_510 = arith.constant 0 : i32
        %dma_start3A_511 = arith.constant 0 : i32
        %dma_start3A_512 = tpu.memref_slice %arg2[%dma_start3A_510, %dma_start3A_511] : memref<10000x64xf32, #tpu.memory_space<hbm>> -> memref<10000x64xf32, #tpu.memory_space<hbm>>
        %dma_start3A_513 = tpu.memref_slice %arg13[%dma_start3A_502] : memref<5x!tpu.dma_semaphore, #tpu.memory_space<semaphore_mem>> -> memref<1x!tpu.dma_semaphore, #tpu.memory_space<semaphore_mem>>
        %dma_start3A_514 = tpu.memref_squeeze %dma_start3A_513 : memref<1x!tpu.dma_semaphore, #tpu.memory_space<semaphore_mem>> -> memref<!tpu.dma_semaphore, #tpu.memory_space<semaphore_mem>>
        tpu.enqueue_indirect_dma source(%dma_start3A_512 : memref<10000x64xf32, #tpu.memory_space<hbm>>) target(%dma_start3A_506 : memref<125x64xf32, #tpu.memory_space<vmem>>) offsets(%dma_start3A_509 : memref<125xi32, #tpu.memory_space<vmem>>) semaphore(%dma_start3A_514 : memref<!tpu.dma_semaphore, #tpu.memory_space<semaphore_mem>>)
      } else {
      }
    }
    %scan3A_81 = arith.constant 16 : i32
    %dma_wait3A = arith.constant 3 : i32
    %dma_wait3A_82 = arith.constant 0 : i32
    %dma_wait3A_83 = arith.constant 3 : i32
    %dma_wait3A_84 = arith.constant 0 : i32
    %dma_wait3A_85 = arith.constant 0 : i32
    %dma_wait3A_86 = tpu.memref_slice %arg9[%dma_wait3A, %dma_wait3A_84, %dma_wait3A_85] : memref<5x125x64xf32, #tpu.memory_space<vmem>> -> memref<1x125x64xf32, #tpu.memory_space<vmem>>
    %dma_wait3A_87 = tpu.memref_squeeze %dma_wait3A_86 : memref<1x125x64xf32, #tpu.memory_space<vmem>> -> memref<125x64xf32, #tpu.memory_space<vmem>>
    %dma_wait3A_88 = arith.constant 0 : i32
    %dma_wait3A_89 = tpu.memref_slice %arg8[%dma_wait3A_82, %dma_wait3A_88] : memref<80x125xi32, #tpu.memory_space<vmem>> -> memref<1x125xi32, #tpu.memory_space<vmem>>
    %dma_wait3A_90 = tpu.memref_squeeze %dma_wait3A_89 : memref<1x125xi32, #tpu.memory_space<vmem>> -> memref<125xi32, #tpu.memory_space<vmem>>
    %dma_wait3A_91 = arith.constant 0 : i32
    %dma_wait3A_92 = arith.constant 0 : i32
    %dma_wait3A_93 = tpu.memref_slice %arg12[%dma_wait3A_91, %dma_wait3A_92] : memref<10008x64xf32, #tpu.memory_space<vmem_shared>> -> memref<10008x64xf32, #tpu.memory_space<vmem_shared>>
    %dma_wait3A_94 = tpu.memref_slice %arg14[%dma_wait3A_83] : memref<5x!tpu.dma_semaphore, #tpu.memory_space<semaphore_mem>> -> memref<1x!tpu.dma_semaphore, #tpu.memory_space<semaphore_mem>>
    %dma_wait3A_95 = tpu.memref_squeeze %dma_wait3A_94 : memref<1x!tpu.dma_semaphore, #tpu.memory_space<semaphore_mem>> -> memref<!tpu.dma_semaphore, #tpu.memory_space<semaphore_mem>>
    tpu.wait_indirect_dma semaphore(%dma_wait3A_95 : memref<!tpu.dma_semaphore, #tpu.memory_space<semaphore_mem>>) src(%dma_wait3A_87 : memref<125x64xf32, #tpu.memory_space<vmem>>) dst(%dma_wait3A_93 : memref<10008x64xf32, #tpu.memory_space<vmem_shared>>)
    %dma_wait3A_96 = arith.constant 4 : i32
    %dma_wait3A_97 = arith.constant 0 : i32
    %dma_wait3A_98 = arith.constant 4 : i32
    %dma_wait3A_99 = arith.constant 0 : i32
    %dma_wait3A_100 = arith.constant 0 : i32
    %dma_wait3A_101 = tpu.memref_slice %arg9[%dma_wait3A_96, %dma_wait3A_99, %dma_wait3A_100] : memref<5x125x64xf32, #tpu.memory_space<vmem>> -> memref<1x125x64xf32, #tpu.memory_space<vmem>>
    %dma_wait3A_102 = tpu.memref_squeeze %dma_wait3A_101 : memref<1x125x64xf32, #tpu.memory_space<vmem>> -> memref<125x64xf32, #tpu.memory_space<vmem>>
    %dma_wait3A_103 = arith.constant 0 : i32
    %dma_wait3A_104 = tpu.memref_slice %arg8[%dma_wait3A_97, %dma_wait3A_103] : memref<80x125xi32, #tpu.memory_space<vmem>> -> memref<1x125xi32, #tpu.memory_space<vmem>>
    %dma_wait3A_105 = tpu.memref_squeeze %dma_wait3A_104 : memref<1x125xi32, #tpu.memory_space<vmem>> -> memref<125xi32, #tpu.memory_space<vmem>>
    %dma_wait3A_106 = arith.constant 0 : i32
    %dma_wait3A_107 = arith.constant 0 : i32
    %dma_wait3A_108 = tpu.memref_slice %arg12[%dma_wait3A_106, %dma_wait3A_107] : memref<10008x64xf32, #tpu.memory_space<vmem_shared>> -> memref<10008x64xf32, #tpu.memory_space<vmem_shared>>
    %dma_wait3A_109 = tpu.memref_slice %arg14[%dma_wait3A_98] : memref<5x!tpu.dma_semaphore, #tpu.memory_space<semaphore_mem>> -> memref<1x!tpu.dma_semaphore, #tpu.memory_space<semaphore_mem>>
    %dma_wait3A_110 = tpu.memref_squeeze %dma_wait3A_109 : memref<1x!tpu.dma_semaphore, #tpu.memory_space<semaphore_mem>> -> memref<!tpu.dma_semaphore, #tpu.memory_space<semaphore_mem>>
    tpu.wait_indirect_dma semaphore(%dma_wait3A_110 : memref<!tpu.dma_semaphore, #tpu.memory_space<semaphore_mem>>) src(%dma_wait3A_102 : memref<125x64xf32, #tpu.memory_space<vmem>>) dst(%dma_wait3A_108 : memref<10008x64xf32, #tpu.memory_space<vmem_shared>>)
    %barrier3A_111 = arith.constant 0 : index
    tpu.barrier barrier_id(%barrier3A_111)
    %add3A_112 = arith.constant 0 : i32
    %add3A_113 = arith.addi %arg1, %add3A_112 : i32
    %lt3A_114 = arith.constant 50 : i32
    %lt3A_115 = arith.cmpi slt, %add3A_113, %lt3A_114 : i32
    %convert_element_type3A_116 = arith.extui %lt3A_115 : i1 to i32
    %cond3A_117 = arith.constant 0 : i32
    %cond3A_118 = arith.cmpi ne, %convert_element_type3A_116, %cond3A_117 : i32
    scf.if %cond3A_118 {
      %mul3A_279 = arith.constant 200 : i32
      %mul3A_280 = arith.muli %add3A_113, %mul3A_279 : i32
      "tpu.region"() ({
        %run_scoped3A = tpu.sem_alloc : memref<!tpu.dma_semaphore, #tpu.memory_space<semaphore_mem>>
        %dma_start3A_281 = arith.constant 0 : i32
        %dma_start3A_282 = tpu.memref_slice %arg12[%mul3A_280, %dma_start3A_281] : memref<10008x64xf32, #tpu.memory_space<vmem_shared>> -> memref<200x64xf32, #tpu.memory_space<vmem_shared>>
        %dma_start3A_283 = arith.constant 0 : i32
        %dma_start3A_284 = tpu.memref_slice %arg12[%mul3A_280, %dma_start3A_283] : memref<10008x64xf32, #tpu.memory_space<vmem_shared>> -> memref<200x64xf32, #tpu.memory_space<vmem_shared>>
        tpu.enqueue_dma source(%dma_start3A_284 : memref<200x64xf32, #tpu.memory_space<vmem_shared>>) target(%arg11 : memref<200x64xf32, #tpu.memory_space<vmem>>) target_semaphore(%run_scoped3A : memref<!tpu.dma_semaphore, #tpu.memory_space<semaphore_mem>>)
        %dma_wait3A_285 = arith.constant 0 : i32
        %dma_wait3A_286 = tpu.memref_slice %arg12[%mul3A_280, %dma_wait3A_285] : memref<10008x64xf32, #tpu.memory_space<vmem_shared>> -> memref<200x64xf32, #tpu.memory_space<vmem_shared>>
        %dma_wait3A_287 = arith.constant 0 : i32
        %dma_wait3A_288 = tpu.memref_slice %arg12[%mul3A_280, %dma_wait3A_287] : memref<10008x64xf32, #tpu.memory_space<vmem_shared>> -> memref<200x64xf32, #tpu.memory_space<vmem_shared>>
        tpu.wait_dma2 semaphore(%run_scoped3A : memref<!tpu.dma_semaphore, #tpu.memory_space<semaphore_mem>>) src(%dma_wait3A_288 : memref<200x64xf32, #tpu.memory_space<vmem_shared>>) dst(%arg11 : memref<200x64xf32, #tpu.memory_space<vmem>>)
        tpu.yield
      }) : () -> ()
      "tpu.region"() ({
        %run_scoped3A = tpu.sem_alloc : memref<!tpu.dma_semaphore, #tpu.memory_space<semaphore_mem>>
        %dma_start3A_281 = arith.constant 0 : i32
        %dma_start3A_282 = tpu.memref_slice %arg6[%arg0, %mul3A_280, %dma_start3A_281] : memref<2x10000x128xf32, #tpu.memory_space<hbm>> -> memref<1x200x64xf32, #tpu.memory_space<hbm>>
        %dma_start3A_283 = tpu.memref_squeeze %dma_start3A_282 : memref<1x200x64xf32, #tpu.memory_space<hbm>> -> memref<200x64xf32, #tpu.memory_space<hbm>>
        %dma_start3A_284 = arith.constant 0 : i32
        %dma_start3A_285 = tpu.memref_slice %arg6[%arg0, %mul3A_280, %dma_start3A_284] : memref<2x10000x128xf32, #tpu.memory_space<hbm>> -> memref<1x200x64xf32, #tpu.memory_space<hbm>>
        %dma_start3A_286 = tpu.memref_squeeze %dma_start3A_285 : memref<1x200x64xf32, #tpu.memory_space<hbm>> -> memref<200x64xf32, #tpu.memory_space<hbm>>
        tpu.enqueue_dma source(%arg11 : memref<200x64xf32, #tpu.memory_space<vmem>>) target(%dma_start3A_286 : memref<200x64xf32, #tpu.memory_space<hbm>>) target_semaphore(%run_scoped3A : memref<!tpu.dma_semaphore, #tpu.memory_space<semaphore_mem>>)
        %dma_wait3A_287 = arith.constant 0 : i32
        %dma_wait3A_288 = tpu.memref_slice %arg6[%arg0, %mul3A_280, %dma_wait3A_287] : memref<2x10000x128xf32, #tpu.memory_space<hbm>> -> memref<1x200x64xf32, #tpu.memory_space<hbm>>
        %dma_wait3A_289 = tpu.memref_squeeze %dma_wait3A_288 : memref<1x200x64xf32, #tpu.memory_space<hbm>> -> memref<200x64xf32, #tpu.memory_space<hbm>>
        %dma_wait3A_290 = arith.constant 0 : i32
        %dma_wait3A_291 = tpu.memref_slice %arg6[%arg0, %mul3A_280, %dma_wait3A_290] : memref<2x10000x128xf32, #tpu.memory_space<hbm>> -> memref<1x200x64xf32, #tpu.memory_space<hbm>>
        %dma_wait3A_292 = tpu.memref_squeeze %dma_wait3A_291 : memref<1x200x64xf32, #tpu.memory_space<hbm>> -> memref<200x64xf32, #tpu.memory_space<hbm>>
        tpu.wait_dma2 semaphore(%run_scoped3A : memref<!tpu.dma_semaphore, #tpu.memory_space<semaphore_mem>>) src(%arg11 : memref<200x64xf32, #tpu.memory_space<vmem>>) dst(%dma_wait3A_292 : memref<200x64xf32, #tpu.memory_space<hbm>>)
        tpu.yield
      }) : () -> ()
    } else {
    }
    %add3A_119 = arith.constant 16 : i32
    %add3A_120 = arith.addi %arg1, %add3A_119 : i32
    %lt3A_121 = arith.constant 50 : i32
    %lt3A_122 = arith.cmpi slt, %add3A_120, %lt3A_121 : i32
    %convert_element_type3A_123 = arith.extui %lt3A_122 : i1 to i32
    %cond3A_124 = arith.constant 0 : i32
    %cond3A_125 = arith.cmpi ne, %convert_element_type3A_123, %cond3A_124 : i32
    scf.if %cond3A_125 {
      %mul3A_279 = arith.constant 200 : i32
      %mul3A_280 = arith.muli %add3A_120, %mul3A_279 : i32
      "tpu.region"() ({
        %run_scoped3A = tpu.sem_alloc : memref<!tpu.dma_semaphore, #tpu.memory_space<semaphore_mem>>
        %dma_start3A_281 = arith.constant 0 : i32
        %dma_start3A_282 = tpu.memref_slice %arg12[%mul3A_280, %dma_start3A_281] : memref<10008x64xf32, #tpu.memory_space<vmem_shared>> -> memref<200x64xf32, #tpu.memory_space<vmem_shared>>
        %dma_start3A_283 = arith.constant 0 : i32
        %dma_start3A_284 = tpu.memref_slice %arg12[%mul3A_280, %dma_start3A_283] : memref<10008x64xf32, #tpu.memory_space<vmem_shared>> -> memref<200x64xf32, #tpu.memory_space<vmem_shared>>
        tpu.enqueue_dma source(%dma_start3A_284 : memref<200x64xf32, #tpu.memory_space<vmem_shared>>) target(%arg11 : memref<200x64xf32, #tpu.memory_space<vmem>>) target_semaphore(%run_scoped3A : memref<!tpu.dma_semaphore, #tpu.memory_space<semaphore_mem>>)
        %dma_wait3A_285 = arith.constant 0 : i32
        %dma_wait3A_286 = tpu.memref_slice %arg12[%mul3A_280, %dma_wait3A_285] : memref<10008x64xf32, #tpu.memory_space<vmem_shared>> -> memref<200x64xf32, #tpu.memory_space<vmem_shared>>
        %dma_wait3A_287 = arith.constant 0 : i32
        %dma_wait3A_288 = tpu.memref_slice %arg12[%mul3A_280, %dma_wait3A_287] : memref<10008x64xf32, #tpu.memory_space<vmem_shared>> -> memref<200x64xf32, #tpu.memory_space<vmem_shared>>
        tpu.wait_dma2 semaphore(%run_scoped3A : memref<!tpu.dma_semaphore, #tpu.memory_space<semaphore_mem>>) src(%dma_wait3A_288 : memref<200x64xf32, #tpu.memory_space<vmem_shared>>) dst(%arg11 : memref<200x64xf32, #tpu.memory_space<vmem>>)
        tpu.yield
      }) : () -> ()
      "tpu.region"() ({
        %run_scoped3A = tpu.sem_alloc : memref<!tpu.dma_semaphore, #tpu.memory_space<semaphore_mem>>
        %dma_start3A_281 = arith.constant 0 : i32
        %dma_start3A_282 = tpu.memref_slice %arg6[%arg0, %mul3A_280, %dma_start3A_281] : memref<2x10000x128xf32, #tpu.memory_space<hbm>> -> memref<1x200x64xf32, #tpu.memory_space<hbm>>
        %dma_start3A_283 = tpu.memref_squeeze %dma_start3A_282 : memref<1x200x64xf32, #tpu.memory_space<hbm>> -> memref<200x64xf32, #tpu.memory_space<hbm>>
        %dma_start3A_284 = arith.constant 0 : i32
        %dma_start3A_285 = tpu.memref_slice %arg6[%arg0, %mul3A_280, %dma_start3A_284] : memref<2x10000x128xf32, #tpu.memory_space<hbm>> -> memref<1x200x64xf32, #tpu.memory_space<hbm>>
        %dma_start3A_286 = tpu.memref_squeeze %dma_start3A_285 : memref<1x200x64xf32, #tpu.memory_space<hbm>> -> memref<200x64xf32, #tpu.memory_space<hbm>>
        tpu.enqueue_dma source(%arg11 : memref<200x64xf32, #tpu.memory_space<vmem>>) target(%dma_start3A_286 : memref<200x64xf32, #tpu.memory_space<hbm>>) target_semaphore(%run_scoped3A : memref<!tpu.dma_semaphore, #tpu.memory_space<semaphore_mem>>)
        %dma_wait3A_287 = arith.constant 0 : i32
        %dma_wait3A_288 = tpu.memref_slice %arg6[%arg0, %mul3A_280, %dma_wait3A_287] : memref<2x10000x128xf32, #tpu.memory_space<hbm>> -> memref<1x200x64xf32, #tpu.memory_space<hbm>>
        %dma_wait3A_289 = tpu.memref_squeeze %dma_wait3A_288 : memref<1x200x64xf32, #tpu.memory_space<hbm>> -> memref<200x64xf32, #tpu.memory_space<hbm>>
        %dma_wait3A_290 = arith.constant 0 : i32
        %dma_wait3A_291 = tpu.memref_slice %arg6[%arg0, %mul3A_280, %dma_wait3A_290] : memref<2x10000x128xf32, #tpu.memory_space<hbm>> -> memref<1x200x64xf32, #tpu.memory_space<hbm>>
        %dma_wait3A_292 = tpu.memref_squeeze %dma_wait3A_291 : memref<1x200x64xf32, #tpu.memory_space<hbm>> -> memref<200x64xf32, #tpu.memory_space<hbm>>
        tpu.wait_dma2 semaphore(%run_scoped3A : memref<!tpu.dma_semaphore, #tpu.memory_space<semaphore_mem>>) src(%arg11 : memref<200x64xf32, #tpu.memory_space<vmem>>) dst(%dma_wait3A_292 : memref<200x64xf32, #tpu.memory_space<hbm>>)
        tpu.yield
      }) : () -> ()
    } else {
    }
    %add3A_126 = arith.constant 32 : i32
    %add3A_127 = arith.addi %arg1, %add3A_126 : i32
    %lt3A_128 = arith.constant 50 : i32
    %lt3A_129 = arith.cmpi slt, %add3A_127, %lt3A_128 : i32
    %convert_element_type3A_130 = arith.extui %lt3A_129 : i1 to i32
    %cond3A_131 = arith.constant 0 : i32
    %cond3A_132 = arith.cmpi ne, %convert_element_type3A_130, %cond3A_131 : i32
    scf.if %cond3A_132 {
      %mul3A_279 = arith.constant 200 : i32
      %mul3A_280 = arith.muli %add3A_127, %mul3A_279 : i32
      "tpu.region"() ({
        %run_scoped3A = tpu.sem_alloc : memref<!tpu.dma_semaphore, #tpu.memory_space<semaphore_mem>>
        %dma_start3A_281 = arith.constant 0 : i32
        %dma_start3A_282 = tpu.memref_slice %arg12[%mul3A_280, %dma_start3A_281] : memref<10008x64xf32, #tpu.memory_space<vmem_shared>> -> memref<200x64xf32, #tpu.memory_space<vmem_shared>>
        %dma_start3A_283 = arith.constant 0 : i32
        %dma_start3A_284 = tpu.memref_slice %arg12[%mul3A_280, %dma_start3A_283] : memref<10008x64xf32, #tpu.memory_space<vmem_shared>> -> memref<200x64xf32, #tpu.memory_space<vmem_shared>>
        tpu.enqueue_dma source(%dma_start3A_284 : memref<200x64xf32, #tpu.memory_space<vmem_shared>>) target(%arg11 : memref<200x64xf32, #tpu.memory_space<vmem>>) target_semaphore(%run_scoped3A : memref<!tpu.dma_semaphore, #tpu.memory_space<semaphore_mem>>)
        %dma_wait3A_285 = arith.constant 0 : i32
        %dma_wait3A_286 = tpu.memref_slice %arg12[%mul3A_280, %dma_wait3A_285] : memref<10008x64xf32, #tpu.memory_space<vmem_shared>> -> memref<200x64xf32, #tpu.memory_space<vmem_shared>>
        %dma_wait3A_287 = arith.constant 0 : i32
        %dma_wait3A_288 = tpu.memref_slice %arg12[%mul3A_280, %dma_wait3A_287] : memref<10008x64xf32, #tpu.memory_space<vmem_shared>> -> memref<200x64xf32, #tpu.memory_space<vmem_shared>>
        tpu.wait_dma2 semaphore(%run_scoped3A : memref<!tpu.dma_semaphore, #tpu.memory_space<semaphore_mem>>) src(%dma_wait3A_288 : memref<200x64xf32, #tpu.memory_space<vmem_shared>>) dst(%arg11 : memref<200x64xf32, #tpu.memory_space<vmem>>)
        tpu.yield
      }) : () -> ()
      "tpu.region"() ({
        %run_scoped3A = tpu.sem_alloc : memref<!tpu.dma_semaphore, #tpu.memory_space<semaphore_mem>>
        %dma_start3A_281 = arith.constant 0 : i32
        %dma_start3A_282 = tpu.memref_slice %arg6[%arg0, %mul3A_280, %dma_start3A_281] : memref<2x10000x128xf32, #tpu.memory_space<hbm>> -> memref<1x200x64xf32, #tpu.memory_space<hbm>>
        %dma_start3A_283 = tpu.memref_squeeze %dma_start3A_282 : memref<1x200x64xf32, #tpu.memory_space<hbm>> -> memref<200x64xf32, #tpu.memory_space<hbm>>
        %dma_start3A_284 = arith.constant 0 : i32
        %dma_start3A_285 = tpu.memref_slice %arg6[%arg0, %mul3A_280, %dma_start3A_284] : memref<2x10000x128xf32, #tpu.memory_space<hbm>> -> memref<1x200x64xf32, #tpu.memory_space<hbm>>
        %dma_start3A_286 = tpu.memref_squeeze %dma_start3A_285 : memref<1x200x64xf32, #tpu.memory_space<hbm>> -> memref<200x64xf32, #tpu.memory_space<hbm>>
        tpu.enqueue_dma source(%arg11 : memref<200x64xf32, #tpu.memory_space<vmem>>) target(%dma_start3A_286 : memref<200x64xf32, #tpu.memory_space<hbm>>) target_semaphore(%run_scoped3A : memref<!tpu.dma_semaphore, #tpu.memory_space<semaphore_mem>>)
        %dma_wait3A_287 = arith.constant 0 : i32
        %dma_wait3A_288 = tpu.memref_slice %arg6[%arg0, %mul3A_280, %dma_wait3A_287] : memref<2x10000x128xf32, #tpu.memory_space<hbm>> -> memref<1x200x64xf32, #tpu.memory_space<hbm>>
        %dma_wait3A_289 = tpu.memref_squeeze %dma_wait3A_288 : memref<1x200x64xf32, #tpu.memory_space<hbm>> -> memref<200x64xf32, #tpu.memory_space<hbm>>
        %dma_wait3A_290 = arith.constant 0 : i32
        %dma_wait3A_291 = tpu.memref_slice %arg6[%arg0, %mul3A_280, %dma_wait3A_290] : memref<2x10000x128xf32, #tpu.memory_space<hbm>> -> memref<1x200x64xf32, #tpu.memory_space<hbm>>
        %dma_wait3A_292 = tpu.memref_squeeze %dma_wait3A_291 : memref<1x200x64xf32, #tpu.memory_space<hbm>> -> memref<200x64xf32, #tpu.memory_space<hbm>>
        tpu.wait_dma2 semaphore(%run_scoped3A : memref<!tpu.dma_semaphore, #tpu.memory_space<semaphore_mem>>) src(%arg11 : memref<200x64xf32, #tpu.memory_space<vmem>>) dst(%dma_wait3A_292 : memref<200x64xf32, #tpu.memory_space<hbm>>)
        tpu.yield
      }) : () -> ()
    } else {
    }
    %add3A_133 = arith.constant 48 : i32
    %add3A_134 = arith.addi %arg1, %add3A_133 : i32
    %lt3A_135 = arith.constant 50 : i32
    %lt3A_136 = arith.cmpi slt, %add3A_134, %lt3A_135 : i32
    %convert_element_type3A_137 = arith.extui %lt3A_136 : i1 to i32
    %cond3A_138 = arith.constant 0 : i32
    %cond3A_139 = arith.cmpi ne, %convert_element_type3A_137, %cond3A_138 : i32
    scf.if %cond3A_139 {
      %mul3A_279 = arith.constant 200 : i32
      %mul3A_280 = arith.muli %add3A_134, %mul3A_279 : i32
      "tpu.region"() ({
        %run_scoped3A = tpu.sem_alloc : memref<!tpu.dma_semaphore, #tpu.memory_space<semaphore_mem>>
        %dma_start3A_281 = arith.constant 0 : i32
        %dma_start3A_282 = tpu.memref_slice %arg12[%mul3A_280, %dma_start3A_281] : memref<10008x64xf32, #tpu.memory_space<vmem_shared>> -> memref<200x64xf32, #tpu.memory_space<vmem_shared>>
        %dma_start3A_283 = arith.constant 0 : i32
        %dma_start3A_284 = tpu.memref_slice %arg12[%mul3A_280, %dma_start3A_283] : memref<10008x64xf32, #tpu.memory_space<vmem_shared>> -> memref<200x64xf32, #tpu.memory_space<vmem_shared>>
        tpu.enqueue_dma source(%dma_start3A_284 : memref<200x64xf32, #tpu.memory_space<vmem_shared>>) target(%arg11 : memref<200x64xf32, #tpu.memory_space<vmem>>) target_semaphore(%run_scoped3A : memref<!tpu.dma_semaphore, #tpu.memory_space<semaphore_mem>>)
        %dma_wait3A_285 = arith.constant 0 : i32
        %dma_wait3A_286 = tpu.memref_slice %arg12[%mul3A_280, %dma_wait3A_285] : memref<10008x64xf32, #tpu.memory_space<vmem_shared>> -> memref<200x64xf32, #tpu.memory_space<vmem_shared>>
        %dma_wait3A_287 = arith.constant 0 : i32
        %dma_wait3A_288 = tpu.memref_slice %arg12[%mul3A_280, %dma_wait3A_287] : memref<10008x64xf32, #tpu.memory_space<vmem_shared>> -> memref<200x64xf32, #tpu.memory_space<vmem_shared>>
        tpu.wait_dma2 semaphore(%run_scoped3A : memref<!tpu.dma_semaphore, #tpu.memory_space<semaphore_mem>>) src(%dma_wait3A_288 : memref<200x64xf32, #tpu.memory_space<vmem_shared>>) dst(%arg11 : memref<200x64xf32, #tpu.memory_space<vmem>>)
        tpu.yield
      }) : () -> ()
      "tpu.region"() ({
        %run_scoped3A = tpu.sem_alloc : memref<!tpu.dma_semaphore, #tpu.memory_space<semaphore_mem>>
        %dma_start3A_281 = arith.constant 0 : i32
        %dma_start3A_282 = tpu.memref_slice %arg6[%arg0, %mul3A_280, %dma_start3A_281] : memref<2x10000x128xf32, #tpu.memory_space<hbm>> -> memref<1x200x64xf32, #tpu.memory_space<hbm>>
        %dma_start3A_283 = tpu.memref_squeeze %dma_start3A_282 : memref<1x200x64xf32, #tpu.memory_space<hbm>> -> memref<200x64xf32, #tpu.memory_space<hbm>>
        %dma_start3A_284 = arith.constant 0 : i32
        %dma_start3A_285 = tpu.memref_slice %arg6[%arg0, %mul3A_280, %dma_start3A_284] : memref<2x10000x128xf32, #tpu.memory_space<hbm>> -> memref<1x200x64xf32, #tpu.memory_space<hbm>>
        %dma_start3A_286 = tpu.memref_squeeze %dma_start3A_285 : memref<1x200x64xf32, #tpu.memory_space<hbm>> -> memref<200x64xf32, #tpu.memory_space<hbm>>
        tpu.enqueue_dma source(%arg11 : memref<200x64xf32, #tpu.memory_space<vmem>>) target(%dma_start3A_286 : memref<200x64xf32, #tpu.memory_space<hbm>>) target_semaphore(%run_scoped3A : memref<!tpu.dma_semaphore, #tpu.memory_space<semaphore_mem>>)
        %dma_wait3A_287 = arith.constant 0 : i32
        %dma_wait3A_288 = tpu.memref_slice %arg6[%arg0, %mul3A_280, %dma_wait3A_287] : memref<2x10000x128xf32, #tpu.memory_space<hbm>> -> memref<1x200x64xf32, #tpu.memory_space<hbm>>
        %dma_wait3A_289 = tpu.memref_squeeze %dma_wait3A_288 : memref<1x200x64xf32, #tpu.memory_space<hbm>> -> memref<200x64xf32, #tpu.memory_space<hbm>>
        %dma_wait3A_290 = arith.constant 0 : i32
        %dma_wait3A_291 = tpu.memref_slice %arg6[%arg0, %mul3A_280, %dma_wait3A_290] : memref<2x10000x128xf32, #tpu.memory_space<hbm>> -> memref<1x200x64xf32, #tpu.memory_space<hbm>>
        %dma_wait3A_292 = tpu.memref_squeeze %dma_wait3A_291 : memref<1x200x64xf32, #tpu.memory_space<hbm>> -> memref<200x64xf32, #tpu.memory_space<hbm>>
        tpu.wait_dma2 semaphore(%run_scoped3A : memref<!tpu.dma_semaphore, #tpu.memory_space<semaphore_mem>>) src(%arg11 : memref<200x64xf32, #tpu.memory_space<vmem>>) dst(%dma_wait3A_292 : memref<200x64xf32, #tpu.memory_space<hbm>>)
        tpu.yield
      }) : () -> ()
    } else {
    }
    %add3A_140 = arith.constant 0 : i32
    %add3A_141 = arith.addi %arg1, %add3A_140 : i32
    %lt3A_142 = arith.constant 50 : i32
    %lt3A_143 = arith.cmpi slt, %add3A_141, %lt3A_142 : i32
    %convert_element_type3A_144 = arith.extui %lt3A_143 : i1 to i32
    %cond3A_145 = arith.constant 0 : i32
    %cond3A_146 = arith.cmpi ne, %convert_element_type3A_144, %cond3A_145 : i32
    scf.if %cond3A_146 {
      %mul3A_279 = arith.constant 200 : i32
      %mul3A_280 = arith.muli %add3A_141, %mul3A_279 : i32
      "tpu.region"() ({
        %run_scoped3A = tpu.sem_alloc : memref<!tpu.dma_semaphore, #tpu.memory_space<semaphore_mem>>
        %dma_start3A_281 = arith.constant 0 : i32
        %dma_start3A_282 = tpu.memref_slice %arg12[%mul3A_280, %dma_start3A_281] : memref<10008x64xf32, #tpu.memory_space<vmem_shared>> -> memref<200x64xf32, #tpu.memory_space<vmem_shared>>
        %dma_start3A_283 = arith.constant 0 : i32
        %dma_start3A_284 = tpu.memref_slice %arg12[%mul3A_280, %dma_start3A_283] : memref<10008x64xf32, #tpu.memory_space<vmem_shared>> -> memref<200x64xf32, #tpu.memory_space<vmem_shared>>
        tpu.enqueue_dma source(%arg10 : memref<200x64xf32, #tpu.memory_space<vmem>>) target(%dma_start3A_284 : memref<200x64xf32, #tpu.memory_space<vmem_shared>>) target_semaphore(%run_scoped3A : memref<!tpu.dma_semaphore, #tpu.memory_space<semaphore_mem>>)
        %dma_wait3A_285 = arith.constant 0 : i32
        %dma_wait3A_286 = tpu.memref_slice %arg12[%mul3A_280, %dma_wait3A_285] : memref<10008x64xf32, #tpu.memory_space<vmem_shared>> -> memref<200x64xf32, #tpu.memory_space<vmem_shared>>
        %dma_wait3A_287 = arith.constant 0 : i32
        %dma_wait3A_288 = tpu.memref_slice %arg12[%mul3A_280, %dma_wait3A_287] : memref<10008x64xf32, #tpu.memory_space<vmem_shared>> -> memref<200x64xf32, #tpu.memory_space<vmem_shared>>
        tpu.wait_dma2 semaphore(%run_scoped3A : memref<!tpu.dma_semaphore, #tpu.memory_space<semaphore_mem>>) src(%arg10 : memref<200x64xf32, #tpu.memory_space<vmem>>) dst(%dma_wait3A_288 : memref<200x64xf32, #tpu.memory_space<vmem_shared>>)
        tpu.yield
      }) : () -> ()
    } else {
    }
    %add3A_147 = arith.constant 16 : i32
    %add3A_148 = arith.addi %arg1, %add3A_147 : i32
    %lt3A_149 = arith.constant 50 : i32
    %lt3A_150 = arith.cmpi slt, %add3A_148, %lt3A_149 : i32
    %convert_element_type3A_151 = arith.extui %lt3A_150 : i1 to i32
    %cond3A_152 = arith.constant 0 : i32
    %cond3A_153 = arith.cmpi ne, %convert_element_type3A_151, %cond3A_152 : i32
    scf.if %cond3A_153 {
      %mul3A_279 = arith.constant 200 : i32
      %mul3A_280 = arith.muli %add3A_148, %mul3A_279 : i32
      "tpu.region"() ({
        %run_scoped3A = tpu.sem_alloc : memref<!tpu.dma_semaphore, #tpu.memory_space<semaphore_mem>>
        %dma_start3A_281 = arith.constant 0 : i32
        %dma_start3A_282 = tpu.memref_slice %arg12[%mul3A_280, %dma_start3A_281] : memref<10008x64xf32, #tpu.memory_space<vmem_shared>> -> memref<200x64xf32, #tpu.memory_space<vmem_shared>>
        %dma_start3A_283 = arith.constant 0 : i32
        %dma_start3A_284 = tpu.memref_slice %arg12[%mul3A_280, %dma_start3A_283] : memref<10008x64xf32, #tpu.memory_space<vmem_shared>> -> memref<200x64xf32, #tpu.memory_space<vmem_shared>>
        tpu.enqueue_dma source(%arg10 : memref<200x64xf32, #tpu.memory_space<vmem>>) target(%dma_start3A_284 : memref<200x64xf32, #tpu.memory_space<vmem_shared>>) target_semaphore(%run_scoped3A : memref<!tpu.dma_semaphore, #tpu.memory_space<semaphore_mem>>)
        %dma_wait3A_285 = arith.constant 0 : i32
        %dma_wait3A_286 = tpu.memref_slice %arg12[%mul3A_280, %dma_wait3A_285] : memref<10008x64xf32, #tpu.memory_space<vmem_shared>> -> memref<200x64xf32, #tpu.memory_space<vmem_shared>>
        %dma_wait3A_287 = arith.constant 0 : i32
        %dma_wait3A_288 = tpu.memref_slice %arg12[%mul3A_280, %dma_wait3A_287] : memref<10008x64xf32, #tpu.memory_space<vmem_shared>> -> memref<200x64xf32, #tpu.memory_space<vmem_shared>>
        tpu.wait_dma2 semaphore(%run_scoped3A : memref<!tpu.dma_semaphore, #tpu.memory_space<semaphore_mem>>) src(%arg10 : memref<200x64xf32, #tpu.memory_space<vmem>>) dst(%dma_wait3A_288 : memref<200x64xf32, #tpu.memory_space<vmem_shared>>)
        tpu.yield
      }) : () -> ()
    } else {
    }
    %add3A_154 = arith.constant 32 : i32
    %add3A_155 = arith.addi %arg1, %add3A_154 : i32
    %lt3A_156 = arith.constant 50 : i32
    %lt3A_157 = arith.cmpi slt, %add3A_155, %lt3A_156 : i32
    %convert_element_type3A_158 = arith.extui %lt3A_157 : i1 to i32
    %cond3A_159 = arith.constant 0 : i32
    %cond3A_160 = arith.cmpi ne, %convert_element_type3A_158, %cond3A_159 : i32
    scf.if %cond3A_160 {
      %mul3A_279 = arith.constant 200 : i32
      %mul3A_280 = arith.muli %add3A_155, %mul3A_279 : i32
      "tpu.region"() ({
        %run_scoped3A = tpu.sem_alloc : memref<!tpu.dma_semaphore, #tpu.memory_space<semaphore_mem>>
        %dma_start3A_281 = arith.constant 0 : i32
        %dma_start3A_282 = tpu.memref_slice %arg12[%mul3A_280, %dma_start3A_281] : memref<10008x64xf32, #tpu.memory_space<vmem_shared>> -> memref<200x64xf32, #tpu.memory_space<vmem_shared>>
        %dma_start3A_283 = arith.constant 0 : i32
        %dma_start3A_284 = tpu.memref_slice %arg12[%mul3A_280, %dma_start3A_283] : memref<10008x64xf32, #tpu.memory_space<vmem_shared>> -> memref<200x64xf32, #tpu.memory_space<vmem_shared>>
        tpu.enqueue_dma source(%arg10 : memref<200x64xf32, #tpu.memory_space<vmem>>) target(%dma_start3A_284 : memref<200x64xf32, #tpu.memory_space<vmem_shared>>) target_semaphore(%run_scoped3A : memref<!tpu.dma_semaphore, #tpu.memory_space<semaphore_mem>>)
        %dma_wait3A_285 = arith.constant 0 : i32
        %dma_wait3A_286 = tpu.memref_slice %arg12[%mul3A_280, %dma_wait3A_285] : memref<10008x64xf32, #tpu.memory_space<vmem_shared>> -> memref<200x64xf32, #tpu.memory_space<vmem_shared>>
        %dma_wait3A_287 = arith.constant 0 : i32
        %dma_wait3A_288 = tpu.memref_slice %arg12[%mul3A_280, %dma_wait3A_287] : memref<10008x64xf32, #tpu.memory_space<vmem_shared>> -> memref<200x64xf32, #tpu.memory_space<vmem_shared>>
        tpu.wait_dma2 semaphore(%run_scoped3A : memref<!tpu.dma_semaphore, #tpu.memory_space<semaphore_mem>>) src(%arg10 : memref<200x64xf32, #tpu.memory_space<vmem>>) dst(%dma_wait3A_288 : memref<200x64xf32, #tpu.memory_space<vmem_shared>>)
        tpu.yield
      }) : () -> ()
    } else {
    }
    %add3A_161 = arith.constant 48 : i32
    %add3A_162 = arith.addi %arg1, %add3A_161 : i32
    %lt3A_163 = arith.constant 50 : i32
    %lt3A_164 = arith.cmpi slt, %add3A_162, %lt3A_163 : i32
    %convert_element_type3A_165 = arith.extui %lt3A_164 : i1 to i32
    %cond3A_166 = arith.constant 0 : i32
    %cond3A_167 = arith.cmpi ne, %convert_element_type3A_165, %cond3A_166 : i32
    scf.if %cond3A_167 {
      %mul3A_279 = arith.constant 200 : i32
      %mul3A_280 = arith.muli %add3A_162, %mul3A_279 : i32
      "tpu.region"() ({
        %run_scoped3A = tpu.sem_alloc : memref<!tpu.dma_semaphore, #tpu.memory_space<semaphore_mem>>
        %dma_start3A_281 = arith.constant 0 : i32
        %dma_start3A_282 = tpu.memref_slice %arg12[%mul3A_280, %dma_start3A_281] : memref<10008x64xf32, #tpu.memory_space<vmem_shared>> -> memref<200x64xf32, #tpu.memory_space<vmem_shared>>
        %dma_start3A_283 = arith.constant 0 : i32
        %dma_start3A_284 = tpu.memref_slice %arg12[%mul3A_280, %dma_start3A_283] : memref<10008x64xf32, #tpu.memory_space<vmem_shared>> -> memref<200x64xf32, #tpu.memory_space<vmem_shared>>
        tpu.enqueue_dma source(%arg10 : memref<200x64xf32, #tpu.memory_space<vmem>>) target(%dma_start3A_284 : memref<200x64xf32, #tpu.memory_space<vmem_shared>>) target_semaphore(%run_scoped3A : memref<!tpu.dma_semaphore, #tpu.memory_space<semaphore_mem>>)
        %dma_wait3A_285 = arith.constant 0 : i32
        %dma_wait3A_286 = tpu.memref_slice %arg12[%mul3A_280, %dma_wait3A_285] : memref<10008x64xf32, #tpu.memory_space<vmem_shared>> -> memref<200x64xf32, #tpu.memory_space<vmem_shared>>
        %dma_wait3A_287 = arith.constant 0 : i32
        %dma_wait3A_288 = tpu.memref_slice %arg12[%mul3A_280, %dma_wait3A_287] : memref<10008x64xf32, #tpu.memory_space<vmem_shared>> -> memref<200x64xf32, #tpu.memory_space<vmem_shared>>
        tpu.wait_dma2 semaphore(%run_scoped3A : memref<!tpu.dma_semaphore, #tpu.memory_space<semaphore_mem>>) src(%arg10 : memref<200x64xf32, #tpu.memory_space<vmem>>) dst(%dma_wait3A_288 : memref<200x64xf32, #tpu.memory_space<vmem_shared>>)
        tpu.yield
      }) : () -> ()
    } else {
    }
    %barrier3A_168 = arith.constant 0 : index
    tpu.barrier barrier_id(%barrier3A_168)
    %dma_start3A_169 = arith.constant 0 : i32
    %dma_start3A_170 = arith.constant 0 : i32
    %dma_start3A_171 = arith.constant 0 : i32
    %dma_start3A_172 = arith.constant 0 : i32
    %dma_start3A_173 = arith.constant 0 : i32
    %dma_start3A_174 = tpu.memref_slice %arg9[%dma_start3A_170, %dma_start3A_172, %dma_start3A_173] : memref<5x125x64xf32, #tpu.memory_space<vmem>> -> memref<1x125x64xf32, #tpu.memory_space<vmem>>
    %dma_start3A_175 = tpu.memref_squeeze %dma_start3A_174 : memref<1x125x64xf32, #tpu.memory_space<vmem>> -> memref<125x64xf32, #tpu.memory_space<vmem>>
    %dma_start3A_176 = arith.constant 0 : i32
    %dma_start3A_177 = tpu.memref_slice %arg7[%dma_start3A_169, %dma_start3A_176] : memref<80x125xi32, #tpu.memory_space<vmem>> -> memref<1x125xi32, #tpu.memory_space<vmem>>
    %dma_start3A_178 = tpu.memref_squeeze %dma_start3A_177 : memref<1x125xi32, #tpu.memory_space<vmem>> -> memref<125xi32, #tpu.memory_space<vmem>>
    %dma_start3A_179 = arith.constant 0 : i32
    %dma_start3A_180 = arith.constant 0 : i32
    %dma_start3A_181 = tpu.memref_slice %arg3[%dma_start3A_179, %dma_start3A_180] : memref<10000x64xf32, #tpu.memory_space<hbm>> -> memref<10000x64xf32, #tpu.memory_space<hbm>>
    %dma_start3A_182 = tpu.memref_slice %arg13[%dma_start3A_171] : memref<5x!tpu.dma_semaphore, #tpu.memory_space<semaphore_mem>> -> memref<1x!tpu.dma_semaphore, #tpu.memory_space<semaphore_mem>>
    %dma_start3A_183 = tpu.memref_squeeze %dma_start3A_182 : memref<1x!tpu.dma_semaphore, #tpu.memory_space<semaphore_mem>> -> memref<!tpu.dma_semaphore, #tpu.memory_space<semaphore_mem>>
    tpu.enqueue_indirect_dma source(%dma_start3A_181 : memref<10000x64xf32, #tpu.memory_space<hbm>>) target(%dma_start3A_175 : memref<125x64xf32, #tpu.memory_space<vmem>>) offsets(%dma_start3A_178 : memref<125xi32, #tpu.memory_space<vmem>>) semaphore(%dma_start3A_183 : memref<!tpu.dma_semaphore, #tpu.memory_space<semaphore_mem>>)
    %dma_start3A_184 = arith.constant 1 : i32
    %dma_start3A_185 = arith.constant 1 : i32
    %dma_start3A_186 = arith.constant 1 : i32
    %dma_start3A_187 = arith.constant 0 : i32
    %dma_start3A_188 = arith.constant 0 : i32
    %dma_start3A_189 = tpu.memref_slice %arg9[%dma_start3A_185, %dma_start3A_187, %dma_start3A_188] : memref<5x125x64xf32, #tpu.memory_space<vmem>> -> memref<1x125x64xf32, #tpu.memory_space<vmem>>
    %dma_start3A_190 = tpu.memref_squeeze %dma_start3A_189 : memref<1x125x64xf32, #tpu.memory_space<vmem>> -> memref<125x64xf32, #tpu.memory_space<vmem>>
    %dma_start3A_191 = arith.constant 0 : i32
    %dma_start3A_192 = tpu.memref_slice %arg7[%dma_start3A_184, %dma_start3A_191] : memref<80x125xi32, #tpu.memory_space<vmem>> -> memref<1x125xi32, #tpu.memory_space<vmem>>
    %dma_start3A_193 = tpu.memref_squeeze %dma_start3A_192 : memref<1x125xi32, #tpu.memory_space<vmem>> -> memref<125xi32, #tpu.memory_space<vmem>>
    %dma_start3A_194 = arith.constant 0 : i32
    %dma_start3A_195 = arith.constant 0 : i32
    %dma_start3A_196 = tpu.memref_slice %arg3[%dma_start3A_194, %dma_start3A_195] : memref<10000x64xf32, #tpu.memory_space<hbm>> -> memref<10000x64xf32, #tpu.memory_space<hbm>>
    %dma_start3A_197 = tpu.memref_slice %arg13[%dma_start3A_186] : memref<5x!tpu.dma_semaphore, #tpu.memory_space<semaphore_mem>> -> memref<1x!tpu.dma_semaphore, #tpu.memory_space<semaphore_mem>>
    %dma_start3A_198 = tpu.memref_squeeze %dma_start3A_197 : memref<1x!tpu.dma_semaphore, #tpu.memory_space<semaphore_mem>> -> memref<!tpu.dma_semaphore, #tpu.memory_space<semaphore_mem>>
    tpu.enqueue_indirect_dma source(%dma_start3A_196 : memref<10000x64xf32, #tpu.memory_space<hbm>>) target(%dma_start3A_190 : memref<125x64xf32, #tpu.memory_space<vmem>>) offsets(%dma_start3A_193 : memref<125xi32, #tpu.memory_space<vmem>>) semaphore(%dma_start3A_198 : memref<!tpu.dma_semaphore, #tpu.memory_space<semaphore_mem>>)
    %dma_start3A_199 = arith.constant 2 : i32
    %dma_start3A_200 = arith.constant 2 : i32
    %dma_start3A_201 = arith.constant 2 : i32
    %dma_start3A_202 = arith.constant 0 : i32
    %dma_start3A_203 = arith.constant 0 : i32
    %dma_start3A_204 = tpu.memref_slice %arg9[%dma_start3A_200, %dma_start3A_202, %dma_start3A_203] : memref<5x125x64xf32, #tpu.memory_space<vmem>> -> memref<1x125x64xf32, #tpu.memory_space<vmem>>
    %dma_start3A_205 = tpu.memref_squeeze %dma_start3A_204 : memref<1x125x64xf32, #tpu.memory_space<vmem>> -> memref<125x64xf32, #tpu.memory_space<vmem>>
    %dma_start3A_206 = arith.constant 0 : i32
    %dma_start3A_207 = tpu.memref_slice %arg7[%dma_start3A_199, %dma_start3A_206] : memref<80x125xi32, #tpu.memory_space<vmem>> -> memref<1x125xi32, #tpu.memory_space<vmem>>
    %dma_start3A_208 = tpu.memref_squeeze %dma_start3A_207 : memref<1x125xi32, #tpu.memory_space<vmem>> -> memref<125xi32, #tpu.memory_space<vmem>>
    %dma_start3A_209 = arith.constant 0 : i32
    %dma_start3A_210 = arith.constant 0 : i32
    %dma_start3A_211 = tpu.memref_slice %arg3[%dma_start3A_209, %dma_start3A_210] : memref<10000x64xf32, #tpu.memory_space<hbm>> -> memref<10000x64xf32, #tpu.memory_space<hbm>>
    %dma_start3A_212 = tpu.memref_slice %arg13[%dma_start3A_201] : memref<5x!tpu.dma_semaphore, #tpu.memory_space<semaphore_mem>> -> memref<1x!tpu.dma_semaphore, #tpu.memory_space<semaphore_mem>>
    %dma_start3A_213 = tpu.memref_squeeze %dma_start3A_212 : memref<1x!tpu.dma_semaphore, #tpu.memory_space<semaphore_mem>> -> memref<!tpu.dma_semaphore, #tpu.memory_space<semaphore_mem>>
    tpu.enqueue_indirect_dma source(%dma_start3A_211 : memref<10000x64xf32, #tpu.memory_space<hbm>>) target(%dma_start3A_205 : memref<125x64xf32, #tpu.memory_space<vmem>>) offsets(%dma_start3A_208 : memref<125xi32, #tpu.memory_space<vmem>>) semaphore(%dma_start3A_213 : memref<!tpu.dma_semaphore, #tpu.memory_space<semaphore_mem>>)
    %scan3A_214 = arith.constant 0 : i32
    %scan3A_215 = arith.constant 0 : i32
    %scan3A_216 = arith.constant 16 : i32
    %scan3A_217 = arith.addi %scan3A_215, %scan3A_216 : i32
    %scan3A_218 = arith.constant 1 : i32
    scf.for %scan3A_279 = %scan3A_215 to %scan3A_217 step %scan3A_218  : i32 {
      %mul3A_280 = arith.constant 5 : i32
      %mul3A_281 = arith.muli %scan3A_279, %mul3A_280 : i32
      %add3A_282 = arith.constant 0 : i32
      %add3A_283 = arith.addi %mul3A_281, %add3A_282 : i32
      %dma_wait3A_284 = arith.constant 0 : i32
      %dma_wait3A_285 = arith.constant 0 : i32
      %dma_wait3A_286 = arith.constant 0 : i32
      %dma_wait3A_287 = arith.constant 0 : i32
      %dma_wait3A_288 = tpu.memref_slice %arg9[%dma_wait3A_284, %dma_wait3A_286, %dma_wait3A_287] : memref<5x125x64xf32, #tpu.memory_space<vmem>> -> memref<1x125x64xf32, #tpu.memory_space<vmem>>
      %dma_wait3A_289 = tpu.memref_squeeze %dma_wait3A_288 : memref<1x125x64xf32, #tpu.memory_space<vmem>> -> memref<125x64xf32, #tpu.memory_space<vmem>>
      %dma_wait3A_290 = arith.constant 0 : i32
      %dma_wait3A_291 = tpu.memref_slice %arg7[%add3A_283, %dma_wait3A_290] : memref<80x125xi32, #tpu.memory_space<vmem>> -> memref<1x125xi32, #tpu.memory_space<vmem>>
      %dma_wait3A_292 = tpu.memref_squeeze %dma_wait3A_291 : memref<1x125xi32, #tpu.memory_space<vmem>> -> memref<125xi32, #tpu.memory_space<vmem>>
      %dma_wait3A_293 = arith.constant 0 : i32
      %dma_wait3A_294 = arith.constant 0 : i32
      %dma_wait3A_295 = tpu.memref_slice %arg3[%dma_wait3A_293, %dma_wait3A_294] : memref<10000x64xf32, #tpu.memory_space<hbm>> -> memref<10000x64xf32, #tpu.memory_space<hbm>>
      %dma_wait3A_296 = tpu.memref_slice %arg13[%dma_wait3A_285] : memref<5x!tpu.dma_semaphore, #tpu.memory_space<semaphore_mem>> -> memref<1x!tpu.dma_semaphore, #tpu.memory_space<semaphore_mem>>
      %dma_wait3A_297 = tpu.memref_squeeze %dma_wait3A_296 : memref<1x!tpu.dma_semaphore, #tpu.memory_space<semaphore_mem>> -> memref<!tpu.dma_semaphore, #tpu.memory_space<semaphore_mem>>
      tpu.wait_indirect_dma semaphore(%dma_wait3A_297 : memref<!tpu.dma_semaphore, #tpu.memory_space<semaphore_mem>>) src(%dma_wait3A_295 : memref<10000x64xf32, #tpu.memory_space<hbm>>) dst(%dma_wait3A_289 : memref<125x64xf32, #tpu.memory_space<vmem>>)
      %dma_start3A_298 = arith.constant 0 : i32
      %dma_start3A_299 = arith.constant 0 : i32
      %dma_start3A_300 = arith.constant 0 : i32
      %dma_start3A_301 = arith.constant 0 : i32
      %dma_start3A_302 = tpu.memref_slice %arg9[%dma_start3A_298, %dma_start3A_300, %dma_start3A_301] : memref<5x125x64xf32, #tpu.memory_space<vmem>> -> memref<1x125x64xf32, #tpu.memory_space<vmem>>
      %dma_start3A_303 = tpu.memref_squeeze %dma_start3A_302 : memref<1x125x64xf32, #tpu.memory_space<vmem>> -> memref<125x64xf32, #tpu.memory_space<vmem>>
      %dma_start3A_304 = arith.constant 0 : i32
      %dma_start3A_305 = tpu.memref_slice %arg8[%add3A_283, %dma_start3A_304] : memref<80x125xi32, #tpu.memory_space<vmem>> -> memref<1x125xi32, #tpu.memory_space<vmem>>
      %dma_start3A_306 = tpu.memref_squeeze %dma_start3A_305 : memref<1x125xi32, #tpu.memory_space<vmem>> -> memref<125xi32, #tpu.memory_space<vmem>>
      %dma_start3A_307 = arith.constant 0 : i32
      %dma_start3A_308 = arith.constant 0 : i32
      %dma_start3A_309 = tpu.memref_slice %arg12[%dma_start3A_307, %dma_start3A_308] : memref<10008x64xf32, #tpu.memory_space<vmem_shared>> -> memref<10008x64xf32, #tpu.memory_space<vmem_shared>>
      %dma_start3A_310 = tpu.memref_slice %arg14[%dma_start3A_299] : memref<5x!tpu.dma_semaphore, #tpu.memory_space<semaphore_mem>> -> memref<1x!tpu.dma_semaphore, #tpu.memory_space<semaphore_mem>>
      %dma_start3A_311 = tpu.memref_squeeze %dma_start3A_310 : memref<1x!tpu.dma_semaphore, #tpu.memory_space<semaphore_mem>> -> memref<!tpu.dma_semaphore, #tpu.memory_space<semaphore_mem>>
      tpu.enqueue_indirect_dma source(%dma_start3A_303 : memref<125x64xf32, #tpu.memory_space<vmem>>) target(%dma_start3A_309 : memref<10008x64xf32, #tpu.memory_space<vmem_shared>>) offsets(%dma_start3A_306 : memref<125xi32, #tpu.memory_space<vmem>>) semaphore(%dma_start3A_311 : memref<!tpu.dma_semaphore, #tpu.memory_space<semaphore_mem>>) {add = true}
      %ge3A = arith.constant 2 : i32
      %ge3A_312 = arith.cmpi sge, %add3A_283, %ge3A : i32
      %convert_element_type3A_313 = arith.extui %ge3A_312 : i1 to i32
      %cond3A_314 = arith.constant 0 : i32
      %cond3A_315 = arith.cmpi ne, %convert_element_type3A_313, %cond3A_314 : i32
      scf.if %cond3A_315 {
        %dma_wait3A_499 = arith.constant 3 : i32
        %dma_wait3A_500 = arith.constant 3 : i32
        %dma_wait3A_501 = arith.constant 0 : i32
        %dma_wait3A_502 = arith.constant 0 : i32
        %dma_wait3A_503 = tpu.memref_slice %arg9[%dma_wait3A_499, %dma_wait3A_501, %dma_wait3A_502] : memref<5x125x64xf32, #tpu.memory_space<vmem>> -> memref<1x125x64xf32, #tpu.memory_space<vmem>>
        %dma_wait3A_504 = tpu.memref_squeeze %dma_wait3A_503 : memref<1x125x64xf32, #tpu.memory_space<vmem>> -> memref<125x64xf32, #tpu.memory_space<vmem>>
        %dma_wait3A_505 = arith.constant 0 : i32
        %dma_wait3A_506 = tpu.memref_slice %arg8[%add3A_283, %dma_wait3A_505] : memref<80x125xi32, #tpu.memory_space<vmem>> -> memref<1x125xi32, #tpu.memory_space<vmem>>
        %dma_wait3A_507 = tpu.memref_squeeze %dma_wait3A_506 : memref<1x125xi32, #tpu.memory_space<vmem>> -> memref<125xi32, #tpu.memory_space<vmem>>
        %dma_wait3A_508 = arith.constant 0 : i32
        %dma_wait3A_509 = arith.constant 0 : i32
        %dma_wait3A_510 = tpu.memref_slice %arg12[%dma_wait3A_508, %dma_wait3A_509] : memref<10008x64xf32, #tpu.memory_space<vmem_shared>> -> memref<10008x64xf32, #tpu.memory_space<vmem_shared>>
        %dma_wait3A_511 = tpu.memref_slice %arg14[%dma_wait3A_500] : memref<5x!tpu.dma_semaphore, #tpu.memory_space<semaphore_mem>> -> memref<1x!tpu.dma_semaphore, #tpu.memory_space<semaphore_mem>>
        %dma_wait3A_512 = tpu.memref_squeeze %dma_wait3A_511 : memref<1x!tpu.dma_semaphore, #tpu.memory_space<semaphore_mem>> -> memref<!tpu.dma_semaphore, #tpu.memory_space<semaphore_mem>>
        tpu.wait_indirect_dma semaphore(%dma_wait3A_512 : memref<!tpu.dma_semaphore, #tpu.memory_space<semaphore_mem>>) src(%dma_wait3A_504 : memref<125x64xf32, #tpu.memory_space<vmem>>) dst(%dma_wait3A_510 : memref<10008x64xf32, #tpu.memory_space<vmem_shared>>)
      } else {
      }
      %add3A_316 = arith.constant 3 : i32
      %add3A_317 = arith.addi %add3A_283, %add3A_316 : i32
      %lt3A_318 = arith.constant 80 : i32
      %lt3A_319 = arith.cmpi slt, %add3A_317, %lt3A_318 : i32
      %convert_element_type3A_320 = arith.extui %lt3A_319 : i1 to i32
      %cond3A_321 = arith.constant 0 : i32
      %cond3A_322 = arith.cmpi ne, %convert_element_type3A_320, %cond3A_321 : i32
      scf.if %cond3A_322 {
        %add3A_499 = arith.constant 3 : i32
        %add3A_500 = arith.addi %add3A_283, %add3A_499 : i32
        %dma_start3A_501 = arith.constant 3 : i32
        %dma_start3A_502 = arith.constant 3 : i32
        %dma_start3A_503 = arith.constant 0 : i32
        %dma_start3A_504 = arith.constant 0 : i32
        %dma_start3A_505 = tpu.memref_slice %arg9[%dma_start3A_501, %dma_start3A_503, %dma_start3A_504] : memref<5x125x64xf32, #tpu.memory_space<vmem>> -> memref<1x125x64xf32, #tpu.memory_space<vmem>>
        %dma_start3A_506 = tpu.memref_squeeze %dma_start3A_505 : memref<1x125x64xf32, #tpu.memory_space<vmem>> -> memref<125x64xf32, #tpu.memory_space<vmem>>
        %dma_start3A_507 = arith.constant 0 : i32
        %dma_start3A_508 = tpu.memref_slice %arg7[%add3A_500, %dma_start3A_507] : memref<80x125xi32, #tpu.memory_space<vmem>> -> memref<1x125xi32, #tpu.memory_space<vmem>>
        %dma_start3A_509 = tpu.memref_squeeze %dma_start3A_508 : memref<1x125xi32, #tpu.memory_space<vmem>> -> memref<125xi32, #tpu.memory_space<vmem>>
        %dma_start3A_510 = arith.constant 0 : i32
        %dma_start3A_511 = arith.constant 0 : i32
        %dma_start3A_512 = tpu.memref_slice %arg3[%dma_start3A_510, %dma_start3A_511] : memref<10000x64xf32, #tpu.memory_space<hbm>> -> memref<10000x64xf32, #tpu.memory_space<hbm>>
        %dma_start3A_513 = tpu.memref_slice %arg13[%dma_start3A_502] : memref<5x!tpu.dma_semaphore, #tpu.memory_space<semaphore_mem>> -> memref<1x!tpu.dma_semaphore, #tpu.memory_space<semaphore_mem>>
        %dma_start3A_514 = tpu.memref_squeeze %dma_start3A_513 : memref<1x!tpu.dma_semaphore, #tpu.memory_space<semaphore_mem>> -> memref<!tpu.dma_semaphore, #tpu.memory_space<semaphore_mem>>
        tpu.enqueue_indirect_dma source(%dma_start3A_512 : memref<10000x64xf32, #tpu.memory_space<hbm>>) target(%dma_start3A_506 : memref<125x64xf32, #tpu.memory_space<vmem>>) offsets(%dma_start3A_509 : memref<125xi32, #tpu.memory_space<vmem>>) semaphore(%dma_start3A_514 : memref<!tpu.dma_semaphore, #tpu.memory_space<semaphore_mem>>)
      } else {
      }
      %mul3A_323 = arith.constant 5 : i32
      %mul3A_324 = arith.muli %scan3A_279, %mul3A_323 : i32
      %add3A_325 = arith.constant 1 : i32
      %add3A_326 = arith.addi %mul3A_324, %add3A_325 : i32
      %dma_wait3A_327 = arith.constant 1 : i32
      %dma_wait3A_328 = arith.constant 1 : i32
      %dma_wait3A_329 = arith.constant 0 : i32
      %dma_wait3A_330 = arith.constant 0 : i32
      %dma_wait3A_331 = tpu.memref_slice %arg9[%dma_wait3A_327, %dma_wait3A_329, %dma_wait3A_330] : memref<5x125x64xf32, #tpu.memory_space<vmem>> -> memref<1x125x64xf32, #tpu.memory_space<vmem>>
      %dma_wait3A_332 = tpu.memref_squeeze %dma_wait3A_331 : memref<1x125x64xf32, #tpu.memory_space<vmem>> -> memref<125x64xf32, #tpu.memory_space<vmem>>
      %dma_wait3A_333 = arith.constant 0 : i32
      %dma_wait3A_334 = tpu.memref_slice %arg7[%add3A_326, %dma_wait3A_333] : memref<80x125xi32, #tpu.memory_space<vmem>> -> memref<1x125xi32, #tpu.memory_space<vmem>>
      %dma_wait3A_335 = tpu.memref_squeeze %dma_wait3A_334 : memref<1x125xi32, #tpu.memory_space<vmem>> -> memref<125xi32, #tpu.memory_space<vmem>>
      %dma_wait3A_336 = arith.constant 0 : i32
      %dma_wait3A_337 = arith.constant 0 : i32
      %dma_wait3A_338 = tpu.memref_slice %arg3[%dma_wait3A_336, %dma_wait3A_337] : memref<10000x64xf32, #tpu.memory_space<hbm>> -> memref<10000x64xf32, #tpu.memory_space<hbm>>
      %dma_wait3A_339 = tpu.memref_slice %arg13[%dma_wait3A_328] : memref<5x!tpu.dma_semaphore, #tpu.memory_space<semaphore_mem>> -> memref<1x!tpu.dma_semaphore, #tpu.memory_space<semaphore_mem>>
      %dma_wait3A_340 = tpu.memref_squeeze %dma_wait3A_339 : memref<1x!tpu.dma_semaphore, #tpu.memory_space<semaphore_mem>> -> memref<!tpu.dma_semaphore, #tpu.memory_space<semaphore_mem>>
      tpu.wait_indirect_dma semaphore(%dma_wait3A_340 : memref<!tpu.dma_semaphore, #tpu.memory_space<semaphore_mem>>) src(%dma_wait3A_338 : memref<10000x64xf32, #tpu.memory_space<hbm>>) dst(%dma_wait3A_332 : memref<125x64xf32, #tpu.memory_space<vmem>>)
      %dma_start3A_341 = arith.constant 1 : i32
      %dma_start3A_342 = arith.constant 1 : i32
      %dma_start3A_343 = arith.constant 0 : i32
      %dma_start3A_344 = arith.constant 0 : i32
      %dma_start3A_345 = tpu.memref_slice %arg9[%dma_start3A_341, %dma_start3A_343, %dma_start3A_344] : memref<5x125x64xf32, #tpu.memory_space<vmem>> -> memref<1x125x64xf32, #tpu.memory_space<vmem>>
      %dma_start3A_346 = tpu.memref_squeeze %dma_start3A_345 : memref<1x125x64xf32, #tpu.memory_space<vmem>> -> memref<125x64xf32, #tpu.memory_space<vmem>>
      %dma_start3A_347 = arith.constant 0 : i32
      %dma_start3A_348 = tpu.memref_slice %arg8[%add3A_326, %dma_start3A_347] : memref<80x125xi32, #tpu.memory_space<vmem>> -> memref<1x125xi32, #tpu.memory_space<vmem>>
      %dma_start3A_349 = tpu.memref_squeeze %dma_start3A_348 : memref<1x125xi32, #tpu.memory_space<vmem>> -> memref<125xi32, #tpu.memory_space<vmem>>
      %dma_start3A_350 = arith.constant 0 : i32
      %dma_start3A_351 = arith.constant 0 : i32
      %dma_start3A_352 = tpu.memref_slice %arg12[%dma_start3A_350, %dma_start3A_351] : memref<10008x64xf32, #tpu.memory_space<vmem_shared>> -> memref<10008x64xf32, #tpu.memory_space<vmem_shared>>
      %dma_start3A_353 = tpu.memref_slice %arg14[%dma_start3A_342] : memref<5x!tpu.dma_semaphore, #tpu.memory_space<semaphore_mem>> -> memref<1x!tpu.dma_semaphore, #tpu.memory_space<semaphore_mem>>
      %dma_start3A_354 = tpu.memref_squeeze %dma_start3A_353 : memref<1x!tpu.dma_semaphore, #tpu.memory_space<semaphore_mem>> -> memref<!tpu.dma_semaphore, #tpu.memory_space<semaphore_mem>>
      tpu.enqueue_indirect_dma source(%dma_start3A_346 : memref<125x64xf32, #tpu.memory_space<vmem>>) target(%dma_start3A_352 : memref<10008x64xf32, #tpu.memory_space<vmem_shared>>) offsets(%dma_start3A_349 : memref<125xi32, #tpu.memory_space<vmem>>) semaphore(%dma_start3A_354 : memref<!tpu.dma_semaphore, #tpu.memory_space<semaphore_mem>>) {add = true}
      %ge3A_355 = arith.constant 2 : i32
      %ge3A_356 = arith.cmpi sge, %add3A_326, %ge3A_355 : i32
      %convert_element_type3A_357 = arith.extui %ge3A_356 : i1 to i32
      %cond3A_358 = arith.constant 0 : i32
      %cond3A_359 = arith.cmpi ne, %convert_element_type3A_357, %cond3A_358 : i32
      scf.if %cond3A_359 {
        %dma_wait3A_499 = arith.constant 4 : i32
        %dma_wait3A_500 = arith.constant 4 : i32
        %dma_wait3A_501 = arith.constant 0 : i32
        %dma_wait3A_502 = arith.constant 0 : i32
        %dma_wait3A_503 = tpu.memref_slice %arg9[%dma_wait3A_499, %dma_wait3A_501, %dma_wait3A_502] : memref<5x125x64xf32, #tpu.memory_space<vmem>> -> memref<1x125x64xf32, #tpu.memory_space<vmem>>
        %dma_wait3A_504 = tpu.memref_squeeze %dma_wait3A_503 : memref<1x125x64xf32, #tpu.memory_space<vmem>> -> memref<125x64xf32, #tpu.memory_space<vmem>>
        %dma_wait3A_505 = arith.constant 0 : i32
        %dma_wait3A_506 = tpu.memref_slice %arg8[%add3A_326, %dma_wait3A_505] : memref<80x125xi32, #tpu.memory_space<vmem>> -> memref<1x125xi32, #tpu.memory_space<vmem>>
        %dma_wait3A_507 = tpu.memref_squeeze %dma_wait3A_506 : memref<1x125xi32, #tpu.memory_space<vmem>> -> memref<125xi32, #tpu.memory_space<vmem>>
        %dma_wait3A_508 = arith.constant 0 : i32
        %dma_wait3A_509 = arith.constant 0 : i32
        %dma_wait3A_510 = tpu.memref_slice %arg12[%dma_wait3A_508, %dma_wait3A_509] : memref<10008x64xf32, #tpu.memory_space<vmem_shared>> -> memref<10008x64xf32, #tpu.memory_space<vmem_shared>>
        %dma_wait3A_511 = tpu.memref_slice %arg14[%dma_wait3A_500] : memref<5x!tpu.dma_semaphore, #tpu.memory_space<semaphore_mem>> -> memref<1x!tpu.dma_semaphore, #tpu.memory_space<semaphore_mem>>
        %dma_wait3A_512 = tpu.memref_squeeze %dma_wait3A_511 : memref<1x!tpu.dma_semaphore, #tpu.memory_space<semaphore_mem>> -> memref<!tpu.dma_semaphore, #tpu.memory_space<semaphore_mem>>
        tpu.wait_indirect_dma semaphore(%dma_wait3A_512 : memref<!tpu.dma_semaphore, #tpu.memory_space<semaphore_mem>>) src(%dma_wait3A_504 : memref<125x64xf32, #tpu.memory_space<vmem>>) dst(%dma_wait3A_510 : memref<10008x64xf32, #tpu.memory_space<vmem_shared>>)
      } else {
      }
      %add3A_360 = arith.constant 3 : i32
      %add3A_361 = arith.addi %add3A_326, %add3A_360 : i32
      %lt3A_362 = arith.constant 80 : i32
      %lt3A_363 = arith.cmpi slt, %add3A_361, %lt3A_362 : i32
      %convert_element_type3A_364 = arith.extui %lt3A_363 : i1 to i32
      %cond3A_365 = arith.constant 0 : i32
      %cond3A_366 = arith.cmpi ne, %convert_element_type3A_364, %cond3A_365 : i32
      scf.if %cond3A_366 {
        %add3A_499 = arith.constant 3 : i32
        %add3A_500 = arith.addi %add3A_326, %add3A_499 : i32
        %dma_start3A_501 = arith.constant 4 : i32
        %dma_start3A_502 = arith.constant 4 : i32
        %dma_start3A_503 = arith.constant 0 : i32
        %dma_start3A_504 = arith.constant 0 : i32
        %dma_start3A_505 = tpu.memref_slice %arg9[%dma_start3A_501, %dma_start3A_503, %dma_start3A_504] : memref<5x125x64xf32, #tpu.memory_space<vmem>> -> memref<1x125x64xf32, #tpu.memory_space<vmem>>
        %dma_start3A_506 = tpu.memref_squeeze %dma_start3A_505 : memref<1x125x64xf32, #tpu.memory_space<vmem>> -> memref<125x64xf32, #tpu.memory_space<vmem>>
        %dma_start3A_507 = arith.constant 0 : i32
        %dma_start3A_508 = tpu.memref_slice %arg7[%add3A_500, %dma_start3A_507] : memref<80x125xi32, #tpu.memory_space<vmem>> -> memref<1x125xi32, #tpu.memory_space<vmem>>
        %dma_start3A_509 = tpu.memref_squeeze %dma_start3A_508 : memref<1x125xi32, #tpu.memory_space<vmem>> -> memref<125xi32, #tpu.memory_space<vmem>>
        %dma_start3A_510 = arith.constant 0 : i32
        %dma_start3A_511 = arith.constant 0 : i32
        %dma_start3A_512 = tpu.memref_slice %arg3[%dma_start3A_510, %dma_start3A_511] : memref<10000x64xf32, #tpu.memory_space<hbm>> -> memref<10000x64xf32, #tpu.memory_space<hbm>>
        %dma_start3A_513 = tpu.memref_slice %arg13[%dma_start3A_502] : memref<5x!tpu.dma_semaphore, #tpu.memory_space<semaphore_mem>> -> memref<1x!tpu.dma_semaphore, #tpu.memory_space<semaphore_mem>>
        %dma_start3A_514 = tpu.memref_squeeze %dma_start3A_513 : memref<1x!tpu.dma_semaphore, #tpu.memory_space<semaphore_mem>> -> memref<!tpu.dma_semaphore, #tpu.memory_space<semaphore_mem>>
        tpu.enqueue_indirect_dma source(%dma_start3A_512 : memref<10000x64xf32, #tpu.memory_space<hbm>>) target(%dma_start3A_506 : memref<125x64xf32, #tpu.memory_space<vmem>>) offsets(%dma_start3A_509 : memref<125xi32, #tpu.memory_space<vmem>>) semaphore(%dma_start3A_514 : memref<!tpu.dma_semaphore, #tpu.memory_space<semaphore_mem>>)
      } else {
      }
      %mul3A_367 = arith.constant 5 : i32
      %mul3A_368 = arith.muli %scan3A_279, %mul3A_367 : i32
      %add3A_369 = arith.constant 2 : i32
      %add3A_370 = arith.addi %mul3A_368, %add3A_369 : i32
      %dma_wait3A_371 = arith.constant 2 : i32
      %dma_wait3A_372 = arith.constant 2 : i32
      %dma_wait3A_373 = arith.constant 0 : i32
      %dma_wait3A_374 = arith.constant 0 : i32
      %dma_wait3A_375 = tpu.memref_slice %arg9[%dma_wait3A_371, %dma_wait3A_373, %dma_wait3A_374] : memref<5x125x64xf32, #tpu.memory_space<vmem>> -> memref<1x125x64xf32, #tpu.memory_space<vmem>>
      %dma_wait3A_376 = tpu.memref_squeeze %dma_wait3A_375 : memref<1x125x64xf32, #tpu.memory_space<vmem>> -> memref<125x64xf32, #tpu.memory_space<vmem>>
      %dma_wait3A_377 = arith.constant 0 : i32
      %dma_wait3A_378 = tpu.memref_slice %arg7[%add3A_370, %dma_wait3A_377] : memref<80x125xi32, #tpu.memory_space<vmem>> -> memref<1x125xi32, #tpu.memory_space<vmem>>
      %dma_wait3A_379 = tpu.memref_squeeze %dma_wait3A_378 : memref<1x125xi32, #tpu.memory_space<vmem>> -> memref<125xi32, #tpu.memory_space<vmem>>
      %dma_wait3A_380 = arith.constant 0 : i32
      %dma_wait3A_381 = arith.constant 0 : i32
      %dma_wait3A_382 = tpu.memref_slice %arg3[%dma_wait3A_380, %dma_wait3A_381] : memref<10000x64xf32, #tpu.memory_space<hbm>> -> memref<10000x64xf32, #tpu.memory_space<hbm>>
      %dma_wait3A_383 = tpu.memref_slice %arg13[%dma_wait3A_372] : memref<5x!tpu.dma_semaphore, #tpu.memory_space<semaphore_mem>> -> memref<1x!tpu.dma_semaphore, #tpu.memory_space<semaphore_mem>>
      %dma_wait3A_384 = tpu.memref_squeeze %dma_wait3A_383 : memref<1x!tpu.dma_semaphore, #tpu.memory_space<semaphore_mem>> -> memref<!tpu.dma_semaphore, #tpu.memory_space<semaphore_mem>>
      tpu.wait_indirect_dma semaphore(%dma_wait3A_384 : memref<!tpu.dma_semaphore, #tpu.memory_space<semaphore_mem>>) src(%dma_wait3A_382 : memref<10000x64xf32, #tpu.memory_space<hbm>>) dst(%dma_wait3A_376 : memref<125x64xf32, #tpu.memory_space<vmem>>)
      %dma_start3A_385 = arith.constant 2 : i32
      %dma_start3A_386 = arith.constant 2 : i32
      %dma_start3A_387 = arith.constant 0 : i32
      %dma_start3A_388 = arith.constant 0 : i32
      %dma_start3A_389 = tpu.memref_slice %arg9[%dma_start3A_385, %dma_start3A_387, %dma_start3A_388] : memref<5x125x64xf32, #tpu.memory_space<vmem>> -> memref<1x125x64xf32, #tpu.memory_space<vmem>>
      %dma_start3A_390 = tpu.memref_squeeze %dma_start3A_389 : memref<1x125x64xf32, #tpu.memory_space<vmem>> -> memref<125x64xf32, #tpu.memory_space<vmem>>
      %dma_start3A_391 = arith.constant 0 : i32
      %dma_start3A_392 = tpu.memref_slice %arg8[%add3A_370, %dma_start3A_391] : memref<80x125xi32, #tpu.memory_space<vmem>> -> memref<1x125xi32, #tpu.memory_space<vmem>>
      %dma_start3A_393 = tpu.memref_squeeze %dma_start3A_392 : memref<1x125xi32, #tpu.memory_space<vmem>> -> memref<125xi32, #tpu.memory_space<vmem>>
      %dma_start3A_394 = arith.constant 0 : i32
      %dma_start3A_395 = arith.constant 0 : i32
      %dma_start3A_396 = tpu.memref_slice %arg12[%dma_start3A_394, %dma_start3A_395] : memref<10008x64xf32, #tpu.memory_space<vmem_shared>> -> memref<10008x64xf32, #tpu.memory_space<vmem_shared>>
      %dma_start3A_397 = tpu.memref_slice %arg14[%dma_start3A_386] : memref<5x!tpu.dma_semaphore, #tpu.memory_space<semaphore_mem>> -> memref<1x!tpu.dma_semaphore, #tpu.memory_space<semaphore_mem>>
      %dma_start3A_398 = tpu.memref_squeeze %dma_start3A_397 : memref<1x!tpu.dma_semaphore, #tpu.memory_space<semaphore_mem>> -> memref<!tpu.dma_semaphore, #tpu.memory_space<semaphore_mem>>
      tpu.enqueue_indirect_dma source(%dma_start3A_390 : memref<125x64xf32, #tpu.memory_space<vmem>>) target(%dma_start3A_396 : memref<10008x64xf32, #tpu.memory_space<vmem_shared>>) offsets(%dma_start3A_393 : memref<125xi32, #tpu.memory_space<vmem>>) semaphore(%dma_start3A_398 : memref<!tpu.dma_semaphore, #tpu.memory_space<semaphore_mem>>) {add = true}
      %ge3A_399 = arith.constant 2 : i32
      %ge3A_400 = arith.cmpi sge, %add3A_370, %ge3A_399 : i32
      %convert_element_type3A_401 = arith.extui %ge3A_400 : i1 to i32
      %cond3A_402 = arith.constant 0 : i32
      %cond3A_403 = arith.cmpi ne, %convert_element_type3A_401, %cond3A_402 : i32
      scf.if %cond3A_403 {
        %dma_wait3A_499 = arith.constant 0 : i32
        %dma_wait3A_500 = arith.constant 0 : i32
        %dma_wait3A_501 = arith.constant 0 : i32
        %dma_wait3A_502 = arith.constant 0 : i32
        %dma_wait3A_503 = tpu.memref_slice %arg9[%dma_wait3A_499, %dma_wait3A_501, %dma_wait3A_502] : memref<5x125x64xf32, #tpu.memory_space<vmem>> -> memref<1x125x64xf32, #tpu.memory_space<vmem>>
        %dma_wait3A_504 = tpu.memref_squeeze %dma_wait3A_503 : memref<1x125x64xf32, #tpu.memory_space<vmem>> -> memref<125x64xf32, #tpu.memory_space<vmem>>
        %dma_wait3A_505 = arith.constant 0 : i32
        %dma_wait3A_506 = tpu.memref_slice %arg8[%add3A_370, %dma_wait3A_505] : memref<80x125xi32, #tpu.memory_space<vmem>> -> memref<1x125xi32, #tpu.memory_space<vmem>>
        %dma_wait3A_507 = tpu.memref_squeeze %dma_wait3A_506 : memref<1x125xi32, #tpu.memory_space<vmem>> -> memref<125xi32, #tpu.memory_space<vmem>>
        %dma_wait3A_508 = arith.constant 0 : i32
        %dma_wait3A_509 = arith.constant 0 : i32
        %dma_wait3A_510 = tpu.memref_slice %arg12[%dma_wait3A_508, %dma_wait3A_509] : memref<10008x64xf32, #tpu.memory_space<vmem_shared>> -> memref<10008x64xf32, #tpu.memory_space<vmem_shared>>
        %dma_wait3A_511 = tpu.memref_slice %arg14[%dma_wait3A_500] : memref<5x!tpu.dma_semaphore, #tpu.memory_space<semaphore_mem>> -> memref<1x!tpu.dma_semaphore, #tpu.memory_space<semaphore_mem>>
        %dma_wait3A_512 = tpu.memref_squeeze %dma_wait3A_511 : memref<1x!tpu.dma_semaphore, #tpu.memory_space<semaphore_mem>> -> memref<!tpu.dma_semaphore, #tpu.memory_space<semaphore_mem>>
        tpu.wait_indirect_dma semaphore(%dma_wait3A_512 : memref<!tpu.dma_semaphore, #tpu.memory_space<semaphore_mem>>) src(%dma_wait3A_504 : memref<125x64xf32, #tpu.memory_space<vmem>>) dst(%dma_wait3A_510 : memref<10008x64xf32, #tpu.memory_space<vmem_shared>>)
      } else {
      }
      %add3A_404 = arith.constant 3 : i32
      %add3A_405 = arith.addi %add3A_370, %add3A_404 : i32
      %lt3A_406 = arith.constant 80 : i32
      %lt3A_407 = arith.cmpi slt, %add3A_405, %lt3A_406 : i32
      %convert_element_type3A_408 = arith.extui %lt3A_407 : i1 to i32
      %cond3A_409 = arith.constant 0 : i32
      %cond3A_410 = arith.cmpi ne, %convert_element_type3A_408, %cond3A_409 : i32
      scf.if %cond3A_410 {
        %add3A_499 = arith.constant 3 : i32
        %add3A_500 = arith.addi %add3A_370, %add3A_499 : i32
        %dma_start3A_501 = arith.constant 0 : i32
        %dma_start3A_502 = arith.constant 0 : i32
        %dma_start3A_503 = arith.constant 0 : i32
        %dma_start3A_504 = arith.constant 0 : i32
        %dma_start3A_505 = tpu.memref_slice %arg9[%dma_start3A_501, %dma_start3A_503, %dma_start3A_504] : memref<5x125x64xf32, #tpu.memory_space<vmem>> -> memref<1x125x64xf32, #tpu.memory_space<vmem>>
        %dma_start3A_506 = tpu.memref_squeeze %dma_start3A_505 : memref<1x125x64xf32, #tpu.memory_space<vmem>> -> memref<125x64xf32, #tpu.memory_space<vmem>>
        %dma_start3A_507 = arith.constant 0 : i32
        %dma_start3A_508 = tpu.memref_slice %arg7[%add3A_500, %dma_start3A_507] : memref<80x125xi32, #tpu.memory_space<vmem>> -> memref<1x125xi32, #tpu.memory_space<vmem>>
        %dma_start3A_509 = tpu.memref_squeeze %dma_start3A_508 : memref<1x125xi32, #tpu.memory_space<vmem>> -> memref<125xi32, #tpu.memory_space<vmem>>
        %dma_start3A_510 = arith.constant 0 : i32
        %dma_start3A_511 = arith.constant 0 : i32
        %dma_start3A_512 = tpu.memref_slice %arg3[%dma_start3A_510, %dma_start3A_511] : memref<10000x64xf32, #tpu.memory_space<hbm>> -> memref<10000x64xf32, #tpu.memory_space<hbm>>
        %dma_start3A_513 = tpu.memref_slice %arg13[%dma_start3A_502] : memref<5x!tpu.dma_semaphore, #tpu.memory_space<semaphore_mem>> -> memref<1x!tpu.dma_semaphore, #tpu.memory_space<semaphore_mem>>
        %dma_start3A_514 = tpu.memref_squeeze %dma_start3A_513 : memref<1x!tpu.dma_semaphore, #tpu.memory_space<semaphore_mem>> -> memref<!tpu.dma_semaphore, #tpu.memory_space<semaphore_mem>>
        tpu.enqueue_indirect_dma source(%dma_start3A_512 : memref<10000x64xf32, #tpu.memory_space<hbm>>) target(%dma_start3A_506 : memref<125x64xf32, #tpu.memory_space<vmem>>) offsets(%dma_start3A_509 : memref<125xi32, #tpu.memory_space<vmem>>) semaphore(%dma_start3A_514 : memref<!tpu.dma_semaphore, #tpu.memory_space<semaphore_mem>>)
      } else {
      }
      %mul3A_411 = arith.constant 5 : i32
      %mul3A_412 = arith.muli %scan3A_279, %mul3A_411 : i32
      %add3A_413 = arith.constant 3 : i32
      %add3A_414 = arith.addi %mul3A_412, %add3A_413 : i32
      %dma_wait3A_415 = arith.constant 3 : i32
      %dma_wait3A_416 = arith.constant 3 : i32
      %dma_wait3A_417 = arith.constant 0 : i32
      %dma_wait3A_418 = arith.constant 0 : i32
      %dma_wait3A_419 = tpu.memref_slice %arg9[%dma_wait3A_415, %dma_wait3A_417, %dma_wait3A_418] : memref<5x125x64xf32, #tpu.memory_space<vmem>> -> memref<1x125x64xf32, #tpu.memory_space<vmem>>
      %dma_wait3A_420 = tpu.memref_squeeze %dma_wait3A_419 : memref<1x125x64xf32, #tpu.memory_space<vmem>> -> memref<125x64xf32, #tpu.memory_space<vmem>>
      %dma_wait3A_421 = arith.constant 0 : i32
      %dma_wait3A_422 = tpu.memref_slice %arg7[%add3A_414, %dma_wait3A_421] : memref<80x125xi32, #tpu.memory_space<vmem>> -> memref<1x125xi32, #tpu.memory_space<vmem>>
      %dma_wait3A_423 = tpu.memref_squeeze %dma_wait3A_422 : memref<1x125xi32, #tpu.memory_space<vmem>> -> memref<125xi32, #tpu.memory_space<vmem>>
      %dma_wait3A_424 = arith.constant 0 : i32
      %dma_wait3A_425 = arith.constant 0 : i32
      %dma_wait3A_426 = tpu.memref_slice %arg3[%dma_wait3A_424, %dma_wait3A_425] : memref<10000x64xf32, #tpu.memory_space<hbm>> -> memref<10000x64xf32, #tpu.memory_space<hbm>>
      %dma_wait3A_427 = tpu.memref_slice %arg13[%dma_wait3A_416] : memref<5x!tpu.dma_semaphore, #tpu.memory_space<semaphore_mem>> -> memref<1x!tpu.dma_semaphore, #tpu.memory_space<semaphore_mem>>
      %dma_wait3A_428 = tpu.memref_squeeze %dma_wait3A_427 : memref<1x!tpu.dma_semaphore, #tpu.memory_space<semaphore_mem>> -> memref<!tpu.dma_semaphore, #tpu.memory_space<semaphore_mem>>
      tpu.wait_indirect_dma semaphore(%dma_wait3A_428 : memref<!tpu.dma_semaphore, #tpu.memory_space<semaphore_mem>>) src(%dma_wait3A_426 : memref<10000x64xf32, #tpu.memory_space<hbm>>) dst(%dma_wait3A_420 : memref<125x64xf32, #tpu.memory_space<vmem>>)
      %dma_start3A_429 = arith.constant 3 : i32
      %dma_start3A_430 = arith.constant 3 : i32
      %dma_start3A_431 = arith.constant 0 : i32
      %dma_start3A_432 = arith.constant 0 : i32
      %dma_start3A_433 = tpu.memref_slice %arg9[%dma_start3A_429, %dma_start3A_431, %dma_start3A_432] : memref<5x125x64xf32, #tpu.memory_space<vmem>> -> memref<1x125x64xf32, #tpu.memory_space<vmem>>
      %dma_start3A_434 = tpu.memref_squeeze %dma_start3A_433 : memref<1x125x64xf32, #tpu.memory_space<vmem>> -> memref<125x64xf32, #tpu.memory_space<vmem>>
      %dma_start3A_435 = arith.constant 0 : i32
      %dma_start3A_436 = tpu.memref_slice %arg8[%add3A_414, %dma_start3A_435] : memref<80x125xi32, #tpu.memory_space<vmem>> -> memref<1x125xi32, #tpu.memory_space<vmem>>
      %dma_start3A_437 = tpu.memref_squeeze %dma_start3A_436 : memref<1x125xi32, #tpu.memory_space<vmem>> -> memref<125xi32, #tpu.memory_space<vmem>>
      %dma_start3A_438 = arith.constant 0 : i32
      %dma_start3A_439 = arith.constant 0 : i32
      %dma_start3A_440 = tpu.memref_slice %arg12[%dma_start3A_438, %dma_start3A_439] : memref<10008x64xf32, #tpu.memory_space<vmem_shared>> -> memref<10008x64xf32, #tpu.memory_space<vmem_shared>>
      %dma_start3A_441 = tpu.memref_slice %arg14[%dma_start3A_430] : memref<5x!tpu.dma_semaphore, #tpu.memory_space<semaphore_mem>> -> memref<1x!tpu.dma_semaphore, #tpu.memory_space<semaphore_mem>>
      %dma_start3A_442 = tpu.memref_squeeze %dma_start3A_441 : memref<1x!tpu.dma_semaphore, #tpu.memory_space<semaphore_mem>> -> memref<!tpu.dma_semaphore, #tpu.memory_space<semaphore_mem>>
      tpu.enqueue_indirect_dma source(%dma_start3A_434 : memref<125x64xf32, #tpu.memory_space<vmem>>) target(%dma_start3A_440 : memref<10008x64xf32, #tpu.memory_space<vmem_shared>>) offsets(%dma_start3A_437 : memref<125xi32, #tpu.memory_space<vmem>>) semaphore(%dma_start3A_442 : memref<!tpu.dma_semaphore, #tpu.memory_space<semaphore_mem>>) {add = true}
      %ge3A_443 = arith.constant 2 : i32
      %ge3A_444 = arith.cmpi sge, %add3A_414, %ge3A_443 : i32
      %convert_element_type3A_445 = arith.extui %ge3A_444 : i1 to i32
      %cond3A_446 = arith.constant 0 : i32
      %cond3A_447 = arith.cmpi ne, %convert_element_type3A_445, %cond3A_446 : i32
      scf.if %cond3A_447 {
        %dma_wait3A_499 = arith.constant 1 : i32
        %dma_wait3A_500 = arith.constant 1 : i32
        %dma_wait3A_501 = arith.constant 0 : i32
        %dma_wait3A_502 = arith.constant 0 : i32
        %dma_wait3A_503 = tpu.memref_slice %arg9[%dma_wait3A_499, %dma_wait3A_501, %dma_wait3A_502] : memref<5x125x64xf32, #tpu.memory_space<vmem>> -> memref<1x125x64xf32, #tpu.memory_space<vmem>>
        %dma_wait3A_504 = tpu.memref_squeeze %dma_wait3A_503 : memref<1x125x64xf32, #tpu.memory_space<vmem>> -> memref<125x64xf32, #tpu.memory_space<vmem>>
        %dma_wait3A_505 = arith.constant 0 : i32
        %dma_wait3A_506 = tpu.memref_slice %arg8[%add3A_414, %dma_wait3A_505] : memref<80x125xi32, #tpu.memory_space<vmem>> -> memref<1x125xi32, #tpu.memory_space<vmem>>
        %dma_wait3A_507 = tpu.memref_squeeze %dma_wait3A_506 : memref<1x125xi32, #tpu.memory_space<vmem>> -> memref<125xi32, #tpu.memory_space<vmem>>
        %dma_wait3A_508 = arith.constant 0 : i32
        %dma_wait3A_509 = arith.constant 0 : i32
        %dma_wait3A_510 = tpu.memref_slice %arg12[%dma_wait3A_508, %dma_wait3A_509] : memref<10008x64xf32, #tpu.memory_space<vmem_shared>> -> memref<10008x64xf32, #tpu.memory_space<vmem_shared>>
        %dma_wait3A_511 = tpu.memref_slice %arg14[%dma_wait3A_500] : memref<5x!tpu.dma_semaphore, #tpu.memory_space<semaphore_mem>> -> memref<1x!tpu.dma_semaphore, #tpu.memory_space<semaphore_mem>>
        %dma_wait3A_512 = tpu.memref_squeeze %dma_wait3A_511 : memref<1x!tpu.dma_semaphore, #tpu.memory_space<semaphore_mem>> -> memref<!tpu.dma_semaphore, #tpu.memory_space<semaphore_mem>>
        tpu.wait_indirect_dma semaphore(%dma_wait3A_512 : memref<!tpu.dma_semaphore, #tpu.memory_space<semaphore_mem>>) src(%dma_wait3A_504 : memref<125x64xf32, #tpu.memory_space<vmem>>) dst(%dma_wait3A_510 : memref<10008x64xf32, #tpu.memory_space<vmem_shared>>)
      } else {
      }
      %add3A_448 = arith.constant 3 : i32
      %add3A_449 = arith.addi %add3A_414, %add3A_448 : i32
      %lt3A_450 = arith.constant 80 : i32
      %lt3A_451 = arith.cmpi slt, %add3A_449, %lt3A_450 : i32
      %convert_element_type3A_452 = arith.extui %lt3A_451 : i1 to i32
      %cond3A_453 = arith.constant 0 : i32
      %cond3A_454 = arith.cmpi ne, %convert_element_type3A_452, %cond3A_453 : i32
      scf.if %cond3A_454 {
        %add3A_499 = arith.constant 3 : i32
        %add3A_500 = arith.addi %add3A_414, %add3A_499 : i32
        %dma_start3A_501 = arith.constant 1 : i32
        %dma_start3A_502 = arith.constant 1 : i32
        %dma_start3A_503 = arith.constant 0 : i32
        %dma_start3A_504 = arith.constant 0 : i32
        %dma_start3A_505 = tpu.memref_slice %arg9[%dma_start3A_501, %dma_start3A_503, %dma_start3A_504] : memref<5x125x64xf32, #tpu.memory_space<vmem>> -> memref<1x125x64xf32, #tpu.memory_space<vmem>>
        %dma_start3A_506 = tpu.memref_squeeze %dma_start3A_505 : memref<1x125x64xf32, #tpu.memory_space<vmem>> -> memref<125x64xf32, #tpu.memory_space<vmem>>
        %dma_start3A_507 = arith.constant 0 : i32
        %dma_start3A_508 = tpu.memref_slice %arg7[%add3A_500, %dma_start3A_507] : memref<80x125xi32, #tpu.memory_space<vmem>> -> memref<1x125xi32, #tpu.memory_space<vmem>>
        %dma_start3A_509 = tpu.memref_squeeze %dma_start3A_508 : memref<1x125xi32, #tpu.memory_space<vmem>> -> memref<125xi32, #tpu.memory_space<vmem>>
        %dma_start3A_510 = arith.constant 0 : i32
        %dma_start3A_511 = arith.constant 0 : i32
        %dma_start3A_512 = tpu.memref_slice %arg3[%dma_start3A_510, %dma_start3A_511] : memref<10000x64xf32, #tpu.memory_space<hbm>> -> memref<10000x64xf32, #tpu.memory_space<hbm>>
        %dma_start3A_513 = tpu.memref_slice %arg13[%dma_start3A_502] : memref<5x!tpu.dma_semaphore, #tpu.memory_space<semaphore_mem>> -> memref<1x!tpu.dma_semaphore, #tpu.memory_space<semaphore_mem>>
        %dma_start3A_514 = tpu.memref_squeeze %dma_start3A_513 : memref<1x!tpu.dma_semaphore, #tpu.memory_space<semaphore_mem>> -> memref<!tpu.dma_semaphore, #tpu.memory_space<semaphore_mem>>
        tpu.enqueue_indirect_dma source(%dma_start3A_512 : memref<10000x64xf32, #tpu.memory_space<hbm>>) target(%dma_start3A_506 : memref<125x64xf32, #tpu.memory_space<vmem>>) offsets(%dma_start3A_509 : memref<125xi32, #tpu.memory_space<vmem>>) semaphore(%dma_start3A_514 : memref<!tpu.dma_semaphore, #tpu.memory_space<semaphore_mem>>)
      } else {
      }
      %mul3A_455 = arith.constant 5 : i32
      %mul3A_456 = arith.muli %scan3A_279, %mul3A_455 : i32
      %add3A_457 = arith.constant 4 : i32
      %add3A_458 = arith.addi %mul3A_456, %add3A_457 : i32
      %dma_wait3A_459 = arith.constant 4 : i32
      %dma_wait3A_460 = arith.constant 4 : i32
      %dma_wait3A_461 = arith.constant 0 : i32
      %dma_wait3A_462 = arith.constant 0 : i32
      %dma_wait3A_463 = tpu.memref_slice %arg9[%dma_wait3A_459, %dma_wait3A_461, %dma_wait3A_462] : memref<5x125x64xf32, #tpu.memory_space<vmem>> -> memref<1x125x64xf32, #tpu.memory_space<vmem>>
      %dma_wait3A_464 = tpu.memref_squeeze %dma_wait3A_463 : memref<1x125x64xf32, #tpu.memory_space<vmem>> -> memref<125x64xf32, #tpu.memory_space<vmem>>
      %dma_wait3A_465 = arith.constant 0 : i32
      %dma_wait3A_466 = tpu.memref_slice %arg7[%add3A_458, %dma_wait3A_465] : memref<80x125xi32, #tpu.memory_space<vmem>> -> memref<1x125xi32, #tpu.memory_space<vmem>>
      %dma_wait3A_467 = tpu.memref_squeeze %dma_wait3A_466 : memref<1x125xi32, #tpu.memory_space<vmem>> -> memref<125xi32, #tpu.memory_space<vmem>>
      %dma_wait3A_468 = arith.constant 0 : i32
      %dma_wait3A_469 = arith.constant 0 : i32
      %dma_wait3A_470 = tpu.memref_slice %arg3[%dma_wait3A_468, %dma_wait3A_469] : memref<10000x64xf32, #tpu.memory_space<hbm>> -> memref<10000x64xf32, #tpu.memory_space<hbm>>
      %dma_wait3A_471 = tpu.memref_slice %arg13[%dma_wait3A_460] : memref<5x!tpu.dma_semaphore, #tpu.memory_space<semaphore_mem>> -> memref<1x!tpu.dma_semaphore, #tpu.memory_space<semaphore_mem>>
      %dma_wait3A_472 = tpu.memref_squeeze %dma_wait3A_471 : memref<1x!tpu.dma_semaphore, #tpu.memory_space<semaphore_mem>> -> memref<!tpu.dma_semaphore, #tpu.memory_space<semaphore_mem>>
      tpu.wait_indirect_dma semaphore(%dma_wait3A_472 : memref<!tpu.dma_semaphore, #tpu.memory_space<semaphore_mem>>) src(%dma_wait3A_470 : memref<10000x64xf32, #tpu.memory_space<hbm>>) dst(%dma_wait3A_464 : memref<125x64xf32, #tpu.memory_space<vmem>>)
      %dma_start3A_473 = arith.constant 4 : i32
      %dma_start3A_474 = arith.constant 4 : i32
      %dma_start3A_475 = arith.constant 0 : i32
      %dma_start3A_476 = arith.constant 0 : i32
      %dma_start3A_477 = tpu.memref_slice %arg9[%dma_start3A_473, %dma_start3A_475, %dma_start3A_476] : memref<5x125x64xf32, #tpu.memory_space<vmem>> -> memref<1x125x64xf32, #tpu.memory_space<vmem>>
      %dma_start3A_478 = tpu.memref_squeeze %dma_start3A_477 : memref<1x125x64xf32, #tpu.memory_space<vmem>> -> memref<125x64xf32, #tpu.memory_space<vmem>>
      %dma_start3A_479 = arith.constant 0 : i32
      %dma_start3A_480 = tpu.memref_slice %arg8[%add3A_458, %dma_start3A_479] : memref<80x125xi32, #tpu.memory_space<vmem>> -> memref<1x125xi32, #tpu.memory_space<vmem>>
      %dma_start3A_481 = tpu.memref_squeeze %dma_start3A_480 : memref<1x125xi32, #tpu.memory_space<vmem>> -> memref<125xi32, #tpu.memory_space<vmem>>
      %dma_start3A_482 = arith.constant 0 : i32
      %dma_start3A_483 = arith.constant 0 : i32
      %dma_start3A_484 = tpu.memref_slice %arg12[%dma_start3A_482, %dma_start3A_483] : memref<10008x64xf32, #tpu.memory_space<vmem_shared>> -> memref<10008x64xf32, #tpu.memory_space<vmem_shared>>
      %dma_start3A_485 = tpu.memref_slice %arg14[%dma_start3A_474] : memref<5x!tpu.dma_semaphore, #tpu.memory_space<semaphore_mem>> -> memref<1x!tpu.dma_semaphore, #tpu.memory_space<semaphore_mem>>
      %dma_start3A_486 = tpu.memref_squeeze %dma_start3A_485 : memref<1x!tpu.dma_semaphore, #tpu.memory_space<semaphore_mem>> -> memref<!tpu.dma_semaphore, #tpu.memory_space<semaphore_mem>>
      tpu.enqueue_indirect_dma source(%dma_start3A_478 : memref<125x64xf32, #tpu.memory_space<vmem>>) target(%dma_start3A_484 : memref<10008x64xf32, #tpu.memory_space<vmem_shared>>) offsets(%dma_start3A_481 : memref<125xi32, #tpu.memory_space<vmem>>) semaphore(%dma_start3A_486 : memref<!tpu.dma_semaphore, #tpu.memory_space<semaphore_mem>>) {add = true}
      %ge3A_487 = arith.constant 2 : i32
      %ge3A_488 = arith.cmpi sge, %add3A_458, %ge3A_487 : i32
      %convert_element_type3A_489 = arith.extui %ge3A_488 : i1 to i32
      %cond3A_490 = arith.constant 0 : i32
      %cond3A_491 = arith.cmpi ne, %convert_element_type3A_489, %cond3A_490 : i32
      scf.if %cond3A_491 {
        %dma_wait3A_499 = arith.constant 2 : i32
        %dma_wait3A_500 = arith.constant 2 : i32
        %dma_wait3A_501 = arith.constant 0 : i32
        %dma_wait3A_502 = arith.constant 0 : i32
        %dma_wait3A_503 = tpu.memref_slice %arg9[%dma_wait3A_499, %dma_wait3A_501, %dma_wait3A_502] : memref<5x125x64xf32, #tpu.memory_space<vmem>> -> memref<1x125x64xf32, #tpu.memory_space<vmem>>
        %dma_wait3A_504 = tpu.memref_squeeze %dma_wait3A_503 : memref<1x125x64xf32, #tpu.memory_space<vmem>> -> memref<125x64xf32, #tpu.memory_space<vmem>>
        %dma_wait3A_505 = arith.constant 0 : i32
        %dma_wait3A_506 = tpu.memref_slice %arg8[%add3A_458, %dma_wait3A_505] : memref<80x125xi32, #tpu.memory_space<vmem>> -> memref<1x125xi32, #tpu.memory_space<vmem>>
        %dma_wait3A_507 = tpu.memref_squeeze %dma_wait3A_506 : memref<1x125xi32, #tpu.memory_space<vmem>> -> memref<125xi32, #tpu.memory_space<vmem>>
        %dma_wait3A_508 = arith.constant 0 : i32
        %dma_wait3A_509 = arith.constant 0 : i32
        %dma_wait3A_510 = tpu.memref_slice %arg12[%dma_wait3A_508, %dma_wait3A_509] : memref<10008x64xf32, #tpu.memory_space<vmem_shared>> -> memref<10008x64xf32, #tpu.memory_space<vmem_shared>>
        %dma_wait3A_511 = tpu.memref_slice %arg14[%dma_wait3A_500] : memref<5x!tpu.dma_semaphore, #tpu.memory_space<semaphore_mem>> -> memref<1x!tpu.dma_semaphore, #tpu.memory_space<semaphore_mem>>
        %dma_wait3A_512 = tpu.memref_squeeze %dma_wait3A_511 : memref<1x!tpu.dma_semaphore, #tpu.memory_space<semaphore_mem>> -> memref<!tpu.dma_semaphore, #tpu.memory_space<semaphore_mem>>
        tpu.wait_indirect_dma semaphore(%dma_wait3A_512 : memref<!tpu.dma_semaphore, #tpu.memory_space<semaphore_mem>>) src(%dma_wait3A_504 : memref<125x64xf32, #tpu.memory_space<vmem>>) dst(%dma_wait3A_510 : memref<10008x64xf32, #tpu.memory_space<vmem_shared>>)
      } else {
      }
      %add3A_492 = arith.constant 3 : i32
      %add3A_493 = arith.addi %add3A_458, %add3A_492 : i32
      %lt3A_494 = arith.constant 80 : i32
      %lt3A_495 = arith.cmpi slt, %add3A_493, %lt3A_494 : i32
      %convert_element_type3A_496 = arith.extui %lt3A_495 : i1 to i32
      %cond3A_497 = arith.constant 0 : i32
      %cond3A_498 = arith.cmpi ne, %convert_element_type3A_496, %cond3A_497 : i32
      scf.if %cond3A_498 {
        %add3A_499 = arith.constant 3 : i32
        %add3A_500 = arith.addi %add3A_458, %add3A_499 : i32
        %dma_start3A_501 = arith.constant 2 : i32
        %dma_start3A_502 = arith.constant 2 : i32
        %dma_start3A_503 = arith.constant 0 : i32
        %dma_start3A_504 = arith.constant 0 : i32
        %dma_start3A_505 = tpu.memref_slice %arg9[%dma_start3A_501, %dma_start3A_503, %dma_start3A_504] : memref<5x125x64xf32, #tpu.memory_space<vmem>> -> memref<1x125x64xf32, #tpu.memory_space<vmem>>
        %dma_start3A_506 = tpu.memref_squeeze %dma_start3A_505 : memref<1x125x64xf32, #tpu.memory_space<vmem>> -> memref<125x64xf32, #tpu.memory_space<vmem>>
        %dma_start3A_507 = arith.constant 0 : i32
        %dma_start3A_508 = tpu.memref_slice %arg7[%add3A_500, %dma_start3A_507] : memref<80x125xi32, #tpu.memory_space<vmem>> -> memref<1x125xi32, #tpu.memory_space<vmem>>
        %dma_start3A_509 = tpu.memref_squeeze %dma_start3A_508 : memref<1x125xi32, #tpu.memory_space<vmem>> -> memref<125xi32, #tpu.memory_space<vmem>>
        %dma_start3A_510 = arith.constant 0 : i32
        %dma_start3A_511 = arith.constant 0 : i32
        %dma_start3A_512 = tpu.memref_slice %arg3[%dma_start3A_510, %dma_start3A_511] : memref<10000x64xf32, #tpu.memory_space<hbm>> -> memref<10000x64xf32, #tpu.memory_space<hbm>>
        %dma_start3A_513 = tpu.memref_slice %arg13[%dma_start3A_502] : memref<5x!tpu.dma_semaphore, #tpu.memory_space<semaphore_mem>> -> memref<1x!tpu.dma_semaphore, #tpu.memory_space<semaphore_mem>>
        %dma_start3A_514 = tpu.memref_squeeze %dma_start3A_513 : memref<1x!tpu.dma_semaphore, #tpu.memory_space<semaphore_mem>> -> memref<!tpu.dma_semaphore, #tpu.memory_space<semaphore_mem>>
        tpu.enqueue_indirect_dma source(%dma_start3A_512 : memref<10000x64xf32, #tpu.memory_space<hbm>>) target(%dma_start3A_506 : memref<125x64xf32, #tpu.memory_space<vmem>>) offsets(%dma_start3A_509 : memref<125xi32, #tpu.memory_space<vmem>>) semaphore(%dma_start3A_514 : memref<!tpu.dma_semaphore, #tpu.memory_space<semaphore_mem>>)
      } else {
      }
    }
    %scan3A_219 = arith.constant 16 : i32
    %dma_wait3A_220 = arith.constant 3 : i32
    %dma_wait3A_221 = arith.constant 0 : i32
    %dma_wait3A_222 = arith.constant 3 : i32
    %dma_wait3A_223 = arith.constant 0 : i32
    %dma_wait3A_224 = arith.constant 0 : i32
    %dma_wait3A_225 = tpu.memref_slice %arg9[%dma_wait3A_220, %dma_wait3A_223, %dma_wait3A_224] : memref<5x125x64xf32, #tpu.memory_space<vmem>> -> memref<1x125x64xf32, #tpu.memory_space<vmem>>
    %dma_wait3A_226 = tpu.memref_squeeze %dma_wait3A_225 : memref<1x125x64xf32, #tpu.memory_space<vmem>> -> memref<125x64xf32, #tpu.memory_space<vmem>>
    %dma_wait3A_227 = arith.constant 0 : i32
    %dma_wait3A_228 = tpu.memref_slice %arg8[%dma_wait3A_221, %dma_wait3A_227] : memref<80x125xi32, #tpu.memory_space<vmem>> -> memref<1x125xi32, #tpu.memory_space<vmem>>
    %dma_wait3A_229 = tpu.memref_squeeze %dma_wait3A_228 : memref<1x125xi32, #tpu.memory_space<vmem>> -> memref<125xi32, #tpu.memory_space<vmem>>
    %dma_wait3A_230 = arith.constant 0 : i32
    %dma_wait3A_231 = arith.constant 0 : i32
    %dma_wait3A_232 = tpu.memref_slice %arg12[%dma_wait3A_230, %dma_wait3A_231] : memref<10008x64xf32, #tpu.memory_space<vmem_shared>> -> memref<10008x64xf32, #tpu.memory_space<vmem_shared>>
    %dma_wait3A_233 = tpu.memref_slice %arg14[%dma_wait3A_222] : memref<5x!tpu.dma_semaphore, #tpu.memory_space<semaphore_mem>> -> memref<1x!tpu.dma_semaphore, #tpu.memory_space<semaphore_mem>>
    %dma_wait3A_234 = tpu.memref_squeeze %dma_wait3A_233 : memref<1x!tpu.dma_semaphore, #tpu.memory_space<semaphore_mem>> -> memref<!tpu.dma_semaphore, #tpu.memory_space<semaphore_mem>>
    tpu.wait_indirect_dma semaphore(%dma_wait3A_234 : memref<!tpu.dma_semaphore, #tpu.memory_space<semaphore_mem>>) src(%dma_wait3A_226 : memref<125x64xf32, #tpu.memory_space<vmem>>) dst(%dma_wait3A_232 : memref<10008x64xf32, #tpu.memory_space<vmem_shared>>)
    %dma_wait3A_235 = arith.constant 4 : i32
    %dma_wait3A_236 = arith.constant 0 : i32
    %dma_wait3A_237 = arith.constant 4 : i32
    %dma_wait3A_238 = arith.constant 0 : i32
    %dma_wait3A_239 = arith.constant 0 : i32
    %dma_wait3A_240 = tpu.memref_slice %arg9[%dma_wait3A_235, %dma_wait3A_238, %dma_wait3A_239] : memref<5x125x64xf32, #tpu.memory_space<vmem>> -> memref<1x125x64xf32, #tpu.memory_space<vmem>>
    %dma_wait3A_241 = tpu.memref_squeeze %dma_wait3A_240 : memref<1x125x64xf32, #tpu.memory_space<vmem>> -> memref<125x64xf32, #tpu.memory_space<vmem>>
    %dma_wait3A_242 = arith.constant 0 : i32
    %dma_wait3A_243 = tpu.memref_slice %arg8[%dma_wait3A_236, %dma_wait3A_242] : memref<80x125xi32, #tpu.memory_space<vmem>> -> memref<1x125xi32, #tpu.memory_space<vmem>>
    %dma_wait3A_244 = tpu.memref_squeeze %dma_wait3A_243 : memref<1x125xi32, #tpu.memory_space<vmem>> -> memref<125xi32, #tpu.memory_space<vmem>>
    %dma_wait3A_245 = arith.constant 0 : i32
    %dma_wait3A_246 = arith.constant 0 : i32
    %dma_wait3A_247 = tpu.memref_slice %arg12[%dma_wait3A_245, %dma_wait3A_246] : memref<10008x64xf32, #tpu.memory_space<vmem_shared>> -> memref<10008x64xf32, #tpu.memory_space<vmem_shared>>
    %dma_wait3A_248 = tpu.memref_slice %arg14[%dma_wait3A_237] : memref<5x!tpu.dma_semaphore, #tpu.memory_space<semaphore_mem>> -> memref<1x!tpu.dma_semaphore, #tpu.memory_space<semaphore_mem>>
    %dma_wait3A_249 = tpu.memref_squeeze %dma_wait3A_248 : memref<1x!tpu.dma_semaphore, #tpu.memory_space<semaphore_mem>> -> memref<!tpu.dma_semaphore, #tpu.memory_space<semaphore_mem>>
    tpu.wait_indirect_dma semaphore(%dma_wait3A_249 : memref<!tpu.dma_semaphore, #tpu.memory_space<semaphore_mem>>) src(%dma_wait3A_241 : memref<125x64xf32, #tpu.memory_space<vmem>>) dst(%dma_wait3A_247 : memref<10008x64xf32, #tpu.memory_space<vmem_shared>>)
    %barrier3A_250 = arith.constant 0 : index
    tpu.barrier barrier_id(%barrier3A_250)
    %add3A_251 = arith.constant 0 : i32
    %add3A_252 = arith.addi %arg1, %add3A_251 : i32
    %lt3A_253 = arith.constant 50 : i32
    %lt3A_254 = arith.cmpi slt, %add3A_252, %lt3A_253 : i32
    %convert_element_type3A_255 = arith.extui %lt3A_254 : i1 to i32
    %cond3A_256 = arith.constant 0 : i32
    %cond3A_257 = arith.cmpi ne, %convert_element_type3A_255, %cond3A_256 : i32
    scf.if %cond3A_257 {
      %mul3A_279 = arith.constant 200 : i32
      %mul3A_280 = arith.muli %add3A_252, %mul3A_279 : i32
      "tpu.region"() ({
        %run_scoped3A = tpu.sem_alloc : memref<!tpu.dma_semaphore, #tpu.memory_space<semaphore_mem>>
        %dma_start3A_281 = arith.constant 0 : i32
        %dma_start3A_282 = tpu.memref_slice %arg12[%mul3A_280, %dma_start3A_281] : memref<10008x64xf32, #tpu.memory_space<vmem_shared>> -> memref<200x64xf32, #tpu.memory_space<vmem_shared>>
        %dma_start3A_283 = arith.constant 0 : i32
        %dma_start3A_284 = tpu.memref_slice %arg12[%mul3A_280, %dma_start3A_283] : memref<10008x64xf32, #tpu.memory_space<vmem_shared>> -> memref<200x64xf32, #tpu.memory_space<vmem_shared>>
        tpu.enqueue_dma source(%dma_start3A_284 : memref<200x64xf32, #tpu.memory_space<vmem_shared>>) target(%arg11 : memref<200x64xf32, #tpu.memory_space<vmem>>) target_semaphore(%run_scoped3A : memref<!tpu.dma_semaphore, #tpu.memory_space<semaphore_mem>>)
        %dma_wait3A_285 = arith.constant 0 : i32
        %dma_wait3A_286 = tpu.memref_slice %arg12[%mul3A_280, %dma_wait3A_285] : memref<10008x64xf32, #tpu.memory_space<vmem_shared>> -> memref<200x64xf32, #tpu.memory_space<vmem_shared>>
        %dma_wait3A_287 = arith.constant 0 : i32
        %dma_wait3A_288 = tpu.memref_slice %arg12[%mul3A_280, %dma_wait3A_287] : memref<10008x64xf32, #tpu.memory_space<vmem_shared>> -> memref<200x64xf32, #tpu.memory_space<vmem_shared>>
        tpu.wait_dma2 semaphore(%run_scoped3A : memref<!tpu.dma_semaphore, #tpu.memory_space<semaphore_mem>>) src(%dma_wait3A_288 : memref<200x64xf32, #tpu.memory_space<vmem_shared>>) dst(%arg11 : memref<200x64xf32, #tpu.memory_space<vmem>>)
        tpu.yield
      }) : () -> ()
      "tpu.region"() ({
        %run_scoped3A = tpu.sem_alloc : memref<!tpu.dma_semaphore, #tpu.memory_space<semaphore_mem>>
        %dma_start3A_281 = arith.constant 64 : i32
        %dma_start3A_282 = tpu.memref_slice %arg6[%arg0, %mul3A_280, %dma_start3A_281] : memref<2x10000x128xf32, #tpu.memory_space<hbm>> -> memref<1x200x64xf32, #tpu.memory_space<hbm>>
        %dma_start3A_283 = tpu.memref_squeeze %dma_start3A_282 : memref<1x200x64xf32, #tpu.memory_space<hbm>> -> memref<200x64xf32, #tpu.memory_space<hbm>>
        %dma_start3A_284 = arith.constant 64 : i32
        %dma_start3A_285 = tpu.memref_slice %arg6[%arg0, %mul3A_280, %dma_start3A_284] : memref<2x10000x128xf32, #tpu.memory_space<hbm>> -> memref<1x200x64xf32, #tpu.memory_space<hbm>>
        %dma_start3A_286 = tpu.memref_squeeze %dma_start3A_285 : memref<1x200x64xf32, #tpu.memory_space<hbm>> -> memref<200x64xf32, #tpu.memory_space<hbm>>
        tpu.enqueue_dma source(%arg11 : memref<200x64xf32, #tpu.memory_space<vmem>>) target(%dma_start3A_286 : memref<200x64xf32, #tpu.memory_space<hbm>>) target_semaphore(%run_scoped3A : memref<!tpu.dma_semaphore, #tpu.memory_space<semaphore_mem>>)
        %dma_wait3A_287 = arith.constant 64 : i32
        %dma_wait3A_288 = tpu.memref_slice %arg6[%arg0, %mul3A_280, %dma_wait3A_287] : memref<2x10000x128xf32, #tpu.memory_space<hbm>> -> memref<1x200x64xf32, #tpu.memory_space<hbm>>
        %dma_wait3A_289 = tpu.memref_squeeze %dma_wait3A_288 : memref<1x200x64xf32, #tpu.memory_space<hbm>> -> memref<200x64xf32, #tpu.memory_space<hbm>>
        %dma_wait3A_290 = arith.constant 64 : i32
        %dma_wait3A_291 = tpu.memref_slice %arg6[%arg0, %mul3A_280, %dma_wait3A_290] : memref<2x10000x128xf32, #tpu.memory_space<hbm>> -> memref<1x200x64xf32, #tpu.memory_space<hbm>>
        %dma_wait3A_292 = tpu.memref_squeeze %dma_wait3A_291 : memref<1x200x64xf32, #tpu.memory_space<hbm>> -> memref<200x64xf32, #tpu.memory_space<hbm>>
        tpu.wait_dma2 semaphore(%run_scoped3A : memref<!tpu.dma_semaphore, #tpu.memory_space<semaphore_mem>>) src(%arg11 : memref<200x64xf32, #tpu.memory_space<vmem>>) dst(%dma_wait3A_292 : memref<200x64xf32, #tpu.memory_space<hbm>>)
        tpu.yield
      }) : () -> ()
    } else {
    }
    %add3A_258 = arith.constant 16 : i32
    %add3A_259 = arith.addi %arg1, %add3A_258 : i32
    %lt3A_260 = arith.constant 50 : i32
    %lt3A_261 = arith.cmpi slt, %add3A_259, %lt3A_260 : i32
    %convert_element_type3A_262 = arith.extui %lt3A_261 : i1 to i32
    %cond3A_263 = arith.constant 0 : i32
    %cond3A_264 = arith.cmpi ne, %convert_element_type3A_262, %cond3A_263 : i32
    scf.if %cond3A_264 {
      %mul3A_279 = arith.constant 200 : i32
      %mul3A_280 = arith.muli %add3A_259, %mul3A_279 : i32
      "tpu.region"() ({
        %run_scoped3A = tpu.sem_alloc : memref<!tpu.dma_semaphore, #tpu.memory_space<semaphore_mem>>
        %dma_start3A_281 = arith.constant 0 : i32
        %dma_start3A_282 = tpu.memref_slice %arg12[%mul3A_280, %dma_start3A_281] : memref<10008x64xf32, #tpu.memory_space<vmem_shared>> -> memref<200x64xf32, #tpu.memory_space<vmem_shared>>
        %dma_start3A_283 = arith.constant 0 : i32
        %dma_start3A_284 = tpu.memref_slice %arg12[%mul3A_280, %dma_start3A_283] : memref<10008x64xf32, #tpu.memory_space<vmem_shared>> -> memref<200x64xf32, #tpu.memory_space<vmem_shared>>
        tpu.enqueue_dma source(%dma_start3A_284 : memref<200x64xf32, #tpu.memory_space<vmem_shared>>) target(%arg11 : memref<200x64xf32, #tpu.memory_space<vmem>>) target_semaphore(%run_scoped3A : memref<!tpu.dma_semaphore, #tpu.memory_space<semaphore_mem>>)
        %dma_wait3A_285 = arith.constant 0 : i32
        %dma_wait3A_286 = tpu.memref_slice %arg12[%mul3A_280, %dma_wait3A_285] : memref<10008x64xf32, #tpu.memory_space<vmem_shared>> -> memref<200x64xf32, #tpu.memory_space<vmem_shared>>
        %dma_wait3A_287 = arith.constant 0 : i32
        %dma_wait3A_288 = tpu.memref_slice %arg12[%mul3A_280, %dma_wait3A_287] : memref<10008x64xf32, #tpu.memory_space<vmem_shared>> -> memref<200x64xf32, #tpu.memory_space<vmem_shared>>
        tpu.wait_dma2 semaphore(%run_scoped3A : memref<!tpu.dma_semaphore, #tpu.memory_space<semaphore_mem>>) src(%dma_wait3A_288 : memref<200x64xf32, #tpu.memory_space<vmem_shared>>) dst(%arg11 : memref<200x64xf32, #tpu.memory_space<vmem>>)
        tpu.yield
      }) : () -> ()
      "tpu.region"() ({
        %run_scoped3A = tpu.sem_alloc : memref<!tpu.dma_semaphore, #tpu.memory_space<semaphore_mem>>
        %dma_start3A_281 = arith.constant 64 : i32
        %dma_start3A_282 = tpu.memref_slice %arg6[%arg0, %mul3A_280, %dma_start3A_281] : memref<2x10000x128xf32, #tpu.memory_space<hbm>> -> memref<1x200x64xf32, #tpu.memory_space<hbm>>
        %dma_start3A_283 = tpu.memref_squeeze %dma_start3A_282 : memref<1x200x64xf32, #tpu.memory_space<hbm>> -> memref<200x64xf32, #tpu.memory_space<hbm>>
        %dma_start3A_284 = arith.constant 64 : i32
        %dma_start3A_285 = tpu.memref_slice %arg6[%arg0, %mul3A_280, %dma_start3A_284] : memref<2x10000x128xf32, #tpu.memory_space<hbm>> -> memref<1x200x64xf32, #tpu.memory_space<hbm>>
        %dma_start3A_286 = tpu.memref_squeeze %dma_start3A_285 : memref<1x200x64xf32, #tpu.memory_space<hbm>> -> memref<200x64xf32, #tpu.memory_space<hbm>>
        tpu.enqueue_dma source(%arg11 : memref<200x64xf32, #tpu.memory_space<vmem>>) target(%dma_start3A_286 : memref<200x64xf32, #tpu.memory_space<hbm>>) target_semaphore(%run_scoped3A : memref<!tpu.dma_semaphore, #tpu.memory_space<semaphore_mem>>)
        %dma_wait3A_287 = arith.constant 64 : i32
        %dma_wait3A_288 = tpu.memref_slice %arg6[%arg0, %mul3A_280, %dma_wait3A_287] : memref<2x10000x128xf32, #tpu.memory_space<hbm>> -> memref<1x200x64xf32, #tpu.memory_space<hbm>>
        %dma_wait3A_289 = tpu.memref_squeeze %dma_wait3A_288 : memref<1x200x64xf32, #tpu.memory_space<hbm>> -> memref<200x64xf32, #tpu.memory_space<hbm>>
        %dma_wait3A_290 = arith.constant 64 : i32
        %dma_wait3A_291 = tpu.memref_slice %arg6[%arg0, %mul3A_280, %dma_wait3A_290] : memref<2x10000x128xf32, #tpu.memory_space<hbm>> -> memref<1x200x64xf32, #tpu.memory_space<hbm>>
        %dma_wait3A_292 = tpu.memref_squeeze %dma_wait3A_291 : memref<1x200x64xf32, #tpu.memory_space<hbm>> -> memref<200x64xf32, #tpu.memory_space<hbm>>
        tpu.wait_dma2 semaphore(%run_scoped3A : memref<!tpu.dma_semaphore, #tpu.memory_space<semaphore_mem>>) src(%arg11 : memref<200x64xf32, #tpu.memory_space<vmem>>) dst(%dma_wait3A_292 : memref<200x64xf32, #tpu.memory_space<hbm>>)
        tpu.yield
      }) : () -> ()
    } else {
    }
    %add3A_265 = arith.constant 32 : i32
    %add3A_266 = arith.addi %arg1, %add3A_265 : i32
    %lt3A_267 = arith.constant 50 : i32
    %lt3A_268 = arith.cmpi slt, %add3A_266, %lt3A_267 : i32
    %convert_element_type3A_269 = arith.extui %lt3A_268 : i1 to i32
    %cond3A_270 = arith.constant 0 : i32
    %cond3A_271 = arith.cmpi ne, %convert_element_type3A_269, %cond3A_270 : i32
    scf.if %cond3A_271 {
      %mul3A_279 = arith.constant 200 : i32
      %mul3A_280 = arith.muli %add3A_266, %mul3A_279 : i32
      "tpu.region"() ({
        %run_scoped3A = tpu.sem_alloc : memref<!tpu.dma_semaphore, #tpu.memory_space<semaphore_mem>>
        %dma_start3A_281 = arith.constant 0 : i32
        %dma_start3A_282 = tpu.memref_slice %arg12[%mul3A_280, %dma_start3A_281] : memref<10008x64xf32, #tpu.memory_space<vmem_shared>> -> memref<200x64xf32, #tpu.memory_space<vmem_shared>>
        %dma_start3A_283 = arith.constant 0 : i32
        %dma_start3A_284 = tpu.memref_slice %arg12[%mul3A_280, %dma_start3A_283] : memref<10008x64xf32, #tpu.memory_space<vmem_shared>> -> memref<200x64xf32, #tpu.memory_space<vmem_shared>>
        tpu.enqueue_dma source(%dma_start3A_284 : memref<200x64xf32, #tpu.memory_space<vmem_shared>>) target(%arg11 : memref<200x64xf32, #tpu.memory_space<vmem>>) target_semaphore(%run_scoped3A : memref<!tpu.dma_semaphore, #tpu.memory_space<semaphore_mem>>)
        %dma_wait3A_285 = arith.constant 0 : i32
        %dma_wait3A_286 = tpu.memref_slice %arg12[%mul3A_280, %dma_wait3A_285] : memref<10008x64xf32, #tpu.memory_space<vmem_shared>> -> memref<200x64xf32, #tpu.memory_space<vmem_shared>>
        %dma_wait3A_287 = arith.constant 0 : i32
        %dma_wait3A_288 = tpu.memref_slice %arg12[%mul3A_280, %dma_wait3A_287] : memref<10008x64xf32, #tpu.memory_space<vmem_shared>> -> memref<200x64xf32, #tpu.memory_space<vmem_shared>>
        tpu.wait_dma2 semaphore(%run_scoped3A : memref<!tpu.dma_semaphore, #tpu.memory_space<semaphore_mem>>) src(%dma_wait3A_288 : memref<200x64xf32, #tpu.memory_space<vmem_shared>>) dst(%arg11 : memref<200x64xf32, #tpu.memory_space<vmem>>)
        tpu.yield
      }) : () -> ()
      "tpu.region"() ({
        %run_scoped3A = tpu.sem_alloc : memref<!tpu.dma_semaphore, #tpu.memory_space<semaphore_mem>>
        %dma_start3A_281 = arith.constant 64 : i32
        %dma_start3A_282 = tpu.memref_slice %arg6[%arg0, %mul3A_280, %dma_start3A_281] : memref<2x10000x128xf32, #tpu.memory_space<hbm>> -> memref<1x200x64xf32, #tpu.memory_space<hbm>>
        %dma_start3A_283 = tpu.memref_squeeze %dma_start3A_282 : memref<1x200x64xf32, #tpu.memory_space<hbm>> -> memref<200x64xf32, #tpu.memory_space<hbm>>
        %dma_start3A_284 = arith.constant 64 : i32
        %dma_start3A_285 = tpu.memref_slice %arg6[%arg0, %mul3A_280, %dma_start3A_284] : memref<2x10000x128xf32, #tpu.memory_space<hbm>> -> memref<1x200x64xf32, #tpu.memory_space<hbm>>
        %dma_start3A_286 = tpu.memref_squeeze %dma_start3A_285 : memref<1x200x64xf32, #tpu.memory_space<hbm>> -> memref<200x64xf32, #tpu.memory_space<hbm>>
        tpu.enqueue_dma source(%arg11 : memref<200x64xf32, #tpu.memory_space<vmem>>) target(%dma_start3A_286 : memref<200x64xf32, #tpu.memory_space<hbm>>) target_semaphore(%run_scoped3A : memref<!tpu.dma_semaphore, #tpu.memory_space<semaphore_mem>>)
        %dma_wait3A_287 = arith.constant 64 : i32
        %dma_wait3A_288 = tpu.memref_slice %arg6[%arg0, %mul3A_280, %dma_wait3A_287] : memref<2x10000x128xf32, #tpu.memory_space<hbm>> -> memref<1x200x64xf32, #tpu.memory_space<hbm>>
        %dma_wait3A_289 = tpu.memref_squeeze %dma_wait3A_288 : memref<1x200x64xf32, #tpu.memory_space<hbm>> -> memref<200x64xf32, #tpu.memory_space<hbm>>
        %dma_wait3A_290 = arith.constant 64 : i32
        %dma_wait3A_291 = tpu.memref_slice %arg6[%arg0, %mul3A_280, %dma_wait3A_290] : memref<2x10000x128xf32, #tpu.memory_space<hbm>> -> memref<1x200x64xf32, #tpu.memory_space<hbm>>
        %dma_wait3A_292 = tpu.memref_squeeze %dma_wait3A_291 : memref<1x200x64xf32, #tpu.memory_space<hbm>> -> memref<200x64xf32, #tpu.memory_space<hbm>>
        tpu.wait_dma2 semaphore(%run_scoped3A : memref<!tpu.dma_semaphore, #tpu.memory_space<semaphore_mem>>) src(%arg11 : memref<200x64xf32, #tpu.memory_space<vmem>>) dst(%dma_wait3A_292 : memref<200x64xf32, #tpu.memory_space<hbm>>)
        tpu.yield
      }) : () -> ()
    } else {
    }
    %add3A_272 = arith.constant 48 : i32
    %add3A_273 = arith.addi %arg1, %add3A_272 : i32
    %lt3A_274 = arith.constant 50 : i32
    %lt3A_275 = arith.cmpi slt, %add3A_273, %lt3A_274 : i32
    %convert_element_type3A_276 = arith.extui %lt3A_275 : i1 to i32
    %cond3A_277 = arith.constant 0 : i32
    %cond3A_278 = arith.cmpi ne, %convert_element_type3A_276, %cond3A_277 : i32
    scf.if %cond3A_278 {
      %mul3A_279 = arith.constant 200 : i32
      %mul3A_280 = arith.muli %add3A_273, %mul3A_279 : i32
      "tpu.region"() ({
        %run_scoped3A = tpu.sem_alloc : memref<!tpu.dma_semaphore, #tpu.memory_space<semaphore_mem>>
        %dma_start3A_281 = arith.constant 0 : i32
        %dma_start3A_282 = tpu.memref_slice %arg12[%mul3A_280, %dma_start3A_281] : memref<10008x64xf32, #tpu.memory_space<vmem_shared>> -> memref<200x64xf32, #tpu.memory_space<vmem_shared>>
        %dma_start3A_283 = arith.constant 0 : i32
        %dma_start3A_284 = tpu.memref_slice %arg12[%mul3A_280, %dma_start3A_283] : memref<10008x64xf32, #tpu.memory_space<vmem_shared>> -> memref<200x64xf32, #tpu.memory_space<vmem_shared>>
        tpu.enqueue_dma source(%dma_start3A_284 : memref<200x64xf32, #tpu.memory_space<vmem_shared>>) target(%arg11 : memref<200x64xf32, #tpu.memory_space<vmem>>) target_semaphore(%run_scoped3A : memref<!tpu.dma_semaphore, #tpu.memory_space<semaphore_mem>>)
        %dma_wait3A_285 = arith.constant 0 : i32
        %dma_wait3A_286 = tpu.memref_slice %arg12[%mul3A_280, %dma_wait3A_285] : memref<10008x64xf32, #tpu.memory_space<vmem_shared>> -> memref<200x64xf32, #tpu.memory_space<vmem_shared>>
        %dma_wait3A_287 = arith.constant 0 : i32
        %dma_wait3A_288 = tpu.memref_slice %arg12[%mul3A_280, %dma_wait3A_287] : memref<10008x64xf32, #tpu.memory_space<vmem_shared>> -> memref<200x64xf32, #tpu.memory_space<vmem_shared>>
        tpu.wait_dma2 semaphore(%run_scoped3A : memref<!tpu.dma_semaphore, #tpu.memory_space<semaphore_mem>>) src(%dma_wait3A_288 : memref<200x64xf32, #tpu.memory_space<vmem_shared>>) dst(%arg11 : memref<200x64xf32, #tpu.memory_space<vmem>>)
        tpu.yield
      }) : () -> ()
      "tpu.region"() ({
        %run_scoped3A = tpu.sem_alloc : memref<!tpu.dma_semaphore, #tpu.memory_space<semaphore_mem>>
        %dma_start3A_281 = arith.constant 64 : i32
        %dma_start3A_282 = tpu.memref_slice %arg6[%arg0, %mul3A_280, %dma_start3A_281] : memref<2x10000x128xf32, #tpu.memory_space<hbm>> -> memref<1x200x64xf32, #tpu.memory_space<hbm>>
        %dma_start3A_283 = tpu.memref_squeeze %dma_start3A_282 : memref<1x200x64xf32, #tpu.memory_space<hbm>> -> memref<200x64xf32, #tpu.memory_space<hbm>>
        %dma_start3A_284 = arith.constant 64 : i32
        %dma_start3A_285 = tpu.memref_slice %arg6[%arg0, %mul3A_280, %dma_start3A_284] : memref<2x10000x128xf32, #tpu.memory_space<hbm>> -> memref<1x200x64xf32, #tpu.memory_space<hbm>>
        %dma_start3A_286 = tpu.memref_squeeze %dma_start3A_285 : memref<1x200x64xf32, #tpu.memory_space<hbm>> -> memref<200x64xf32, #tpu.memory_space<hbm>>
        tpu.enqueue_dma source(%arg11 : memref<200x64xf32, #tpu.memory_space<vmem>>) target(%dma_start3A_286 : memref<200x64xf32, #tpu.memory_space<hbm>>) target_semaphore(%run_scoped3A : memref<!tpu.dma_semaphore, #tpu.memory_space<semaphore_mem>>)
        %dma_wait3A_287 = arith.constant 64 : i32
        %dma_wait3A_288 = tpu.memref_slice %arg6[%arg0, %mul3A_280, %dma_wait3A_287] : memref<2x10000x128xf32, #tpu.memory_space<hbm>> -> memref<1x200x64xf32, #tpu.memory_space<hbm>>
        %dma_wait3A_289 = tpu.memref_squeeze %dma_wait3A_288 : memref<1x200x64xf32, #tpu.memory_space<hbm>> -> memref<200x64xf32, #tpu.memory_space<hbm>>
        %dma_wait3A_290 = arith.constant 64 : i32
        %dma_wait3A_291 = tpu.memref_slice %arg6[%arg0, %mul3A_280, %dma_wait3A_290] : memref<2x10000x128xf32, #tpu.memory_space<hbm>> -> memref<1x200x64xf32, #tpu.memory_space<hbm>>
        %dma_wait3A_292 = tpu.memref_squeeze %dma_wait3A_291 : memref<1x200x64xf32, #tpu.memory_space<hbm>> -> memref<200x64xf32, #tpu.memory_space<hbm>>
        tpu.wait_dma2 semaphore(%run_scoped3A : memref<!tpu.dma_semaphore, #tpu.memory_space<semaphore_mem>>) src(%arg11 : memref<200x64xf32, #tpu.memory_space<vmem>>) dst(%dma_wait3A_292 : memref<200x64xf32, #tpu.memory_space<hbm>>)
        tpu.yield
      }) : () -> ()
    } else {
    }
    return
  }
}

module attributes {stable_mosaic.version = 14 : i64} {
  func.func @body(%arg0: i32, %arg1: memref<1000x128xf32, #tpu.memory_space<vmem>>, %arg2: memref<128x128xf32, #tpu.memory_space<vmem>>, %arg3: memref<128x128xf32, #tpu.memory_space<vmem>>, %arg4: memref<1x128xf32, #tpu.memory_space<vmem>>, %arg5: memref<1000x64xf32, #tpu.memory_space<vmem>>, %arg6: memref<1000x64xf32, #tpu.memory_space<vmem>>, %arg7: memref<1000x128xf32, #tpu.memory_space<vmem>>) attributes {dimension_semantics = [#tpu.dimension_semantics<arbitrary>], iteration_bounds = array<i64: 10>, scalar_prefetch = 0 : i64, scratch_operands = 0 : i64, tpu.core_type = #tpu.core_type<tc>, window_params = [{transform_indices = @transform_0, window_bounds = array<i64: 1000, 128>}, {pipeline_mode = #tpu.pipeline_mode<synchronous>, transform_indices = @transform_1, window_bounds = array<i64: 128, 128>}, {pipeline_mode = #tpu.pipeline_mode<synchronous>, transform_indices = @transform_2, window_bounds = array<i64: 128, 128>}, {pipeline_mode = #tpu.pipeline_mode<synchronous>, transform_indices = @transform_3, window_bounds = array<i64: 1, 128>}, {transform_indices = @transform_4, window_bounds = array<i64: 1000, 64>}, {transform_indices = @transform_5, window_bounds = array<i64: 1000, 64>}, {transform_indices = @transform_6, window_bounds = array<i64: 1000, 128>}]} {
    %get3A = arith.constant 0 : index
    %get3A_0 = arith.constant 0 : index
    %get3A_1 = vector.load %arg1[%get3A, %get3A_0] : memref<1000x128xf32, #tpu.memory_space<vmem>>, vector<1000x128xf32>
    %get3A_2 = arith.constant 0 : index
    %get3A_3 = arith.constant 0 : index
    %get3A_4 = vector.load %arg2[%get3A_2, %get3A_3] : memref<128x128xf32, #tpu.memory_space<vmem>>, vector<128x128xf32>
    %dot_general3A = arith.constant dense<0.000000e+00> : vector<1000x128xf32>
    %dot_general3A_5 = tpu.matmul %get3A_1, %get3A_4, %dot_general3A {dimension_numbers = #tpu.dot_dimension_numbers<[1], [0], [0], [1], [0, 0, 1, 1], [], []>, transpose_lhs_hint = false} : vector<1000x128xf32>, vector<128x128xf32>, vector<1000x128xf32> -> vector<1000x128xf32>
    %slice3A = vector.extract_strided_slice %dot_general3A_5 {offsets = [0, 0], sizes = [1000, 64], strides = [1, 1]} : vector<1000x128xf32> to vector<1000x64xf32>
    %swap3A = arith.constant 0 : index
    %swap3A_6 = arith.constant 0 : index
    %swap3A_7 = vector.load %arg5[%swap3A, %swap3A_6] : memref<1000x64xf32, #tpu.memory_space<vmem>>, vector<1000x64xf32>
    tpu.vector_store %arg5[%swap3A, %swap3A_6], %slice3A {strides = array<i32>} : memref<1000x64xf32, #tpu.memory_space<vmem>>, vector<1000x64xf32>,
    %slice3A_8 = vector.extract_strided_slice %dot_general3A_5 {offsets = [0, 64], sizes = [1000, 64], strides = [1, 1]} : vector<1000x128xf32> to vector<1000x64xf32>
    %swap3A_9 = arith.constant 0 : index
    %swap3A_10 = arith.constant 0 : index
    %swap3A_11 = vector.load %arg6[%swap3A_9, %swap3A_10] : memref<1000x64xf32, #tpu.memory_space<vmem>>, vector<1000x64xf32>
    tpu.vector_store %arg6[%swap3A_9, %swap3A_10], %slice3A_8 {strides = array<i32>} : memref<1000x64xf32, #tpu.memory_space<vmem>>, vector<1000x64xf32>,
    %get3A_12 = arith.constant 0 : index
    %get3A_13 = arith.constant 0 : index
    %get3A_14 = vector.load %arg3[%get3A_12, %get3A_13] : memref<128x128xf32, #tpu.memory_space<vmem>>, vector<128x128xf32>
    %dot_general3A_15 = arith.constant dense<0.000000e+00> : vector<1000x128xf32>
    %dot_general3A_16 = tpu.matmul %get3A_1, %get3A_14, %dot_general3A_15 {dimension_numbers = #tpu.dot_dimension_numbers<[1], [0], [0], [1], [0, 0, 1, 1], [], []>, transpose_lhs_hint = false} : vector<1000x128xf32>, vector<128x128xf32>, vector<1000x128xf32> -> vector<1000x128xf32>
    %get3A_17 = arith.constant 0 : index
    %get3A_18 = arith.constant 0 : index
    %get3A_19 = vector.load %arg4[%get3A_17, %get3A_18] : memref<1x128xf32, #tpu.memory_space<vmem>>, vector<1x128xf32>
    %add3A = vector.broadcast %get3A_19 : vector<1x128xf32> to vector<1000x128xf32>
    %add3A_20 = arith.addf %dot_general3A_16, %add3A : vector<1000x128xf32>
    %swap3A_21 = arith.constant 0 : index
    %swap3A_22 = arith.constant 0 : index
    %swap3A_23 = vector.load %arg7[%swap3A_21, %swap3A_22] : memref<1000x128xf32, #tpu.memory_space<vmem>>, vector<1000x128xf32>
    tpu.vector_store %arg7[%swap3A_21, %swap3A_22], %add3A_20 {strides = array<i32>} : memref<1000x128xf32, #tpu.memory_space<vmem>>, vector<1000x128xf32>,
    return
  }
  func.func @transform_0(%arg0: i32) -> (i32, i32) {
    %c0_i32 = arith.constant 0 : i32
    %c0_i32_0 = arith.constant 0 : i32
    return %arg0, %c0_i32 : i32, i32
  }
  func.func @transform_1(%arg0: i32) -> (i32, i32) {
    %c0_i32 = arith.constant 0 : i32
    %c0_i32_0 = arith.constant 0 : i32
    %c0_i32_1 = arith.constant 0 : i32
    return %c0_i32, %c0_i32_0 : i32, i32
  }
  func.func @transform_2(%arg0: i32) -> (i32, i32) {
    %c0_i32 = arith.constant 0 : i32
    %c0_i32_0 = arith.constant 0 : i32
    %c0_i32_1 = arith.constant 0 : i32
    return %c0_i32, %c0_i32_0 : i32, i32
  }
  func.func @transform_3(%arg0: i32) -> (i32, i32) {
    %c0_i32 = arith.constant 0 : i32
    %c0_i32_0 = arith.constant 0 : i32
    %c0_i32_1 = arith.constant 0 : i32
    return %c0_i32, %c0_i32_0 : i32, i32
  }
  func.func @transform_4(%arg0: i32) -> (i32, i32) {
    %c0_i32 = arith.constant 0 : i32
    %c0_i32_0 = arith.constant 0 : i32
    return %arg0, %c0_i32 : i32, i32
  }
  func.func @transform_5(%arg0: i32) -> (i32, i32) {
    %c0_i32 = arith.constant 0 : i32
    %c0_i32_0 = arith.constant 0 : i32
    return %arg0, %c0_i32 : i32, i32
  }
  func.func @transform_6(%arg0: i32) -> (i32, i32) {
    %c0_i32 = arith.constant 0 : i32
    %c0_i32_0 = arith.constant 0 : i32
    return %arg0, %c0_i32 : i32, i32
  }
}

module attributes {stable_mosaic.version = 14 : i64} {
  func.func @body(%arg0: i32, %arg1: memref<1x1000x128xf32, #tpu.memory_space<vmem>>, %arg2: memref<1x1000x128xf32, #tpu.memory_space<vmem>>, %arg3: memref<1x1000x128xf32, #tpu.memory_space<vmem>>, %arg4: memref<1x1000x128xf32, #tpu.memory_space<vmem>>, %arg5: memref<1000x128xf32, #tpu.memory_space<vmem>>, %arg6: memref<1000x128xf32, #tpu.memory_space<vmem>>) attributes {dimension_semantics = [#tpu.dimension_semantics<arbitrary>], iteration_bounds = array<i64: 10>, scalar_prefetch = 0 : i64, scratch_operands = 0 : i64, tpu.core_type = #tpu.core_type<tc>, window_params = [{transform_indices = @transform_0, window_bounds = array<i64: 1, 1000, 128>}, {transform_indices = @transform_1, window_bounds = array<i64: 1, 1000, 128>}, {transform_indices = @transform_2, window_bounds = array<i64: 1, 1000, 128>}, {transform_indices = @transform_3, window_bounds = array<i64: 1, 1000, 128>}, {transform_indices = @transform_4, window_bounds = array<i64: 1000, 128>}, {transform_indices = @transform_5, window_bounds = array<i64: 1000, 128>}]} {
    %get3A = arith.constant 0 : index
    %get3A_0 = arith.constant 0 : index
    %get3A_1 = arith.constant 0 : index
    %get3A_2 = vector.load %arg3[%get3A, %get3A_0, %get3A_1] : memref<1x1000x128xf32, #tpu.memory_space<vmem>>, vector<1x1000x1xf32>
    %get3A_3 = vector.shape_cast %get3A_2 : vector<1x1000x1xf32> to vector<1000x1xf32>
    %get3A_4 = arith.constant 0 : index
    %get3A_5 = arith.constant 0 : index
    %get3A_6 = arith.constant 0 : index
    %get3A_7 = vector.load %arg4[%get3A_4, %get3A_5, %get3A_6] : memref<1x1000x128xf32, #tpu.memory_space<vmem>>, vector<1x1000x1xf32>
    %get3A_8 = vector.shape_cast %get3A_7 : vector<1x1000x1xf32> to vector<1000x1xf32>
    %add3A = arith.addf %get3A_3, %get3A_8 : vector<1000x1xf32>
    %get3A_9 = arith.constant 0 : index
    %get3A_10 = arith.constant 0 : index
    %get3A_11 = arith.constant 0 : index
    %get3A_12 = vector.load %arg1[%get3A_9, %get3A_10, %get3A_11] : memref<1x1000x128xf32, #tpu.memory_space<vmem>>, vector<1x1000x128xf32>
    %get3A_13 = vector.shape_cast %get3A_12 : vector<1x1000x128xf32> to vector<1000x128xf32>
    %get3A_14 = arith.constant 0 : index
    %get3A_15 = arith.constant 0 : index
    %get3A_16 = arith.constant 0 : index
    %get3A_17 = vector.load %arg2[%get3A_14, %get3A_15, %get3A_16] : memref<1x1000x128xf32, #tpu.memory_space<vmem>>, vector<1x1000x128xf32>
    %get3A_18 = vector.shape_cast %get3A_17 : vector<1x1000x128xf32> to vector<1000x128xf32>
    %add3A_19 = arith.addf %get3A_13, %get3A_18 : vector<1000x128xf32>
    %max3A = arith.constant 1.000000e+00 : f32
    %max3A_20 = vector.broadcast %max3A : f32 to vector<1000x1xf32>
    %max3A_21 = arith.maximumf %add3A, %max3A_20 : vector<1000x1xf32>
    %div3A = vector.broadcast %max3A_21 : vector<1000x1xf32> to vector<1000x128xf32>
    %div3A_22 = arith.divf %add3A_19, %div3A : vector<1000x128xf32>
    %get3A_23 = arith.constant 0 : index
    %get3A_24 = arith.constant 0 : index
    %get3A_25 = vector.load %arg5[%get3A_23, %get3A_24] : memref<1000x128xf32, #tpu.memory_space<vmem>>, vector<1000x128xf32>
    %add3A_26 = arith.addf %div3A_22, %get3A_25 : vector<1000x128xf32>
    %max3A_27 = arith.constant 0.000000e+00 : f32
    %max3A_28 = vector.broadcast %max3A_27 : f32 to vector<1000x128xf32>
    %max3A_29 = arith.maximumf %add3A_26, %max3A_28 : vector<1000x128xf32>
    %swap3A = arith.constant 0 : index
    %swap3A_30 = arith.constant 0 : index
    %swap3A_31 = vector.load %arg6[%swap3A, %swap3A_30] : memref<1000x128xf32, #tpu.memory_space<vmem>>, vector<1000x128xf32>
    tpu.vector_store %arg6[%swap3A, %swap3A_30], %max3A_29 {strides = array<i32>} : memref<1000x128xf32, #tpu.memory_space<vmem>>, vector<1000x128xf32>,
    return
  }
  func.func @transform_0(%arg0: i32) -> (i32, i32, i32) {
    %c0_i32 = arith.constant 0 : i32
    %c0_i32_0 = arith.constant 0 : i32
    %c0_i32_1 = arith.constant 0 : i32
    return %c0_i32, %arg0, %c0_i32_0 : i32, i32, i32
  }
  func.func @transform_1(%arg0: i32) -> (i32, i32, i32) {
    %c1_i32 = arith.constant 1 : i32
    %c0_i32 = arith.constant 0 : i32
    %c0_i32_0 = arith.constant 0 : i32
    return %c1_i32, %arg0, %c0_i32 : i32, i32, i32
  }
  func.func @transform_2(%arg0: i32) -> (i32, i32, i32) {
    %c0_i32 = arith.constant 0 : i32
    %c0_i32_0 = arith.constant 0 : i32
    %c0_i32_1 = arith.constant 0 : i32
    return %c0_i32, %arg0, %c0_i32_0 : i32, i32, i32
  }
  func.func @transform_3(%arg0: i32) -> (i32, i32, i32) {
    %c1_i32 = arith.constant 1 : i32
    %c0_i32 = arith.constant 0 : i32
    %c0_i32_0 = arith.constant 0 : i32
    return %c1_i32, %arg0, %c0_i32 : i32, i32, i32
  }
  func.func @transform_4(%arg0: i32) -> (i32, i32) {
    %c0_i32 = arith.constant 0 : i32
    %c0_i32_0 = arith.constant 0 : i32
    return %arg0, %c0_i32 : i32, i32
  }
  func.func @transform_5(%arg0: i32) -> (i32, i32) {
    %c0_i32 = arith.constant 0 : i32
    %c0_i32_0 = arith.constant 0 : i32
    return %arg0, %c0_i32 : i32, i32
  }
}

module attributes {stable_mosaic.version = 14 : i64} {
  func.func @body(%arg0: i32, %arg1: memref<1x1000x128xf32, #tpu.memory_space<vmem>>, %arg2: memref<1x1000x128xf32, #tpu.memory_space<vmem>>, %arg3: memref<1x1000x128xf32, #tpu.memory_space<vmem>>, %arg4: memref<1x1000x128xf32, #tpu.memory_space<vmem>>, %arg5: memref<1000x128xf32, #tpu.memory_space<vmem>>, %arg6: memref<1000x128xf32, #tpu.memory_space<vmem>>) attributes {dimension_semantics = [#tpu.dimension_semantics<arbitrary>], iteration_bounds = array<i64: 10>, scalar_prefetch = 0 : i64, scratch_operands = 0 : i64, tpu.core_type = #tpu.core_type<tc>, window_params = [{transform_indices = @transform_0, window_bounds = array<i64: 1, 1000, 128>}, {transform_indices = @transform_1, window_bounds = array<i64: 1, 1000, 128>}, {transform_indices = @transform_2, window_bounds = array<i64: 1, 1000, 128>}, {transform_indices = @transform_3, window_bounds = array<i64: 1, 1000, 128>}, {transform_indices = @transform_4, window_bounds = array<i64: 1000, 128>}, {transform_indices = @transform_5, window_bounds = array<i64: 1000, 128>}]} {
    %get3A = arith.constant 0 : index
    %get3A_0 = arith.constant 0 : index
    %get3A_1 = arith.constant 0 : index
    %get3A_2 = vector.load %arg3[%get3A, %get3A_0, %get3A_1] : memref<1x1000x128xf32, #tpu.memory_space<vmem>>, vector<1x1000x1xf32>
    %get3A_3 = vector.shape_cast %get3A_2 : vector<1x1000x1xf32> to vector<1000x1xf32>
    %get3A_4 = arith.constant 0 : index
    %get3A_5 = arith.constant 0 : index
    %get3A_6 = arith.constant 0 : index
    %get3A_7 = vector.load %arg4[%get3A_4, %get3A_5, %get3A_6] : memref<1x1000x128xf32, #tpu.memory_space<vmem>>, vector<1x1000x1xf32>
    %get3A_8 = vector.shape_cast %get3A_7 : vector<1x1000x1xf32> to vector<1000x1xf32>
    %add3A = arith.addf %get3A_3, %get3A_8 : vector<1000x1xf32>
    %get3A_9 = arith.constant 0 : index
    %get3A_10 = arith.constant 0 : index
    %get3A_11 = arith.constant 0 : index
    %get3A_12 = vector.load %arg1[%get3A_9, %get3A_10, %get3A_11] : memref<1x1000x128xf32, #tpu.memory_space<vmem>>, vector<1x1000x128xf32>
    %get3A_13 = vector.shape_cast %get3A_12 : vector<1x1000x128xf32> to vector<1000x128xf32>
    %get3A_14 = arith.constant 0 : index
    %get3A_15 = arith.constant 0 : index
    %get3A_16 = arith.constant 0 : index
    %get3A_17 = vector.load %arg2[%get3A_14, %get3A_15, %get3A_16] : memref<1x1000x128xf32, #tpu.memory_space<vmem>>, vector<1x1000x128xf32>
    %get3A_18 = vector.shape_cast %get3A_17 : vector<1x1000x128xf32> to vector<1000x128xf32>
    %add3A_19 = arith.addf %get3A_13, %get3A_18 : vector<1000x128xf32>
    %max3A = arith.constant 1.000000e+00 : f32
    %max3A_20 = vector.broadcast %max3A : f32 to vector<1000x1xf32>
    %max3A_21 = arith.maximumf %add3A, %max3A_20 : vector<1000x1xf32>
    %div3A = vector.broadcast %max3A_21 : vector<1000x1xf32> to vector<1000x128xf32>
    %div3A_22 = arith.divf %add3A_19, %div3A : vector<1000x128xf32>
    %get3A_23 = arith.constant 0 : index
    %get3A_24 = arith.constant 0 : index
    %get3A_25 = vector.load %arg5[%get3A_23, %get3A_24] : memref<1000x128xf32, #tpu.memory_space<vmem>>, vector<1000x128xf32>
    %add3A_26 = arith.addf %div3A_22, %get3A_25 : vector<1000x128xf32>
    %max3A_27 = arith.constant 0.000000e+00 : f32
    %max3A_28 = vector.broadcast %max3A_27 : f32 to vector<1000x128xf32>
    %max3A_29 = arith.maximumf %add3A_26, %max3A_28 : vector<1000x128xf32>
    %swap3A = arith.constant 0 : index
    %swap3A_30 = arith.constant 0 : index
    %swap3A_31 = vector.load %arg6[%swap3A, %swap3A_30] : memref<1000x128xf32, #tpu.memory_space<vmem>>, vector<1000x128xf32>
    tpu.vector_store %arg6[%swap3A, %swap3A_30], %max3A_29 {strides = array<i32>} : memref<1000x128xf32, #tpu.memory_space<vmem>>, vector<1000x128xf32>,
    return
  }
  func.func @transform_0(%arg0: i32) -> (i32, i32, i32) {
    %c0_i32 = arith.constant 0 : i32
    %c0_i32_0 = arith.constant 0 : i32
    %c0_i32_1 = arith.constant 0 : i32
    return %c0_i32, %arg0, %c0_i32_0 : i32, i32, i32
  }
  func.func @transform_1(%arg0: i32) -> (i32, i32, i32) {
    %c1_i32 = arith.constant 1 : i32
    %c0_i32 = arith.constant 0 : i32
    %c0_i32_0 = arith.constant 0 : i32
    return %c1_i32, %arg0, %c0_i32 : i32, i32, i32
  }
  func.func @transform_2(%arg0: i32) -> (i32, i32, i32) {
    %c0_i32 = arith.constant 0 : i32
    %c0_i32_0 = arith.constant 0 : i32
    %c0_i32_1 = arith.constant 0 : i32
    return %c0_i32, %arg0, %c0_i32_0 : i32, i32, i32
  }
  func.func @transform_3(%arg0: i32) -> (i32, i32, i32) {
    %c1_i32 = arith.constant 1 : i32
    %c0_i32 = arith.constant 0 : i32
    %c0_i32_0 = arith.constant 0 : i32
    return %c1_i32, %arg0, %c0_i32 : i32, i32, i32
  }
  func.func @transform_4(%arg0: i32) -> (i32, i32) {
    %c0_i32 = arith.constant 0 : i32
    %c0_i32_0 = arith.constant 0 : i32
    return %arg0, %c0_i32 : i32, i32
  }
  func.func @transform_5(%arg0: i32) -> (i32, i32) {
    %c0_i32 = arith.constant 0 : i32
    %c0_i32_0 = arith.constant 0 : i32
    return %arg0, %c0_i32 : i32, i32
  }
}

</mosaic_0001>

<sc_bundles>
// kernel: kernel.12.cloned.1.call-start
scs
__scs_entry_jumppad:
0x0: {  	(pc) =	sbr.rel $0x88, $3  }
0x1: {  	(tag) =	ssettag $0x0;
	lr =	simm.s32 $0x1  }
0x2: {  	[smem:$0x3F99] =	sst lr;
	_ =	strace $0xD0000000  }
0x3: {  	_ = 	snop  }
0x4: {  	_ = 	snop  }
0x5: {  	_ = 	snop  }
0x6: {  	_ = 	snop  }
0x7: {  	_ = 	snop  }
__scs_overlays_trampoline_lowered:
0x8: {  	[smem:$0x3FA8] =	sst s0  }
0x9: {  	[smem:$0x3FA9] =	sst s1  }
0xa: {  	[smem:$0x3FAA] =	sst s2  }
0xb: {  	[smem:$0x3FAB] =	sst s3  }
0xc: {  	[smem:$0x3FAC] =	sst s4  }
0xd: {  	[smem:$0x3FAD] =	sst s5  }
0xe: {  	[smem:$0x3FAE] =	sst s6  }
0xf: {  	[smem:$0x3FAF] =	sst s7  }
0x10: {  	[smem:$0x3FB0] =	sst s8  }
0x11: {  	[smem:$0x3FB1] =	sst s9;
	s0 =	simm.s32 @!p0 $0x0  }
0x12: {  	s1 =	sld [smem:$0x3F97];
	s0 =	simm.s32 @p0 $0x1  }
0x13: {  	[smem:$0x3FB2] =	sst s0;
	s0 =	simm.s32 @!p1 $0x0  }
0x14: {  	s2 =	sld [smem:$0x3F96];
	s0 =	simm.s32 @p1 $0x1  }
0x15: {  	[smem:$0x3FB3] =	sst s0;
	s0 =	simm.s32 @!p2 $0x0  }
0x16: {  	s3 =	sld [smem:$0x3FDB];
	s0 =	simm.s32 @p2 $0x1  }
0x17: {  	s4 =	simm.s32 $0x1BF5;
	[smem:$0x3FB5] =	sst s0  }
0x18: {  	s0 =	sld [smem:$0x3F98];
	_ =	swait.ge [sflag:s4], $0x0  }
0x19: {  	s7 =	sld [smem:$0x3F99]  }
0x1a: {  	s8 =	sadd.s32 $0xFFFFE003, lr  }
0x1b: {  	s9 =	sadd.s32 $0xFFFFFEF7, lr;
	s5 =	simm.s32 $0xFFFFFFFF;
	p2 =	slt.u32 s8, $0xFFFFF086  }
0x1c: {  	p1 =	slt.u32 s9, $0xF7A;
	s5 =	simm.s32 @!p2 $0x0  }
0x1d: {  	s5 =	simm.s32 @p1 $0x1;
	p0 =	seq.s32 s7, s2  }
0x1e: {  	s7 =	smul.u32 @!p0 $0xF7A, s2;
	p2 =	seq.s32 @!p0 s5, $0x0  }
0x1f: {  	s9 =	smul.u32 $0xF7A, s1;
	s8 =	simm.s32 @!p0 $0x1BF5;
	p2 =	por !p2, p0  }
0x20: {  	[sflag:s8] =	ssyncset.s32 @!p0 $0xFFFFF086;
	s6 =	sadd.s32 @!p0 s3, s7;
	s7 =	simm.s32 @!p0 $0x108  }
0x21: {  	s3 =	sadd.s32 s3, s9;
	s6 =	sadd.s32 @!p0 $0x88, s6;
	s7 =	simm.s32 @p2 $0x1082  }
0x22: {  	[simem:s7], [sflag:s8] =	dma.local @!p0 [hbm:s6], $0xF7A  }
0x23: {  	s9 =	sor.u32 $0xD0000000, s2;
	s6 =	simm.s32 $0x108;
	_ =	swait.ge @!p0 [sflag:s8], $0x0  }
0x24: {  	s3 =	sadd.s32 $0x88, s3;
	s6 =	simm.s32 @!p1 $0x1082;
	[sflag:s4] =	ssyncset.s32 $0xFFFFF086  }
0x25: {  	[simem:s6], [sflag:s4] =	dma.local [hbm:s3], $0xF7A  }
0x26: {  	[smem:$0x3F99] =	sst s1;
	(tag) =	ssettag s2;
	_ =	strace s9  }
0x27: {  	s1 =	sld [smem:$0x3FA9]  }
0x28: {  	s2 =	sld [smem:$0x3FAA]  }
0x29: {  	s4 =	sld [smem:$0x3FAC]  }
0x2a: {  	p0 =	seq.s32 s5, $0x0;
	s5 =	sld [smem:$0x3FAD]  }
0x2b: {  	s6 =	sld [smem:$0x3FAE]  }
0x2c: {  	s7 =	sld [smem:$0x3FAF]  }
0x2d: {  	s3 =	simm.s32 $0x108;
	s8 =	sld [smem:$0x3FB0]  }
0x2e: {  	s3 =	simm.s32 @!p0 $0x1082;
	s9 =	sld [smem:$0x3FB1]  }
0x2f: {  	lr =	sadd.s32 s0, s3;
	s0 =	sld [smem:$0x3FA8]  }
0x30: {  	s3 =	sld [smem:$0x3FAB]  }
0x31: {  	[smem:$0x3FB4] =	sst s10  }
0x32: {  	s10 =	sld [smem:$0x3FB2];
	_ =	sdelay $0x3  }
0x33: {  	p0 =	seq.s32 s10, $0x1;
	s10 =	sld [smem:$0x3FB4];
	_ =	sdelay $0x3  }
0x34: {  	[smem:$0x3FB4] =	sst s10  }
0x35: {  	s10 =	sld [smem:$0x3FB3];
	_ =	sdelay $0x3  }
0x36: {  	p1 =	seq.s32 s10, $0x1;
	s10 =	sld [smem:$0x3FB4];
	_ =	sdelay $0x3  }
0x37: {  	[smem:$0x3FB4] =	sst s10  }
0x38: {  	s10 =	sld [smem:$0x3FB5]  }
0x39: {  	_ = 	snop;
	(pc) =	sbr.ind lr, $3  }
0x3a: {  	_ = 	snop  }
0x3b: {  	_ = 	snop  }
0x3c: {  	p2 =	seq.s32 s10, $0x1;
	s10 =	sld [smem:$0x3FB4]  }
0x3d: {  	_ =	shalt  }
0x3e: {  	_ =	shalt  }
0x3f: {  	_ =	shalt  }
0x40: {  	_ =	shalt  }
0x41: {  	_ =	shalt  }
0x42: {  	_ =	shalt  }
0x43: {  	_ =	shalt  }
0x44: {  	_ =	shalt  }
0x45: {  	_ =	shalt  }
0x46: {  	_ =	shalt  }
0x47: {  	_ =	shalt  }
0x48: {  	_ =	shalt  }
0x49: {  	_ =	shalt  }
0x4a: {  	_ =	shalt  }
0x4b: {  	_ =	shalt  }
0x4c: {  	_ =	shalt  }
0x4d: {  	_ =	shalt  }
0x4e: {  	_ =	shalt  }
0x4f: {  	_ =	shalt  }
0x50: {  	_ =	shalt  }
0x51: {  	_ =	shalt  }
0x52: {  	_ =	shalt  }
0x53: {  	_ =	shalt  }
0x54: {  	_ =	shalt  }
0x55: {  	_ =	shalt  }
0x56: {  	_ =	shalt  }
0x57: {  	_ =	shalt  }
0x58: {  	_ =	shalt  }
0x59: {  	_ =	shalt  }
0x5a: {  	_ =	shalt  }
0x5b: {  	_ =	shalt  }
0x5c: {  	_ =	shalt  }
0x5d: {  	_ =	shalt  }
0x5e: {  	_ =	shalt  }
0x5f: {  	_ =	shalt  }
0x60: {  	_ =	shalt  }
0x61: {  	_ =	shalt  }
0x62: {  	_ =	shalt  }
0x63: {  	_ =	shalt  }
0x64: {  	_ =	shalt  }
0x65: {  	_ =	shalt  }
0x66: {  	_ =	shalt  }
0x67: {  	_ =	shalt  }
0x68: {  	_ =	shalt  }
0x69: {  	_ =	shalt  }
0x6a: {  	_ =	shalt  }
0x6b: {  	_ =	shalt  }
0x6c: {  	_ =	shalt  }
0x6d: {  	_ =	shalt  }
0x6e: {  	_ =	shalt  }
0x6f: {  	_ =	shalt  }
0x70: {  	_ =	shalt  }
0x71: {  	_ =	shalt  }
0x72: {  	_ =	shalt  }
0x73: {  	_ =	shalt  }
0x74: {  	_ =	shalt  }
0x75: {  	_ =	shalt  }
0x76: {  	_ =	shalt  }
0x77: {  	_ =	shalt  }
0x78: {  	_ =	shalt  }
0x79: {  	_ =	shalt  }
0x7a: {  	_ =	shalt  }
0x7b: {  	_ =	shalt  }
0x7c: {  	_ =	shalt  }
0x7d: {  	_ =	shalt  }
0x7e: {  	_ =	shalt  }
0x7f: {  	_ =	shalt  }
0x80: {  	_ =	shalt  }
0x81: {  	_ =	shalt  }
0x82: {  	_ =	shalt  }
0x83: {  	_ =	shalt  }
0x84: {  	_ =	shalt  }
0x85: {  	_ =	shalt  }
0x86: {  	_ =	shalt  }
0x87: {  	_ =	shalt  }
.Lfunc_end0:
.L_simem_size_0:
called_computation.1_lowered:
.L_overlay_start_0:
0x88: {  	s2 =	sld [smem:$0x3FD9]  }
0x89: {  	s3 =	sld [smem:$0x3FFE];
	_ =	sdelay $0x1  }
0x8a: {  	s1 =	srdreg.scid  }
0x8b: {  	s0 =	sand.u32 $0x1, s1  }
0x8c: {  	s17 =	sshll.u32 s0, $0xA;
	s2 =	sadd.s32 s3, s2  }
0x8d: {  	s2 =	sadd.s32 s2, s17  }
0x8e: {  	[smem:$0x3FC0] =	sst s2  }
0x8f: {  	_ = 	snop  }
0x90: {  	s18 =	sld [smem:$0x3FD0];
	(tm) =	ssettm $0x1  }
0x91: {  	s19 =	sld [smem:$0x3FFB];
	_ =	sdelay $0x3  }
0x92: {  	_ =	strace s19  }
0x93: {  	s2 =	sld [smem:$0x3FFC];
	_ =	sdelay $0x3  }
0x94: {  	_ =	strace s2  }
0x95: {  	s2 =	sld [smem:$0x3FFD];
	_ =	sdelay $0x3  }
0x96: {  	_ =	strace s2  }
0x97: {  	_ =	strace $0x8FFFFFFF  }
0x98: {  	s20 =	sld [smem:$0x3FDB];
	_ =	sdelay $0x1  }
0x99: {  	s4 =	simm.s32 $_scs_section_size  }
0x9a: {  	s5 =	simm.s32 $_size__tile_overlayer_lowered;
	s6 =	simm.s32 $_tile_overlayer_lowered  }
0x9b: {  	s7 =	simm.s32 $0x1BFF;
	s21 =	sshll.u32 s6, $0x1;
	s4 =	sadd.s32 s4, s20  }
0x9c: {  	s22 =	simm.s32 $0x0;
	s5 =	sshll.u32 s5, $0x1;
	s6 =	sadd.s32 s21, s4  }
0x9d: {  	[timem:s22], [sflag:s7] =	dma.local [hbm:s6], s5  }
0x9e: {  	_ =	swait.ge [sflag:s7], s5  }
0x9f: {  	s5 =	ssub.s32 $0x0, s5;
	[sflag:s7] =	ssyncset.done $0x0  }
0xa0: {  	[sflag:s7] =	ssyncadd.s32 s5;
	_ =	sdelay $0x1  }
0xa1: {  	s23 =	simm.s32 $0x1B8B  }
0xa2: {  	_ =	swait.ge [sflag:s23], $0x1  }
0xa3: {  	[sflag:s23] =	ssyncset.done $0x0  }
0xa4: {  	[sflag:s23] =	ssyncadd.s32 $0xFFFFFFFF  }
0xa5: {  	s5 =	sld [smem:$0x0]  }
0xa6: {  	s6 =	sand.u32 $0xFFFFFFFE, s1  }
0xa7: {  	p0 =	sne.s32 s1, s6  }
0xa8: {  	s6 =	sshll.u32 @p0 s6, $0xE  }
0xa9: {  	s6 =	sadd.s32 @p0 $0x11B8D, s6;
	s7 =	sshll.u32 @p0 s5, $0x11  }
0xaa: {  	s6 =	sor.u32 @p0 s7, s6  }
0xab: {  	[sflag:s6] =	ssyncadd.remote.s32 @p0 $0x1;
	_ =	sdelay $0x1  }
0xac: {  	s6 =	simm.s32 @p0 $0x1B8D  }
0xad: {  	_ =	swait.eq @p0 [sflag:s6], $0x1  }
0xae: {  	[sflag:s6] =	ssyncadd.s32 @p0 $0xFFFFFFFF  }
0xaf: {  	s7 =	sshll.u32 @!p0 s1, $0xE  }
0xb0: {  	s7 =	sor.u32 @!p0 $0x4000, s7;
	s6 =	simm.s32 @!p0 $0x1B8D  }
0xb1: {  	s5 =	sshll.u32 @!p0 s5, $0x11;
	s7 =	sadd.s32 @!p0 $0x11B8D, s7;
	_ =	swait.eq @!p0 [sflag:s6], $0x1  }
0xb2: {  	s5 =	sor.u32 @!p0 s5, s7;
	[sflag:s6] =	ssyncadd.s32 @!p0 $0xFFFFFFFF  }
0xb3: {  	s25 =	simm.s32 $0x1B8E;
	s24 =	sld [smem:$0x3FFE];
	[sflag:s5] =	ssyncadd.remote.s32 @!p0 $0x1  }
0xb4: {  	s26 =	simm.s32 $execute0_lowered;
	[smem:$0x3FD2] =	sst s25  }
0xb5: {  	s6 =	sshll.u32 s26, $0x1;
	_ =	strace $0x80000049;
	[dreg:$0x1] =	wrdreg $0xFFFFFFFF  }
0xb6: {  	s28 =	simm.s32 $_size_execute0_lowered;
	s4 =	sadd.s32 s4, s6;
	[dreg:$0x0] =	wrdreg $0x0  }
0xb7: {  	s6 =	sshll.u32 s28, $0x1;
	[dreg:$0x2] =	wrdreg s4  }
0xb8: {  	[dreg:$0x3] =	wrdreg s6  }
0xb9: {  	[dreg:$0x4] =	wrdreg $0xC0  }
0xba: {  	_ =	task [dreg:s22], $0x5FFFF  }
0xbb: {  	[dreg:$0x1] =	wrdreg $0xFFFFFFFF  }
0xbc: {  	[dreg:$0x0] =	wrdreg $0x60  }
0xbd: {  	[dreg:$0x2] =	wrdreg s18  }
0xbe: {  	[dreg:$0x3] =	wrdreg s24  }
0xbf: {  	[dreg:$0x4] =	wrdreg $0x150400  }
0xc0: {  	[dreg:$0x5] =	wrdreg $0xA  }
0xc1: {  	_ =	task.clear_ibuf [dreg:s22], $0x6FFFF;
	_ =	strace $0x90000049  }
0xc2: {  	s29 =	simm.s32 $0xA;
	_ =	strace $0x8000004B  }
0xc3: {  	_ =	swait.ge [sflag:s29], $0x1  }
0xc4: {  	[sflag:s29] =	ssyncadd.s32 $0xFFFFFFFF  }
0xc5: {  	_ =	strace $0x9000004B  }
0xc6: {  	_ =	sfence  }
0xc7: {  	s30 =	sld [smem:$0x0];
	_ =	sdelay $0x2  }
0xc8: {  	s31 =	sshll.u32 s1, $0xD;
	s1 =	sshrl.u32 s1, $0x2  }
0xc9: {  	s4 =	sand.u32 $0x4000, s31;
	s1 =	sadd.s32 s1, s30  }
0xca: {  	s0 =	sor.u32 s4, s0;
	s1 =	sshll.u32 s1, $0x11  }
0xcb: {  	s0 =	sor.u32 s1, s0  }
0xcc: {  	s0 =	sadd.s32 $0x8F2B, s0  }
0xcd: {  	[sflag:s0] =	ssyncadd.remote.s32 $0x1  }
0xce: {  	_ =	sfence.sel $0xFFFF  }
0xcf: {  	[dreg:$0x0] =	wrdreg $0xFFFFFFFF;
	(pc) =	sbr.abs _section_cstart, $3  }
0xd0: {  	[dreg:$0x1] =	wrdreg $0xFFFFFFFF  }
0xd1: {  	_ =	task.clear_ibuf [dreg:s22], $0x2FFFF;
	_ =	strace $0x9FFFFFFF  }
0xd2: {  	(tm) =	ssettm $0x7FFFFFFF  }
0xd3: {  	_ =	shalt  }
tec
execute0_lowered:
.L_overlay_start_1:
0x0: {  	(tag) =	ssettag $0x1  }
0x1: {  	s1 =	rddreg [dreg:$0x0]  }
0x2: {  	s0 =	srdreg.scid;
	s2 =	rddreg [dreg:$0x1]  }
0x3: {  	s16 =	stileid.u32;
	s3 =	rddreg [dreg:$0x2]  }
0x4: {  	s5 =	simm.s32 $0x0;
	s28 =	simm.s32 $0x6F40;
	s7 =	smul.u32 $0xC800, s16  }
0x5: {  	s30 =	simm.s32 $0x8E80;
	s10 =	sor.u32 $0x10, s16;
	s26 =	smul.u32 $0x6400, s16  }
0x6: {  	s31 =	simm.s32 $0x1;
	s11 =	sor.u32 $0x20, s16;
	s9 =	smul.u32 $0xC800, s10  }
0x7: {  	s29 =	simm.s32 $0x11E40;
	s14 =	sor.u32 $0x30, s16;
	s13 =	smul.u32 $0xC800, s11  }
0x8: {  	s0 =	sand.u32 $0x1, s0;
	s4 =	sshll.u32 s16, $0x1;
	s15 =	smul.u32 $0xC800, s14  }
0x9: {  	s4 =	sor.u32 s0, s4;
	s8 =	ssub.s32 $0x2, s0;
	s0 =	smul.u32 $0x138800, s0  }
0xa: {  	[smem:$0x7FF] =	sst s5;
	s5 =	sadd.s32 $0x64200, s2;
	s17 =	smul.u32 $0x6400, s10  }
0xb: {  	s6 =	sadd.s32 $0x77C00, s2;
	p0 =	sgt.u32 s16, $0x1;
	s19 =	smul.u32 $0x6400, s11  }
0xc: {  	s16 =	simm.s32 $0x6;
	_ =	strace $0x8000004A;
	s14 =	smul.u32 $0x6400, s14  }
0xd: {  	s4 =	smul.u32 $0x500, s4;
	s12 =	sshrl.u32 s8, $0x1;
	s24 =	sshrl.u32 s7, $0x2  }
0xe: {  	s12 =	ssub.s32 s8, s12;
	s8 =	sadd.s32 s24, s3;
	s25 =	sshrl.u32 s9, $0x2  }
0xf: {  	s13 =	sshrl.u32 s13, $0x2;
	s18 =	sadd.s32 s26, s0;
	s20 =	sshrl.u32 s15, $0x2  }
0x10: {  	s7 =	sadd.s32 s0, s19;
	s19 =	simm.s32 $0xA;
	s15 =	simm.s32 $0x0  }
0x11: {  	s4 =	sadd.s32 s4, s2;
	s9 =	sadd.s32 s25, s3;
	s10 =	sadd.s32 s13, s3  }
0x12: {  	s11 =	sadd.s32 s20, s3;
	s13 =	sadd.s32 s0, s17;
	s0 =	sadd.s32 s0, s14  }
0x13: {  	s7 =	sshrl.u32 s7, $0x3;
	s2 =	sadd.s32 $0x77C08, s2;
	s26 =	smax.u32 s12, $0x1  }
0x14: {  	s14 =	simm.s32 $0x3;
	s23 =	sadd.s32 $0x5A200, s4;
	[dreg:$0xe] =	wrdreg s26  }
0x15: {  	s12 =	simm.s32 $0x8;
	s4 =	sadd.s32 $0x2000, s4;
	[dreg:$0x4] =	wrdreg s23  }
0x16: {  	s13 =	sshrl.u32 s13, $0x3;
	s25 =	sadd.s32 s7, s2;
	[dreg:$0x5] =	wrdreg s4  }
0x17: {  	s17 =	simm.s32 $0x9;
	s22 =	sadd.s32 s6, s13;
	[dreg:$0xc] =	wrdreg s25  }
0x18: {  	s0 =	sshrl.u32 s0, $0x3;
	s23 =	sadd.s32 s6, s7;
	[dreg:$0x7] =	wrdreg s22  }
0x19: {  	s4 =	sshrl.u32 s18, $0x3;
	s24 =	sadd.s32 s13, s2;
	[dreg:$0x8] =	wrdreg s23  }
0x1a: {  	s26 =	simm.s32 $0x80;
	s21 =	sadd.s32 s6, s4;
	[dreg:$0xb] =	wrdreg s24  }
.Ltmp0:
0x1b: {  	s6 =	sadd.s32 s6, s0;
	[dreg:$0x6] =	wrdreg s21;
	(pc) =	sbr.rel .LBB2_1-.Ltmp0, $4  }
0x1c: {  	s25 =	simm.s32 $0x5000;
	s4 =	sadd.s32 s4, s2;
	[dreg:$0x9] =	wrdreg s6  }
0x1d: {  	s13 =	simm.s32 $0xCD00;
	s0 =	sadd.s32 s0, s2;
	[dreg:$0xa] =	wrdreg s4  }
0x1e: {  	s24 =	simm.s32 $0x7D;
	s2 =	simm.s32 $0x5;
	[dreg:$0xd] =	wrdreg s0  }
0x1f: {  	v0 =	vimm.f32 $0.0e+00;
	s21 =	simm.s32 $0xB;
	s0 =	simm.s32 $0xADC0;
	s6 =	simm.s32 $0x2  }
.LBB2_9:
0x20: {  	_ =	swait.ge [sflag:s17], $0x1F40  }
0x21: {  	[sflag:s17] =	ssyncset.done $0x0  }
0x22: {  	[sflag:s17] =	ssyncadd.s32 $0xFFFFE0C0  }
0x23: {  	_ =	swait.ge [sflag:s19], $0x1F40  }
0x24: {  	[sflag:s19] =	ssyncset.done $0x0  }
0x25: {  	[sflag:s19] =	ssyncadd.s32 $0xFFFFE0C0  }
0x26: {  	[bflag:$0x0] =	sbarrier.arrive $0xFFFF  }
0x27: {  	[tilespmem:s29], [sflag:$0xB] =	stream.linear.gather [spmem:s8], $0x3200, $0x38;
	[tilespmem:$0x1ECA0] =	vst v63  }
0x28: {  	_ =	swait.ge [sflag:s21], $0x3200  }
0x29: {  	[sflag:s21] =	ssyncset.done $0x0  }
0x2a: {  	s7 =	simm.s32 $0x40;
	s4 =	rddreg [dreg:$0xa];
	[sflag:s21] =	ssyncadd.s32 $0xFFFFCE00  }
0x2b: {  	[hbm4b:s4+s7] =	stream.strided.scatter [tilespmem:s29], [sflag:$0xB], $0x3200, s26, s7, $0x38;
	[tilespmem:$0x1ECA0] =	vst v63  }
0x2c: {  	_ =	swait.ge [sflag:s21], $0x3200  }
0x2d: {  	[sflag:s21] =	ssyncset.done $0x0  }
0x2e: {  	[sflag:s21] =	ssyncadd.s32 $0xFFFFCE00  }
0x2f: {  	[tilespmem:s29], [sflag:$0xB] =	stream.linear.gather [spmem:s9], $0x3200, $0x38;
	[tilespmem:$0x1ECA0] =	vst v63  }
0x30: {  	_ =	swait.ge [sflag:s21], $0x3200  }
0x31: {  	[sflag:s21] =	ssyncset.done $0x0  }
0x32: {  	s20 =	rddreg [dreg:$0xb];
	[sflag:s21] =	ssyncadd.s32 $0xFFFFCE00  }
0x33: {  	[hbm4b:s20+s7] =	stream.strided.scatter [tilespmem:s29], [sflag:$0xB], $0x3200, s26, s7, $0x38;
	[tilespmem:$0x1ECA0] =	vst v63  }
0x34: {  	_ =	swait.ge [sflag:s21], $0x3200  }
0x35: {  	[sflag:s21] =	ssyncset.done $0x0  }
0x36: {  	[sflag:s21] =	ssyncadd.s32 $0xFFFFCE00  }
0x37: {  	[tilespmem:s29], [sflag:$0xB] =	stream.linear.gather [spmem:s10], $0x3200, $0x38;
	[tilespmem:$0x1ECA0] =	vst v63  }
0x38: {  	_ =	swait.ge [sflag:s21], $0x3200  }
0x39: {  	[sflag:s21] =	ssyncset.done $0x0  }
0x3a: {  	s22 =	rddreg [dreg:$0xc];
	[sflag:s21] =	ssyncadd.s32 $0xFFFFCE00  }
0x3b: {  	[hbm4b:s22+s7] =	stream.strided.scatter [tilespmem:s29], [sflag:$0xB], $0x3200, s26, s7, $0x38;
	[tilespmem:$0x1ECA0] =	vst v63  }
0x3c: {  	_ =	swait.ge [sflag:s21], $0x3200  }
0x3d: {  	[sflag:s21] =	ssyncset.done $0x0  }
0x3e: {  	s4 =	simm.s32 @!p0 $0x11E40;
	s7 =	simm.s32 @!p0 $0xB;
	[sflag:s21] =	ssyncadd.s32 $0xFFFFCE00  }
0x3f: {  	[tilespmem:s4], [sflag:$0xB] =	stream.linear.gather @!p0 [spmem:s11], $0x3200, $0x38;
	[tilespmem:$0x1ECA0] =	vst v63  }
0x40: {  	_ =	swait.ge @!p0 [sflag:s7], $0x3200  }
0x41: {  	s18 =	simm.s32 @!p0 $0x40;
	[sflag:s7] =	ssyncset.done @!p0 $0x0  }
0x42: {  	s20 =	simm.s32 @!p0 $0x80;
	s22 =	rddreg [dreg:$0xd];
	[sflag:s7] =	ssyncadd.s32 @!p0 $0xFFFFCE00  }
0x43: {  	[hbm4b:s22+s18] =	stream.strided.scatter @!p0 [tilespmem:s4], [sflag:$0xB], $0x3200, s20, s18, $0x38;
	[tilespmem:$0x1ECA0] =	vst v63  }
0x44: {  	_ =	swait.ge @!p0 [sflag:s7], $0x3200  }
0x45: {  	s15 =	sadd.s32 $0x1, s15;
	s23 =	rddreg [dreg:$0xe]  }
0x46: {  	p1 =	sne.s32 s15, s23  }
.Ltmp1:
0x47: {  	_ = 	snop;
	(pc) =	sbr.rel @!p1 .LBB2_10-.Ltmp1, $3  }
0x48: {  	_ =	sdelay $0x1  }
0x49: {  	[sflag:s7] =	ssyncset.done @!p0 $0x0  }
0x4a: {  	[sflag:s7] =	ssyncadd.s32 @!p0 $0xFFFFCE00  }
.LBB2_1:
0x4b: {  	s7 =	simm.s32 $0x0;
	s4 =	rddreg [dreg:$0x4]  }
0x4c: {  	[tilespmem:s7], [sflag:$0xB] =	stream.linear.gather [hbm4b:s4+s7], $0x2800, $0x38;
	[tilespmem:$0x1ECA0] =	vst v63  }
0x4d: {  	_ =	swait.ge [sflag:s21], $0x2800  }
0x4e: {  	[sflag:s21] =	ssyncset.done $0x0  }
0x4f: {  	s18 =	simm.s32 $0x2800;
	s22 =	rddreg [dreg:$0x5];
	[sflag:s21] =	ssyncadd.s32 $0xFFFFD800  }
0x50: {  	[tilespmem:s18], [sflag:$0xB] =	stream.linear.gather [hbm4b:s22+s7], $0x2800, $0x38;
	[tilespmem:$0x1ECA0] =	vst v63  }
0x51: {  	s23 =	sand.u32 $0xFF00, s7;
	s4 =	simm.s32 $0x40;
	_ =	swait.ge [sflag:s21], $0x2800  }
0x52: {  	s23 =	sshrl.u32 s23, $0x2;
	s22 =	sand.u32 $0x30, s7;
	[sflag:s21] =	ssyncset.done $0x0  }
0x53: {  	s23 =	sor.u32 s22, s23;
	s22 =	simm.s32 $0x0;
	[sflag:s21] =	ssyncadd.s32 $0xFFFFD800  }
.LBB2_2:
0x54: {  	p1 =	sne.s32 s4, $0xC7C0  }
0x55: {  	[tilespmem:s23+$0xEC40] =	vst v0;
	s22 =	sadd.s32 $0x10, s22;
	s23 =	smov.u32 s4;
	s4 =	sadd.s32 $0x40, s4  }
.Ltmp2:
0x56: {  	(pc) =	sbr.rel @p1 .LBB2_2-.Ltmp2, $4  }
0x57: {  	_ = 	snop  }
0x58: {  	s23 =	sand.u32 $0xFF00, s23  }
0x59: {  	s18 =	sand.u32 $0x30, s22;
	s23 =	sshrl.u32 s23, $0x2  }
0x5a: {  	s23 =	sor.u32 s18, s23  }
0x5b: {  	[tilespmem:s23+$0xEC40] =	vst v0;
	s4 =	simm.s32 $0xEC40  }
0x5c: {  	[spmem:s8] =	stream.linear.scatter [tilespmem:s4], [sflag:$0xB], $0x3200, $0x38;
	[tilespmem:$0x1ECA0] =	vst v63  }
0x5d: {  	_ =	swait.ge [sflag:s21], $0x3200  }
0x5e: {  	[sflag:s21] =	ssyncset.done $0x0  }
0x5f: {  	[sflag:s21] =	ssyncadd.s32 $0xFFFFCE00  }
0x60: {  	[spmem:s9] =	stream.linear.scatter [tilespmem:s4], [sflag:$0xB], $0x3200, $0x38;
	[tilespmem:$0x1ECA0] =	vst v63  }
0x61: {  	_ =	swait.ge [sflag:s21], $0x3200  }
0x62: {  	[sflag:s21] =	ssyncset.done $0x0  }
0x63: {  	[sflag:s21] =	ssyncadd.s32 $0xFFFFCE00  }
0x64: {  	[spmem:s10] =	stream.linear.scatter [tilespmem:s4], [sflag:$0xB], $0x3200, $0x38;
	[tilespmem:$0x1ECA0] =	vst v63  }
0x65: {  	_ =	swait.ge [sflag:s21], $0x3200  }
0x66: {  	[sflag:s21] =	ssyncset.done $0x0  }
0x67: {  	s4 =	simm.s32 @!p0 $0xEC40;
	[sflag:s21] =	ssyncadd.s32 $0xFFFFCE00  }
0x68: {  	[spmem:s11] =	stream.linear.scatter @!p0 [tilespmem:s4], [sflag:$0xB], $0x3200, $0x38;
	[tilespmem:$0x1ECA0] =	vst v63  }
0x69: {  	s4 =	simm.s32 @!p0 $0xB  }
0x6a: {  	_ =	swait.ge @!p0 [sflag:s4], $0x3200  }
0x6b: {  	[sflag:s4] =	ssyncset.done @!p0 $0x0  }
0x6c: {  	[sflag:s4] =	ssyncadd.s32 @!p0 $0xFFFFCE00  }
0x6d: {  	s22 =	simm.s32 $0x0;
	[bflag:$0x0] =	sbarrier.arrive $0xFFFF  }
0x6e: {  	[tilespmem:s25], [sflag:$0x1] =	stream.indirect.gather [hbm4b:s1+s24], $0x40, s22, s24, $0xb8;
	[tilespmem:$0x1ECA0] =	vst v63  }
0x6f: {  	_ = 	snop  }
0x70: {  	[tilespmem:s28], [sflag:$0x2] =	stream.indirect.gather [hbm4b:s1+s24], $0x40, s26, s24, $0xb8;
	[tilespmem:$0x1ECA0] =	vst v63  }
0x71: {  	s23 =	simm.s32 $0x100  }
0x72: {  	[tilespmem:s30], [sflag:$0x3] =	stream.indirect.gather [hbm4b:s1+s24], $0x40, s23, s24, $0xb8;
	[tilespmem:$0x1ECA0] =	vst v63  }
0x73: {  	_ =	swait.ge [sflag:s31], $0x1F40  }
0x74: {  	[sflag:s31] =	ssyncset.done $0x0  }
0x75: {  	s7 =	simm.s32 $0x2800;
	[sflag:s31] =	ssyncadd.s32 $0xFFFFE0C0  }
0x76: {  	[spmem:s3] =	stream.indirect.scatter.add.f32 [tilespmem:s25], [sflag:$0x6], $0x40, s7, s24, $0xb8;
	[tilespmem:$0x1ECA0] =	vst v63  }
0x77: {  	s18 =	simm.s32 $0x180  }
0x78: {  	[tilespmem:s0], [sflag:$0x4] =	stream.indirect.gather [hbm4b:s1+s24], $0x40, s18, s24, $0xb8;
	[tilespmem:$0x1ECA0] =	vst v63  }
0x79: {  	_ =	swait.ge [sflag:s6], $0x1F40  }
0x7a: {  	[sflag:s6] =	ssyncset.done $0x0  }
0x7b: {  	s20 =	simm.s32 $0x2880;
	[sflag:s6] =	ssyncadd.s32 $0xFFFFE0C0  }
0x7c: {  	[spmem:s3] =	stream.indirect.scatter.add.f32 [tilespmem:s28], [sflag:$0x7], $0x40, s20, s24, $0xb8;
	[tilespmem:$0x1ECA0] =	vst v63  }
0x7d: {  	s23 =	simm.s32 $0x200  }
0x7e: {  	[tilespmem:s13], [sflag:$0x5] =	stream.indirect.gather [hbm4b:s1+s24], $0x40, s23, s24, $0xb8;
	[tilespmem:$0x1ECA0] =	vst v63  }
0x7f: {  	_ =	swait.ge [sflag:s14], $0x1F40  }
0x80: {  	[sflag:s14] =	ssyncset.done $0x0  }
0x81: {  	s7 =	simm.s32 $0x2900;
	[sflag:s14] =	ssyncadd.s32 $0xFFFFE0C0  }
0x82: {  	[spmem:s3] =	stream.indirect.scatter.add.f32 [tilespmem:s30], [sflag:$0x8], $0x40, s7, s24, $0xb8;
	[tilespmem:$0x1ECA0] =	vst v63  }
0x83: {  	_ =	swait.ge [sflag:s16], $0x1F40  }
0x84: {  	[sflag:s16] =	ssyncset.done $0x0  }
0x85: {  	s18 =	simm.s32 $0x280;
	s20 =	simm.s32 $0x4;
	[sflag:s16] =	ssyncadd.s32 $0xFFFFE0C0  }
0x86: {  	[tilespmem:s25], [sflag:$0x1] =	stream.indirect.gather [hbm4b:s1+s24], $0x40, s18, s24, $0xb8;
	[tilespmem:$0x1ECA0] =	vst v63  }
0x87: {  	_ =	swait.ge [sflag:s20], $0x1F40  }
0x88: {  	[sflag:s20] =	ssyncset.done $0x0  }
0x89: {  	s23 =	simm.s32 $0x2980;
	s7 =	simm.s32 $0x7;
	[sflag:s20] =	ssyncadd.s32 $0xFFFFE0C0  }
0x8a: {  	[spmem:s3] =	stream.indirect.scatter.add.f32 [tilespmem:s0], [sflag:$0x9], $0x40, s23, s24, $0xb8;
	[tilespmem:$0x1ECA0] =	vst v63  }
0x8b: {  	_ =	swait.ge [sflag:s7], $0x1F40  }
0x8c: {  	[sflag:s7] =	ssyncset.done $0x0  }
0x8d: {  	s18 =	simm.s32 $0x300;
	[sflag:s7] =	ssyncadd.s32 $0xFFFFE0C0  }
0x8e: {  	[tilespmem:s28], [sflag:$0x2] =	stream.indirect.gather [hbm4b:s1+s24], $0x40, s18, s24, $0xb8;
	[tilespmem:$0x1ECA0] =	vst v63  }
0x8f: {  	_ =	swait.ge [sflag:s2], $0x1F40  }
0x90: {  	[sflag:s2] =	ssyncset.done $0x0  }
0x91: {  	s20 =	simm.s32 $0x2A00;
	[sflag:s2] =	ssyncadd.s32 $0xFFFFE0C0  }
0x92: {  	[spmem:s3] =	stream.indirect.scatter.add.f32 [tilespmem:s13], [sflag:$0xA], $0x40, s20, s24, $0xb8;
	[tilespmem:$0x1ECA0] =	vst v63  }
0x93: {  	_ =	swait.ge [sflag:s12], $0x1F40  }
0x94: {  	[sflag:s12] =	ssyncset.done $0x0  }
0x95: {  	s23 =	simm.s32 $0x380;
	[sflag:s12] =	ssyncadd.s32 $0xFFFFE0C0  }
0x96: {  	[tilespmem:s30], [sflag:$0x3] =	stream.indirect.gather [hbm4b:s1+s24], $0x40, s23, s24, $0xb8;
	[tilespmem:$0x1ECA0] =	vst v63  }
.LBB2_4:
0x97: {  	_ =	swait.ge [sflag:s31], $0x1F40  }
0x98: {  	s4 =	sshra.s32 s22, $0x2;
	[sflag:s31] =	ssyncset.done $0x0  }
0x99: {  	s18 =	sadd.s32 $0x2A80, s4;
	[sflag:s31] =	ssyncadd.s32 $0xFFFFE0C0  }
0x9a: {  	[spmem:s3] =	stream.indirect.scatter.add.f32 [tilespmem:s25], [sflag:$0x6], $0x40, s18, s24, $0xb8;
	[tilespmem:$0x1ECA0] =	vst v63  }
0x9b: {  	_ =	swait.ge [sflag:s17], $0x1F40  }
0x9c: {  	[sflag:s17] =	ssyncset.done $0x0  }
0x9d: {  	s20 =	sadd.s32 $0x400, s4;
	[sflag:s17] =	ssyncadd.s32 $0xFFFFE0C0  }
0x9e: {  	[tilespmem:s0], [sflag:$0x4] =	stream.indirect.gather [hbm4b:s1+s24], $0x40, s20, s24, $0xb8;
	[tilespmem:$0x1ECA0] =	vst v63  }
0x9f: {  	_ =	swait.ge [sflag:s6], $0x1F40  }
0xa0: {  	[sflag:s6] =	ssyncset.done $0x0  }
0xa1: {  	s23 =	sadd.s32 $0x2B00, s4;
	[sflag:s6] =	ssyncadd.s32 $0xFFFFE0C0  }
0xa2: {  	[spmem:s3] =	stream.indirect.scatter.add.f32 [tilespmem:s28], [sflag:$0x7], $0x40, s23, s24, $0xb8;
	[tilespmem:$0x1ECA0] =	vst v63  }
0xa3: {  	_ =	swait.ge [sflag:s19], $0x1F40  }
0xa4: {  	[sflag:s19] =	ssyncset.done $0x0  }
0xa5: {  	s7 =	sadd.s32 $0x480, s4;
	[sflag:s19] =	ssyncadd.s32 $0xFFFFE0C0  }
0xa6: {  	[tilespmem:s13], [sflag:$0x5] =	stream.indirect.gather [hbm4b:s1+s24], $0x40, s7, s24, $0xb8;
	[tilespmem:$0x1ECA0] =	vst v63  }
0xa7: {  	_ =	swait.ge [sflag:s14], $0x1F40  }
0xa8: {  	[sflag:s14] =	ssyncset.done $0x0  }
0xa9: {  	s20 =	sadd.s32 $0x2B80, s4;
	[sflag:s14] =	ssyncadd.s32 $0xFFFFE0C0  }
0xaa: {  	[spmem:s3] =	stream.indirect.scatter.add.f32 [tilespmem:s30], [sflag:$0x8], $0x40, s20, s24, $0xb8;
	[tilespmem:$0x1ECA0] =	vst v63  }
0xab: {  	_ =	swait.ge [sflag:s16], $0x1F40  }
0xac: {  	p1 =	seq.s32 s22, $0x8C00;
	[sflag:s16] =	ssyncset.done $0x0  }
0xad: {  	s18 =	simm.s32 @p1 $0x4;
	[sflag:s16] =	ssyncadd.s32 $0xFFFFE0C0  }
0xae: {  	_ =	swait.ge @p1 [sflag:s18], $0x1F40  }
0xaf: {  	[sflag:s18] =	ssyncset.done @p1 $0x0  }
0xb0: {  	[sflag:s18] =	ssyncadd.s32 @p1 $0xFFFFE0C0;
	s18 =	sshra.s32 @p1 s22, $0x2  }
0xb1: {  	s23 =	simm.s32 @p1 $0x7D;
	s20 =	simm.s32 @p1 $0xADC0;
	s18 =	sadd.s32 @p1 $0x2C00, s18  }
0xb2: {  	[spmem:s3] =	stream.indirect.scatter.add.f32 @p1 [tilespmem:s20], [sflag:$0x9], $0x40, s18, s23, $0xb8;
	[tilespmem:$0x1ECA0] =	vst v63  }
0xb3: {  	s18 =	simm.s32 @p1 $0x7  }
0xb4: {  	_ =	swait.ge @p1 [sflag:s18], $0x1F40  }
0xb5: {  	[sflag:s18] =	ssyncset.done @p1 $0x0  }
0xb6: {  	[sflag:s18] =	ssyncadd.s32 @p1 $0xFFFFE0C0;
	s18 =	sshra.s32 @!p1 s22, $0x2  }
0xb7: {  	s7 =	simm.s32 @!p1 $0x5000;
	s23 =	simm.s32 @!p1 $0x7D;
	s20 =	sadd.s32 @!p1 $0x500, s18  }
0xb8: {  	[tilespmem:s7], [sflag:$0x1] =	stream.indirect.gather @!p1 [hbm4b:s1+s23], $0x40, s20, s23, $0xb8;
	[tilespmem:$0x1ECA0] =	vst v63  }
0xb9: {  	s7 =	simm.s32 @!p1 $0x4  }
0xba: {  	_ =	swait.ge @!p1 [sflag:s7], $0x1F40  }
0xbb: {  	[sflag:s7] =	ssyncset.done @!p1 $0x0  }
0xbc: {  	s20 =	simm.s32 @!p1 $0xADC0;
	[sflag:s7] =	ssyncadd.s32 @!p1 $0xFFFFE0C0;
	s7 =	sadd.s32 @!p1 $0x2C00, s18  }
0xbd: {  	[spmem:s3] =	stream.indirect.scatter.add.f32 @!p1 [tilespmem:s20], [sflag:$0x9], $0x40, s7, s23, $0xb8;
	[tilespmem:$0x1ECA0] =	vst v63  }
0xbe: {  	s7 =	simm.s32 @!p1 $0x7  }
0xbf: {  	_ =	swait.ge @!p1 [sflag:s7], $0x1F40  }
0xc0: {  	[sflag:s7] =	ssyncset.done @!p1 $0x0  }
0xc1: {  	[sflag:s7] =	ssyncadd.s32 @!p1 $0xFFFFE0C0;
	s7 =	sadd.s32 @!p1 $0x580, s18;
	s18 =	simm.s32 @!p1 $0x6F40  }
0xc2: {  	[tilespmem:s18], [sflag:$0x2] =	stream.indirect.gather @!p1 [hbm4b:s1+s23], $0x40, s7, s23, $0xb8;
	[tilespmem:$0x1ECA0] =	vst v63  }
0xc3: {  	_ =	swait.ge [sflag:s2], $0x1F40  }
0xc4: {  	[sflag:s2] =	ssyncset.done $0x0  }
.Ltmp3:
0xc5: {  	s23 =	sadd.s32 $0x2C80, s4;
	[sflag:s2] =	ssyncadd.s32 $0xFFFFE0C0;
	(pc) =	sbr.rel @p1 .LBB2_6-.Ltmp3, $4  }
0xc6: {  	[spmem:s3] =	stream.indirect.scatter.add.f32 [tilespmem:s13], [sflag:$0xA], $0x40, s23, s24, $0xb8;
	[tilespmem:$0x1ECA0] =	vst v63  }
0xc7: {  	_ =	swait.ge [sflag:s12], $0x1F40  }
0xc8: {  	[sflag:s12] =	ssyncset.done $0x0  }
0xc9: {  	[sflag:s12] =	ssyncadd.s32 $0xFFFFE0C0  }
.Ltmp4:
0xca: {  	(pc) =	sbr.rel .LBB2_4-.Ltmp4, $3  }
0xcb: {  	_ =	sdelay $0x1  }
0xcc: {  	s4 =	sadd.s32 $0x600, s4;
	s22 =	sadd.s32 $0xA00, s22  }
0xcd: {  	[tilespmem:s30], [sflag:$0x3] =	stream.indirect.gather [hbm4b:s1+s24], $0x40, s4, s24, $0xb8;
	[tilespmem:$0x1ECA0] =	vst v63  }
.LBB2_6:
0xce: {  	_ =	swait.ge [sflag:s17], $0x1F40  }
0xcf: {  	[sflag:s17] =	ssyncset.done $0x0  }
0xd0: {  	[sflag:s17] =	ssyncadd.s32 $0xFFFFE0C0  }
0xd1: {  	_ =	swait.ge [sflag:s19], $0x1F40  }
0xd2: {  	[sflag:s19] =	ssyncset.done $0x0  }
0xd3: {  	[sflag:s19] =	ssyncadd.s32 $0xFFFFE0C0  }
0xd4: {  	[bflag:$0x0] =	sbarrier.arrive $0xFFFF  }
0xd5: {  	[tilespmem:s29], [sflag:$0xB] =	stream.linear.gather [spmem:s8], $0x3200, $0x38;
	[tilespmem:$0x1ECA0] =	vst v63  }
0xd6: {  	_ =	swait.ge [sflag:s21], $0x3200  }
0xd7: {  	[sflag:s21] =	ssyncset.done $0x0  }
0xd8: {  	s7 =	simm.s32 $0x40;
	s4 =	rddreg [dreg:$0x6];
	[sflag:s21] =	ssyncadd.s32 $0xFFFFCE00  }
0xd9: {  	[hbm4b:s4+s7] =	stream.strided.scatter [tilespmem:s29], [sflag:$0xB], $0x3200, s26, s7, $0x38;
	[tilespmem:$0x1ECA0] =	vst v63  }
0xda: {  	_ =	swait.ge [sflag:s21], $0x3200  }
0xdb: {  	[sflag:s21] =	ssyncset.done $0x0  }
0xdc: {  	[sflag:s21] =	ssyncadd.s32 $0xFFFFCE00  }
0xdd: {  	[tilespmem:s29], [sflag:$0xB] =	stream.linear.gather [spmem:s9], $0x3200, $0x38;
	[tilespmem:$0x1ECA0] =	vst v63  }
0xde: {  	_ =	swait.ge [sflag:s21], $0x3200  }
0xdf: {  	[sflag:s21] =	ssyncset.done $0x0  }
0xe0: {  	s18 =	rddreg [dreg:$0x7];
	[sflag:s21] =	ssyncadd.s32 $0xFFFFCE00  }
0xe1: {  	[hbm4b:s18+s7] =	stream.strided.scatter [tilespmem:s29], [sflag:$0xB], $0x3200, s26, s7, $0x38;
	[tilespmem:$0x1ECA0] =	vst v63  }
0xe2: {  	_ =	swait.ge [sflag:s21], $0x3200  }
0xe3: {  	[sflag:s21] =	ssyncset.done $0x0  }
0xe4: {  	[sflag:s21] =	ssyncadd.s32 $0xFFFFCE00  }
0xe5: {  	[tilespmem:s29], [sflag:$0xB] =	stream.linear.gather [spmem:s10], $0x3200, $0x38;
	[tilespmem:$0x1ECA0] =	vst v63  }
0xe6: {  	_ =	swait.ge [sflag:s21], $0x3200  }
0xe7: {  	[sflag:s21] =	ssyncset.done $0x0  }
0xe8: {  	s20 =	rddreg [dreg:$0x8];
	[sflag:s21] =	ssyncadd.s32 $0xFFFFCE00  }
0xe9: {  	[hbm4b:s20+s7] =	stream.strided.scatter [tilespmem:s29], [sflag:$0xB], $0x3200, s26, s7, $0x38;
	[tilespmem:$0x1ECA0] =	vst v63  }
0xea: {  	_ =	swait.ge [sflag:s21], $0x3200  }
0xeb: {  	[sflag:s21] =	ssyncset.done $0x0  }
0xec: {  	s4 =	simm.s32 @!p0 $0x11E40;
	s7 =	simm.s32 @!p0 $0xB;
	[sflag:s21] =	ssyncadd.s32 $0xFFFFCE00  }
0xed: {  	[tilespmem:s4], [sflag:$0xB] =	stream.linear.gather @!p0 [spmem:s11], $0x3200, $0x38;
	[tilespmem:$0x1ECA0] =	vst v63  }
0xee: {  	_ =	swait.ge @!p0 [sflag:s7], $0x3200  }
0xef: {  	s18 =	simm.s32 @!p0 $0x40;
	[sflag:s7] =	ssyncset.done @!p0 $0x0  }
0xf0: {  	s20 =	simm.s32 @!p0 $0x80;
	s22 =	rddreg [dreg:$0x9];
	[sflag:s7] =	ssyncadd.s32 @!p0 $0xFFFFCE00  }
0xf1: {  	[hbm4b:s22+s18] =	stream.strided.scatter @!p0 [tilespmem:s4], [sflag:$0xB], $0x3200, s20, s18, $0x38;
	[tilespmem:$0x1ECA0] =	vst v63  }
0xf2: {  	_ =	swait.ge @!p0 [sflag:s7], $0x3200  }
0xf3: {  	[sflag:s7] =	ssyncset.done @!p0 $0x0  }
0xf4: {  	s22 =	simm.s32 $0xEC40;
	[sflag:s7] =	ssyncadd.s32 @!p0 $0xFFFFCE00  }
0xf5: {  	[spmem:s8] =	stream.linear.scatter [tilespmem:s22], [sflag:$0xB], $0x3200, $0x38;
	[tilespmem:$0x1ECA0] =	vst v63  }
0xf6: {  	_ =	swait.ge [sflag:s21], $0x3200  }
0xf7: {  	[sflag:s21] =	ssyncset.done $0x0  }
0xf8: {  	[sflag:s21] =	ssyncadd.s32 $0xFFFFCE00  }
0xf9: {  	[spmem:s9] =	stream.linear.scatter [tilespmem:s22], [sflag:$0xB], $0x3200, $0x38;
	[tilespmem:$0x1ECA0] =	vst v63  }
0xfa: {  	_ =	swait.ge [sflag:s21], $0x3200  }
0xfb: {  	[sflag:s21] =	ssyncset.done $0x0  }
0xfc: {  	[sflag:s21] =	ssyncadd.s32 $0xFFFFCE00  }
0xfd: {  	[spmem:s10] =	stream.linear.scatter [tilespmem:s22], [sflag:$0xB], $0x3200, $0x38;
	[tilespmem:$0x1ECA0] =	vst v63  }
0xfe: {  	_ =	swait.ge [sflag:s21], $0x3200  }
0xff: {  	[sflag:s21] =	ssyncset.done $0x0  }
0x100: {  	s4 =	simm.s32 @!p0 $0xEC40;
	[sflag:s21] =	ssyncadd.s32 $0xFFFFCE00  }
0x101: {  	[spmem:s11] =	stream.linear.scatter @!p0 [tilespmem:s4], [sflag:$0xB], $0x3200, $0x38;
	[tilespmem:$0x1ECA0] =	vst v63  }
0x102: {  	_ =	swait.ge @!p0 [sflag:s7], $0x3200  }
0x103: {  	[sflag:s7] =	ssyncset.done @!p0 $0x0  }
0x104: {  	[sflag:s7] =	ssyncadd.s32 @!p0 $0xFFFFCE00  }
0x105: {  	s22 =	simm.s32 $0x0;
	[bflag:$0x0] =	sbarrier.arrive $0xFFFF  }
0x106: {  	[tilespmem:s25], [sflag:$0x1] =	stream.indirect.gather [hbm4b:s5+s24], $0x40, s22, s24, $0xb8;
	[tilespmem:$0x1ECA0] =	vst v63  }
0x107: {  	_ = 	snop  }
0x108: {  	[tilespmem:s28], [sflag:$0x2] =	stream.indirect.gather [hbm4b:s5+s24], $0x40, s26, s24, $0xb8;
	[tilespmem:$0x1ECA0] =	vst v63  }
0x109: {  	s23 =	simm.s32 $0x100  }
0x10a: {  	[tilespmem:s30], [sflag:$0x3] =	stream.indirect.gather [hbm4b:s5+s24], $0x40, s23, s24, $0xb8;
	[tilespmem:$0x1ECA0] =	vst v63  }
0x10b: {  	_ =	swait.ge [sflag:s31], $0x1F40  }
0x10c: {  	[sflag:s31] =	ssyncset.done $0x0  }
0x10d: {  	s7 =	simm.s32 $0x2800;
	[sflag:s31] =	ssyncadd.s32 $0xFFFFE0C0  }
0x10e: {  	[spmem:s3] =	stream.indirect.scatter.add.f32 [tilespmem:s25], [sflag:$0x6], $0x40, s7, s24, $0xb8;
	[tilespmem:$0x1ECA0] =	vst v63  }
0x10f: {  	s18 =	simm.s32 $0x180  }
0x110: {  	[tilespmem:s0], [sflag:$0x4] =	stream.indirect.gather [hbm4b:s5+s24], $0x40, s18, s24, $0xb8;
	[tilespmem:$0x1ECA0] =	vst v63  }
0x111: {  	_ =	swait.ge [sflag:s6], $0x1F40  }
0x112: {  	[sflag:s6] =	ssyncset.done $0x0  }
0x113: {  	s20 =	simm.s32 $0x2880;
	[sflag:s6] =	ssyncadd.s32 $0xFFFFE0C0  }
0x114: {  	[spmem:s3] =	stream.indirect.scatter.add.f32 [tilespmem:s28], [sflag:$0x7], $0x40, s20, s24, $0xb8;
	[tilespmem:$0x1ECA0] =	vst v63  }
0x115: {  	s23 =	simm.s32 $0x200  }
0x116: {  	[tilespmem:s13], [sflag:$0x5] =	stream.indirect.gather [hbm4b:s5+s24], $0x40, s23, s24, $0xb8;
	[tilespmem:$0x1ECA0] =	vst v63  }
0x117: {  	_ =	swait.ge [sflag:s14], $0x1F40  }
0x118: {  	[sflag:s14] =	ssyncset.done $0x0  }
0x119: {  	s7 =	simm.s32 $0x2900;
	[sflag:s14] =	ssyncadd.s32 $0xFFFFE0C0  }
0x11a: {  	[spmem:s3] =	stream.indirect.scatter.add.f32 [tilespmem:s30], [sflag:$0x8], $0x40, s7, s24, $0xb8;
	[tilespmem:$0x1ECA0] =	vst v63  }
0x11b: {  	_ =	swait.ge [sflag:s16], $0x1F40  }
0x11c: {  	[sflag:s16] =	ssyncset.done $0x0  }
0x11d: {  	s18 =	simm.s32 $0x280;
	s20 =	simm.s32 $0x4;
	[sflag:s16] =	ssyncadd.s32 $0xFFFFE0C0  }
0x11e: {  	[tilespmem:s25], [sflag:$0x1] =	stream.indirect.gather [hbm4b:s5+s24], $0x40, s18, s24, $0xb8;
	[tilespmem:$0x1ECA0] =	vst v63  }
0x11f: {  	_ =	swait.ge [sflag:s20], $0x1F40  }
0x120: {  	[sflag:s20] =	ssyncset.done $0x0  }
0x121: {  	s23 =	simm.s32 $0x2980;
	s7 =	simm.s32 $0x7;
	[sflag:s20] =	ssyncadd.s32 $0xFFFFE0C0  }
0x122: {  	[spmem:s3] =	stream.indirect.scatter.add.f32 [tilespmem:s0], [sflag:$0x9], $0x40, s23, s24, $0xb8;
	[tilespmem:$0x1ECA0] =	vst v63  }
0x123: {  	_ =	swait.ge [sflag:s7], $0x1F40  }
0x124: {  	[sflag:s7] =	ssyncset.done $0x0  }
0x125: {  	s18 =	simm.s32 $0x300;
	[sflag:s7] =	ssyncadd.s32 $0xFFFFE0C0  }
0x126: {  	[tilespmem:s28], [sflag:$0x2] =	stream.indirect.gather [hbm4b:s5+s24], $0x40, s18, s24, $0xb8;
	[tilespmem:$0x1ECA0] =	vst v63  }
0x127: {  	_ =	swait.ge [sflag:s2], $0x1F40  }
0x128: {  	[sflag:s2] =	ssyncset.done $0x0  }
0x129: {  	s20 =	simm.s32 $0x2A00;
	[sflag:s2] =	ssyncadd.s32 $0xFFFFE0C0  }
0x12a: {  	[spmem:s3] =	stream.indirect.scatter.add.f32 [tilespmem:s13], [sflag:$0xA], $0x40, s20, s24, $0xb8;
	[tilespmem:$0x1ECA0] =	vst v63  }
0x12b: {  	_ =	swait.ge [sflag:s12], $0x1F40  }
0x12c: {  	[sflag:s12] =	ssyncset.done $0x0  }
0x12d: {  	s23 =	simm.s32 $0x380;
	[sflag:s12] =	ssyncadd.s32 $0xFFFFE0C0  }
0x12e: {  	[tilespmem:s30], [sflag:$0x3] =	stream.indirect.gather [hbm4b:s5+s24], $0x40, s23, s24, $0xb8;
	[tilespmem:$0x1ECA0] =	vst v63  }
.LBB2_7:
0x12f: {  	_ =	swait.ge [sflag:s31], $0x1F40  }
0x130: {  	s4 =	sshra.s32 s22, $0x2;
	[sflag:s31] =	ssyncset.done $0x0  }
0x131: {  	s7 =	sadd.s32 $0x2A80, s4;
	[sflag:s31] =	ssyncadd.s32 $0xFFFFE0C0  }
0x132: {  	[spmem:s3] =	stream.indirect.scatter.add.f32 [tilespmem:s25], [sflag:$0x6], $0x40, s7, s24, $0xb8;
	[tilespmem:$0x1ECA0] =	vst v63  }
0x133: {  	_ =	swait.ge [sflag:s17], $0x1F40  }
0x134: {  	[sflag:s17] =	ssyncset.done $0x0  }
0x135: {  	s20 =	sadd.s32 $0x400, s4;
	[sflag:s17] =	ssyncadd.s32 $0xFFFFE0C0  }
0x136: {  	[tilespmem:s0], [sflag:$0x4] =	stream.indirect.gather [hbm4b:s5+s24], $0x40, s20, s24, $0xb8;
	[tilespmem:$0x1ECA0] =	vst v63  }
0x137: {  	_ =	swait.ge [sflag:s6], $0x1F40  }
0x138: {  	[sflag:s6] =	ssyncset.done $0x0  }
0x139: {  	s23 =	sadd.s32 $0x2B00, s4;
	[sflag:s6] =	ssyncadd.s32 $0xFFFFE0C0  }
0x13a: {  	[spmem:s3] =	stream.indirect.scatter.add.f32 [tilespmem:s28], [sflag:$0x7], $0x40, s23, s24, $0xb8;
	[tilespmem:$0x1ECA0] =	vst v63  }
0x13b: {  	_ =	swait.ge [sflag:s19], $0x1F40  }
0x13c: {  	[sflag:s19] =	ssyncset.done $0x0  }
0x13d: {  	s18 =	sadd.s32 $0x480, s4;
	[sflag:s19] =	ssyncadd.s32 $0xFFFFE0C0  }
0x13e: {  	[tilespmem:s13], [sflag:$0x5] =	stream.indirect.gather [hbm4b:s5+s24], $0x40, s18, s24, $0xb8;
	[tilespmem:$0x1ECA0] =	vst v63  }
0x13f: {  	_ =	swait.ge [sflag:s14], $0x1F40  }
0x140: {  	[sflag:s14] =	ssyncset.done $0x0  }
0x141: {  	s20 =	sadd.s32 $0x2B80, s4;
	[sflag:s14] =	ssyncadd.s32 $0xFFFFE0C0  }
0x142: {  	[spmem:s3] =	stream.indirect.scatter.add.f32 [tilespmem:s30], [sflag:$0x8], $0x40, s20, s24, $0xb8;
	[tilespmem:$0x1ECA0] =	vst v63  }
0x143: {  	_ =	swait.ge [sflag:s16], $0x1F40  }
0x144: {  	p1 =	seq.s32 s22, $0x8C00;
	[sflag:s16] =	ssyncset.done $0x0  }
0x145: {  	s7 =	simm.s32 @p1 $0x4;
	[sflag:s16] =	ssyncadd.s32 $0xFFFFE0C0  }
0x146: {  	_ =	swait.ge @p1 [sflag:s7], $0x1F40  }
0x147: {  	[sflag:s7] =	ssyncset.done @p1 $0x0  }
0x148: {  	[sflag:s7] =	ssyncadd.s32 @p1 $0xFFFFE0C0;
	s7 =	sshra.s32 @p1 s22, $0x2  }
0x149: {  	s18 =	simm.s32 @p1 $0x7D;
	s20 =	simm.s32 @p1 $0xADC0;
	s7 =	sadd.s32 @p1 $0x2C00, s7  }
0x14a: {  	[spmem:s3] =	stream.indirect.scatter.add.f32 @p1 [tilespmem:s20], [sflag:$0x9], $0x40, s7, s18, $0xb8;
	[tilespmem:$0x1ECA0] =	vst v63  }
0x14b: {  	s7 =	simm.s32 @p1 $0x7  }
0x14c: {  	_ =	swait.ge @p1 [sflag:s7], $0x1F40  }
0x14d: {  	[sflag:s7] =	ssyncset.done @p1 $0x0  }
0x14e: {  	[sflag:s7] =	ssyncadd.s32 @p1 $0xFFFFE0C0;
	s7 =	sshra.s32 @!p1 s22, $0x2  }
0x14f: {  	s23 =	simm.s32 @!p1 $0x5000;
	s20 =	simm.s32 @!p1 $0x7D;
	s18 =	sadd.s32 @!p1 $0x500, s7  }
0x150: {  	[tilespmem:s23], [sflag:$0x1] =	stream.indirect.gather @!p1 [hbm4b:s5+s20], $0x40, s18, s20, $0xb8;
	[tilespmem:$0x1ECA0] =	vst v63  }
0x151: {  	s18 =	simm.s32 @!p1 $0x4  }
0x152: {  	_ =	swait.ge @!p1 [sflag:s18], $0x1F40  }
0x153: {  	[sflag:s18] =	ssyncset.done @!p1 $0x0  }
0x154: {  	s23 =	simm.s32 @!p1 $0xADC0;
	[sflag:s18] =	ssyncadd.s32 @!p1 $0xFFFFE0C0;
	s18 =	sadd.s32 @!p1 $0x2C00, s7  }
0x155: {  	[spmem:s3] =	stream.indirect.scatter.add.f32 @!p1 [tilespmem:s23], [sflag:$0x9], $0x40, s18, s20, $0xb8;
	[tilespmem:$0x1ECA0] =	vst v63  }
0x156: {  	s18 =	simm.s32 @!p1 $0x7  }
0x157: {  	_ =	swait.ge @!p1 [sflag:s18], $0x1F40  }
0x158: {  	[sflag:s18] =	ssyncset.done @!p1 $0x0  }
0x159: {  	s7 =	sadd.s32 @!p1 $0x580, s7;
	[sflag:s18] =	ssyncadd.s32 @!p1 $0xFFFFE0C0;
	s18 =	simm.s32 @!p1 $0x6F40  }
0x15a: {  	[tilespmem:s18], [sflag:$0x2] =	stream.indirect.gather @!p1 [hbm4b:s5+s20], $0x40, s7, s20, $0xb8;
	[tilespmem:$0x1ECA0] =	vst v63  }
0x15b: {  	_ =	swait.ge [sflag:s2], $0x1F40  }
0x15c: {  	[sflag:s2] =	ssyncset.done $0x0  }
.Ltmp5:
0x15d: {  	s23 =	sadd.s32 $0x2C80, s4;
	[sflag:s2] =	ssyncadd.s32 $0xFFFFE0C0;
	(pc) =	sbr.rel @p1 .LBB2_9-.Ltmp5, $4  }
0x15e: {  	[spmem:s3] =	stream.indirect.scatter.add.f32 [tilespmem:s13], [sflag:$0xA], $0x40, s23, s24, $0xb8;
	[tilespmem:$0x1ECA0] =	vst v63  }
0x15f: {  	_ =	swait.ge [sflag:s12], $0x1F40  }
0x160: {  	[sflag:s12] =	ssyncset.done $0x0  }
0x161: {  	[sflag:s12] =	ssyncadd.s32 $0xFFFFE0C0  }
.Ltmp6:
0x162: {  	(pc) =	sbr.rel .LBB2_7-.Ltmp6, $3  }
0x163: {  	_ =	sdelay $0x1  }
0x164: {  	s4 =	sadd.s32 $0x600, s4;
	s22 =	sadd.s32 $0xA00, s22  }
0x165: {  	[tilespmem:s30], [sflag:$0x3] =	stream.indirect.gather [hbm4b:s5+s24], $0x40, s4, s24, $0xb8;
	[tilespmem:$0x1ECA0] =	vst v63  }
.LBB2_10:
0x166: {  	_ =	sfence.sel $0x180000  }
0x167: {  	[bflag:$0x0] =	sbarrier.arrive $0xFFFF  }
0x168: {  	_ =	strace $0x9000004A  }
0x169: {  	s0 =	stileid.u32;
	[bflag:$0x2] =	sbarrier.arrive $0xFFFF  }
0x16a: {  	p0 =	sne.s32 s0, $0x0;
	s0 =	rddreg [dreg:$0x3]  }
0x16b: {  	s0 =	sadd.s32 @!p0 $0x100000, s0  }
0x16c: {  	[sflag:s0] =	ssyncadd.tile.s32 @!p0 $0x1;
	_ =	shalt  }
.Lfunc_end2:
_tile_overlayer_lowered:
.L_overlay_start_2:
0x16d: {  	(tag) =	ssettag $0x2  }
0x16e: {  	s0 =	rddreg [dreg:$0x0];
	s2 =	stileid.u32  }
0x16f: {  	s1 =	rddreg [dreg:$0x1];
	p0 =	sne.s32 s2, $0x0  }
0x170: {  	s3 =	rddreg [dreg:$0x2];
	[bflag:$0x3] =	sbarrier.arrive $0xFFFF;
	s2 =	simm.s32 @!p0 $0x1C0B  }
0x171: {  	[timem:s3], [sflag:s2] =	dma.local @!p0 [hbm:s0], s1  }
0x172: {  	s0 =	simm.s32 @!p0 $0xB  }
0x173: {  	_ =	swait.ge @!p0 [sflag:s0], s1  }
0x174: {  	s1 =	ssub.s32 @!p0 $0x0, s1;
	[sflag:s0] =	ssyncset.done @!p0 $0x0  }
0x175: {  	[sflag:s0] =	ssyncadd.s32 @!p0 s1  }
0x176: {  	[bflag:$0x3] =	sbarrier.arrive $0xFFFF  }
0x177: {  	_ =	shalt  }

// kernel: kernel.15.cloned.1.call-start
scs
__scs_entry_jumppad:
0x0: {  	(pc) =	sbr.rel $0x88, $3  }
0x1: {  	(tag) =	ssettag $0x0;
	lr =	simm.s32 $0x1  }
0x2: {  	[smem:$0x3F99] =	sst lr;
	_ =	strace $0xD0000000  }
0x3: {  	_ = 	snop  }
0x4: {  	_ = 	snop  }
0x5: {  	_ = 	snop  }
0x6: {  	_ = 	snop  }
0x7: {  	_ = 	snop  }
__scs_overlays_trampoline_lowered:
0x8: {  	[smem:$0x3FA8] =	sst s0  }
0x9: {  	[smem:$0x3FA9] =	sst s1  }
0xa: {  	[smem:$0x3FAA] =	sst s2  }
0xb: {  	[smem:$0x3FAB] =	sst s3  }
0xc: {  	[smem:$0x3FAC] =	sst s4  }
0xd: {  	[smem:$0x3FAD] =	sst s5  }
0xe: {  	[smem:$0x3FAE] =	sst s6  }
0xf: {  	[smem:$0x3FAF] =	sst s7  }
0x10: {  	[smem:$0x3FB0] =	sst s8  }
0x11: {  	[smem:$0x3FB1] =	sst s9;
	s0 =	simm.s32 @!p0 $0x0  }
0x12: {  	s1 =	sld [smem:$0x3F97];
	s0 =	simm.s32 @p0 $0x1  }
0x13: {  	[smem:$0x3FB2] =	sst s0;
	s0 =	simm.s32 @!p1 $0x0  }
0x14: {  	s2 =	sld [smem:$0x3F96];
	s0 =	simm.s32 @p1 $0x1  }
0x15: {  	[smem:$0x3FB3] =	sst s0;
	s0 =	simm.s32 @!p2 $0x0  }
0x16: {  	s3 =	sld [smem:$0x3FDB];
	s0 =	simm.s32 @p2 $0x1  }
0x17: {  	s4 =	simm.s32 $0x1BF5;
	[smem:$0x3FB5] =	sst s0  }
0x18: {  	s0 =	sld [smem:$0x3F98];
	_ =	swait.ge [sflag:s4], $0x0  }
0x19: {  	s7 =	sld [smem:$0x3F99]  }
0x1a: {  	s8 =	sadd.s32 $0xFFFFE003, lr  }
0x1b: {  	s9 =	sadd.s32 $0xFFFFFEF7, lr;
	s5 =	simm.s32 $0xFFFFFFFF;
	p2 =	slt.u32 s8, $0xFFFFF086  }
0x1c: {  	p1 =	slt.u32 s9, $0xF7A;
	s5 =	simm.s32 @!p2 $0x0  }
0x1d: {  	s5 =	simm.s32 @p1 $0x1;
	p0 =	seq.s32 s7, s2  }
0x1e: {  	s7 =	smul.u32 @!p0 $0xF7A, s2;
	p2 =	seq.s32 @!p0 s5, $0x0  }
0x1f: {  	s9 =	smul.u32 $0xF7A, s1;
	s8 =	simm.s32 @!p0 $0x1BF5;
	p2 =	por !p2, p0  }
0x20: {  	[sflag:s8] =	ssyncset.s32 @!p0 $0xFFFFF086;
	s6 =	sadd.s32 @!p0 s3, s7;
	s7 =	simm.s32 @!p0 $0x108  }
0x21: {  	s3 =	sadd.s32 s3, s9;
	s6 =	sadd.s32 @!p0 $0x88, s6;
	s7 =	simm.s32 @p2 $0x1082  }
0x22: {  	[simem:s7], [sflag:s8] =	dma.local @!p0 [hbm:s6], $0xF7A  }
0x23: {  	s9 =	sor.u32 $0xD0000000, s2;
	s6 =	simm.s32 $0x108;
	_ =	swait.ge @!p0 [sflag:s8], $0x0  }
0x24: {  	s3 =	sadd.s32 $0x88, s3;
	s6 =	simm.s32 @!p1 $0x1082;
	[sflag:s4] =	ssyncset.s32 $0xFFFFF086  }
0x25: {  	[simem:s6], [sflag:s4] =	dma.local [hbm:s3], $0xF7A  }
0x26: {  	[smem:$0x3F99] =	sst s1;
	(tag) =	ssettag s2;
	_ =	strace s9  }
0x27: {  	s1 =	sld [smem:$0x3FA9]  }
0x28: {  	s2 =	sld [smem:$0x3FAA]  }
0x29: {  	s4 =	sld [smem:$0x3FAC]  }
0x2a: {  	p0 =	seq.s32 s5, $0x0;
	s5 =	sld [smem:$0x3FAD]  }
0x2b: {  	s6 =	sld [smem:$0x3FAE]  }
0x2c: {  	s7 =	sld [smem:$0x3FAF]  }
0x2d: {  	s3 =	simm.s32 $0x108;
	s8 =	sld [smem:$0x3FB0]  }
0x2e: {  	s3 =	simm.s32 @!p0 $0x1082;
	s9 =	sld [smem:$0x3FB1]  }
0x2f: {  	lr =	sadd.s32 s0, s3;
	s0 =	sld [smem:$0x3FA8]  }
0x30: {  	s3 =	sld [smem:$0x3FAB]  }
0x31: {  	[smem:$0x3FB4] =	sst s10  }
0x32: {  	s10 =	sld [smem:$0x3FB2];
	_ =	sdelay $0x3  }
0x33: {  	p0 =	seq.s32 s10, $0x1;
	s10 =	sld [smem:$0x3FB4];
	_ =	sdelay $0x3  }
0x34: {  	[smem:$0x3FB4] =	sst s10  }
0x35: {  	s10 =	sld [smem:$0x3FB3];
	_ =	sdelay $0x3  }
0x36: {  	p1 =	seq.s32 s10, $0x1;
	s10 =	sld [smem:$0x3FB4];
	_ =	sdelay $0x3  }
0x37: {  	[smem:$0x3FB4] =	sst s10  }
0x38: {  	s10 =	sld [smem:$0x3FB5]  }
0x39: {  	_ = 	snop;
	(pc) =	sbr.ind lr, $3  }
0x3a: {  	_ = 	snop  }
0x3b: {  	_ = 	snop  }
0x3c: {  	p2 =	seq.s32 s10, $0x1;
	s10 =	sld [smem:$0x3FB4]  }
0x3d: {  	_ =	shalt  }
0x3e: {  	_ =	shalt  }
0x3f: {  	_ =	shalt  }
0x40: {  	_ =	shalt  }
0x41: {  	_ =	shalt  }
0x42: {  	_ =	shalt  }
0x43: {  	_ =	shalt  }
0x44: {  	_ =	shalt  }
0x45: {  	_ =	shalt  }
0x46: {  	_ =	shalt  }
0x47: {  	_ =	shalt  }
0x48: {  	_ =	shalt  }
0x49: {  	_ =	shalt  }
0x4a: {  	_ =	shalt  }
0x4b: {  	_ =	shalt  }
0x4c: {  	_ =	shalt  }
0x4d: {  	_ =	shalt  }
0x4e: {  	_ =	shalt  }
0x4f: {  	_ =	shalt  }
0x50: {  	_ =	shalt  }
0x51: {  	_ =	shalt  }
0x52: {  	_ =	shalt  }
0x53: {  	_ =	shalt  }
0x54: {  	_ =	shalt  }
0x55: {  	_ =	shalt  }
0x56: {  	_ =	shalt  }
0x57: {  	_ =	shalt  }
0x58: {  	_ =	shalt  }
0x59: {  	_ =	shalt  }
0x5a: {  	_ =	shalt  }
0x5b: {  	_ =	shalt  }
0x5c: {  	_ =	shalt  }
0x5d: {  	_ =	shalt  }
0x5e: {  	_ =	shalt  }
0x5f: {  	_ =	shalt  }
0x60: {  	_ =	shalt  }
0x61: {  	_ =	shalt  }
0x62: {  	_ =	shalt  }
0x63: {  	_ =	shalt  }
0x64: {  	_ =	shalt  }
0x65: {  	_ =	shalt  }
0x66: {  	_ =	shalt  }
0x67: {  	_ =	shalt  }
0x68: {  	_ =	shalt  }
0x69: {  	_ =	shalt  }
0x6a: {  	_ =	shalt  }
0x6b: {  	_ =	shalt  }
0x6c: {  	_ =	shalt  }
0x6d: {  	_ =	shalt  }
0x6e: {  	_ =	shalt  }
0x6f: {  	_ =	shalt  }
0x70: {  	_ =	shalt  }
0x71: {  	_ =	shalt  }
0x72: {  	_ =	shalt  }
0x73: {  	_ =	shalt  }
0x74: {  	_ =	shalt  }
0x75: {  	_ =	shalt  }
0x76: {  	_ =	shalt  }
0x77: {  	_ =	shalt  }
0x78: {  	_ =	shalt  }
0x79: {  	_ =	shalt  }
0x7a: {  	_ =	shalt  }
0x7b: {  	_ =	shalt  }
0x7c: {  	_ =	shalt  }
0x7d: {  	_ =	shalt  }
0x7e: {  	_ =	shalt  }
0x7f: {  	_ =	shalt  }
0x80: {  	_ =	shalt  }
0x81: {  	_ =	shalt  }
0x82: {  	_ =	shalt  }
0x83: {  	_ =	shalt  }
0x84: {  	_ =	shalt  }
0x85: {  	_ =	shalt  }
0x86: {  	_ =	shalt  }
0x87: {  	_ =	shalt  }
.Lfunc_end0:
.L_simem_size_0:
called_computation.2_lowered:
.L_overlay_start_0:
0x88: {  	s2 =	sld [smem:$0x3FD9]  }
0x89: {  	s3 =	sld [smem:$0x3FFE];
	_ =	sdelay $0x1  }
0x8a: {  	s1 =	srdreg.scid  }
0x8b: {  	s0 =	sand.u32 $0x1, s1  }
0x8c: {  	s17 =	sshll.u32 s0, $0xA;
	s2 =	sadd.s32 s3, s2  }
0x8d: {  	s2 =	sadd.s32 s2, s17  }
0x8e: {  	[smem:$0x3FC0] =	sst s2  }
0x8f: {  	_ = 	snop  }
0x90: {  	s2 =	sld [smem:$0x3FD0];
	(tm) =	ssettm $0x1  }
0x91: {  	s18 =	sld [smem:$0x3FFB];
	_ =	sdelay $0x3  }
0x92: {  	_ =	strace s18  }
0x93: {  	s3 =	sld [smem:$0x3FFC];
	_ =	sdelay $0x3  }
0x94: {  	_ =	strace s3  }
0x95: {  	s3 =	sld [smem:$0x3FFD];
	_ =	sdelay $0x3  }
0x96: {  	_ =	strace s3  }
0x97: {  	_ =	strace $0x8FFFFFFF  }
0x98: {  	s19 =	sld [smem:$0x3FDB];
	_ =	sdelay $0x1  }
0x99: {  	s4 =	simm.s32 $_scs_section_size  }
0x9a: {  	s5 =	simm.s32 $_size__tile_overlayer_lowered;
	s6 =	simm.s32 $_tile_overlayer_lowered  }
0x9b: {  	s22 =	simm.s32 $0x1BFF;
	s21 =	sshll.u32 s6, $0x1;
	s3 =	sadd.s32 s4, s19  }
0x9c: {  	s7 =	simm.s32 $0x0;
	s20 =	sshll.u32 s5, $0x1;
	s5 =	sadd.s32 s21, s3  }
0x9d: {  	[timem:s7], [sflag:s22] =	dma.local [hbm:s5], s20  }
0x9e: {  	_ =	swait.ge [sflag:s22], s20  }
0x9f: {  	s4 =	ssub.s32 $0x0, s20;
	[sflag:s22] =	ssyncset.done $0x0  }
0xa0: {  	[sflag:s22] =	ssyncadd.s32 s4;
	_ =	sdelay $0x1  }
0xa1: {  	s23 =	simm.s32 $0x1B8B  }
0xa2: {  	_ =	swait.ge [sflag:s23], $0x1  }
0xa3: {  	[sflag:s23] =	ssyncset.done $0x0  }
0xa4: {  	s25 =	simm.s32 $0x1B8E;
	s24 =	sld [smem:$0x3FFE];
	[sflag:s23] =	ssyncadd.s32 $0xFFFFFFFF  }
0xa5: {  	s26 =	simm.s32 $execute0_lowered;
	[smem:$0x3FD2] =	sst s25  }
0xa6: {  	s5 =	sshll.u32 s26, $0x1;
	_ =	strace $0x8000004C;
	[dreg:$0x1] =	wrdreg $0xFFFFFFFF  }
0xa7: {  	s28 =	simm.s32 $_size_execute0_lowered;
	s3 =	sadd.s32 s3, s5;
	[dreg:$0x0] =	wrdreg $0x0  }
0xa8: {  	s5 =	sshll.u32 s28, $0x1;
	[dreg:$0x2] =	wrdreg s3  }
0xa9: {  	[dreg:$0x3] =	wrdreg s5  }
0xaa: {  	[dreg:$0x4] =	wrdreg $0xC0  }
0xab: {  	_ =	task [dreg:s7], $0x5FFFF  }
0xac: {  	[dreg:$0x1] =	wrdreg $0xFFFFFFFF  }
0xad: {  	[dreg:$0x0] =	wrdreg $0x60  }
0xae: {  	[dreg:$0x2] =	wrdreg s2  }
0xaf: {  	[dreg:$0x3] =	wrdreg s24  }
0xb0: {  	[dreg:$0x4] =	wrdreg $0x150400  }
0xb1: {  	[dreg:$0x5] =	wrdreg $0x9  }
0xb2: {  	_ =	task.clear_ibuf [dreg:s7], $0x6FFFF;
	_ =	strace $0x9000004C  }
0xb3: {  	s29 =	simm.s32 $0x9;
	_ =	strace $0x8000004E  }
0xb4: {  	_ =	swait.ge [sflag:s29], $0x1  }
0xb5: {  	[sflag:s29] =	ssyncadd.s32 $0xFFFFFFFF  }
0xb6: {  	_ =	strace $0x9000004E  }
0xb7: {  	_ =	sfence  }
0xb8: {  	s30 =	sld [smem:$0x0];
	_ =	sdelay $0x2  }
0xb9: {  	s31 =	sshll.u32 s1, $0xD;
	s1 =	sshrl.u32 s1, $0x2  }
0xba: {  	s3 =	sand.u32 $0x4000, s31;
	s1 =	sadd.s32 s1, s30  }
0xbb: {  	s0 =	sor.u32 s3, s0;
	s1 =	sshll.u32 s1, $0x11  }
0xbc: {  	s0 =	sor.u32 s1, s0  }
0xbd: {  	s0 =	sadd.s32 $0x8F2B, s0  }
0xbe: {  	[sflag:s0] =	ssyncadd.remote.s32 $0x1  }
0xbf: {  	_ =	sfence.sel $0xFFFF  }
0xc0: {  	[dreg:$0x0] =	wrdreg $0xFFFFFFFF;
	(pc) =	sbr.abs _section_cstart, $3  }
0xc1: {  	[dreg:$0x1] =	wrdreg $0xFFFFFFFF  }
0xc2: {  	_ =	task.clear_ibuf [dreg:s7], $0x2FFFF;
	_ =	strace $0x9FFFFFFF  }
0xc3: {  	(tm) =	ssettm $0x7FFFFFFF  }
tec
execute0_lowered:
.L_overlay_start_1:
0x0: {  	(tag) =	ssettag $0x1  }
0x1: {  	s1 =	rddreg [dreg:$0x0]  }
0x2: {  	s0 =	srdreg.scid;
	s2 =	rddreg [dreg:$0x1]  }
0x3: {  	s16 =	stileid.u32;
	s3 =	rddreg [dreg:$0x2]  }
0x4: {  	s5 =	simm.s32 $0x0;
	s28 =	simm.s32 $0x6F40;
	s7 =	smul.u32 $0xC800, s16  }
0x5: {  	s30 =	simm.s32 $0x8E80;
	s10 =	sor.u32 $0x10, s16;
	s26 =	smul.u32 $0x6400, s16  }
0x6: {  	s31 =	simm.s32 $0x1;
	s11 =	sor.u32 $0x20, s16;
	s9 =	smul.u32 $0xC800, s10  }
0x7: {  	s29 =	simm.s32 $0x11E40;
	s14 =	sor.u32 $0x30, s16;
	s13 =	smul.u32 $0xC800, s11  }
0x8: {  	s0 =	sand.u32 $0x1, s0;
	s4 =	sshll.u32 s16, $0x1;
	s15 =	smul.u32 $0xC800, s14  }
0x9: {  	s4 =	sor.u32 s0, s4;
	s8 =	ssub.s32 $0x2, s0;
	s0 =	smul.u32 $0x138800, s0  }
0xa: {  	[smem:$0x7FF] =	sst s5;
	s5 =	sadd.s32 $0x64200, s2;
	s17 =	smul.u32 $0x6400, s10  }
0xb: {  	s6 =	sadd.s32 $0x77C00, s2;
	p0 =	sgt.u32 s16, $0x1;
	s19 =	smul.u32 $0x6400, s11  }
0xc: {  	s16 =	simm.s32 $0x6;
	_ =	strace $0x8000004D;
	s14 =	smul.u32 $0x6400, s14  }
0xd: {  	s4 =	smul.u32 $0x500, s4;
	s12 =	sshrl.u32 s8, $0x1;
	s24 =	sshrl.u32 s7, $0x2  }
0xe: {  	s12 =	ssub.s32 s8, s12;
	s8 =	sadd.s32 s24, s3;
	s25 =	sshrl.u32 s9, $0x2  }
0xf: {  	s13 =	sshrl.u32 s13, $0x2;
	s18 =	sadd.s32 s26, s0;
	s20 =	sshrl.u32 s15, $0x2  }
0x10: {  	s7 =	sadd.s32 s0, s19;
	s19 =	simm.s32 $0xA;
	s15 =	simm.s32 $0x0  }
0x11: {  	s4 =	sadd.s32 s4, s2;
	s9 =	sadd.s32 s25, s3;
	s10 =	sadd.s32 s13, s3  }
0x12: {  	s11 =	sadd.s32 s20, s3;
	s13 =	sadd.s32 s0, s17;
	s0 =	sadd.s32 s0, s14  }
0x13: {  	s7 =	sshrl.u32 s7, $0x3;
	s2 =	sadd.s32 $0x77C08, s2;
	s26 =	smax.u32 s12, $0x1  }
0x14: {  	s14 =	simm.s32 $0x3;
	s23 =	sadd.s32 $0x5A200, s4;
	[dreg:$0xe] =	wrdreg s26  }
0x15: {  	s12 =	simm.s32 $0x8;
	s4 =	sadd.s32 $0x2000, s4;
	[dreg:$0x4] =	wrdreg s23  }
0x16: {  	s13 =	sshrl.u32 s13, $0x3;
	s25 =	sadd.s32 s7, s2;
	[dreg:$0x5] =	wrdreg s4  }
0x17: {  	s17 =	simm.s32 $0x9;
	s22 =	sadd.s32 s6, s13;
	[dreg:$0xc] =	wrdreg s25  }
0x18: {  	s0 =	sshrl.u32 s0, $0x3;
	s23 =	sadd.s32 s6, s7;
	[dreg:$0x7] =	wrdreg s22  }
0x19: {  	s4 =	sshrl.u32 s18, $0x3;
	s24 =	sadd.s32 s13, s2;
	[dreg:$0x8] =	wrdreg s23  }
0x1a: {  	s26 =	simm.s32 $0x80;
	s21 =	sadd.s32 s6, s4;
	[dreg:$0xb] =	wrdreg s24  }
.Ltmp0:
0x1b: {  	s6 =	sadd.s32 s6, s0;
	[dreg:$0x6] =	wrdreg s21;
	(pc) =	sbr.rel .LBB2_1-.Ltmp0, $4  }
0x1c: {  	s25 =	simm.s32 $0x5000;
	s4 =	sadd.s32 s4, s2;
	[dreg:$0x9] =	wrdreg s6  }
0x1d: {  	s13 =	simm.s32 $0xCD00;
	s0 =	sadd.s32 s0, s2;
	[dreg:$0xa] =	wrdreg s4  }
0x1e: {  	s24 =	simm.s32 $0x7D;
	s2 =	simm.s32 $0x5;
	[dreg:$0xd] =	wrdreg s0  }
0x1f: {  	v0 =	vimm.f32 $0.0e+00;
	s21 =	simm.s32 $0xB;
	s0 =	simm.s32 $0xADC0;
	s6 =	simm.s32 $0x2  }
.LBB2_9:
0x20: {  	_ =	swait.ge [sflag:s17], $0x1F40  }
0x21: {  	[sflag:s17] =	ssyncset.done $0x0  }
0x22: {  	[sflag:s17] =	ssyncadd.s32 $0xFFFFE0C0  }
0x23: {  	_ =	swait.ge [sflag:s19], $0x1F40  }
0x24: {  	[sflag:s19] =	ssyncset.done $0x0  }
0x25: {  	[sflag:s19] =	ssyncadd.s32 $0xFFFFE0C0  }
0x26: {  	[bflag:$0x0] =	sbarrier.arrive $0xFFFF  }
0x27: {  	[tilespmem:s29], [sflag:$0xB] =	stream.linear.gather [spmem:s8], $0x3200, $0x38;
	[tilespmem:$0x1ECA0] =	vst v63  }
0x28: {  	_ =	swait.ge [sflag:s21], $0x3200  }
0x29: {  	[sflag:s21] =	ssyncset.done $0x0  }
0x2a: {  	s7 =	simm.s32 $0x40;
	s4 =	rddreg [dreg:$0xa];
	[sflag:s21] =	ssyncadd.s32 $0xFFFFCE00  }
0x2b: {  	[hbm4b:s4+s7] =	stream.strided.scatter [tilespmem:s29], [sflag:$0xB], $0x3200, s26, s7, $0x38;
	[tilespmem:$0x1ECA0] =	vst v63  }
0x2c: {  	_ =	swait.ge [sflag:s21], $0x3200  }
0x2d: {  	[sflag:s21] =	ssyncset.done $0x0  }
0x2e: {  	[sflag:s21] =	ssyncadd.s32 $0xFFFFCE00  }
0x2f: {  	[tilespmem:s29], [sflag:$0xB] =	stream.linear.gather [spmem:s9], $0x3200, $0x38;
	[tilespmem:$0x1ECA0] =	vst v63  }
0x30: {  	_ =	swait.ge [sflag:s21], $0x3200  }
0x31: {  	[sflag:s21] =	ssyncset.done $0x0  }
0x32: {  	s20 =	rddreg [dreg:$0xb];
	[sflag:s21] =	ssyncadd.s32 $0xFFFFCE00  }
0x33: {  	[hbm4b:s20+s7] =	stream.strided.scatter [tilespmem:s29], [sflag:$0xB], $0x3200, s26, s7, $0x38;
	[tilespmem:$0x1ECA0] =	vst v63  }
0x34: {  	_ =	swait.ge [sflag:s21], $0x3200  }
0x35: {  	[sflag:s21] =	ssyncset.done $0x0  }
0x36: {  	[sflag:s21] =	ssyncadd.s32 $0xFFFFCE00  }
0x37: {  	[tilespmem:s29], [sflag:$0xB] =	stream.linear.gather [spmem:s10], $0x3200, $0x38;
	[tilespmem:$0x1ECA0] =	vst v63  }
0x38: {  	_ =	swait.ge [sflag:s21], $0x3200  }
0x39: {  	[sflag:s21] =	ssyncset.done $0x0  }
0x3a: {  	s22 =	rddreg [dreg:$0xc];
	[sflag:s21] =	ssyncadd.s32 $0xFFFFCE00  }
0x3b: {  	[hbm4b:s22+s7] =	stream.strided.scatter [tilespmem:s29], [sflag:$0xB], $0x3200, s26, s7, $0x38;
	[tilespmem:$0x1ECA0] =	vst v63  }
0x3c: {  	_ =	swait.ge [sflag:s21], $0x3200  }
0x3d: {  	[sflag:s21] =	ssyncset.done $0x0  }
0x3e: {  	s4 =	simm.s32 @!p0 $0x11E40;
	s7 =	simm.s32 @!p0 $0xB;
	[sflag:s21] =	ssyncadd.s32 $0xFFFFCE00  }
0x3f: {  	[tilespmem:s4], [sflag:$0xB] =	stream.linear.gather @!p0 [spmem:s11], $0x3200, $0x38;
	[tilespmem:$0x1ECA0] =	vst v63  }
0x40: {  	_ =	swait.ge @!p0 [sflag:s7], $0x3200  }
0x41: {  	s18 =	simm.s32 @!p0 $0x40;
	[sflag:s7] =	ssyncset.done @!p0 $0x0  }
0x42: {  	s20 =	simm.s32 @!p0 $0x80;
	s22 =	rddreg [dreg:$0xd];
	[sflag:s7] =	ssyncadd.s32 @!p0 $0xFFFFCE00  }
0x43: {  	[hbm4b:s22+s18] =	stream.strided.scatter @!p0 [tilespmem:s4], [sflag:$0xB], $0x3200, s20, s18, $0x38;
	[tilespmem:$0x1ECA0] =	vst v63  }
0x44: {  	_ =	swait.ge @!p0 [sflag:s7], $0x3200  }
0x45: {  	s15 =	sadd.s32 $0x1, s15;
	s23 =	rddreg [dreg:$0xe]  }
0x46: {  	p1 =	sne.s32 s15, s23  }
.Ltmp1:
0x47: {  	_ = 	snop;
	(pc) =	sbr.rel @!p1 .LBB2_10-.Ltmp1, $3  }
0x48: {  	_ =	sdelay $0x1  }
0x49: {  	[sflag:s7] =	ssyncset.done @!p0 $0x0  }
0x4a: {  	[sflag:s7] =	ssyncadd.s32 @!p0 $0xFFFFCE00  }
.LBB2_1:
0x4b: {  	s7 =	simm.s32 $0x0;
	s4 =	rddreg [dreg:$0x4]  }
0x4c: {  	[tilespmem:s7], [sflag:$0xB] =	stream.linear.gather [hbm4b:s4+s7], $0x2800, $0x38;
	[tilespmem:$0x1ECA0] =	vst v63  }
0x4d: {  	_ =	swait.ge [sflag:s21], $0x2800  }
0x4e: {  	[sflag:s21] =	ssyncset.done $0x0  }
0x4f: {  	s18 =	simm.s32 $0x2800;
	s22 =	rddreg [dreg:$0x5];
	[sflag:s21] =	ssyncadd.s32 $0xFFFFD800  }
0x50: {  	[tilespmem:s18], [sflag:$0xB] =	stream.linear.gather [hbm4b:s22+s7], $0x2800, $0x38;
	[tilespmem:$0x1ECA0] =	vst v63  }
0x51: {  	s23 =	sand.u32 $0xFF00, s7;
	s4 =	simm.s32 $0x40;
	_ =	swait.ge [sflag:s21], $0x2800  }
0x52: {  	s23 =	sshrl.u32 s23, $0x2;
	s22 =	sand.u32 $0x30, s7;
	[sflag:s21] =	ssyncset.done $0x0  }
0x53: {  	s23 =	sor.u32 s22, s23;
	s22 =	simm.s32 $0x0;
	[sflag:s21] =	ssyncadd.s32 $0xFFFFD800  }
.LBB2_2:
0x54: {  	p1 =	sne.s32 s4, $0xC7C0  }
0x55: {  	[tilespmem:s23+$0xEC40] =	vst v0;
	s22 =	sadd.s32 $0x10, s22;
	s23 =	smov.u32 s4;
	s4 =	sadd.s32 $0x40, s4  }
.Ltmp2:
0x56: {  	(pc) =	sbr.rel @p1 .LBB2_2-.Ltmp2, $4  }
0x57: {  	_ = 	snop  }
0x58: {  	s23 =	sand.u32 $0xFF00, s23  }
0x59: {  	s18 =	sand.u32 $0x30, s22;
	s23 =	sshrl.u32 s23, $0x2  }
0x5a: {  	s23 =	sor.u32 s18, s23  }
0x5b: {  	[tilespmem:s23+$0xEC40] =	vst v0;
	s4 =	simm.s32 $0xEC40  }
0x5c: {  	[spmem:s8] =	stream.linear.scatter [tilespmem:s4], [sflag:$0xB], $0x3200, $0x38;
	[tilespmem:$0x1ECA0] =	vst v63  }
0x5d: {  	_ =	swait.ge [sflag:s21], $0x3200  }
0x5e: {  	[sflag:s21] =	ssyncset.done $0x0  }
0x5f: {  	[sflag:s21] =	ssyncadd.s32 $0xFFFFCE00  }
0x60: {  	[spmem:s9] =	stream.linear.scatter [tilespmem:s4], [sflag:$0xB], $0x3200, $0x38;
	[tilespmem:$0x1ECA0] =	vst v63  }
0x61: {  	_ =	swait.ge [sflag:s21], $0x3200  }
0x62: {  	[sflag:s21] =	ssyncset.done $0x0  }
0x63: {  	[sflag:s21] =	ssyncadd.s32 $0xFFFFCE00  }
0x64: {  	[spmem:s10] =	stream.linear.scatter [tilespmem:s4], [sflag:$0xB], $0x3200, $0x38;
	[tilespmem:$0x1ECA0] =	vst v63  }
0x65: {  	_ =	swait.ge [sflag:s21], $0x3200  }
0x66: {  	[sflag:s21] =	ssyncset.done $0x0  }
0x67: {  	s4 =	simm.s32 @!p0 $0xEC40;
	[sflag:s21] =	ssyncadd.s32 $0xFFFFCE00  }
0x68: {  	[spmem:s11] =	stream.linear.scatter @!p0 [tilespmem:s4], [sflag:$0xB], $0x3200, $0x38;
	[tilespmem:$0x1ECA0] =	vst v63  }
0x69: {  	s4 =	simm.s32 @!p0 $0xB  }
0x6a: {  	_ =	swait.ge @!p0 [sflag:s4], $0x3200  }
0x6b: {  	[sflag:s4] =	ssyncset.done @!p0 $0x0  }
0x6c: {  	[sflag:s4] =	ssyncadd.s32 @!p0 $0xFFFFCE00  }
0x6d: {  	s22 =	simm.s32 $0x0;
	[bflag:$0x0] =	sbarrier.arrive $0xFFFF  }
0x6e: {  	[tilespmem:s25], [sflag:$0x1] =	stream.indirect.gather [hbm4b:s1+s24], $0x40, s22, s24, $0xb8;
	[tilespmem:$0x1ECA0] =	vst v63  }
0x6f: {  	_ = 	snop  }
0x70: {  	[tilespmem:s28], [sflag:$0x2] =	stream.indirect.gather [hbm4b:s1+s24], $0x40, s26, s24, $0xb8;
	[tilespmem:$0x1ECA0] =	vst v63  }
0x71: {  	s23 =	simm.s32 $0x100  }
0x72: {  	[tilespmem:s30], [sflag:$0x3] =	stream.indirect.gather [hbm4b:s1+s24], $0x40, s23, s24, $0xb8;
	[tilespmem:$0x1ECA0] =	vst v63  }
0x73: {  	_ =	swait.ge [sflag:s31], $0x1F40  }
0x74: {  	[sflag:s31] =	ssyncset.done $0x0  }
0x75: {  	s7 =	simm.s32 $0x2800;
	[sflag:s31] =	ssyncadd.s32 $0xFFFFE0C0  }
0x76: {  	[spmem:s3] =	stream.indirect.scatter.add.f32 [tilespmem:s25], [sflag:$0x6], $0x40, s7, s24, $0xb8;
	[tilespmem:$0x1ECA0] =	vst v63  }
0x77: {  	s18 =	simm.s32 $0x180  }
0x78: {  	[tilespmem:s0], [sflag:$0x4] =	stream.indirect.gather [hbm4b:s1+s24], $0x40, s18, s24, $0xb8;
	[tilespmem:$0x1ECA0] =	vst v63  }
0x79: {  	_ =	swait.ge [sflag:s6], $0x1F40  }
0x7a: {  	[sflag:s6] =	ssyncset.done $0x0  }
0x7b: {  	s20 =	simm.s32 $0x2880;
	[sflag:s6] =	ssyncadd.s32 $0xFFFFE0C0  }
0x7c: {  	[spmem:s3] =	stream.indirect.scatter.add.f32 [tilespmem:s28], [sflag:$0x7], $0x40, s20, s24, $0xb8;
	[tilespmem:$0x1ECA0] =	vst v63  }
0x7d: {  	s23 =	simm.s32 $0x200  }
0x7e: {  	[tilespmem:s13], [sflag:$0x5] =	stream.indirect.gather [hbm4b:s1+s24], $0x40, s23, s24, $0xb8;
	[tilespmem:$0x1ECA0] =	vst v63  }
0x7f: {  	_ =	swait.ge [sflag:s14], $0x1F40  }
0x80: {  	[sflag:s14] =	ssyncset.done $0x0  }
0x81: {  	s7 =	simm.s32 $0x2900;
	[sflag:s14] =	ssyncadd.s32 $0xFFFFE0C0  }
0x82: {  	[spmem:s3] =	stream.indirect.scatter.add.f32 [tilespmem:s30], [sflag:$0x8], $0x40, s7, s24, $0xb8;
	[tilespmem:$0x1ECA0] =	vst v63  }
0x83: {  	_ =	swait.ge [sflag:s16], $0x1F40  }
0x84: {  	[sflag:s16] =	ssyncset.done $0x0  }
0x85: {  	s18 =	simm.s32 $0x280;
	s20 =	simm.s32 $0x4;
	[sflag:s16] =	ssyncadd.s32 $0xFFFFE0C0  }
0x86: {  	[tilespmem:s25], [sflag:$0x1] =	stream.indirect.gather [hbm4b:s1+s24], $0x40, s18, s24, $0xb8;
	[tilespmem:$0x1ECA0] =	vst v63  }
0x87: {  	_ =	swait.ge [sflag:s20], $0x1F40  }
0x88: {  	[sflag:s20] =	ssyncset.done $0x0  }
0x89: {  	s23 =	simm.s32 $0x2980;
	s7 =	simm.s32 $0x7;
	[sflag:s20] =	ssyncadd.s32 $0xFFFFE0C0  }
0x8a: {  	[spmem:s3] =	stream.indirect.scatter.add.f32 [tilespmem:s0], [sflag:$0x9], $0x40, s23, s24, $0xb8;
	[tilespmem:$0x1ECA0] =	vst v63  }
0x8b: {  	_ =	swait.ge [sflag:s7], $0x1F40  }
0x8c: {  	[sflag:s7] =	ssyncset.done $0x0  }
0x8d: {  	s18 =	simm.s32 $0x300;
	[sflag:s7] =	ssyncadd.s32 $0xFFFFE0C0  }
0x8e: {  	[tilespmem:s28], [sflag:$0x2] =	stream.indirect.gather [hbm4b:s1+s24], $0x40, s18, s24, $0xb8;
	[tilespmem:$0x1ECA0] =	vst v63  }
0x8f: {  	_ =	swait.ge [sflag:s2], $0x1F40  }
0x90: {  	[sflag:s2] =	ssyncset.done $0x0  }
0x91: {  	s20 =	simm.s32 $0x2A00;
	[sflag:s2] =	ssyncadd.s32 $0xFFFFE0C0  }
0x92: {  	[spmem:s3] =	stream.indirect.scatter.add.f32 [tilespmem:s13], [sflag:$0xA], $0x40, s20, s24, $0xb8;
	[tilespmem:$0x1ECA0] =	vst v63  }
0x93: {  	_ =	swait.ge [sflag:s12], $0x1F40  }
0x94: {  	[sflag:s12] =	ssyncset.done $0x0  }
0x95: {  	s23 =	simm.s32 $0x380;
	[sflag:s12] =	ssyncadd.s32 $0xFFFFE0C0  }
0x96: {  	[tilespmem:s30], [sflag:$0x3] =	stream.indirect.gather [hbm4b:s1+s24], $0x40, s23, s24, $0xb8;
	[tilespmem:$0x1ECA0] =	vst v63  }
.LBB2_4:
0x97: {  	_ =	swait.ge [sflag:s31], $0x1F40  }
0x98: {  	s4 =	sshra.s32 s22, $0x2;
	[sflag:s31] =	ssyncset.done $0x0  }
0x99: {  	s18 =	sadd.s32 $0x2A80, s4;
	[sflag:s31] =	ssyncadd.s32 $0xFFFFE0C0  }
0x9a: {  	[spmem:s3] =	stream.indirect.scatter.add.f32 [tilespmem:s25], [sflag:$0x6], $0x40, s18, s24, $0xb8;
	[tilespmem:$0x1ECA0] =	vst v63  }
0x9b: {  	_ =	swait.ge [sflag:s17], $0x1F40  }
0x9c: {  	[sflag:s17] =	ssyncset.done $0x0  }
0x9d: {  	s20 =	sadd.s32 $0x400, s4;
	[sflag:s17] =	ssyncadd.s32 $0xFFFFE0C0  }
0x9e: {  	[tilespmem:s0], [sflag:$0x4] =	stream.indirect.gather [hbm4b:s1+s24], $0x40, s20, s24, $0xb8;
	[tilespmem:$0x1ECA0] =	vst v63  }
0x9f: {  	_ =	swait.ge [sflag:s6], $0x1F40  }
0xa0: {  	[sflag:s6] =	ssyncset.done $0x0  }
0xa1: {  	s23 =	sadd.s32 $0x2B00, s4;
	[sflag:s6] =	ssyncadd.s32 $0xFFFFE0C0  }
0xa2: {  	[spmem:s3] =	stream.indirect.scatter.add.f32 [tilespmem:s28], [sflag:$0x7], $0x40, s23, s24, $0xb8;
	[tilespmem:$0x1ECA0] =	vst v63  }
0xa3: {  	_ =	swait.ge [sflag:s19], $0x1F40  }
0xa4: {  	[sflag:s19] =	ssyncset.done $0x0  }
0xa5: {  	s7 =	sadd.s32 $0x480, s4;
	[sflag:s19] =	ssyncadd.s32 $0xFFFFE0C0  }
0xa6: {  	[tilespmem:s13], [sflag:$0x5] =	stream.indirect.gather [hbm4b:s1+s24], $0x40, s7, s24, $0xb8;
	[tilespmem:$0x1ECA0] =	vst v63  }
0xa7: {  	_ =	swait.ge [sflag:s14], $0x1F40  }
0xa8: {  	[sflag:s14] =	ssyncset.done $0x0  }
0xa9: {  	s20 =	sadd.s32 $0x2B80, s4;
	[sflag:s14] =	ssyncadd.s32 $0xFFFFE0C0  }
0xaa: {  	[spmem:s3] =	stream.indirect.scatter.add.f32 [tilespmem:s30], [sflag:$0x8], $0x40, s20, s24, $0xb8;
	[tilespmem:$0x1ECA0] =	vst v63  }
0xab: {  	_ =	swait.ge [sflag:s16], $0x1F40  }
0xac: {  	p1 =	seq.s32 s22, $0x8C00;
	[sflag:s16] =	ssyncset.done $0x0  }
0xad: {  	s18 =	simm.s32 @p1 $0x4;
	[sflag:s16] =	ssyncadd.s32 $0xFFFFE0C0  }
0xae: {  	_ =	swait.ge @p1 [sflag:s18], $0x1F40  }
0xaf: {  	[sflag:s18] =	ssyncset.done @p1 $0x0  }
0xb0: {  	[sflag:s18] =	ssyncadd.s32 @p1 $0xFFFFE0C0;
	s18 =	sshra.s32 @p1 s22, $0x2  }
0xb1: {  	s23 =	simm.s32 @p1 $0x7D;
	s20 =	simm.s32 @p1 $0xADC0;
	s18 =	sadd.s32 @p1 $0x2C00, s18  }
0xb2: {  	[spmem:s3] =	stream.indirect.scatter.add.f32 @p1 [tilespmem:s20], [sflag:$0x9], $0x40, s18, s23, $0xb8;
	[tilespmem:$0x1ECA0] =	vst v63  }
0xb3: {  	s18 =	simm.s32 @p1 $0x7  }
0xb4: {  	_ =	swait.ge @p1 [sflag:s18], $0x1F40  }
0xb5: {  	[sflag:s18] =	ssyncset.done @p1 $0x0  }
0xb6: {  	[sflag:s18] =	ssyncadd.s32 @p1 $0xFFFFE0C0;
	s18 =	sshra.s32 @!p1 s22, $0x2  }
0xb7: {  	s7 =	simm.s32 @!p1 $0x5000;
	s23 =	simm.s32 @!p1 $0x7D;
	s20 =	sadd.s32 @!p1 $0x500, s18  }
0xb8: {  	[tilespmem:s7], [sflag:$0x1] =	stream.indirect.gather @!p1 [hbm4b:s1+s23], $0x40, s20, s23, $0xb8;
	[tilespmem:$0x1ECA0] =	vst v63  }
0xb9: {  	s7 =	simm.s32 @!p1 $0x4  }
0xba: {  	_ =	swait.ge @!p1 [sflag:s7], $0x1F40  }
0xbb: {  	[sflag:s7] =	ssyncset.done @!p1 $0x0  }
0xbc: {  	s20 =	simm.s32 @!p1 $0xADC0;
	[sflag:s7] =	ssyncadd.s32 @!p1 $0xFFFFE0C0;
	s7 =	sadd.s32 @!p1 $0x2C00, s18  }
0xbd: {  	[spmem:s3] =	stream.indirect.scatter.add.f32 @!p1 [tilespmem:s20], [sflag:$0x9], $0x40, s7, s23, $0xb8;
	[tilespmem:$0x1ECA0] =	vst v63  }
0xbe: {  	s7 =	simm.s32 @!p1 $0x7  }
0xbf: {  	_ =	swait.ge @!p1 [sflag:s7], $0x1F40  }
0xc0: {  	[sflag:s7] =	ssyncset.done @!p1 $0x0  }
0xc1: {  	[sflag:s7] =	ssyncadd.s32 @!p1 $0xFFFFE0C0;
	s7 =	sadd.s32 @!p1 $0x580, s18;
	s18 =	simm.s32 @!p1 $0x6F40  }
0xc2: {  	[tilespmem:s18], [sflag:$0x2] =	stream.indirect.gather @!p1 [hbm4b:s1+s23], $0x40, s7, s23, $0xb8;
	[tilespmem:$0x1ECA0] =	vst v63  }
0xc3: {  	_ =	swait.ge [sflag:s2], $0x1F40  }
0xc4: {  	[sflag:s2] =	ssyncset.done $0x0  }
.Ltmp3:
0xc5: {  	s23 =	sadd.s32 $0x2C80, s4;
	[sflag:s2] =	ssyncadd.s32 $0xFFFFE0C0;
	(pc) =	sbr.rel @p1 .LBB2_6-.Ltmp3, $4  }
0xc6: {  	[spmem:s3] =	stream.indirect.scatter.add.f32 [tilespmem:s13], [sflag:$0xA], $0x40, s23, s24, $0xb8;
	[tilespmem:$0x1ECA0] =	vst v63  }
0xc7: {  	_ =	swait.ge [sflag:s12], $0x1F40  }
0xc8: {  	[sflag:s12] =	ssyncset.done $0x0  }
0xc9: {  	[sflag:s12] =	ssyncadd.s32 $0xFFFFE0C0  }
.Ltmp4:
0xca: {  	(pc) =	sbr.rel .LBB2_4-.Ltmp4, $3  }
0xcb: {  	_ =	sdelay $0x1  }
0xcc: {  	s4 =	sadd.s32 $0x600, s4;
	s22 =	sadd.s32 $0xA00, s22  }
0xcd: {  	[tilespmem:s30], [sflag:$0x3] =	stream.indirect.gather [hbm4b:s1+s24], $0x40, s4, s24, $0xb8;
	[tilespmem:$0x1ECA0] =	vst v63  }
.LBB2_6:
0xce: {  	_ =	swait.ge [sflag:s17], $0x1F40  }
0xcf: {  	[sflag:s17] =	ssyncset.done $0x0  }
0xd0: {  	[sflag:s17] =	ssyncadd.s32 $0xFFFFE0C0  }
0xd1: {  	_ =	swait.ge [sflag:s19], $0x1F40  }
0xd2: {  	[sflag:s19] =	ssyncset.done $0x0  }
0xd3: {  	[sflag:s19] =	ssyncadd.s32 $0xFFFFE0C0  }
0xd4: {  	[bflag:$0x0] =	sbarrier.arrive $0xFFFF  }
0xd5: {  	[tilespmem:s29], [sflag:$0xB] =	stream.linear.gather [spmem:s8], $0x3200, $0x38;
	[tilespmem:$0x1ECA0] =	vst v63  }
0xd6: {  	_ =	swait.ge [sflag:s21], $0x3200  }
0xd7: {  	[sflag:s21] =	ssyncset.done $0x0  }
0xd8: {  	s7 =	simm.s32 $0x40;
	s4 =	rddreg [dreg:$0x6];
	[sflag:s21] =	ssyncadd.s32 $0xFFFFCE00  }
0xd9: {  	[hbm4b:s4+s7] =	stream.strided.scatter [tilespmem:s29], [sflag:$0xB], $0x3200, s26, s7, $0x38;
	[tilespmem:$0x1ECA0] =	vst v63  }
0xda: {  	_ =	swait.ge [sflag:s21], $0x3200  }
0xdb: {  	[sflag:s21] =	ssyncset.done $0x0  }
0xdc: {  	[sflag:s21] =	ssyncadd.s32 $0xFFFFCE00  }
0xdd: {  	[tilespmem:s29], [sflag:$0xB] =	stream.linear.gather [spmem:s9], $0x3200, $0x38;
	[tilespmem:$0x1ECA0] =	vst v63  }
0xde: {  	_ =	swait.ge [sflag:s21], $0x3200  }
0xdf: {  	[sflag:s21] =	ssyncset.done $0x0  }
0xe0: {  	s18 =	rddreg [dreg:$0x7];
	[sflag:s21] =	ssyncadd.s32 $0xFFFFCE00  }
0xe1: {  	[hbm4b:s18+s7] =	stream.strided.scatter [tilespmem:s29], [sflag:$0xB], $0x3200, s26, s7, $0x38;
	[tilespmem:$0x1ECA0] =	vst v63  }
0xe2: {  	_ =	swait.ge [sflag:s21], $0x3200  }
0xe3: {  	[sflag:s21] =	ssyncset.done $0x0  }
0xe4: {  	[sflag:s21] =	ssyncadd.s32 $0xFFFFCE00  }
0xe5: {  	[tilespmem:s29], [sflag:$0xB] =	stream.linear.gather [spmem:s10], $0x3200, $0x38;
	[tilespmem:$0x1ECA0] =	vst v63  }
0xe6: {  	_ =	swait.ge [sflag:s21], $0x3200  }
0xe7: {  	[sflag:s21] =	ssyncset.done $0x0  }
0xe8: {  	s20 =	rddreg [dreg:$0x8];
	[sflag:s21] =	ssyncadd.s32 $0xFFFFCE00  }
0xe9: {  	[hbm4b:s20+s7] =	stream.strided.scatter [tilespmem:s29], [sflag:$0xB], $0x3200, s26, s7, $0x38;
	[tilespmem:$0x1ECA0] =	vst v63  }
0xea: {  	_ =	swait.ge [sflag:s21], $0x3200  }
0xeb: {  	[sflag:s21] =	ssyncset.done $0x0  }
0xec: {  	s4 =	simm.s32 @!p0 $0x11E40;
	s7 =	simm.s32 @!p0 $0xB;
	[sflag:s21] =	ssyncadd.s32 $0xFFFFCE00  }
0xed: {  	[tilespmem:s4], [sflag:$0xB] =	stream.linear.gather @!p0 [spmem:s11], $0x3200, $0x38;
	[tilespmem:$0x1ECA0] =	vst v63  }
0xee: {  	_ =	swait.ge @!p0 [sflag:s7], $0x3200  }
0xef: {  	s18 =	simm.s32 @!p0 $0x40;
	[sflag:s7] =	ssyncset.done @!p0 $0x0  }
0xf0: {  	s20 =	simm.s32 @!p0 $0x80;
	s22 =	rddreg [dreg:$0x9];
	[sflag:s7] =	ssyncadd.s32 @!p0 $0xFFFFCE00  }
0xf1: {  	[hbm4b:s22+s18] =	stream.strided.scatter @!p0 [tilespmem:s4], [sflag:$0xB], $0x3200, s20, s18, $0x38;
	[tilespmem:$0x1ECA0] =	vst v63  }
0xf2: {  	_ =	swait.ge @!p0 [sflag:s7], $0x3200  }
0xf3: {  	[sflag:s7] =	ssyncset.done @!p0 $0x0  }
0xf4: {  	s22 =	simm.s32 $0xEC40;
	[sflag:s7] =	ssyncadd.s32 @!p0 $0xFFFFCE00  }
0xf5: {  	[spmem:s8] =	stream.linear.scatter [tilespmem:s22], [sflag:$0xB], $0x3200, $0x38;
	[tilespmem:$0x1ECA0] =	vst v63  }
0xf6: {  	_ =	swait.ge [sflag:s21], $0x3200  }
0xf7: {  	[sflag:s21] =	ssyncset.done $0x0  }
0xf8: {  	[sflag:s21] =	ssyncadd.s32 $0xFFFFCE00  }
0xf9: {  	[spmem:s9] =	stream.linear.scatter [tilespmem:s22], [sflag:$0xB], $0x3200, $0x38;
	[tilespmem:$0x1ECA0] =	vst v63  }
0xfa: {  	_ =	swait.ge [sflag:s21], $0x3200  }
0xfb: {  	[sflag:s21] =	ssyncset.done $0x0  }
0xfc: {  	[sflag:s21] =	ssyncadd.s32 $0xFFFFCE00  }
0xfd: {  	[spmem:s10] =	stream.linear.scatter [tilespmem:s22], [sflag:$0xB], $0x3200, $0x38;
	[tilespmem:$0x1ECA0] =	vst v63  }
0xfe: {  	_ =	swait.ge [sflag:s21], $0x3200  }
0xff: {  	[sflag:s21] =	ssyncset.done $0x0  }
0x100: {  	s4 =	simm.s32 @!p0 $0xEC40;
	[sflag:s21] =	ssyncadd.s32 $0xFFFFCE00  }
0x101: {  	[spmem:s11] =	stream.linear.scatter @!p0 [tilespmem:s4], [sflag:$0xB], $0x3200, $0x38;
	[tilespmem:$0x1ECA0] =	vst v63  }
0x102: {  	_ =	swait.ge @!p0 [sflag:s7], $0x3200  }
0x103: {  	[sflag:s7] =	ssyncset.done @!p0 $0x0  }
0x104: {  	[sflag:s7] =	ssyncadd.s32 @!p0 $0xFFFFCE00  }
0x105: {  	s22 =	simm.s32 $0x0;
	[bflag:$0x0] =	sbarrier.arrive $0xFFFF  }
0x106: {  	[tilespmem:s25], [sflag:$0x1] =	stream.indirect.gather [hbm4b:s5+s24], $0x40, s22, s24, $0xb8;
	[tilespmem:$0x1ECA0] =	vst v63  }
0x107: {  	_ = 	snop  }
0x108: {  	[tilespmem:s28], [sflag:$0x2] =	stream.indirect.gather [hbm4b:s5+s24], $0x40, s26, s24, $0xb8;
	[tilespmem:$0x1ECA0] =	vst v63  }
0x109: {  	s23 =	simm.s32 $0x100  }
0x10a: {  	[tilespmem:s30], [sflag:$0x3] =	stream.indirect.gather [hbm4b:s5+s24], $0x40, s23, s24, $0xb8;
	[tilespmem:$0x1ECA0] =	vst v63  }
0x10b: {  	_ =	swait.ge [sflag:s31], $0x1F40  }
0x10c: {  	[sflag:s31] =	ssyncset.done $0x0  }
0x10d: {  	s7 =	simm.s32 $0x2800;
	[sflag:s31] =	ssyncadd.s32 $0xFFFFE0C0  }
0x10e: {  	[spmem:s3] =	stream.indirect.scatter.add.f32 [tilespmem:s25], [sflag:$0x6], $0x40, s7, s24, $0xb8;
	[tilespmem:$0x1ECA0] =	vst v63  }
0x10f: {  	s18 =	simm.s32 $0x180  }
0x110: {  	[tilespmem:s0], [sflag:$0x4] =	stream.indirect.gather [hbm4b:s5+s24], $0x40, s18, s24, $0xb8;
	[tilespmem:$0x1ECA0] =	vst v63  }
0x111: {  	_ =	swait.ge [sflag:s6], $0x1F40  }
0x112: {  	[sflag:s6] =	ssyncset.done $0x0  }
0x113: {  	s20 =	simm.s32 $0x2880;
	[sflag:s6] =	ssyncadd.s32 $0xFFFFE0C0  }
0x114: {  	[spmem:s3] =	stream.indirect.scatter.add.f32 [tilespmem:s28], [sflag:$0x7], $0x40, s20, s24, $0xb8;
	[tilespmem:$0x1ECA0] =	vst v63  }
0x115: {  	s23 =	simm.s32 $0x200  }
0x116: {  	[tilespmem:s13], [sflag:$0x5] =	stream.indirect.gather [hbm4b:s5+s24], $0x40, s23, s24, $0xb8;
	[tilespmem:$0x1ECA0] =	vst v63  }
0x117: {  	_ =	swait.ge [sflag:s14], $0x1F40  }
0x118: {  	[sflag:s14] =	ssyncset.done $0x0  }
0x119: {  	s7 =	simm.s32 $0x2900;
	[sflag:s14] =	ssyncadd.s32 $0xFFFFE0C0  }
0x11a: {  	[spmem:s3] =	stream.indirect.scatter.add.f32 [tilespmem:s30], [sflag:$0x8], $0x40, s7, s24, $0xb8;
	[tilespmem:$0x1ECA0] =	vst v63  }
0x11b: {  	_ =	swait.ge [sflag:s16], $0x1F40  }
0x11c: {  	[sflag:s16] =	ssyncset.done $0x0  }
0x11d: {  	s18 =	simm.s32 $0x280;
	s20 =	simm.s32 $0x4;
	[sflag:s16] =	ssyncadd.s32 $0xFFFFE0C0  }
0x11e: {  	[tilespmem:s25], [sflag:$0x1] =	stream.indirect.gather [hbm4b:s5+s24], $0x40, s18, s24, $0xb8;
	[tilespmem:$0x1ECA0] =	vst v63  }
0x11f: {  	_ =	swait.ge [sflag:s20], $0x1F40  }
0x120: {  	[sflag:s20] =	ssyncset.done $0x0  }
0x121: {  	s23 =	simm.s32 $0x2980;
	s7 =	simm.s32 $0x7;
	[sflag:s20] =	ssyncadd.s32 $0xFFFFE0C0  }
0x122: {  	[spmem:s3] =	stream.indirect.scatter.add.f32 [tilespmem:s0], [sflag:$0x9], $0x40, s23, s24, $0xb8;
	[tilespmem:$0x1ECA0] =	vst v63  }
0x123: {  	_ =	swait.ge [sflag:s7], $0x1F40  }
0x124: {  	[sflag:s7] =	ssyncset.done $0x0  }
0x125: {  	s18 =	simm.s32 $0x300;
	[sflag:s7] =	ssyncadd.s32 $0xFFFFE0C0  }
0x126: {  	[tilespmem:s28], [sflag:$0x2] =	stream.indirect.gather [hbm4b:s5+s24], $0x40, s18, s24, $0xb8;
	[tilespmem:$0x1ECA0] =	vst v63  }
0x127: {  	_ =	swait.ge [sflag:s2], $0x1F40  }
0x128: {  	[sflag:s2] =	ssyncset.done $0x0  }
0x129: {  	s20 =	simm.s32 $0x2A00;
	[sflag:s2] =	ssyncadd.s32 $0xFFFFE0C0  }
0x12a: {  	[spmem:s3] =	stream.indirect.scatter.add.f32 [tilespmem:s13], [sflag:$0xA], $0x40, s20, s24, $0xb8;
	[tilespmem:$0x1ECA0] =	vst v63  }
0x12b: {  	_ =	swait.ge [sflag:s12], $0x1F40  }
0x12c: {  	[sflag:s12] =	ssyncset.done $0x0  }
0x12d: {  	s23 =	simm.s32 $0x380;
	[sflag:s12] =	ssyncadd.s32 $0xFFFFE0C0  }
0x12e: {  	[tilespmem:s30], [sflag:$0x3] =	stream.indirect.gather [hbm4b:s5+s24], $0x40, s23, s24, $0xb8;
	[tilespmem:$0x1ECA0] =	vst v63  }
.LBB2_7:
0x12f: {  	_ =	swait.ge [sflag:s31], $0x1F40  }
0x130: {  	s4 =	sshra.s32 s22, $0x2;
	[sflag:s31] =	ssyncset.done $0x0  }
0x131: {  	s7 =	sadd.s32 $0x2A80, s4;
	[sflag:s31] =	ssyncadd.s32 $0xFFFFE0C0  }
0x132: {  	[spmem:s3] =	stream.indirect.scatter.add.f32 [tilespmem:s25], [sflag:$0x6], $0x40, s7, s24, $0xb8;
	[tilespmem:$0x1ECA0] =	vst v63  }
0x133: {  	_ =	swait.ge [sflag:s17], $0x1F40  }
0x134: {  	[sflag:s17] =	ssyncset.done $0x0  }
0x135: {  	s20 =	sadd.s32 $0x400, s4;
	[sflag:s17] =	ssyncadd.s32 $0xFFFFE0C0  }
0x136: {  	[tilespmem:s0], [sflag:$0x4] =	stream.indirect.gather [hbm4b:s5+s24], $0x40, s20, s24, $0xb8;
	[tilespmem:$0x1ECA0] =	vst v63  }
0x137: {  	_ =	swait.ge [sflag:s6], $0x1F40  }
0x138: {  	[sflag:s6] =	ssyncset.done $0x0  }
0x139: {  	s23 =	sadd.s32 $0x2B00, s4;
	[sflag:s6] =	ssyncadd.s32 $0xFFFFE0C0  }
0x13a: {  	[spmem:s3] =	stream.indirect.scatter.add.f32 [tilespmem:s28], [sflag:$0x7], $0x40, s23, s24, $0xb8;
	[tilespmem:$0x1ECA0] =	vst v63  }
0x13b: {  	_ =	swait.ge [sflag:s19], $0x1F40  }
0x13c: {  	[sflag:s19] =	ssyncset.done $0x0  }
0x13d: {  	s18 =	sadd.s32 $0x480, s4;
	[sflag:s19] =	ssyncadd.s32 $0xFFFFE0C0  }
0x13e: {  	[tilespmem:s13], [sflag:$0x5] =	stream.indirect.gather [hbm4b:s5+s24], $0x40, s18, s24, $0xb8;
	[tilespmem:$0x1ECA0] =	vst v63  }
0x13f: {  	_ =	swait.ge [sflag:s14], $0x1F40  }
0x140: {  	[sflag:s14] =	ssyncset.done $0x0  }
0x141: {  	s20 =	sadd.s32 $0x2B80, s4;
	[sflag:s14] =	ssyncadd.s32 $0xFFFFE0C0  }
0x142: {  	[spmem:s3] =	stream.indirect.scatter.add.f32 [tilespmem:s30], [sflag:$0x8], $0x40, s20, s24, $0xb8;
	[tilespmem:$0x1ECA0] =	vst v63  }
0x143: {  	_ =	swait.ge [sflag:s16], $0x1F40  }
0x144: {  	p1 =	seq.s32 s22, $0x8C00;
	[sflag:s16] =	ssyncset.done $0x0  }
0x145: {  	s7 =	simm.s32 @p1 $0x4;
	[sflag:s16] =	ssyncadd.s32 $0xFFFFE0C0  }
0x146: {  	_ =	swait.ge @p1 [sflag:s7], $0x1F40  }
0x147: {  	[sflag:s7] =	ssyncset.done @p1 $0x0  }
0x148: {  	[sflag:s7] =	ssyncadd.s32 @p1 $0xFFFFE0C0;
	s7 =	sshra.s32 @p1 s22, $0x2  }
0x149: {  	s18 =	simm.s32 @p1 $0x7D;
	s20 =	simm.s32 @p1 $0xADC0;
	s7 =	sadd.s32 @p1 $0x2C00, s7  }
0x14a: {  	[spmem:s3] =	stream.indirect.scatter.add.f32 @p1 [tilespmem:s20], [sflag:$0x9], $0x40, s7, s18, $0xb8;
	[tilespmem:$0x1ECA0] =	vst v63  }
0x14b: {  	s7 =	simm.s32 @p1 $0x7  }
0x14c: {  	_ =	swait.ge @p1 [sflag:s7], $0x1F40  }
0x14d: {  	[sflag:s7] =	ssyncset.done @p1 $0x0  }
0x14e: {  	[sflag:s7] =	ssyncadd.s32 @p1 $0xFFFFE0C0;
	s7 =	sshra.s32 @!p1 s22, $0x2  }
0x14f: {  	s23 =	simm.s32 @!p1 $0x5000;
	s20 =	simm.s32 @!p1 $0x7D;
	s18 =	sadd.s32 @!p1 $0x500, s7  }
0x150: {  	[tilespmem:s23], [sflag:$0x1] =	stream.indirect.gather @!p1 [hbm4b:s5+s20], $0x40, s18, s20, $0xb8;
	[tilespmem:$0x1ECA0] =	vst v63  }
0x151: {  	s18 =	simm.s32 @!p1 $0x4  }
0x152: {  	_ =	swait.ge @!p1 [sflag:s18], $0x1F40  }
0x153: {  	[sflag:s18] =	ssyncset.done @!p1 $0x0  }
0x154: {  	s23 =	simm.s32 @!p1 $0xADC0;
	[sflag:s18] =	ssyncadd.s32 @!p1 $0xFFFFE0C0;
	s18 =	sadd.s32 @!p1 $0x2C00, s7  }
0x155: {  	[spmem:s3] =	stream.indirect.scatter.add.f32 @!p1 [tilespmem:s23], [sflag:$0x9], $0x40, s18, s20, $0xb8;
	[tilespmem:$0x1ECA0] =	vst v63  }
0x156: {  	s18 =	simm.s32 @!p1 $0x7  }
0x157: {  	_ =	swait.ge @!p1 [sflag:s18], $0x1F40  }
0x158: {  	[sflag:s18] =	ssyncset.done @!p1 $0x0  }
0x159: {  	s7 =	sadd.s32 @!p1 $0x580, s7;
	[sflag:s18] =	ssyncadd.s32 @!p1 $0xFFFFE0C0;
	s18 =	simm.s32 @!p1 $0x6F40  }
0x15a: {  	[tilespmem:s18], [sflag:$0x2] =	stream.indirect.gather @!p1 [hbm4b:s5+s20], $0x40, s7, s20, $0xb8;
	[tilespmem:$0x1ECA0] =	vst v63  }
0x15b: {  	_ =	swait.ge [sflag:s2], $0x1F40  }
0x15c: {  	[sflag:s2] =	ssyncset.done $0x0  }
.Ltmp5:
0x15d: {  	s23 =	sadd.s32 $0x2C80, s4;
	[sflag:s2] =	ssyncadd.s32 $0xFFFFE0C0;
	(pc) =	sbr.rel @p1 .LBB2_9-.Ltmp5, $4  }
0x15e: {  	[spmem:s3] =	stream.indirect.scatter.add.f32 [tilespmem:s13], [sflag:$0xA], $0x40, s23, s24, $0xb8;
	[tilespmem:$0x1ECA0] =	vst v63  }
0x15f: {  	_ =	swait.ge [sflag:s12], $0x1F40  }
0x160: {  	[sflag:s12] =	ssyncset.done $0x0  }
0x161: {  	[sflag:s12] =	ssyncadd.s32 $0xFFFFE0C0  }
.Ltmp6:
0x162: {  	(pc) =	sbr.rel .LBB2_7-.Ltmp6, $3  }
0x163: {  	_ =	sdelay $0x1  }
0x164: {  	s4 =	sadd.s32 $0x600, s4;
	s22 =	sadd.s32 $0xA00, s22  }
0x165: {  	[tilespmem:s30], [sflag:$0x3] =	stream.indirect.gather [hbm4b:s5+s24], $0x40, s4, s24, $0xb8;
	[tilespmem:$0x1ECA0] =	vst v63  }
.LBB2_10:
0x166: {  	_ =	sfence.sel $0x180000  }
0x167: {  	[bflag:$0x0] =	sbarrier.arrive $0xFFFF  }
0x168: {  	_ =	strace $0x9000004D  }
0x169: {  	s0 =	stileid.u32;
	[bflag:$0x2] =	sbarrier.arrive $0xFFFF  }
0x16a: {  	p0 =	sne.s32 s0, $0x0;
	s0 =	rddreg [dreg:$0x3]  }
0x16b: {  	s0 =	sadd.s32 @!p0 $0x100000, s0  }
0x16c: {  	[sflag:s0] =	ssyncadd.tile.s32 @!p0 $0x1;
	_ =	shalt  }
.Lfunc_end2:
_tile_overlayer_lowered:
.L_overlay_start_2:
0x16d: {  	(tag) =	ssettag $0x2  }
0x16e: {  	s0 =	rddreg [dreg:$0x0];
	s2 =	stileid.u32  }
0x16f: {  	s1 =	rddreg [dreg:$0x1];
	p0 =	sne.s32 s2, $0x0  }
0x170: {  	s3 =	rddreg [dreg:$0x2];
	[bflag:$0x3] =	sbarrier.arrive $0xFFFF;
	s2 =	simm.s32 @!p0 $0x1C0B  }
0x171: {  	[timem:s3], [sflag:s2] =	dma.local @!p0 [hbm:s0], s1  }
0x172: {  	s0 =	simm.s32 @!p0 $0xB  }
0x173: {  	_ =	swait.ge @!p0 [sflag:s0], s1  }
0x174: {  	s1 =	ssub.s32 @!p0 $0x0, s1;
	[sflag:s0] =	ssyncset.done @!p0 $0x0  }
0x175: {  	[sflag:s0] =	ssyncadd.s32 @!p0 s1  }
0x176: {  	[bflag:$0x3] =	sbarrier.arrive $0xFFFF  }
0x177: {  	_ =	shalt  }

// kernel: kernel.9.cloned.1.call-start
scs
__scs_entry_jumppad:
0x0: {  	(pc) =	sbr.rel $0x88, $3  }
0x1: {  	(tag) =	ssettag $0x0;
	lr =	simm.s32 $0x1  }
0x2: {  	[smem:$0x3F99] =	sst lr;
	_ =	strace $0xD0000000  }
0x3: {  	_ = 	snop  }
0x4: {  	_ = 	snop  }
0x5: {  	_ = 	snop  }
0x6: {  	_ = 	snop  }
0x7: {  	_ = 	snop  }
__scs_overlays_trampoline_lowered:
0x8: {  	[smem:$0x3FA8] =	sst s0  }
0x9: {  	[smem:$0x3FA9] =	sst s1  }
0xa: {  	[smem:$0x3FAA] =	sst s2  }
0xb: {  	[smem:$0x3FAB] =	sst s3  }
0xc: {  	[smem:$0x3FAC] =	sst s4  }
0xd: {  	[smem:$0x3FAD] =	sst s5  }
0xe: {  	[smem:$0x3FAE] =	sst s6  }
0xf: {  	[smem:$0x3FAF] =	sst s7  }
0x10: {  	[smem:$0x3FB0] =	sst s8  }
0x11: {  	[smem:$0x3FB1] =	sst s9;
	s0 =	simm.s32 @!p0 $0x0  }
0x12: {  	s1 =	sld [smem:$0x3F97];
	s0 =	simm.s32 @p0 $0x1  }
0x13: {  	[smem:$0x3FB2] =	sst s0;
	s0 =	simm.s32 @!p1 $0x0  }
0x14: {  	s2 =	sld [smem:$0x3F96];
	s0 =	simm.s32 @p1 $0x1  }
0x15: {  	[smem:$0x3FB3] =	sst s0;
	s0 =	simm.s32 @!p2 $0x0  }
0x16: {  	s3 =	sld [smem:$0x3FDB];
	s0 =	simm.s32 @p2 $0x1  }
0x17: {  	s4 =	simm.s32 $0x1BF5;
	[smem:$0x3FB5] =	sst s0  }
0x18: {  	s0 =	sld [smem:$0x3F98];
	_ =	swait.ge [sflag:s4], $0x0  }
0x19: {  	s7 =	sld [smem:$0x3F99]  }
0x1a: {  	s8 =	sadd.s32 $0xFFFFE003, lr  }
0x1b: {  	s9 =	sadd.s32 $0xFFFFFEF7, lr;
	s5 =	simm.s32 $0xFFFFFFFF;
	p2 =	slt.u32 s8, $0xFFFFF086  }
0x1c: {  	p1 =	slt.u32 s9, $0xF7A;
	s5 =	simm.s32 @!p2 $0x0  }
0x1d: {  	s5 =	simm.s32 @p1 $0x1;
	p0 =	seq.s32 s7, s2  }
0x1e: {  	s7 =	smul.u32 @!p0 $0xF7A, s2;
	p2 =	seq.s32 @!p0 s5, $0x0  }
0x1f: {  	s9 =	smul.u32 $0xF7A, s1;
	s8 =	simm.s32 @!p0 $0x1BF5;
	p2 =	por !p2, p0  }
0x20: {  	[sflag:s8] =	ssyncset.s32 @!p0 $0xFFFFF086;
	s6 =	sadd.s32 @!p0 s3, s7;
	s7 =	simm.s32 @!p0 $0x108  }
0x21: {  	s3 =	sadd.s32 s3, s9;
	s6 =	sadd.s32 @!p0 $0x88, s6;
	s7 =	simm.s32 @p2 $0x1082  }
0x22: {  	[simem:s7], [sflag:s8] =	dma.local @!p0 [hbm:s6], $0xF7A  }
0x23: {  	s9 =	sor.u32 $0xD0000000, s2;
	s6 =	simm.s32 $0x108;
	_ =	swait.ge @!p0 [sflag:s8], $0x0  }
0x24: {  	s3 =	sadd.s32 $0x88, s3;
	s6 =	simm.s32 @!p1 $0x1082;
	[sflag:s4] =	ssyncset.s32 $0xFFFFF086  }
0x25: {  	[simem:s6], [sflag:s4] =	dma.local [hbm:s3], $0xF7A  }
0x26: {  	[smem:$0x3F99] =	sst s1;
	(tag) =	ssettag s2;
	_ =	strace s9  }
0x27: {  	s1 =	sld [smem:$0x3FA9]  }
0x28: {  	s2 =	sld [smem:$0x3FAA]  }
0x29: {  	s4 =	sld [smem:$0x3FAC]  }
0x2a: {  	p0 =	seq.s32 s5, $0x0;
	s5 =	sld [smem:$0x3FAD]  }
0x2b: {  	s6 =	sld [smem:$0x3FAE]  }
0x2c: {  	s7 =	sld [smem:$0x3FAF]  }
0x2d: {  	s3 =	simm.s32 $0x108;
	s8 =	sld [smem:$0x3FB0]  }
0x2e: {  	s3 =	simm.s32 @!p0 $0x1082;
	s9 =	sld [smem:$0x3FB1]  }
0x2f: {  	lr =	sadd.s32 s0, s3;
	s0 =	sld [smem:$0x3FA8]  }
0x30: {  	s3 =	sld [smem:$0x3FAB]  }
0x31: {  	[smem:$0x3FB4] =	sst s10  }
0x32: {  	s10 =	sld [smem:$0x3FB2];
	_ =	sdelay $0x3  }
0x33: {  	p0 =	seq.s32 s10, $0x1;
	s10 =	sld [smem:$0x3FB4];
	_ =	sdelay $0x3  }
0x34: {  	[smem:$0x3FB4] =	sst s10  }
0x35: {  	s10 =	sld [smem:$0x3FB3];
	_ =	sdelay $0x3  }
0x36: {  	p1 =	seq.s32 s10, $0x1;
	s10 =	sld [smem:$0x3FB4];
	_ =	sdelay $0x3  }
0x37: {  	[smem:$0x3FB4] =	sst s10  }
0x38: {  	s10 =	sld [smem:$0x3FB5]  }
0x39: {  	_ = 	snop;
	(pc) =	sbr.ind lr, $3  }
0x3a: {  	_ = 	snop  }
0x3b: {  	_ = 	snop  }
0x3c: {  	p2 =	seq.s32 s10, $0x1;
	s10 =	sld [smem:$0x3FB4]  }
0x3d: {  	_ =	shalt  }
0x3e: {  	_ =	shalt  }
0x3f: {  	_ =	shalt  }
0x40: {  	_ =	shalt  }
0x41: {  	_ =	shalt  }
0x42: {  	_ =	shalt  }
0x43: {  	_ =	shalt  }
0x44: {  	_ =	shalt  }
0x45: {  	_ =	shalt  }
0x46: {  	_ =	shalt  }
0x47: {  	_ =	shalt  }
0x48: {  	_ =	shalt  }
0x49: {  	_ =	shalt  }
0x4a: {  	_ =	shalt  }
0x4b: {  	_ =	shalt  }
0x4c: {  	_ =	shalt  }
0x4d: {  	_ =	shalt  }
0x4e: {  	_ =	shalt  }
0x4f: {  	_ =	shalt  }
0x50: {  	_ =	shalt  }
0x51: {  	_ =	shalt  }
0x52: {  	_ =	shalt  }
0x53: {  	_ =	shalt  }
0x54: {  	_ =	shalt  }
0x55: {  	_ =	shalt  }
0x56: {  	_ =	shalt  }
0x57: {  	_ =	shalt  }
0x58: {  	_ =	shalt  }
0x59: {  	_ =	shalt  }
0x5a: {  	_ =	shalt  }
0x5b: {  	_ =	shalt  }
0x5c: {  	_ =	shalt  }
0x5d: {  	_ =	shalt  }
0x5e: {  	_ =	shalt  }
0x5f: {  	_ =	shalt  }
0x60: {  	_ =	shalt  }
0x61: {  	_ =	shalt  }
0x62: {  	_ =	shalt  }
0x63: {  	_ =	shalt  }
0x64: {  	_ =	shalt  }
0x65: {  	_ =	shalt  }
0x66: {  	_ =	shalt  }
0x67: {  	_ =	shalt  }
0x68: {  	_ =	shalt  }
0x69: {  	_ =	shalt  }
0x6a: {  	_ =	shalt  }
0x6b: {  	_ =	shalt  }
0x6c: {  	_ =	shalt  }
0x6d: {  	_ =	shalt  }
0x6e: {  	_ =	shalt  }
0x6f: {  	_ =	shalt  }
0x70: {  	_ =	shalt  }
0x71: {  	_ =	shalt  }
0x72: {  	_ =	shalt  }
0x73: {  	_ =	shalt  }
0x74: {  	_ =	shalt  }
0x75: {  	_ =	shalt  }
0x76: {  	_ =	shalt  }
0x77: {  	_ =	shalt  }
0x78: {  	_ =	shalt  }
0x79: {  	_ =	shalt  }
0x7a: {  	_ =	shalt  }
0x7b: {  	_ =	shalt  }
0x7c: {  	_ =	shalt  }
0x7d: {  	_ =	shalt  }
0x7e: {  	_ =	shalt  }
0x7f: {  	_ =	shalt  }
0x80: {  	_ =	shalt  }
0x81: {  	_ =	shalt  }
0x82: {  	_ =	shalt  }
0x83: {  	_ =	shalt  }
0x84: {  	_ =	shalt  }
0x85: {  	_ =	shalt  }
0x86: {  	_ =	shalt  }
0x87: {  	_ =	shalt  }
.Lfunc_end0:
.L_simem_size_0:
called_computation_lowered:
.L_overlay_start_0:
0x88: {  	s2 =	sld [smem:$0x3FD9]  }
0x89: {  	s3 =	sld [smem:$0x3FFE];
	_ =	sdelay $0x1  }
0x8a: {  	s1 =	srdreg.scid  }
0x8b: {  	s0 =	sand.u32 $0x1, s1  }
0x8c: {  	s16 =	sshll.u32 s0, $0xA;
	s2 =	sadd.s32 s3, s2  }
0x8d: {  	s2 =	sadd.s32 s2, s16  }
0x8e: {  	[smem:$0x3FC0] =	sst s2  }
0x8f: {  	_ = 	snop  }
0x90: {  	(tm) =	ssettm $0x1  }
0x91: {  	s17 =	sld [smem:$0x3FFB];
	_ =	sdelay $0x3  }
0x92: {  	_ =	strace s17  }
0x93: {  	s2 =	sld [smem:$0x3FFC];
	_ =	sdelay $0x3  }
0x94: {  	_ =	strace s2  }
0x95: {  	s2 =	sld [smem:$0x3FFD];
	_ =	sdelay $0x3  }
0x96: {  	_ =	strace s2  }
0x97: {  	_ =	strace $0x8FFFFFFF  }
0x98: {  	s18 =	sld [smem:$0x3FDB];
	_ =	sdelay $0x1  }
0x99: {  	s19 =	simm.s32 $_scs_section_size  }
0x9a: {  	s4 =	simm.s32 $_size__tile_overlayer_lowered;
	s5 =	simm.s32 $_tile_overlayer_lowered  }
0x9b: {  	s22 =	simm.s32 $0x1BFF;
	s21 =	sshll.u32 s5, $0x1;
	s2 =	sadd.s32 s19, s18  }
0x9c: {  	s6 =	simm.s32 $0x0;
	s20 =	sshll.u32 s4, $0x1;
	s4 =	sadd.s32 s21, s2  }
0x9d: {  	[timem:s6], [sflag:s22] =	dma.local [hbm:s4], s20  }
0x9e: {  	_ =	swait.ge [sflag:s22], s20  }
0x9f: {  	s3 =	ssub.s32 $0x0, s20;
	[sflag:s22] =	ssyncset.done $0x0  }
0xa0: {  	[sflag:s22] =	ssyncadd.s32 s3;
	_ =	sdelay $0x1  }
0xa1: {  	s23 =	simm.s32 $0x1B8B  }
0xa2: {  	_ =	swait.ge [sflag:s23], $0x1  }
0xa3: {  	[sflag:s23] =	ssyncset.done $0x0  }
0xa4: {  	s25 =	simm.s32 $0x1B8E;
	s24 =	sld [smem:$0x3FFE];
	[sflag:s23] =	ssyncadd.s32 $0xFFFFFFFF  }
0xa5: {  	s26 =	simm.s32 $execute0_lowered;
	[smem:$0x3FD2] =	sst s25  }
0xa6: {  	s4 =	sshll.u32 s26, $0x1;
	_ =	strace $0x80000046;
	[dreg:$0x1] =	wrdreg $0xFFFFFFFF  }
0xa7: {  	s28 =	simm.s32 $_size_execute0_lowered;
	s2 =	sadd.s32 s2, s4;
	[dreg:$0x0] =	wrdreg $0x0  }
0xa8: {  	s4 =	sshll.u32 s28, $0x1;
	[dreg:$0x2] =	wrdreg s2  }
0xa9: {  	[dreg:$0x3] =	wrdreg s4  }
0xaa: {  	[dreg:$0x4] =	wrdreg $0xC0  }
0xab: {  	_ =	task [dreg:s6], $0x5FFFF  }
0xac: {  	[dreg:$0x1] =	wrdreg $0xFFFFFFFF  }
0xad: {  	[dreg:$0x0] =	wrdreg $0x60  }
0xae: {  	[dreg:$0x2] =	wrdreg s24  }
0xaf: {  	[dreg:$0x3] =	wrdreg $0x3C500  }
0xb0: {  	[dreg:$0x4] =	wrdreg $0x9  }
0xb1: {  	_ =	task.clear_ibuf [dreg:s6], $0x5FFFF;
	_ =	strace $0x90000046  }
0xb2: {  	s29 =	simm.s32 $0x9;
	_ =	strace $0x80000048  }
0xb3: {  	_ =	swait.ge [sflag:s29], $0x1  }
0xb4: {  	[sflag:s29] =	ssyncadd.s32 $0xFFFFFFFF  }
0xb5: {  	_ =	strace $0x90000048  }
0xb6: {  	_ =	sfence  }
0xb7: {  	s30 =	sld [smem:$0x0];
	_ =	sdelay $0x2  }
0xb8: {  	s31 =	sshll.u32 s1, $0xD;
	s1 =	sshrl.u32 s1, $0x2  }
0xb9: {  	s3 =	sand.u32 $0x4000, s31;
	s1 =	sadd.s32 s1, s30  }
0xba: {  	s0 =	sor.u32 s3, s0;
	s1 =	sshll.u32 s1, $0x11  }
0xbb: {  	s0 =	sor.u32 s1, s0  }
0xbc: {  	s0 =	sadd.s32 $0x8F2B, s0  }
0xbd: {  	[sflag:s0] =	ssyncadd.remote.s32 $0x1  }
0xbe: {  	_ =	sfence.sel $0xFFFF  }
0xbf: {  	[dreg:$0x0] =	wrdreg $0xFFFFFFFF;
	(pc) =	sbr.abs _section_cstart, $3  }
0xc0: {  	[dreg:$0x1] =	wrdreg $0xFFFFFFFF  }
0xc1: {  	_ =	task.clear_ibuf [dreg:s6], $0x2FFFF;
	_ =	strace $0x9FFFFFFF  }
0xc2: {  	(tm) =	ssettm $0x7FFFFFFF  }
0xc3: {  	_ =	shalt  }
tec
execute0_lowered:
.L_overlay_start_1:
0x0: {  	(tag) =	ssettag $0x1  }
0x1: {  	s0 =	stileid.u32  }
0x2: {  	s4 =	rddreg [dreg:$0x0];
	s7 =	smul.u32 $0x3200, s0  }
0x3: {  	s1 =	srdreg.scid;
	s8 =	sor.u32 $0x10, s0;
	s22 =	smul.u32 $0x6400, s0  }
0x4: {  	s2 =	rddreg [dreg:$0x1];
	s11 =	sor.u32 $0x20, s0;
	s10 =	smul.u32 $0x3200, s8  }
0x5: {  	s3 =	simm.s32 $0x0;
	s14 =	sor.u32 $0x30, s0;
	s13 =	smul.u32 $0x3200, s11  }
0x6: {  	s17 =	simm.s32 $0x2800;
	s5 =	sand.u32 $0x1, s1;
	s18 =	smul.u32 $0x3200, s14  }
0x7: {  	s6 =	sshll.u32 s0, $0x1;
	s1 =	rddreg [dreg:$0x2];
	s20 =	smul.u32 $0x138800, s5  }
0x8: {  	[smem:$0x7FF] =	sst s3;
	s15 =	sadd.s32 $0xC000, s4;
	s24 =	smul.u32 $0x6400, s8  }
0x9: {  	p0 =	sgt.u32 s0, $0x1;
	s6 =	sor.u32 s5, s6;
	s26 =	smul.u32 $0x6400, s11  }
0xa: {  	_ =	strace $0x80000047;
	s9 =	ssub.s32 $0x2, s5;
	s14 =	smul.u32 $0x6400, s14  }
0xb: {  	s6 =	smul.u32 $0x500, s6;
	s12 =	sshrl.u32 s9, $0x1;
	s19 =	sshrl.u32 s7, $0x2  }
0xc: {  	s16 =	ssub.s32 s9, s12;
	s5 =	sadd.s32 s19, s2;
	s21 =	sshrl.u32 s10, $0x2  }
0xd: {  	s23 =	sshrl.u32 s13, $0x2;
	s25 =	sadd.s32 s22, s20;
	s9 =	sshrl.u32 s18, $0x2  }
0xe: {  	s29 =	sadd.s32 s20, s24;
	s30 =	sadd.s32 s20, s26;
	s12 =	sadd.s32 s20, s14  }
0xf: {  	s14 =	simm.s32 $0x2;
	s18 =	simm.s32 $0x1;
	s19 =	simm.s32 $0x10  }
0x10: {  	s20 =	simm.s32 $0x80;
	s6 =	sadd.s32 s6, s4;
	s7 =	sadd.s32 s23, s2  }
0x11: {  	s28 =	sshrl.u32 s25, $0x3;
	s8 =	sadd.s32 s9, s2;
	s11 =	sshrl.u32 s29, $0x3  }
0x12: {  	s31 =	sshrl.u32 s30, $0x3;
	s12 =	sshrl.u32 s12, $0x3;
	s13 =	smax.u32 s16, $0x1  }
0x13: {  	s16 =	simm.s32 $0x7D;
	s4 =	sadd.s32 $0x2000, s6;
	s6 =	sadd.s32 s21, s2  }
0x14: {  	s9 =	sadd.s32 s15, s28;
	s10 =	sadd.s32 s15, s11;
	s11 =	sadd.s32 s15, s31  }
0x15: {  	v0 =	vimm.f32 $0.0e+00;
	v1 =	vimm.f32 $1.000000000e+00;
	s12 =	sadd.s32 s15, s12;
	s15 =	simm.s32 $0x2FD0;
	s21 =	simm.s32 $0x0  }
.LBB2_1:
0x16: {  	[tilespmem:s3], [sflag:$0x2] =	stream.linear.gather [hbm4b:s4+s3], $0x2800, $0x38;
	[tilespmem:$0x6368] =	vst v63  }
0x17: {  	_ =	swait.ge [sflag:s14], $0x2800  }
0x18: {  	[sflag:s14] =	ssyncset.done $0x0  }
0x19: {  	s22 =	simm.s32 $0x0;
	[sflag:s14] =	ssyncadd.s32 $0xFFFFD800  }
.LBB2_2:
0x1a: {  	p1 =	sne.s32 s22, $0x31C0  }
.Ltmp0:
0x1b: {  	_ = 	snop;
	(pc) =	sbr.rel @p1 .LBB2_2-.Ltmp0, $3  }
0x1c: {  	_ =	sdelay $0x1  }
0x1d: {  	s23 =	sshra.s32 s22, $0x2  }
0x1e: {  	s22 =	sadd.s32 $0x40, s22;
	[tilespmem:s23+$0x2FD0] =	vst v0  }
0x1f: {  	s22 =	simm.s32 $0x40;
	s23 =	simm.s32 $0x0  }
.LBB2_4:
0x20: {  	p1 =	sne.s32 s22, $0x1F00;
	[tilespmem:s23+$0x2800] =	vst v1;
	s23 =	smov.u32 s22;
	s22 =	sadd.s32 $0x40, s22  }
.Ltmp1:
0x21: {  	(pc) =	sbr.rel @p1 .LBB2_4-.Ltmp1, $2  }
0x22: {  	_ =	sdelay $0x2  }
0x23: {  	s23 =	sshra.s32 s23, $0x2  }
0x24: {  	[tilespmem:s23+$0x2800] =	vst v1  }
0x25: {  	[spmem:s5] =	stream.linear.scatter [tilespmem:s15], [sflag:$0x2], $0xC80, $0x38;
	[tilespmem:$0x6368] =	vst v63  }
0x26: {  	_ =	swait.ge [sflag:s14], $0xC80  }
0x27: {  	[sflag:s14] =	ssyncset.done $0x0  }
0x28: {  	[sflag:s14] =	ssyncadd.s32 $0xFFFFF380  }
0x29: {  	[spmem:s6] =	stream.linear.scatter [tilespmem:s15], [sflag:$0x2], $0xC80, $0x38;
	[tilespmem:$0x6368] =	vst v63  }
0x2a: {  	_ =	swait.ge [sflag:s14], $0xC80  }
0x2b: {  	[sflag:s14] =	ssyncset.done $0x0  }
0x2c: {  	[sflag:s14] =	ssyncadd.s32 $0xFFFFF380  }
0x2d: {  	[spmem:s7] =	stream.linear.scatter [tilespmem:s15], [sflag:$0x2], $0xC80, $0x38;
	[tilespmem:$0x6368] =	vst v63  }
0x2e: {  	_ =	swait.ge [sflag:s14], $0xC80  }
0x2f: {  	[sflag:s14] =	ssyncset.done $0x0  }
0x30: {  	s22 =	simm.s32 @!p0 $0x2FD0;
	[sflag:s14] =	ssyncadd.s32 $0xFFFFF380  }
0x31: {  	[spmem:s8] =	stream.linear.scatter @!p0 [tilespmem:s22], [sflag:$0x2], $0xC80, $0x38;
	[tilespmem:$0x6368] =	vst v63  }
0x32: {  	s22 =	simm.s32 @!p0 $0x2  }
0x33: {  	_ =	swait.ge @!p0 [sflag:s22], $0xC80  }
0x34: {  	[sflag:s22] =	ssyncset.done @!p0 $0x0  }
0x35: {  	p1 =	por $0x1, $0x1;
	[sflag:s22] =	ssyncadd.s32 @!p0 $0xFFFFF380  }
0x36: {  	s24 =	simm.s32 @!p1 $0x1;
	s22 =	simm.s32 $0x0;
	[bflag:$0x0] =	sbarrier.arrive $0xFFFF  }
0x37: {  	[spmem:s2] =	stream.indirect.scatter.add.f32 [tilespmem:s17], [sflag:$0x1], $0x10, s22, s16, $0xb8;
	[tilespmem:$0x6368] =	vst v63  }
0x38: {  	_ =	swait.ge @!p1 [sflag:s24], $0x7D0  }
0x39: {  	s23 =	simm.s32 $0x1;
	[sflag:s24] =	ssyncset.done @!p1 $0x0  }
.LBB2_6:
0x3a: {  	[sflag:s24] =	ssyncadd.s32 @!p1 $0xFFFFF830  }
0x3b: {  	s22 =	sadd.s32 $0x80, s22;
	s24 =	smov.u32 s23;
	s23 =	sadd.s32 $0x1, s23  }
0x3c: {  	p2 =	sne.s32 s23, $0x50  }
0x3d: {  	[spmem:s2] =	stream.indirect.scatter.add.f32 [tilespmem:s17], [sflag:$0x1], $0x10, s22, s16, $0xb8;
	[tilespmem:$0x6368] =	vst v63  }
.Ltmp2:
0x3e: {  	_ = 	snop;
	(pc) =	sbr.rel @p2 .LBB2_6-.Ltmp2, $4  }
0x3f: {  	p1 =	slt.u32 s24, $0x8  }
0x40: {  	s24 =	simm.s32 @!p1 $0x1  }
0x41: {  	_ =	swait.ge @!p1 [sflag:s24], $0x7D0  }
0x42: {  	[sflag:s24] =	ssyncset.done @!p1 $0x0  }
0x43: {  	[sflag:s24] =	ssyncadd.s32 @!p1 $0xFFFFF830  }
0x44: {  	_ =	swait.ge [sflag:s18], $0x7D0  }
0x45: {  	[sflag:s18] =	ssyncset.done $0x0  }
0x46: {  	[sflag:s18] =	ssyncadd.s32 $0xFFFFF830  }
0x47: {  	_ =	swait.ge [sflag:s18], $0x7D0  }
0x48: {  	[sflag:s18] =	ssyncset.done $0x0  }
0x49: {  	[sflag:s18] =	ssyncadd.s32 $0xFFFFF830  }
0x4a: {  	_ =	swait.ge [sflag:s18], $0x7D0  }
0x4b: {  	[sflag:s18] =	ssyncset.done $0x0  }
0x4c: {  	[sflag:s18] =	ssyncadd.s32 $0xFFFFF830  }
0x4d: {  	_ =	swait.ge [sflag:s18], $0x7D0  }
0x4e: {  	[sflag:s18] =	ssyncset.done $0x0  }
0x4f: {  	[sflag:s18] =	ssyncadd.s32 $0xFFFFF830  }
0x50: {  	_ =	swait.ge [sflag:s18], $0x7D0  }
0x51: {  	[sflag:s18] =	ssyncset.done $0x0  }
0x52: {  	[sflag:s18] =	ssyncadd.s32 $0xFFFFF830  }
0x53: {  	_ =	swait.ge [sflag:s18], $0x7D0  }
0x54: {  	[sflag:s18] =	ssyncset.done $0x0  }
0x55: {  	[sflag:s18] =	ssyncadd.s32 $0xFFFFF830  }
0x56: {  	_ =	swait.ge [sflag:s18], $0x7D0  }
0x57: {  	[sflag:s18] =	ssyncset.done $0x0  }
0x58: {  	[sflag:s18] =	ssyncadd.s32 $0xFFFFF830  }
0x59: {  	_ =	swait.ge [sflag:s18], $0x7D0  }
0x5a: {  	[sflag:s18] =	ssyncset.done $0x0  }
0x5b: {  	[sflag:s18] =	ssyncadd.s32 $0xFFFFF830  }
0x5c: {  	[bflag:$0x0] =	sbarrier.arrive $0xFFFF  }
0x5d: {  	[tilespmem:s15], [sflag:$0x2] =	stream.linear.gather [spmem:s5], $0xC80, $0x38;
	[tilespmem:$0x6368] =	vst v63  }
0x5e: {  	_ =	swait.ge [sflag:s14], $0xC80  }
0x5f: {  	[sflag:s14] =	ssyncset.done $0x0  }
0x60: {  	[sflag:s14] =	ssyncadd.s32 $0xFFFFF380  }
0x61: {  	[hbm4b:s9+s19] =	stream.strided.scatter [tilespmem:s15], [sflag:$0x2], $0xC80, s20, s19, $0x38;
	[tilespmem:$0x6368] =	vst v63  }
0x62: {  	_ =	swait.ge [sflag:s14], $0xC80  }
0x63: {  	[sflag:s14] =	ssyncset.done $0x0  }
0x64: {  	[sflag:s14] =	ssyncadd.s32 $0xFFFFF380  }
0x65: {  	[tilespmem:s15], [sflag:$0x2] =	stream.linear.gather [spmem:s6], $0xC80, $0x38;
	[tilespmem:$0x6368] =	vst v63  }
0x66: {  	_ =	swait.ge [sflag:s14], $0xC80  }
0x67: {  	[sflag:s14] =	ssyncset.done $0x0  }
0x68: {  	[sflag:s14] =	ssyncadd.s32 $0xFFFFF380  }
0x69: {  	[hbm4b:s10+s19] =	stream.strided.scatter [tilespmem:s15], [sflag:$0x2], $0xC80, s20, s19, $0x38;
	[tilespmem:$0x6368] =	vst v63  }
0x6a: {  	_ =	swait.ge [sflag:s14], $0xC80  }
0x6b: {  	[sflag:s14] =	ssyncset.done $0x0  }
0x6c: {  	[sflag:s14] =	ssyncadd.s32 $0xFFFFF380  }
0x6d: {  	[tilespmem:s15], [sflag:$0x2] =	stream.linear.gather [spmem:s7], $0xC80, $0x38;
	[tilespmem:$0x6368] =	vst v63  }
0x6e: {  	_ =	swait.ge [sflag:s14], $0xC80  }
0x6f: {  	[sflag:s14] =	ssyncset.done $0x0  }
0x70: {  	[sflag:s14] =	ssyncadd.s32 $0xFFFFF380  }
0x71: {  	[hbm4b:s11+s19] =	stream.strided.scatter [tilespmem:s15], [sflag:$0x2], $0xC80, s20, s19, $0x38;
	[tilespmem:$0x6368] =	vst v63  }
0x72: {  	_ =	swait.ge [sflag:s14], $0xC80  }
0x73: {  	[sflag:s14] =	ssyncset.done $0x0  }
0x74: {  	s22 =	simm.s32 @!p0 $0x2FD0;
	s23 =	simm.s32 @!p0 $0x2;
	[sflag:s14] =	ssyncadd.s32 $0xFFFFF380  }
0x75: {  	[tilespmem:s22], [sflag:$0x2] =	stream.linear.gather @!p0 [spmem:s8], $0xC80, $0x38;
	[tilespmem:$0x6368] =	vst v63  }
0x76: {  	s21 =	sadd.s32 $0x1, s21;
	_ =	swait.ge @!p0 [sflag:s23], $0xC80  }
0x77: {  	s24 =	simm.s32 @!p0 $0x10;
	p1 =	sne.s32 s21, s13;
	[sflag:s23] =	ssyncset.done @!p0 $0x0  }
.Ltmp3:
0x78: {  	s25 =	simm.s32 @!p0 $0x80;
	[sflag:s23] =	ssyncadd.s32 @!p0 $0xFFFFF380;
	(pc) =	sbr.rel @p1 .LBB2_1-.Ltmp3, $4  }
0x79: {  	[hbm4b:s12+s24] =	stream.strided.scatter @!p0 [tilespmem:s22], [sflag:$0x2], $0xC80, s25, s24, $0x38;
	[tilespmem:$0x6368] =	vst v63  }
0x7a: {  	_ =	swait.ge @!p0 [sflag:s23], $0xC80  }
0x7b: {  	[sflag:s23] =	ssyncset.done @!p0 $0x0  }
0x7c: {  	[sflag:s23] =	ssyncadd.s32 @!p0 $0xFFFFF380  }
0x7d: {  	_ =	sfence.sel $0x180000  }
0x7e: {  	[bflag:$0x0] =	sbarrier.arrive $0xFFFF  }
0x7f: {  	p0 =	sne.s32 s0, $0x0;
	_ =	strace $0x90000047  }
0x80: {  	s0 =	sadd.s32 @!p0 $0x100000, s1;
	[bflag:$0x2] =	sbarrier.arrive $0xFFFF  }
0x81: {  	[sflag:s0] =	ssyncadd.tile.s32 @!p0 $0x1;
	_ =	shalt  }
.Lfunc_end2:
_tile_overlayer_lowered:
.L_overlay_start_2:
0x82: {  	(tag) =	ssettag $0x2  }
0x83: {  	s0 =	rddreg [dreg:$0x0];
	s2 =	stileid.u32  }
0x84: {  	s1 =	rddreg [dreg:$0x1];
	p0 =	sne.s32 s2, $0x0  }
0x85: {  	s3 =	rddreg [dreg:$0x2];
	[bflag:$0x3] =	sbarrier.arrive $0xFFFF;
	s2 =	simm.s32 @!p0 $0x1C02  }
0x86: {  	[timem:s3], [sflag:s2] =	dma.local @!p0 [hbm:s0], s1  }
0x87: {  	s0 =	simm.s32 @!p0 $0x2  }
0x88: {  	_ =	swait.ge @!p0 [sflag:s0], s1  }
0x89: {  	s1 =	ssub.s32 @!p0 $0x0, s1;
	[sflag:s0] =	ssyncset.done @!p0 $0x0  }
0x8a: {  	[sflag:s0] =	ssyncadd.s32 @!p0 s1  }
0x8b: {  	[bflag:$0x3] =	sbarrier.arrive $0xFFFF  }
0x8c: {  	_ =	shalt  }

</sc_bundles>
